<compile_context>
chip_gen: v7x
topology: tpu7x:2x2x1
jax: 0.10.2.dev20260603
libtpu: 0.0.44.dev20260713+nightly
codegen_flags: <defaults>
</compile_context>

<pallas_src>
import functools

import jax
import jax.numpy as jnp
from jax import lax
from jax.experimental import pallas as pl
from jax.experimental.pallas import tpu as pltpu
from jax.experimental.pallas import tpu_sc as plsc

_N = 8192
_FEAT = 64
_HID = 64
_MAP = 8
_NETS = _MAP * _MAP
_FREQS = 4
_IN1 = _FEAT + 3 + 3 * 2 * _FREQS
_IN1P = 96
_TILE = 128
_HALF = 12288
_SLOTS = 2 * _HALF
_TILES = _SLOTS // _TILE
_TPW = 6
_SPW = _TPW * _TILE


def _route_body(nx_hbm, ny_hbm, feat_hbm, view_hbm,
                perm_hbm, tid_hbm, xsf_hbm, xsv_hbm,
                nx_v, ny_v, list0, list1, sent_v, rowbuf, cnt_rd,
                pc_v, pcc_v, featrows, viewrows, tid_row, cnt_sh, sem):
    c = lax.axis_index("c")
    s = lax.axis_index("s")
    half = c * _HALF
    lanes = lax.iota(jnp.int32, 16)
    eglob0 = 32 * c + 2 * s
    eglob1 = eglob0 + 1

    pltpu.sync_copy(nx_hbm, nx_v)
    pltpu.sync_copy(ny_hbm, ny_v)

    def step(i, carry):
        cur0, cur1 = carry
        vx = nx_v[pl.ds(i * 16, 16)]
        vy = ny_v[pl.ds(i * 16, 16)]
        cxi = jnp.clip(vx * float(_MAP), 0.0, _MAP - 1.0)
        cyi = jnp.clip(vy * float(_MAP), 0.0, _MAP - 1.0)
        eid = cxi.astype(jnp.int32) * _MAP + cyi.astype(jnp.int32)
        pid = i * 16 + lanes
        m0 = eid == eglob0
        mi0 = m0.astype(jnp.int32)
        r0 = plsc.cumsum(mi0) - mi0
        plsc.store_scatter(list0, [cur0 + r0], pid, mask=m0)
        cur0 = cur0 + plsc.all_reduce_population_count(m0)
        m1 = eid == eglob1
        mi1 = m1.astype(jnp.int32)
        r1 = plsc.cumsum(mi1) - mi1
        plsc.store_scatter(list1, [cur1 + r1], pid, mask=m1)
        cur1 = cur1 + plsc.all_reduce_population_count(m1)
        return cur0, cur1

    zero = jnp.zeros((16,), jnp.int32)
    cur0, cur1 = lax.fori_loop(0, _N // 16, step, (zero, zero))

    rowbuf[...] = jnp.where(lanes == 0, cur0, jnp.where(lanes == 1, cur1, 0))
    pltpu.sync_copy(rowbuf, cnt_sh.at[s])
    plsc.subcore_barrier()
    pltpu.sync_copy(cnt_sh, cnt_rd)

    k0 = lanes
    k1 = lanes + 16
    c0v = plsc.load_gather(cnt_rd, [k0 // 2, k0 % 2])
    c1v = plsc.load_gather(cnt_rd, [k1 // 2, k1 % 2])
    p0v = ((c0v + (_TILE - 1)) // _TILE) * _TILE
    p1v = ((c1v + (_TILE - 1)) // _TILE) * _TILE
    s0 = plsc.cumsum(p0v)
    off0 = s0 - p0v
    tot0 = jnp.max(s0)
    s1 = plsc.cumsum(p1v)
    off1 = s1 - p1v + tot0
    gt = tot0 + jnp.max(s1)

    def sel(vec0, vec1, k):
        v = jnp.where(k < 16, vec0, vec1)
        l = jnp.where(k < 16, k, k - 16)
        return jnp.sum(jnp.where(lanes == l, v, 0))

    dst0 = sel(off0, off1, 2 * s)
    dst1 = sel(off0, off1, 2 * s + 1)
    c0 = jnp.max(cur0)
    c1 = jnp.max(cur1)

    sent = jnp.full((16,), _N, jnp.int32)
    cb0 = pl.multiple_of((c0 // 16) * 16, 16)
    cb1 = pl.multiple_of((c1 // 16) * 16, 16)
    for m in range(9):
        pos0 = cb0 + 16 * m + lanes
        v0 = list0[pl.ds(cb0 + 16 * m, 16)]
        list0[pl.ds(cb0 + 16 * m, 16)] = jnp.where(pos0 >= c0, sent, v0)
        pos1 = cb1 + 16 * m + lanes
        v1 = list1[pl.ds(cb1 + 16 * m, 16)]
        list1[pl.ds(cb1 + 16 * m, 16)] = jnp.where(pos1 >= c1, sent, v1)
    for m in range(8):
        sent_v[pl.ds(16 * m, 16)] = sent

    nch0 = (c0 + (_TILE - 1)) // _TILE
    nch1 = (c1 + (_TILE - 1)) // _TILE
    t_half = c * (_HALF // _TILE)
    t0 = t_half + dst0 // _TILE
    t1 = t_half + dst1 // _TILE

    def copy0(j, carry):
        pltpu.sync_copy(list0.at[pl.ds(pl.multiple_of(j * _TILE, _TILE),
                                       _TILE)],
                        perm_hbm.at[t0 + j])
        return carry

    def copy1(j, carry):
        pltpu.sync_copy(list1.at[pl.ds(pl.multiple_of(j * _TILE, _TILE),
                                       _TILE)],
                        perm_hbm.at[t1 + j])
        return carry

    lax.fori_loop(0, nch0, copy0, 0)
    lax.fori_loop(0, nch1, copy1, 0)

    gtc = gt // _TILE

    def tail_fill(j, carry):
        pltpu.sync_copy(sent_v, perm_hbm.at[t_half + gtc + j * 16 + s])
        return carry

    ntail = (_HALF // _TILE - gtc + 15 - s) // 16
    lax.fori_loop(0, ntail, tail_fill, 0)

    plsc.subcore_barrier()

    tbase = (16 * c + s) * _TPW
    base = pl.multiple_of(_SPW * (16 * c + s), _TILE)
    pltpu.sync_copy(perm_hbm.at[pl.ds(tbase, _TPW)], pc_v)
    for m in range(_TPW):
        for q in range(_TILE // 16):
            v = pc_v[m, pl.ds(16 * q, 16)]
            spread = (base + m * _TILE + q * 16 + lanes) & (_N - 1)
            pcc_v[m, pl.ds(16 * q, 16)] = jnp.where(v >= _N, spread, v)

    copies = []
    for m in range(_TPW):
        copies.append(pltpu.async_copy(
            feat_hbm.at[pcc_v.at[m]],
            featrows.at[pl.ds(m * _TILE, _TILE)], sem))
        copies.append(pltpu.async_copy(
            view_hbm.at[pcc_v.at[m]],
            viewrows.at[pl.ds(m * _TILE, _TILE)], sem))
    for cp in copies:
        cp.wait()
    pltpu.sync_copy(featrows, xsf_hbm.at[pl.ds(base, _SPW)])
    pltpu.sync_copy(viewrows, xsv_hbm.at[pl.ds(base, _SPW)])

    trow = jnp.zeros((16,), jnp.int32)
    for m in range(_TPW):
        v = pcc_v[m, pl.ds(0, 16)]
        p = jnp.sum(jnp.where(lanes == 0, v, 0))
        pvec = jnp.zeros((16,), jnp.int32) + p
        gx = plsc.load_gather(nx_v, [pvec])
        gy = plsc.load_gather(ny_v, [pvec])
        ex = jnp.clip(gx * float(_MAP), 0.0, _MAP - 1.0)
        ey = jnp.clip(gy * float(_MAP), 0.0, _MAP - 1.0)
        em = ex.astype(jnp.int32) * _MAP + ey.astype(jnp.int32)
        trow = jnp.where(lanes == m, em, trow)
    tid_row[...] = trow
    pltpu.sync_copy(tid_row, tid_hbm.at[16 * c + s])


def _mlp_body(eid_ref, xf_ref, xv_ref, w1_ref, b1_ref, w2_ref, ys_ref):
    t = pl.program_id(0)
    e = eid_ref[t]
    xf = xf_ref[...]
    xv = xv_ref[...]
    v = xv[:, :3]
    ang = jnp.concatenate([v * ((2.0 ** k) * jnp.pi) for k in range(_FREQS)],
                          axis=1)
    x = jnp.concatenate(
        [xf, v, jnp.sin(ang), jnp.cos(ang),
         jnp.zeros((xf.shape[0], _IN1P - _IN1), xf.dtype)], axis=1)
    h = jax.lax.dot_general(x, w1_ref[e], (((1,), (0,)), ((), ())),
                            preferred_element_type=jnp.float32)
    h = jax.nn.relu(h + b1_ref[e])
    ys_ref[...] = jax.lax.dot_general(h, w2_ref[e], (((1,), (0,)), ((), ())),
                                      preferred_element_type=jnp.float32)


def _scatter_body(perm_hbm, ys_hbm, outp_hbm, pc_v, pcd_v, rows_v, sem):
    c = lax.axis_index("c")
    s = lax.axis_index("s")
    w = 16 * c + s
    base = pl.multiple_of(w * _SPW, _TILE)
    pltpu.sync_copy(perm_hbm.at[pl.ds(w * _TPW, _TPW)], pc_v)
    pltpu.sync_copy(ys_hbm.at[pl.ds(base, _SPW)], rows_v)
    for m in range(_TPW):
        for q in range(_TILE // 16):
            v = pc_v[m, pl.ds(16 * q, 16)]
            pcd_v[m, pl.ds(16 * q, 16)] = jnp.where(v >= _N, _N + w, v)
    copies = [pltpu.async_copy(rows_v.at[pl.ds(m * _TILE, _TILE)],
                               outp_hbm.at[pcd_v.at[m]], sem)
              for m in range(_TPW)]
    for cp in copies:
        cp.wait()


def kernel(norm, feat, viewdir, kn_params):
    mesh = plsc.VectorSubcoreMesh(core_axis_name="c", subcore_axis_name="s")
    sc_params = pltpu.CompilerParams(needs_layout_passes=False,
                                     use_tc_tiling_on_sc=False)

    route = pl.kernel(
        _route_body,
        out_type=[
            jax.ShapeDtypeStruct((_TILES, _TILE), jnp.int32),
            jax.ShapeDtypeStruct((32, 16), jnp.int32),
            jax.ShapeDtypeStruct((_SLOTS, _FEAT), jnp.float32),
            jax.ShapeDtypeStruct((_SLOTS, 16), jnp.float32),
        ],
        mesh=mesh,
        scratch_types=[
            pltpu.VMEM((_N,), jnp.float32),
            pltpu.VMEM((_N,), jnp.float32),
            pltpu.VMEM((_N + _TILE,), jnp.int32),
            pltpu.VMEM((_N + _TILE,), jnp.int32),
            pltpu.VMEM((_TILE,), jnp.int32),
            pltpu.VMEM((16,), jnp.int32),
            pltpu.VMEM((16, 16), jnp.int32),
            pltpu.VMEM((_TPW, _TILE), jnp.int32),
            pltpu.VMEM((_TPW, _TILE), jnp.int32),
            pltpu.VMEM((_SPW, _FEAT), jnp.float32),
            pltpu.VMEM((_SPW, 16), jnp.float32),
            pltpu.VMEM((16,), jnp.int32),
            pltpu.VMEM_SHARED((16, 16), jnp.int32),
            pltpu.SemaphoreType.DMA,
        ],
        compiler_params=sc_params,
    )

    normx = norm[:, 0] + 0.0
    normy = norm[:, 1] + 0.0
    viewp = jnp.pad(viewdir, ((0, 0), (0, 13)))
    perm, tid2d, xsf, xsv = route(normx, normy, feat, viewp)
    tile_eid = tid2d[:, :_TPW].reshape(_TILES)

    o0 = _IN1 * _HID
    w1 = kn_params[:, :o0].reshape(_NETS, _IN1, _HID)
    w1 = jnp.pad(w1, ((0, 0), (0, _IN1P - _IN1), (0, 0)))
    b1 = kn_params[:, o0:o0 + _HID].reshape(_NETS, 1, _HID)
    w2 = kn_params[:, o0 + _HID:].reshape(_NETS, _HID, 3)
    w2 = jnp.pad(w2, ((0, 0), (0, 0), (0, 13)))

    ys = pl.pallas_call(
        _mlp_body,
        grid_spec=pltpu.PrefetchScalarGridSpec(
            num_scalar_prefetch=1,
            grid=(_TILES,),
            in_specs=[
                pl.BlockSpec((_TILE, _FEAT), lambda t, eid: (t, 0)),
                pl.BlockSpec((_TILE, 16), lambda t, eid: (t, 0)),
                pl.BlockSpec((_NETS, _IN1P, _HID), lambda t, eid: (0, 0, 0)),
                pl.BlockSpec((_NETS, 1, _HID), lambda t, eid: (0, 0, 0)),
                pl.BlockSpec((_NETS, _HID, 16), lambda t, eid: (0, 0, 0)),
            ],
            out_specs=pl.BlockSpec((_TILE, 16), lambda t, eid: (t, 0)),
        ),
        out_shape=jax.ShapeDtypeStruct((_SLOTS, 16), jnp.float32),
    )(tile_eid, xsf, xsv, w1, b1, w2)

    scatter = pl.kernel(
        _scatter_body,
        out_type=jax.ShapeDtypeStruct((_N + 32, 16), jnp.float32),
        mesh=mesh,
        scratch_types=[
            pltpu.VMEM((_TPW, _TILE), jnp.int32),
            pltpu.VMEM((_TPW, _TILE), jnp.int32),
            pltpu.VMEM((_SPW, 16), jnp.float32),
            pltpu.SemaphoreType.DMA,
        ],
        compiler_params=sc_params,
    )
    outp = scatter(perm, ys)
    return outp[:_N, :3]

# --- scband reference (transcript-rebuilt; emitter-appended) ---
"""Pipeline reference for scband-network-4655744548946 (READ-ONLY COPY).

The authoritative reference and input builder live on the scoring server;
editing this copy changes nothing except your own understanding.
"""

import jax, jax.numpy as jnp
import numpy as np

N_POINTS = 8192
FEAT_CH = 64
HIDDEN = 64
MAP_SIZE = 8
NUM_NETS = MAP_SIZE * MAP_SIZE  # 64 expert MLPs on the xy plane
VIEW_FREQS = 4
VIEW_EMB = 3 + 3 * 2 * VIEW_FREQS  # 27
IN1 = FEAT_CH + VIEW_EMB  # 91
NUM_KN_PARAMS = IN1 * HIDDEN + HIDDEN + HIDDEN * 3  # 6080


def fourier_embed(v):
    # FourierEmbedding(num_input_channels=3, num_frequencies=4): [v, sin(2^k*pi*v), cos(2^k*pi*v)]
    freqs = (2.0 ** jnp.arange(VIEW_FREQS)) * jnp.pi  # [F]
    ang = v[:, None, :] * freqs[None, :, None]  # [N, F, 3]
    n = v.shape[0]
    return jnp.concatenate([v, jnp.sin(ang).reshape(n, -1), jnp.cos(ang).reshape(n, -1)], axis=1)


def setup_inputs(seed: int = 0) -> dict:
    key = jax.random.key(seed)
    k1, k2, k3, k4 = jax.random.split(key, 4)
    norm = jax.random.uniform(k1, (N_POINTS, 3), dtype=jnp.float32)
    feat = jax.random.normal(k2, (N_POINTS, FEAT_CH), dtype=jnp.float32)
    viewdir = jax.random.normal(k3, (N_POINTS, 3), dtype=jnp.float32)
    kn_params = jax.random.normal(k4, (NUM_NETS, NUM_KN_PARAMS), dtype=jnp.float32) * 0.1
    return {"norm": norm, "feat": feat, "viewdir": viewdir, "kn_params": kn_params}


def reference(norm, feat, viewdir, kn_params):
    # Router: project points onto the xy plane and quantize into the MAP_SIZE grid.
    # Each grid cell owns one expert MLP (kilo-network / spatial MoE with top_k=1).
    coords = jnp.clip(jnp.floor(norm[:, :2] * MAP_SIZE), 0, MAP_SIZE - 1).astype(jnp.int32)
    net_id = coords[:, 0] * MAP_SIZE + coords[:, 1]  # [N]

    emb_view = fourier_embed(viewdir)  # [N, 27]
    x = jnp.concatenate([feat.reshape(-1, FEAT_CH), emb_view], axis=1)  # [N, 91]

    # Unpack flat per-expert parameter vectors (matches curr_param_ind walk in torch code).
    o0 = IN1 * HIDDEN
    W1 = kn_params[:, :o0].reshape(NUM_NETS, IN1, HIDDEN)
    b1 = kn_params[:, o0:o0 + HIDDEN]
    W2 = kn_params[:, o0 + HIDDEN:].reshape(NUM_NETS, HIDDEN, 3)  # last layer: no bias

    def body(carry, e):
        mask = (net_id == e).astype(x.dtype)[:, None]
        h = jax.nn.relu(x @ W1[e] + b1[e])
        o = h @ W2[e]
        return carry + mask * o, None

    out0 = jnp.zeros((x.shape[0], 3), dtype=x.dtype)
    out, _ = jax.lax.scan(body, out0, jnp.arange(NUM_NETS))
    return out

if __name__ == "__main__":
    import jax
    _d = setup_inputs()
    print(jax.jit(kernel)(*tuple(_d.values())))

</pallas_src>

<mosaic_0001>
#map = affine_map<(d0, d1) -> (0)>
#map1 = affine_map<(d0, d1) -> (0, 0)>
module attributes {stable_mosaic.version = 14 : i64} {
  func.func @_route_body(%arg0: i32, %arg1: i32, %arg2: memref<8192xf32, #tpu.memory_space<hbm>>, %arg3: memref<8192xf32, #tpu.memory_space<hbm>>, %arg4: memref<8192x64xf32, #tpu.memory_space<hbm>>, %arg5: memref<8192x16xf32, #tpu.memory_space<hbm>>, %arg6: memref<192x128xi32, #tpu.memory_space<hbm>>, %arg7: memref<32x16xi32, #tpu.memory_space<hbm>>, %arg8: memref<24576x64xf32, #tpu.memory_space<hbm>>, %arg9: memref<24576x16xf32, #tpu.memory_space<hbm>>, %arg10: memref<8192xf32, #tpu.memory_space<vmem>>, %arg11: memref<8192xf32, #tpu.memory_space<vmem>>, %arg12: memref<8320xi32, #tpu.memory_space<vmem>>, %arg13: memref<8320xi32, #tpu.memory_space<vmem>>, %arg14: memref<128xi32, #tpu.memory_space<vmem>>, %arg15: memref<16xi32, #tpu.memory_space<vmem>>, %arg16: memref<16x16xi32, #tpu.memory_space<vmem>>, %arg17: memref<6x128xi32, #tpu.memory_space<vmem>>, %arg18: memref<6x128xi32, #tpu.memory_space<vmem>>, %arg19: memref<768x64xf32, #tpu.memory_space<vmem>>, %arg20: memref<768x16xf32, #tpu.memory_space<vmem>>, %arg21: memref<16xi32, #tpu.memory_space<vmem>>, %arg22: memref<16x16xi32, #tpu.memory_space<vmem_shared>>, %arg23: memref<!tpu.dma_semaphore, #tpu.memory_space<semaphore_mem>>) attributes {dimension_semantics = [#tpu.dimension_semantics<core_parallel>, #tpu.dimension_semantics<subcore_parallel>], iteration_bounds = array<i64: 2, 16>, scalar_prefetch = 0 : i64, scratch_operands = 14 : i64, tpu.core_type = #tpu.core_type<sc_vector_subcore>, window_params = [{transform_indices = #map}, {transform_indices = #map}, {transform_indices = #map1}, {transform_indices = #map1}, {transform_indices = #map1}, {transform_indices = #map1}, {transform_indices = #map1}, {transform_indices = #map1}]} {
    %mul3A = arith.constant 12288 : i32
    %mul3A_0 = arith.muli %arg0, %mul3A : i32
    %iota3A = tpu.iota {dimensions = array<i32: 0>} : vector<16xi32>
    %mul3A_1 = arith.constant 32 : i32
    %mul3A_2 = arith.muli %mul3A_1, %arg0 : i32
    %mul3A_3 = arith.constant 2 : i32
    %mul3A_4 = arith.muli %mul3A_3, %arg1 : i32
    %add3A = arith.addi %mul3A_2, %mul3A_4 : i32
    %add3A_5 = arith.constant 1 : i32
    %add3A_6 = arith.addi %add3A, %add3A_5 : i32
    "tpu.region"() ({
      %run_scoped3A = tpu.sem_alloc : memref<!tpu.dma_semaphore, #tpu.memory_space<semaphore_mem>>
      tpu.enqueue_dma source(%arg2 : memref<8192xf32, #tpu.memory_space<hbm>>) target(%arg10 : memref<8192xf32, #tpu.memory_space<vmem>>) target_semaphore(%run_scoped3A : memref<!tpu.dma_semaphore, #tpu.memory_space<semaphore_mem>>)
      tpu.wait_dma2 semaphore(%run_scoped3A : memref<!tpu.dma_semaphore, #tpu.memory_space<semaphore_mem>>) src(%arg2 : memref<8192xf32, #tpu.memory_space<hbm>>) dst(%arg10 : memref<8192xf32, #tpu.memory_space<vmem>>)
      tpu.yield
    }) : () -> ()
    "tpu.region"() ({
      %run_scoped3A = tpu.sem_alloc : memref<!tpu.dma_semaphore, #tpu.memory_space<semaphore_mem>>
      tpu.enqueue_dma source(%arg3 : memref<8192xf32, #tpu.memory_space<hbm>>) target(%arg11 : memref<8192xf32, #tpu.memory_space<vmem>>) target_semaphore(%run_scoped3A : memref<!tpu.dma_semaphore, #tpu.memory_space<semaphore_mem>>)
      tpu.wait_dma2 semaphore(%run_scoped3A : memref<!tpu.dma_semaphore, #tpu.memory_space<semaphore_mem>>) src(%arg3 : memref<8192xf32, #tpu.memory_space<hbm>>) dst(%arg11 : memref<8192xf32, #tpu.memory_space<vmem>>)
      tpu.yield
    }) : () -> ()
    %broadcast_in_dim3A = arith.constant 0 : i32
    %broadcast_in_dim3A_7 = vector.broadcast %broadcast_in_dim3A : i32 to vector<16xi32>
    %scan3A = arith.constant 0 : i32
    %scan3A_8 = arith.constant 512 : i32
    %scan3A_9 = arith.addi %scan3A, %scan3A_8 : i32
    %scan3A_10 = arith.constant 1 : i32
    %scan3A_11:2 = scf.for %scan3A_2353 = %scan3A to %scan3A_9 step %scan3A_10 iter_args(%scan3A_2354 = %broadcast_in_dim3A_7, %scan3A_2355 = %broadcast_in_dim3A_7) -> (vector<16xi32>, vector<16xi32>)  : i32 {
      %mul3A_2356 = arith.constant 16 : i32
      %mul3A_2357 = arith.muli %scan3A_2353, %mul3A_2356 : i32
      %get3A_2358 = arith.index_cast %mul3A_2357 : i32 to index
      %get3A_2359 = tpu.vector_load %arg10[%get3A_2358] {strides = array<i32>} : memref<8192xf32, #tpu.memory_space<vmem>>, vector<16xf32>,
      %mul3A_2360 = arith.constant 16 : i32
      %mul3A_2361 = arith.muli %scan3A_2353, %mul3A_2360 : i32
      %get3A_2362 = arith.index_cast %mul3A_2361 : i32 to index
      %get3A_2363 = tpu.vector_load %arg11[%get3A_2362] {strides = array<i32>} : memref<8192xf32, #tpu.memory_space<vmem>>, vector<16xf32>,
      %mul3A_2364 = arith.constant 8.000000e+00 : f32
      %mul3A_2365 = vector.broadcast %mul3A_2364 : f32 to vector<16xf32>
      %mul3A_2366 = arith.mulf %get3A_2359, %mul3A_2365 : vector<16xf32>
      %jit3A_2367 = arith.constant 0.000000e+00 : f32
      %jit3A_2368 = arith.constant 7.000000e+00 : f32
      %max3A_2369 = vector.broadcast %jit3A_2367 : f32 to vector<16xf32>
      %max3A_2370 = arith.maximumf %max3A_2369, %mul3A_2366 : vector<16xf32>
      %min3A_2371 = vector.broadcast %jit3A_2368 : f32 to vector<16xf32>
      %min3A_2372 = arith.minimumf %min3A_2371, %max3A_2370 : vector<16xf32>
      %mul3A_2373 = arith.constant 8.000000e+00 : f32
      %mul3A_2374 = vector.broadcast %mul3A_2373 : f32 to vector<16xf32>
      %mul3A_2375 = arith.mulf %get3A_2363, %mul3A_2374 : vector<16xf32>
      %jit3A_2376 = arith.constant 0.000000e+00 : f32
      %jit3A_2377 = arith.constant 7.000000e+00 : f32
      %max3A_2378 = vector.broadcast %jit3A_2376 : f32 to vector<16xf32>
      %max3A_2379 = arith.maximumf %max3A_2378, %mul3A_2375 : vector<16xf32>
      %min3A_2380 = vector.broadcast %jit3A_2377 : f32 to vector<16xf32>
      %min3A_2381 = arith.minimumf %min3A_2380, %max3A_2379 : vector<16xf32>
      %convert_element_type3A_2382 = arith.fptosi %min3A_2372 : vector<16xf32> to vector<16xi32>
      %mul3A_2383 = arith.constant 8 : i32
      %mul3A_2384 = vector.broadcast %mul3A_2383 : i32 to vector<16xi32>
      %mul3A_2385 = arith.muli %convert_element_type3A_2382, %mul3A_2384 : vector<16xi32>
      %convert_element_type3A_2386 = arith.fptosi %min3A_2381 : vector<16xf32> to vector<16xi32>
      %add3A_2387 = arith.addi %mul3A_2385, %convert_element_type3A_2386 : vector<16xi32>
      %mul3A_2388 = arith.constant 16 : i32
      %mul3A_2389 = arith.muli %scan3A_2353, %mul3A_2388 : i32
      %add3A_2390 = vector.broadcast %mul3A_2389 : i32 to vector<16xi32>
      %add3A_2391 = arith.addi %add3A_2390, %iota3A : vector<16xi32>
      %eq3A_2392 = vector.broadcast %add3A : i32 to vector<16xi32>
      %eq3A_2393 = arith.cmpi eq, %add3A_2387, %eq3A_2392 : vector<16xi32>
      %convert_element_type3A_2394 = arith.extui %eq3A_2393 : vector<16xi1> to vector<16xi32>
      %broadcast_in_dim3A_2395 = arith.constant true
      %broadcast_in_dim3A_2396 = vector.broadcast %broadcast_in_dim3A_2395 : i1 to vector<16xi1>
      %masked_cumsum3A_2397 = tpu.scan <sum>, %convert_element_type3A_2394 masked %broadcast_in_dim3A_2396 : vector<16xi32>, vector<16xi1> -> vector<16xi32>
      %sub3A_2398 = arith.subi %masked_cumsum3A_2397, %convert_element_type3A_2394 : vector<16xi32>
      %add3A_2399 = arith.addi %scan3A_2354, %sub3A_2398 : vector<16xi32>
      tpu.vector_store_idx %arg12[%add3A_2399], %add3A_2391 masked %eq3A_2393 : memref<8320xi32, #tpu.memory_space<vmem>>[vector<16xi32>], vector<16xi32>, vector<16xi1>
      %all_reduce_population_count3A = tpu.all_reduce %eq3A_2393 {dim = 0 : i64, kind = #tpu.reduction_kind<sum>} : vector<16xi1> -> vector<16xi32>
      %add3A_2400 = arith.addi %scan3A_2354, %all_reduce_population_count3A : vector<16xi32>
      %eq3A_2401 = vector.broadcast %add3A_6 : i32 to vector<16xi32>
      %eq3A_2402 = arith.cmpi eq, %add3A_2387, %eq3A_2401 : vector<16xi32>
      %convert_element_type3A_2403 = arith.extui %eq3A_2402 : vector<16xi1> to vector<16xi32>
      %broadcast_in_dim3A_2404 = arith.constant true
      %broadcast_in_dim3A_2405 = vector.broadcast %broadcast_in_dim3A_2404 : i1 to vector<16xi1>
      %masked_cumsum3A_2406 = tpu.scan <sum>, %convert_element_type3A_2403 masked %broadcast_in_dim3A_2405 : vector<16xi32>, vector<16xi1> -> vector<16xi32>
      %sub3A_2407 = arith.subi %masked_cumsum3A_2406, %convert_element_type3A_2403 : vector<16xi32>
      %add3A_2408 = arith.addi %scan3A_2355, %sub3A_2407 : vector<16xi32>
      tpu.vector_store_idx %arg13[%add3A_2408], %add3A_2391 masked %eq3A_2402 : memref<8320xi32, #tpu.memory_space<vmem>>[vector<16xi32>], vector<16xi32>, vector<16xi1>
      %all_reduce_population_count3A_2409 = tpu.all_reduce %eq3A_2402 {dim = 0 : i64, kind = #tpu.reduction_kind<sum>} : vector<16xi1> -> vector<16xi32>
      %add3A_2410 = arith.addi %scan3A_2355, %all_reduce_population_count3A_2409 : vector<16xi32>
      scf.yield %add3A_2400, %add3A_2410 : vector<16xi32>, vector<16xi32>
    }
    %scan3A_12 = arith.constant 512 : i32
    %eq3A = arith.constant 0 : i32
    %eq3A_13 = vector.broadcast %eq3A : i32 to vector<16xi32>
    %eq3A_14 = arith.cmpi eq, %iota3A, %eq3A_13 : vector<16xi32>
    %eq3A_15 = arith.constant 1 : i32
    %eq3A_16 = vector.broadcast %eq3A_15 : i32 to vector<16xi32>
    %eq3A_17 = arith.cmpi eq, %iota3A, %eq3A_16 : vector<16xi32>
    %jit3A = arith.constant 0 : i32
    %broadcast_in_dim3A_18 = vector.broadcast %jit3A : i32 to vector<16xi32>
    %select_n3A = arith.select %eq3A_17, %scan3A_11#1, %broadcast_in_dim3A_18 : vector<16xi1>, vector<16xi32>
    %select_n3A_19 = arith.select %eq3A_14, %scan3A_11#0, %select_n3A : vector<16xi1>, vector<16xi32>
    %swap3A = arith.constant 0 : index
    %swap3A_20 = tpu.vector_load %arg15[%swap3A] {strides = array<i32>} : memref<16xi32, #tpu.memory_space<vmem>>, vector<16xi32>,
    tpu.vector_store %arg15[%swap3A], %select_n3A_19 {strides = array<i32>} : memref<16xi32, #tpu.memory_space<vmem>>, vector<16xi32>,
    "tpu.region"() ({
      %run_scoped3A = tpu.sem_alloc : memref<!tpu.dma_semaphore, #tpu.memory_space<semaphore_mem>>
      %dma_start3A_2353 = arith.constant 0 : i32
      %dma_start3A_2354 = tpu.memref_slice %arg22[%arg1, %dma_start3A_2353] : memref<16x16xi32, #tpu.memory_space<vmem_shared>> -> memref<1x16xi32, #tpu.memory_space<vmem_shared>>
      %dma_start3A_2355 = tpu.memref_squeeze %dma_start3A_2354 : memref<1x16xi32, #tpu.memory_space<vmem_shared>> -> memref<16xi32, #tpu.memory_space<vmem_shared>>
      %dma_start3A_2356 = arith.constant 0 : i32
      %dma_start3A_2357 = tpu.memref_slice %arg22[%arg1, %dma_start3A_2356] : memref<16x16xi32, #tpu.memory_space<vmem_shared>> -> memref<1x16xi32, #tpu.memory_space<vmem_shared>>
      %dma_start3A_2358 = tpu.memref_squeeze %dma_start3A_2357 : memref<1x16xi32, #tpu.memory_space<vmem_shared>> -> memref<16xi32, #tpu.memory_space<vmem_shared>>
      tpu.enqueue_dma source(%arg15 : memref<16xi32, #tpu.memory_space<vmem>>) target(%dma_start3A_2358 : memref<16xi32, #tpu.memory_space<vmem_shared>>) target_semaphore(%run_scoped3A : memref<!tpu.dma_semaphore, #tpu.memory_space<semaphore_mem>>)
      %dma_wait3A_2359 = arith.constant 0 : i32
      %dma_wait3A_2360 = tpu.memref_slice %arg22[%arg1, %dma_wait3A_2359] : memref<16x16xi32, #tpu.memory_space<vmem_shared>> -> memref<1x16xi32, #tpu.memory_space<vmem_shared>>
      %dma_wait3A_2361 = tpu.memref_squeeze %dma_wait3A_2360 : memref<1x16xi32, #tpu.memory_space<vmem_shared>> -> memref<16xi32, #tpu.memory_space<vmem_shared>>
      %dma_wait3A_2362 = arith.constant 0 : i32
      %dma_wait3A_2363 = tpu.memref_slice %arg22[%arg1, %dma_wait3A_2362] : memref<16x16xi32, #tpu.memory_space<vmem_shared>> -> memref<1x16xi32, #tpu.memory_space<vmem_shared>>
      %dma_wait3A_2364 = tpu.memref_squeeze %dma_wait3A_2363 : memref<1x16xi32, #tpu.memory_space<vmem_shared>> -> memref<16xi32, #tpu.memory_space<vmem_shared>>
      tpu.wait_dma2 semaphore(%run_scoped3A : memref<!tpu.dma_semaphore, #tpu.memory_space<semaphore_mem>>) src(%arg15 : memref<16xi32, #tpu.memory_space<vmem>>) dst(%dma_wait3A_2364 : memref<16xi32, #tpu.memory_space<vmem_shared>>)
      tpu.yield
    }) : () -> ()
    %barrier3A = arith.constant 0 : index
    tpu.barrier barrier_id(%barrier3A)
    "tpu.region"() ({
      %run_scoped3A = tpu.sem_alloc : memref<!tpu.dma_semaphore, #tpu.memory_space<semaphore_mem>>
      tpu.enqueue_dma source(%arg22 : memref<16x16xi32, #tpu.memory_space<vmem_shared>>) target(%arg16 : memref<16x16xi32, #tpu.memory_space<vmem>>) target_semaphore(%run_scoped3A : memref<!tpu.dma_semaphore, #tpu.memory_space<semaphore_mem>>)
      tpu.wait_dma2 semaphore(%run_scoped3A : memref<!tpu.dma_semaphore, #tpu.memory_space<semaphore_mem>>) src(%arg22 : memref<16x16xi32, #tpu.memory_space<vmem_shared>>) dst(%arg16 : memref<16x16xi32, #tpu.memory_space<vmem>>)
      tpu.yield
    }) : () -> ()
    %add3A_21 = arith.constant 16 : i32
    %add3A_22 = vector.broadcast %add3A_21 : i32 to vector<16xi32>
    %add3A_23 = arith.addi %iota3A, %add3A_22 : vector<16xi32>
    %jit3A_24 = arith.constant 2 : i32
    %div3A = vector.broadcast %jit3A_24 : i32 to vector<16xi32>
    %div3A_25 = arith.divsi %iota3A, %div3A : vector<16xi32>
    %sign3A = arith.constant 0 : i32
    %sign3A_26 = vector.broadcast %sign3A : i32 to vector<16xi32>
    %sign3A_27 = arith.cmpi sgt, %iota3A, %sign3A_26 : vector<16xi32>
    %sign3A_28 = arith.extui %sign3A_27 : vector<16xi1> to vector<16xi32>
    %sign3A_29 = arith.constant 0 : i32
    %sign3A_30 = vector.broadcast %sign3A_29 : i32 to vector<16xi32>
    %sign3A_31 = arith.cmpi slt, %iota3A, %sign3A_30 : vector<16xi32>
    %sign3A_32 = arith.extui %sign3A_31 : vector<16xi1> to vector<16xi32>
    %sign3A_33 = arith.subi %sign3A_28, %sign3A_32 : vector<16xi32>
    %sign3A_34 = arith.constant 0 : i32
    %sign3A_35 = arith.cmpi sgt, %jit3A_24, %sign3A_34 : i32
    %sign3A_36 = arith.extui %sign3A_35 : i1 to i32
    %sign3A_37 = arith.constant 0 : i32
    %sign3A_38 = arith.cmpi slt, %jit3A_24, %sign3A_37 : i32
    %sign3A_39 = arith.extui %sign3A_38 : i1 to i32
    %sign3A_40 = arith.subi %sign3A_36, %sign3A_39 : i32
    %ne3A = vector.broadcast %sign3A_40 : i32 to vector<16xi32>
    %ne3A_41 = arith.cmpi ne, %sign3A_33, %ne3A : vector<16xi32>
    %rem3A = vector.broadcast %jit3A_24 : i32 to vector<16xi32>
    %rem3A_42 = arith.remsi %iota3A, %rem3A : vector<16xi32>
    %ne3A_43 = arith.constant 0 : i32
    %ne3A_44 = vector.broadcast %ne3A_43 : i32 to vector<16xi32>
    %ne3A_45 = arith.cmpi ne, %rem3A_42, %ne3A_44 : vector<16xi32>
    %and3A = arith.andi %ne3A_41, %ne3A_45 : vector<16xi1>
    %sub3A = arith.constant 1 : i32
    %sub3A_46 = vector.broadcast %sub3A : i32 to vector<16xi32>
    %sub3A_47 = arith.subi %div3A_25, %sub3A_46 : vector<16xi32>
    %select_n3A_48 = arith.select %and3A, %sub3A_47, %div3A_25 : vector<16xi1>, vector<16xi32>
    %jit3A_49 = arith.constant 2 : i32
    %eq3A_50 = arith.constant 0 : i32
    %eq3A_51 = arith.cmpi eq, %jit3A_49, %eq3A_50 : i32
    %jit3A_52 = arith.constant 1 : i32
    %select_n3A_53 = arith.select %eq3A_51, %jit3A_52, %jit3A_49 : i32
    %rem3A_54 = vector.broadcast %select_n3A_53 : i32 to vector<16xi32>
    %rem3A_55 = arith.remsi %iota3A, %rem3A_54 : vector<16xi32>
    %ne3A_56 = arith.constant 0 : i32
    %ne3A_57 = vector.broadcast %ne3A_56 : i32 to vector<16xi32>
    %ne3A_58 = arith.cmpi ne, %rem3A_55, %ne3A_57 : vector<16xi32>
    %lt3A = arith.constant 0 : i32
    %lt3A_59 = vector.broadcast %lt3A : i32 to vector<16xi32>
    %lt3A_60 = arith.cmpi slt, %rem3A_55, %lt3A_59 : vector<16xi32>
    %lt3A_61 = arith.constant 0 : i32
    %lt3A_62 = arith.cmpi slt, %select_n3A_53, %lt3A_61 : i32
    %ne3A_63 = vector.broadcast %lt3A_62 : i1 to vector<16xi1>
    %ne3A_64 = vector.broadcast %ne3A_63 : vector<16xi1> to vector<16xi1>
    %ne3A_65 = arith.xori %lt3A_60, %ne3A_64 : vector<16xi1>
    %and3A_66 = arith.andi %ne3A_65, %ne3A_58 : vector<16xi1>
    %add3A_67 = vector.broadcast %select_n3A_53 : i32 to vector<16xi32>
    %add3A_68 = arith.addi %rem3A_55, %add3A_67 : vector<16xi32>
    %select_n3A_69 = arith.select %and3A_66, %add3A_68, %rem3A_55 : vector<16xi1>, vector<16xi32>
    %gather3A = tpu.vector_load_idx %arg16[%select_n3A_48, %select_n3A_69] : memref<16x16xi32, #tpu.memory_space<vmem>>[vector<16xi32>, vector<16xi32>], vector<16xi32>,
    %jit3A_70 = arith.constant 2 : i32
    %div3A_71 = vector.broadcast %jit3A_70 : i32 to vector<16xi32>
    %div3A_72 = arith.divsi %add3A_23, %div3A_71 : vector<16xi32>
    %sign3A_73 = arith.constant 0 : i32
    %sign3A_74 = vector.broadcast %sign3A_73 : i32 to vector<16xi32>
    %sign3A_75 = arith.cmpi sgt, %add3A_23, %sign3A_74 : vector<16xi32>
    %sign3A_76 = arith.extui %sign3A_75 : vector<16xi1> to vector<16xi32>
    %sign3A_77 = arith.constant 0 : i32
    %sign3A_78 = vector.broadcast %sign3A_77 : i32 to vector<16xi32>
    %sign3A_79 = arith.cmpi slt, %add3A_23, %sign3A_78 : vector<16xi32>
    %sign3A_80 = arith.extui %sign3A_79 : vector<16xi1> to vector<16xi32>
    %sign3A_81 = arith.subi %sign3A_76, %sign3A_80 : vector<16xi32>
    %sign3A_82 = arith.constant 0 : i32
    %sign3A_83 = arith.cmpi sgt, %jit3A_70, %sign3A_82 : i32
    %sign3A_84 = arith.extui %sign3A_83 : i1 to i32
    %sign3A_85 = arith.constant 0 : i32
    %sign3A_86 = arith.cmpi slt, %jit3A_70, %sign3A_85 : i32
    %sign3A_87 = arith.extui %sign3A_86 : i1 to i32
    %sign3A_88 = arith.subi %sign3A_84, %sign3A_87 : i32
    %ne3A_89 = vector.broadcast %sign3A_88 : i32 to vector<16xi32>
    %ne3A_90 = arith.cmpi ne, %sign3A_81, %ne3A_89 : vector<16xi32>
    %rem3A_91 = vector.broadcast %jit3A_70 : i32 to vector<16xi32>
    %rem3A_92 = arith.remsi %add3A_23, %rem3A_91 : vector<16xi32>
    %ne3A_93 = arith.constant 0 : i32
    %ne3A_94 = vector.broadcast %ne3A_93 : i32 to vector<16xi32>
    %ne3A_95 = arith.cmpi ne, %rem3A_92, %ne3A_94 : vector<16xi32>
    %and3A_96 = arith.andi %ne3A_90, %ne3A_95 : vector<16xi1>
    %sub3A_97 = arith.constant 1 : i32
    %sub3A_98 = vector.broadcast %sub3A_97 : i32 to vector<16xi32>
    %sub3A_99 = arith.subi %div3A_72, %sub3A_98 : vector<16xi32>
    %select_n3A_100 = arith.select %and3A_96, %sub3A_99, %div3A_72 : vector<16xi1>, vector<16xi32>
    %jit3A_101 = arith.constant 2 : i32
    %eq3A_102 = arith.constant 0 : i32
    %eq3A_103 = arith.cmpi eq, %jit3A_101, %eq3A_102 : i32
    %jit3A_104 = arith.constant 1 : i32
    %select_n3A_105 = arith.select %eq3A_103, %jit3A_104, %jit3A_101 : i32
    %rem3A_106 = vector.broadcast %select_n3A_105 : i32 to vector<16xi32>
    %rem3A_107 = arith.remsi %add3A_23, %rem3A_106 : vector<16xi32>
    %ne3A_108 = arith.constant 0 : i32
    %ne3A_109 = vector.broadcast %ne3A_108 : i32 to vector<16xi32>
    %ne3A_110 = arith.cmpi ne, %rem3A_107, %ne3A_109 : vector<16xi32>
    %lt3A_111 = arith.constant 0 : i32
    %lt3A_112 = vector.broadcast %lt3A_111 : i32 to vector<16xi32>
    %lt3A_113 = arith.cmpi slt, %rem3A_107, %lt3A_112 : vector<16xi32>
    %lt3A_114 = arith.constant 0 : i32
    %lt3A_115 = arith.cmpi slt, %select_n3A_105, %lt3A_114 : i32
    %ne3A_116 = vector.broadcast %lt3A_115 : i1 to vector<16xi1>
    %ne3A_117 = vector.broadcast %ne3A_116 : vector<16xi1> to vector<16xi1>
    %ne3A_118 = arith.xori %lt3A_113, %ne3A_117 : vector<16xi1>
    %and3A_119 = arith.andi %ne3A_118, %ne3A_110 : vector<16xi1>
    %add3A_120 = vector.broadcast %select_n3A_105 : i32 to vector<16xi32>
    %add3A_121 = arith.addi %rem3A_107, %add3A_120 : vector<16xi32>
    %select_n3A_122 = arith.select %and3A_119, %add3A_121, %rem3A_107 : vector<16xi1>, vector<16xi32>
    %gather3A_123 = tpu.vector_load_idx %arg16[%select_n3A_100, %select_n3A_122] : memref<16x16xi32, #tpu.memory_space<vmem>>[vector<16xi32>, vector<16xi32>], vector<16xi32>,
    %add3A_124 = arith.constant 127 : i32
    %add3A_125 = vector.broadcast %add3A_124 : i32 to vector<16xi32>
    %add3A_126 = arith.addi %gather3A, %add3A_125 : vector<16xi32>
    %jit3A_127 = arith.constant 128 : i32
    %div3A_128 = vector.broadcast %jit3A_127 : i32 to vector<16xi32>
    %div3A_129 = arith.divsi %add3A_126, %div3A_128 : vector<16xi32>
    %sign3A_130 = arith.constant 0 : i32
    %sign3A_131 = vector.broadcast %sign3A_130 : i32 to vector<16xi32>
    %sign3A_132 = arith.cmpi sgt, %add3A_126, %sign3A_131 : vector<16xi32>
    %sign3A_133 = arith.extui %sign3A_132 : vector<16xi1> to vector<16xi32>
    %sign3A_134 = arith.constant 0 : i32
    %sign3A_135 = vector.broadcast %sign3A_134 : i32 to vector<16xi32>
    %sign3A_136 = arith.cmpi slt, %add3A_126, %sign3A_135 : vector<16xi32>
    %sign3A_137 = arith.extui %sign3A_136 : vector<16xi1> to vector<16xi32>
    %sign3A_138 = arith.subi %sign3A_133, %sign3A_137 : vector<16xi32>
    %sign3A_139 = arith.constant 0 : i32
    %sign3A_140 = arith.cmpi sgt, %jit3A_127, %sign3A_139 : i32
    %sign3A_141 = arith.extui %sign3A_140 : i1 to i32
    %sign3A_142 = arith.constant 0 : i32
    %sign3A_143 = arith.cmpi slt, %jit3A_127, %sign3A_142 : i32
    %sign3A_144 = arith.extui %sign3A_143 : i1 to i32
    %sign3A_145 = arith.subi %sign3A_141, %sign3A_144 : i32
    %ne3A_146 = vector.broadcast %sign3A_145 : i32 to vector<16xi32>
    %ne3A_147 = arith.cmpi ne, %sign3A_138, %ne3A_146 : vector<16xi32>
    %rem3A_148 = vector.broadcast %jit3A_127 : i32 to vector<16xi32>
    %rem3A_149 = arith.remsi %add3A_126, %rem3A_148 : vector<16xi32>
    %ne3A_150 = arith.constant 0 : i32
    %ne3A_151 = vector.broadcast %ne3A_150 : i32 to vector<16xi32>
    %ne3A_152 = arith.cmpi ne, %rem3A_149, %ne3A_151 : vector<16xi32>
    %and3A_153 = arith.andi %ne3A_147, %ne3A_152 : vector<16xi1>
    %sub3A_154 = arith.constant 1 : i32
    %sub3A_155 = vector.broadcast %sub3A_154 : i32 to vector<16xi32>
    %sub3A_156 = arith.subi %div3A_129, %sub3A_155 : vector<16xi32>
    %select_n3A_157 = arith.select %and3A_153, %sub3A_156, %div3A_129 : vector<16xi1>, vector<16xi32>
    %mul3A_158 = arith.constant 128 : i32
    %mul3A_159 = vector.broadcast %mul3A_158 : i32 to vector<16xi32>
    %mul3A_160 = arith.muli %select_n3A_157, %mul3A_159 : vector<16xi32>
    %add3A_161 = arith.constant 127 : i32
    %add3A_162 = vector.broadcast %add3A_161 : i32 to vector<16xi32>
    %add3A_163 = arith.addi %gather3A_123, %add3A_162 : vector<16xi32>
    %jit3A_164 = arith.constant 128 : i32
    %div3A_165 = vector.broadcast %jit3A_164 : i32 to vector<16xi32>
    %div3A_166 = arith.divsi %add3A_163, %div3A_165 : vector<16xi32>
    %sign3A_167 = arith.constant 0 : i32
    %sign3A_168 = vector.broadcast %sign3A_167 : i32 to vector<16xi32>
    %sign3A_169 = arith.cmpi sgt, %add3A_163, %sign3A_168 : vector<16xi32>
    %sign3A_170 = arith.extui %sign3A_169 : vector<16xi1> to vector<16xi32>
    %sign3A_171 = arith.constant 0 : i32
    %sign3A_172 = vector.broadcast %sign3A_171 : i32 to vector<16xi32>
    %sign3A_173 = arith.cmpi slt, %add3A_163, %sign3A_172 : vector<16xi32>
    %sign3A_174 = arith.extui %sign3A_173 : vector<16xi1> to vector<16xi32>
    %sign3A_175 = arith.subi %sign3A_170, %sign3A_174 : vector<16xi32>
    %sign3A_176 = arith.constant 0 : i32
    %sign3A_177 = arith.cmpi sgt, %jit3A_164, %sign3A_176 : i32
    %sign3A_178 = arith.extui %sign3A_177 : i1 to i32
    %sign3A_179 = arith.constant 0 : i32
    %sign3A_180 = arith.cmpi slt, %jit3A_164, %sign3A_179 : i32
    %sign3A_181 = arith.extui %sign3A_180 : i1 to i32
    %sign3A_182 = arith.subi %sign3A_178, %sign3A_181 : i32
    %ne3A_183 = vector.broadcast %sign3A_182 : i32 to vector<16xi32>
    %ne3A_184 = arith.cmpi ne, %sign3A_175, %ne3A_183 : vector<16xi32>
    %rem3A_185 = vector.broadcast %jit3A_164 : i32 to vector<16xi32>
    %rem3A_186 = arith.remsi %add3A_163, %rem3A_185 : vector<16xi32>
    %ne3A_187 = arith.constant 0 : i32
    %ne3A_188 = vector.broadcast %ne3A_187 : i32 to vector<16xi32>
    %ne3A_189 = arith.cmpi ne, %rem3A_186, %ne3A_188 : vector<16xi32>
    %and3A_190 = arith.andi %ne3A_184, %ne3A_189 : vector<16xi1>
    %sub3A_191 = arith.constant 1 : i32
    %sub3A_192 = vector.broadcast %sub3A_191 : i32 to vector<16xi32>
    %sub3A_193 = arith.subi %div3A_166, %sub3A_192 : vector<16xi32>
    %select_n3A_194 = arith.select %and3A_190, %sub3A_193, %div3A_166 : vector<16xi1>, vector<16xi32>
    %mul3A_195 = arith.constant 128 : i32
    %mul3A_196 = vector.broadcast %mul3A_195 : i32 to vector<16xi32>
    %mul3A_197 = arith.muli %select_n3A_194, %mul3A_196 : vector<16xi32>
    %broadcast_in_dim3A_198 = arith.constant true
    %broadcast_in_dim3A_199 = vector.broadcast %broadcast_in_dim3A_198 : i1 to vector<16xi1>
    %masked_cumsum3A = tpu.scan <sum>, %mul3A_160 masked %broadcast_in_dim3A_199 : vector<16xi32>, vector<16xi1> -> vector<16xi32>
    %sub3A_200 = arith.subi %masked_cumsum3A, %mul3A_160 : vector<16xi32>
    %reduce_max3A = arith.constant true
    %reduce_max3A_201 = vector.broadcast %reduce_max3A : i1 to vector<16xi1>
    %reduce_max3A_202 = arith.constant -2147483648 : i32
    %reduce_max3A_203 = vector.broadcast %reduce_max3A_202 : i32 to vector<16xi32>
    %reduce_max3A_204 = arith.xori %masked_cumsum3A, %reduce_max3A_203 : vector<16xi32>
    %reduce_max3A_205 = tpu.scan <max>, %reduce_max3A_204 masked %reduce_max3A_201 : vector<16xi32>, vector<16xi1> -> vector<16xi32>
    %reduce_max3A_206 = arith.xori %reduce_max3A_205, %reduce_max3A_203 : vector<16xi32>
    %reduce_max3A_207 = vector.extract %reduce_max3A_206[15] : i32 from vector<16xi32>
    %broadcast_in_dim3A_208 = arith.constant true
    %broadcast_in_dim3A_209 = vector.broadcast %broadcast_in_dim3A_208 : i1 to vector<16xi1>
    %masked_cumsum3A_210 = tpu.scan <sum>, %mul3A_197 masked %broadcast_in_dim3A_209 : vector<16xi32>, vector<16xi1> -> vector<16xi32>
    %sub3A_211 = arith.subi %masked_cumsum3A_210, %mul3A_197 : vector<16xi32>
    %add3A_212 = vector.broadcast %reduce_max3A_207 : i32 to vector<16xi32>
    %add3A_213 = arith.addi %sub3A_211, %add3A_212 : vector<16xi32>
    %reduce_max3A_214 = arith.constant true
    %reduce_max3A_215 = vector.broadcast %reduce_max3A_214 : i1 to vector<16xi1>
    %reduce_max3A_216 = arith.constant -2147483648 : i32
    %reduce_max3A_217 = vector.broadcast %reduce_max3A_216 : i32 to vector<16xi32>
    %reduce_max3A_218 = arith.xori %masked_cumsum3A_210, %reduce_max3A_217 : vector<16xi32>
    %reduce_max3A_219 = tpu.scan <max>, %reduce_max3A_218 masked %reduce_max3A_215 : vector<16xi32>, vector<16xi1> -> vector<16xi32>
    %reduce_max3A_220 = arith.xori %reduce_max3A_219, %reduce_max3A_217 : vector<16xi32>
    %reduce_max3A_221 = vector.extract %reduce_max3A_220[15] : i32 from vector<16xi32>
    %add3A_222 = arith.addi %reduce_max3A_207, %reduce_max3A_221 : i32
    %mul3A_223 = arith.constant 2 : i32
    %mul3A_224 = arith.muli %mul3A_223, %arg1 : i32
    %lt3A_225 = arith.constant 16 : i32
    %lt3A_226 = arith.cmpi slt, %mul3A_224, %lt3A_225 : i32
    %select_n3A_227 = arith.select %lt3A_226, %sub3A_200, %add3A_213 : vector<16xi32>
    %lt3A_228 = arith.constant 16 : i32
    %lt3A_229 = arith.cmpi slt, %mul3A_224, %lt3A_228 : i32
    %sub3A_230 = arith.constant 16 : i32
    %sub3A_231 = arith.subi %mul3A_224, %sub3A_230 : i32
    %select_n3A_232 = arith.select %lt3A_229, %mul3A_224, %sub3A_231 : i32
    %eq3A_233 = vector.broadcast %select_n3A_232 : i32 to vector<16xi32>
    %eq3A_234 = arith.cmpi eq, %iota3A, %eq3A_233 : vector<16xi32>
    %jit3A_235 = arith.constant 0 : i32
    %broadcast_in_dim3A_236 = vector.broadcast %jit3A_235 : i32 to vector<16xi32>
    %select_n3A_237 = arith.select %eq3A_234, %select_n3A_227, %broadcast_in_dim3A_236 : vector<16xi1>, vector<16xi32>
    %reduce_sum3A = arith.constant true
    %reduce_sum3A_238 = vector.broadcast %reduce_sum3A : i1 to vector<16xi1>
    %reduce_sum3A_239 = tpu.scan <sum>, %select_n3A_237 masked %reduce_sum3A_238 : vector<16xi32>, vector<16xi1> -> vector<16xi32>
    %reduce_sum3A_240 = vector.extract %reduce_sum3A_239[15] : i32 from vector<16xi32>
    %mul3A_241 = arith.constant 2 : i32
    %mul3A_242 = arith.muli %mul3A_241, %arg1 : i32
    %add3A_243 = arith.constant 1 : i32
    %add3A_244 = arith.addi %mul3A_242, %add3A_243 : i32
    %lt3A_245 = arith.constant 16 : i32
    %lt3A_246 = arith.cmpi slt, %add3A_244, %lt3A_245 : i32
    %select_n3A_247 = arith.select %lt3A_246, %sub3A_200, %add3A_213 : vector<16xi32>
    %lt3A_248 = arith.constant 16 : i32
    %lt3A_249 = arith.cmpi slt, %add3A_244, %lt3A_248 : i32
    %sub3A_250 = arith.constant 16 : i32
    %sub3A_251 = arith.subi %add3A_244, %sub3A_250 : i32
    %select_n3A_252 = arith.select %lt3A_249, %add3A_244, %sub3A_251 : i32
    %eq3A_253 = vector.broadcast %select_n3A_252 : i32 to vector<16xi32>
    %eq3A_254 = arith.cmpi eq, %iota3A, %eq3A_253 : vector<16xi32>
    %jit3A_255 = arith.constant 0 : i32
    %broadcast_in_dim3A_256 = vector.broadcast %jit3A_255 : i32 to vector<16xi32>
    %select_n3A_257 = arith.select %eq3A_254, %select_n3A_247, %broadcast_in_dim3A_256 : vector<16xi1>, vector<16xi32>
    %reduce_sum3A_258 = arith.constant true
    %reduce_sum3A_259 = vector.broadcast %reduce_sum3A_258 : i1 to vector<16xi1>
    %reduce_sum3A_260 = tpu.scan <sum>, %select_n3A_257 masked %reduce_sum3A_259 : vector<16xi32>, vector<16xi1> -> vector<16xi32>
    %reduce_sum3A_261 = vector.extract %reduce_sum3A_260[15] : i32 from vector<16xi32>
    %reduce_max3A_262 = arith.constant true
    %reduce_max3A_263 = vector.broadcast %reduce_max3A_262 : i1 to vector<16xi1>
    %reduce_max3A_264 = arith.constant -2147483648 : i32
    %reduce_max3A_265 = vector.broadcast %reduce_max3A_264 : i32 to vector<16xi32>
    %reduce_max3A_266 = arith.xori %scan3A_11#0, %reduce_max3A_265 : vector<16xi32>
    %reduce_max3A_267 = tpu.scan <max>, %reduce_max3A_266 masked %reduce_max3A_263 : vector<16xi32>, vector<16xi1> -> vector<16xi32>
    %reduce_max3A_268 = arith.xori %reduce_max3A_267, %reduce_max3A_265 : vector<16xi32>
    %reduce_max3A_269 = vector.extract %reduce_max3A_268[15] : i32 from vector<16xi32>
    %reduce_max3A_270 = arith.constant true
    %reduce_max3A_271 = vector.broadcast %reduce_max3A_270 : i1 to vector<16xi1>
    %reduce_max3A_272 = arith.constant -2147483648 : i32
    %reduce_max3A_273 = vector.broadcast %reduce_max3A_272 : i32 to vector<16xi32>
    %reduce_max3A_274 = arith.xori %scan3A_11#1, %reduce_max3A_273 : vector<16xi32>
    %reduce_max3A_275 = tpu.scan <max>, %reduce_max3A_274 masked %reduce_max3A_271 : vector<16xi32>, vector<16xi1> -> vector<16xi32>
    %reduce_max3A_276 = arith.xori %reduce_max3A_275, %reduce_max3A_273 : vector<16xi32>
    %reduce_max3A_277 = vector.extract %reduce_max3A_276[15] : i32 from vector<16xi32>
    %broadcast_in_dim3A_278 = arith.constant 8192 : i32
    %broadcast_in_dim3A_279 = vector.broadcast %broadcast_in_dim3A_278 : i32 to vector<16xi32>
    %jit3A_280 = arith.constant 16 : i32
    %div3A_281 = arith.divsi %reduce_max3A_269, %jit3A_280 : i32
    %sign3A_282 = arith.constant 0 : i32
    %sign3A_283 = arith.cmpi sgt, %reduce_max3A_269, %sign3A_282 : i32
    %sign3A_284 = arith.extui %sign3A_283 : i1 to i32
    %sign3A_285 = arith.constant 0 : i32
    %sign3A_286 = arith.cmpi slt, %reduce_max3A_269, %sign3A_285 : i32
    %sign3A_287 = arith.extui %sign3A_286 : i1 to i32
    %sign3A_288 = arith.subi %sign3A_284, %sign3A_287 : i32
    %sign3A_289 = arith.constant 0 : i32
    %sign3A_290 = arith.cmpi sgt, %jit3A_280, %sign3A_289 : i32
    %sign3A_291 = arith.extui %sign3A_290 : i1 to i32
    %sign3A_292 = arith.constant 0 : i32
    %sign3A_293 = arith.cmpi slt, %jit3A_280, %sign3A_292 : i32
    %sign3A_294 = arith.extui %sign3A_293 : i1 to i32
    %sign3A_295 = arith.subi %sign3A_291, %sign3A_294 : i32
    %ne3A_296 = arith.cmpi ne, %sign3A_288, %sign3A_295 : i32
    %rem3A_297 = arith.remsi %reduce_max3A_269, %jit3A_280 : i32
    %ne3A_298 = arith.constant 0 : i32
    %ne3A_299 = arith.cmpi ne, %rem3A_297, %ne3A_298 : i32
    %and3A_300 = arith.andi %ne3A_296, %ne3A_299 : i1
    %sub3A_301 = arith.constant 1 : i32
    %sub3A_302 = arith.subi %div3A_281, %sub3A_301 : i32
    %select_n3A_303 = arith.select %and3A_300, %sub3A_302, %div3A_281 : i32
    %mul3A_304 = arith.constant 16 : i32
    %mul3A_305 = arith.muli %select_n3A_303, %mul3A_304 : i32
    %multiple_of3A = tpu.assume_multiple %mul3A_305, 16 : i32
    %jit3A_306 = arith.constant 16 : i32
    %div3A_307 = arith.divsi %reduce_max3A_277, %jit3A_306 : i32
    %sign3A_308 = arith.constant 0 : i32
    %sign3A_309 = arith.cmpi sgt, %reduce_max3A_277, %sign3A_308 : i32
    %sign3A_310 = arith.extui %sign3A_309 : i1 to i32
    %sign3A_311 = arith.constant 0 : i32
    %sign3A_312 = arith.cmpi slt, %reduce_max3A_277, %sign3A_311 : i32
    %sign3A_313 = arith.extui %sign3A_312 : i1 to i32
    %sign3A_314 = arith.subi %sign3A_310, %sign3A_313 : i32
    %sign3A_315 = arith.constant 0 : i32
    %sign3A_316 = arith.cmpi sgt, %jit3A_306, %sign3A_315 : i32
    %sign3A_317 = arith.extui %sign3A_316 : i1 to i32
    %sign3A_318 = arith.constant 0 : i32
    %sign3A_319 = arith.cmpi slt, %jit3A_306, %sign3A_318 : i32
    %sign3A_320 = arith.extui %sign3A_319 : i1 to i32
    %sign3A_321 = arith.subi %sign3A_317, %sign3A_320 : i32
    %ne3A_322 = arith.cmpi ne, %sign3A_314, %sign3A_321 : i32
    %rem3A_323 = arith.remsi %reduce_max3A_277, %jit3A_306 : i32
    %ne3A_324 = arith.constant 0 : i32
    %ne3A_325 = arith.cmpi ne, %rem3A_323, %ne3A_324 : i32
    %and3A_326 = arith.andi %ne3A_322, %ne3A_325 : i1
    %sub3A_327 = arith.constant 1 : i32
    %sub3A_328 = arith.subi %div3A_307, %sub3A_327 : i32
    %select_n3A_329 = arith.select %and3A_326, %sub3A_328, %div3A_307 : i32
    %mul3A_330 = arith.constant 16 : i32
    %mul3A_331 = arith.muli %select_n3A_329, %mul3A_330 : i32
    %multiple_of3A_332 = tpu.assume_multiple %mul3A_331, 16 : i32
    %add3A_333 = arith.constant 0 : i32
    %add3A_334 = arith.addi %multiple_of3A, %add3A_333 : i32
    %add3A_335 = vector.broadcast %add3A_334 : i32 to vector<16xi32>
    %add3A_336 = arith.addi %add3A_335, %iota3A : vector<16xi32>
    %add3A_337 = arith.constant 0 : i32
    %add3A_338 = arith.addi %multiple_of3A, %add3A_337 : i32
    %get3A = arith.index_cast %add3A_338 : i32 to index
    %get3A_339 = tpu.vector_load %arg12[%get3A] {strides = array<i32>} : memref<8320xi32, #tpu.memory_space<vmem>>, vector<16xi32>,
    %ge3A = vector.broadcast %reduce_max3A_269 : i32 to vector<16xi32>
    %ge3A_340 = arith.cmpi sge, %add3A_336, %ge3A : vector<16xi32>
    %select_n3A_341 = arith.select %ge3A_340, %broadcast_in_dim3A_279, %get3A_339 : vector<16xi1>, vector<16xi32>
    %add3A_342 = arith.constant 0 : i32
    %add3A_343 = arith.addi %multiple_of3A, %add3A_342 : i32
    %swap3A_344 = arith.index_cast %add3A_343 : i32 to index
    %swap3A_345 = tpu.vector_load %arg12[%swap3A_344] {strides = array<i32>} : memref<8320xi32, #tpu.memory_space<vmem>>, vector<16xi32>,
    tpu.vector_store %arg12[%swap3A_344], %select_n3A_341 {strides = array<i32>} : memref<8320xi32, #tpu.memory_space<vmem>>, vector<16xi32>,
    %add3A_346 = arith.constant 0 : i32
    %add3A_347 = arith.addi %multiple_of3A_332, %add3A_346 : i32
    %add3A_348 = vector.broadcast %add3A_347 : i32 to vector<16xi32>
    %add3A_349 = arith.addi %add3A_348, %iota3A : vector<16xi32>
    %add3A_350 = arith.constant 0 : i32
    %add3A_351 = arith.addi %multiple_of3A_332, %add3A_350 : i32
    %get3A_352 = arith.index_cast %add3A_351 : i32 to index
    %get3A_353 = tpu.vector_load %arg13[%get3A_352] {strides = array<i32>} : memref<8320xi32, #tpu.memory_space<vmem>>, vector<16xi32>,
    %ge3A_354 = vector.broadcast %reduce_max3A_277 : i32 to vector<16xi32>
    %ge3A_355 = arith.cmpi sge, %add3A_349, %ge3A_354 : vector<16xi32>
    %select_n3A_356 = arith.select %ge3A_355, %broadcast_in_dim3A_279, %get3A_353 : vector<16xi1>, vector<16xi32>
    %add3A_357 = arith.constant 0 : i32
    %add3A_358 = arith.addi %multiple_of3A_332, %add3A_357 : i32
    %swap3A_359 = arith.index_cast %add3A_358 : i32 to index
    %swap3A_360 = tpu.vector_load %arg13[%swap3A_359] {strides = array<i32>} : memref<8320xi32, #tpu.memory_space<vmem>>, vector<16xi32>,
    tpu.vector_store %arg13[%swap3A_359], %select_n3A_356 {strides = array<i32>} : memref<8320xi32, #tpu.memory_space<vmem>>, vector<16xi32>,
    %add3A_361 = arith.constant 16 : i32
    %add3A_362 = arith.addi %multiple_of3A, %add3A_361 : i32
    %add3A_363 = vector.broadcast %add3A_362 : i32 to vector<16xi32>
    %add3A_364 = arith.addi %add3A_363, %iota3A : vector<16xi32>
    %add3A_365 = arith.constant 16 : i32
    %add3A_366 = arith.addi %multiple_of3A, %add3A_365 : i32
    %get3A_367 = arith.index_cast %add3A_366 : i32 to index
    %get3A_368 = tpu.vector_load %arg12[%get3A_367] {strides = array<i32>} : memref<8320xi32, #tpu.memory_space<vmem>>, vector<16xi32>,
    %ge3A_369 = vector.broadcast %reduce_max3A_269 : i32 to vector<16xi32>
    %ge3A_370 = arith.cmpi sge, %add3A_364, %ge3A_369 : vector<16xi32>
    %select_n3A_371 = arith.select %ge3A_370, %broadcast_in_dim3A_279, %get3A_368 : vector<16xi1>, vector<16xi32>
    %add3A_372 = arith.constant 16 : i32
    %add3A_373 = arith.addi %multiple_of3A, %add3A_372 : i32
    %swap3A_374 = arith.index_cast %add3A_373 : i32 to index
    %swap3A_375 = tpu.vector_load %arg12[%swap3A_374] {strides = array<i32>} : memref<8320xi32, #tpu.memory_space<vmem>>, vector<16xi32>,
    tpu.vector_store %arg12[%swap3A_374], %select_n3A_371 {strides = array<i32>} : memref<8320xi32, #tpu.memory_space<vmem>>, vector<16xi32>,
    %add3A_376 = arith.constant 16 : i32
    %add3A_377 = arith.addi %multiple_of3A_332, %add3A_376 : i32
    %add3A_378 = vector.broadcast %add3A_377 : i32 to vector<16xi32>
    %add3A_379 = arith.addi %add3A_378, %iota3A : vector<16xi32>
    %add3A_380 = arith.constant 16 : i32
    %add3A_381 = arith.addi %multiple_of3A_332, %add3A_380 : i32
    %get3A_382 = arith.index_cast %add3A_381 : i32 to index
    %get3A_383 = tpu.vector_load %arg13[%get3A_382] {strides = array<i32>} : memref<8320xi32, #tpu.memory_space<vmem>>, vector<16xi32>,
    %ge3A_384 = vector.broadcast %reduce_max3A_277 : i32 to vector<16xi32>
    %ge3A_385 = arith.cmpi sge, %add3A_379, %ge3A_384 : vector<16xi32>
    %select_n3A_386 = arith.select %ge3A_385, %broadcast_in_dim3A_279, %get3A_383 : vector<16xi1>, vector<16xi32>
    %add3A_387 = arith.constant 16 : i32
    %add3A_388 = arith.addi %multiple_of3A_332, %add3A_387 : i32
    %swap3A_389 = arith.index_cast %add3A_388 : i32 to index
    %swap3A_390 = tpu.vector_load %arg13[%swap3A_389] {strides = array<i32>} : memref<8320xi32, #tpu.memory_space<vmem>>, vector<16xi32>,
    tpu.vector_store %arg13[%swap3A_389], %select_n3A_386 {strides = array<i32>} : memref<8320xi32, #tpu.memory_space<vmem>>, vector<16xi32>,
    %add3A_391 = arith.constant 32 : i32
    %add3A_392 = arith.addi %multiple_of3A, %add3A_391 : i32
    %add3A_393 = vector.broadcast %add3A_392 : i32 to vector<16xi32>
    %add3A_394 = arith.addi %add3A_393, %iota3A : vector<16xi32>
    %add3A_395 = arith.constant 32 : i32
    %add3A_396 = arith.addi %multiple_of3A, %add3A_395 : i32
    %get3A_397 = arith.index_cast %add3A_396 : i32 to index
    %get3A_398 = tpu.vector_load %arg12[%get3A_397] {strides = array<i32>} : memref<8320xi32, #tpu.memory_space<vmem>>, vector<16xi32>,
    %ge3A_399 = vector.broadcast %reduce_max3A_269 : i32 to vector<16xi32>
    %ge3A_400 = arith.cmpi sge, %add3A_394, %ge3A_399 : vector<16xi32>
    %select_n3A_401 = arith.select %ge3A_400, %broadcast_in_dim3A_279, %get3A_398 : vector<16xi1>, vector<16xi32>
    %add3A_402 = arith.constant 32 : i32
    %add3A_403 = arith.addi %multiple_of3A, %add3A_402 : i32
    %swap3A_404 = arith.index_cast %add3A_403 : i32 to index
    %swap3A_405 = tpu.vector_load %arg12[%swap3A_404] {strides = array<i32>} : memref<8320xi32, #tpu.memory_space<vmem>>, vector<16xi32>,
    tpu.vector_store %arg12[%swap3A_404], %select_n3A_401 {strides = array<i32>} : memref<8320xi32, #tpu.memory_space<vmem>>, vector<16xi32>,
    %add3A_406 = arith.constant 32 : i32
    %add3A_407 = arith.addi %multiple_of3A_332, %add3A_406 : i32
    %add3A_408 = vector.broadcast %add3A_407 : i32 to vector<16xi32>
    %add3A_409 = arith.addi %add3A_408, %iota3A : vector<16xi32>
    %add3A_410 = arith.constant 32 : i32
    %add3A_411 = arith.addi %multiple_of3A_332, %add3A_410 : i32
    %get3A_412 = arith.index_cast %add3A_411 : i32 to index
    %get3A_413 = tpu.vector_load %arg13[%get3A_412] {strides = array<i32>} : memref<8320xi32, #tpu.memory_space<vmem>>, vector<16xi32>,
    %ge3A_414 = vector.broadcast %reduce_max3A_277 : i32 to vector<16xi32>
    %ge3A_415 = arith.cmpi sge, %add3A_409, %ge3A_414 : vector<16xi32>
    %select_n3A_416 = arith.select %ge3A_415, %broadcast_in_dim3A_279, %get3A_413 : vector<16xi1>, vector<16xi32>
    %add3A_417 = arith.constant 32 : i32
    %add3A_418 = arith.addi %multiple_of3A_332, %add3A_417 : i32
    %swap3A_419 = arith.index_cast %add3A_418 : i32 to index
    %swap3A_420 = tpu.vector_load %arg13[%swap3A_419] {strides = array<i32>} : memref<8320xi32, #tpu.memory_space<vmem>>, vector<16xi32>,
    tpu.vector_store %arg13[%swap3A_419], %select_n3A_416 {strides = array<i32>} : memref<8320xi32, #tpu.memory_space<vmem>>, vector<16xi32>,
    %add3A_421 = arith.constant 48 : i32
    %add3A_422 = arith.addi %multiple_of3A, %add3A_421 : i32
    %add3A_423 = vector.broadcast %add3A_422 : i32 to vector<16xi32>
    %add3A_424 = arith.addi %add3A_423, %iota3A : vector<16xi32>
    %add3A_425 = arith.constant 48 : i32
    %add3A_426 = arith.addi %multiple_of3A, %add3A_425 : i32
    %get3A_427 = arith.index_cast %add3A_426 : i32 to index
    %get3A_428 = tpu.vector_load %arg12[%get3A_427] {strides = array<i32>} : memref<8320xi32, #tpu.memory_space<vmem>>, vector<16xi32>,
    %ge3A_429 = vector.broadcast %reduce_max3A_269 : i32 to vector<16xi32>
    %ge3A_430 = arith.cmpi sge, %add3A_424, %ge3A_429 : vector<16xi32>
    %select_n3A_431 = arith.select %ge3A_430, %broadcast_in_dim3A_279, %get3A_428 : vector<16xi1>, vector<16xi32>
    %add3A_432 = arith.constant 48 : i32
    %add3A_433 = arith.addi %multiple_of3A, %add3A_432 : i32
    %swap3A_434 = arith.index_cast %add3A_433 : i32 to index
    %swap3A_435 = tpu.vector_load %arg12[%swap3A_434] {strides = array<i32>} : memref<8320xi32, #tpu.memory_space<vmem>>, vector<16xi32>,
    tpu.vector_store %arg12[%swap3A_434], %select_n3A_431 {strides = array<i32>} : memref<8320xi32, #tpu.memory_space<vmem>>, vector<16xi32>,
    %add3A_436 = arith.constant 48 : i32
    %add3A_437 = arith.addi %multiple_of3A_332, %add3A_436 : i32
    %add3A_438 = vector.broadcast %add3A_437 : i32 to vector<16xi32>
    %add3A_439 = arith.addi %add3A_438, %iota3A : vector<16xi32>
    %add3A_440 = arith.constant 48 : i32
    %add3A_441 = arith.addi %multiple_of3A_332, %add3A_440 : i32
    %get3A_442 = arith.index_cast %add3A_441 : i32 to index
    %get3A_443 = tpu.vector_load %arg13[%get3A_442] {strides = array<i32>} : memref<8320xi32, #tpu.memory_space<vmem>>, vector<16xi32>,
    %ge3A_444 = vector.broadcast %reduce_max3A_277 : i32 to vector<16xi32>
    %ge3A_445 = arith.cmpi sge, %add3A_439, %ge3A_444 : vector<16xi32>
    %select_n3A_446 = arith.select %ge3A_445, %broadcast_in_dim3A_279, %get3A_443 : vector<16xi1>, vector<16xi32>
    %add3A_447 = arith.constant 48 : i32
    %add3A_448 = arith.addi %multiple_of3A_332, %add3A_447 : i32
    %swap3A_449 = arith.index_cast %add3A_448 : i32 to index
    %swap3A_450 = tpu.vector_load %arg13[%swap3A_449] {strides = array<i32>} : memref<8320xi32, #tpu.memory_space<vmem>>, vector<16xi32>,
    tpu.vector_store %arg13[%swap3A_449], %select_n3A_446 {strides = array<i32>} : memref<8320xi32, #tpu.memory_space<vmem>>, vector<16xi32>,
    %add3A_451 = arith.constant 64 : i32
    %add3A_452 = arith.addi %multiple_of3A, %add3A_451 : i32
    %add3A_453 = vector.broadcast %add3A_452 : i32 to vector<16xi32>
    %add3A_454 = arith.addi %add3A_453, %iota3A : vector<16xi32>
    %add3A_455 = arith.constant 64 : i32
    %add3A_456 = arith.addi %multiple_of3A, %add3A_455 : i32
    %get3A_457 = arith.index_cast %add3A_456 : i32 to index
    %get3A_458 = tpu.vector_load %arg12[%get3A_457] {strides = array<i32>} : memref<8320xi32, #tpu.memory_space<vmem>>, vector<16xi32>,
    %ge3A_459 = vector.broadcast %reduce_max3A_269 : i32 to vector<16xi32>
    %ge3A_460 = arith.cmpi sge, %add3A_454, %ge3A_459 : vector<16xi32>
    %select_n3A_461 = arith.select %ge3A_460, %broadcast_in_dim3A_279, %get3A_458 : vector<16xi1>, vector<16xi32>
    %add3A_462 = arith.constant 64 : i32
    %add3A_463 = arith.addi %multiple_of3A, %add3A_462 : i32
    %swap3A_464 = arith.index_cast %add3A_463 : i32 to index
    %swap3A_465 = tpu.vector_load %arg12[%swap3A_464] {strides = array<i32>} : memref<8320xi32, #tpu.memory_space<vmem>>, vector<16xi32>,
    tpu.vector_store %arg12[%swap3A_464], %select_n3A_461 {strides = array<i32>} : memref<8320xi32, #tpu.memory_space<vmem>>, vector<16xi32>,
    %add3A_466 = arith.constant 64 : i32
    %add3A_467 = arith.addi %multiple_of3A_332, %add3A_466 : i32
    %add3A_468 = vector.broadcast %add3A_467 : i32 to vector<16xi32>
    %add3A_469 = arith.addi %add3A_468, %iota3A : vector<16xi32>
    %add3A_470 = arith.constant 64 : i32
    %add3A_471 = arith.addi %multiple_of3A_332, %add3A_470 : i32
    %get3A_472 = arith.index_cast %add3A_471 : i32 to index
    %get3A_473 = tpu.vector_load %arg13[%get3A_472] {strides = array<i32>} : memref<8320xi32, #tpu.memory_space<vmem>>, vector<16xi32>,
    %ge3A_474 = vector.broadcast %reduce_max3A_277 : i32 to vector<16xi32>
    %ge3A_475 = arith.cmpi sge, %add3A_469, %ge3A_474 : vector<16xi32>
    %select_n3A_476 = arith.select %ge3A_475, %broadcast_in_dim3A_279, %get3A_473 : vector<16xi1>, vector<16xi32>
    %add3A_477 = arith.constant 64 : i32
    %add3A_478 = arith.addi %multiple_of3A_332, %add3A_477 : i32
    %swap3A_479 = arith.index_cast %add3A_478 : i32 to index
    %swap3A_480 = tpu.vector_load %arg13[%swap3A_479] {strides = array<i32>} : memref<8320xi32, #tpu.memory_space<vmem>>, vector<16xi32>,
    tpu.vector_store %arg13[%swap3A_479], %select_n3A_476 {strides = array<i32>} : memref<8320xi32, #tpu.memory_space<vmem>>, vector<16xi32>,
    %add3A_481 = arith.constant 80 : i32
    %add3A_482 = arith.addi %multiple_of3A, %add3A_481 : i32
    %add3A_483 = vector.broadcast %add3A_482 : i32 to vector<16xi32>
    %add3A_484 = arith.addi %add3A_483, %iota3A : vector<16xi32>
    %add3A_485 = arith.constant 80 : i32
    %add3A_486 = arith.addi %multiple_of3A, %add3A_485 : i32
    %get3A_487 = arith.index_cast %add3A_486 : i32 to index
    %get3A_488 = tpu.vector_load %arg12[%get3A_487] {strides = array<i32>} : memref<8320xi32, #tpu.memory_space<vmem>>, vector<16xi32>,
    %ge3A_489 = vector.broadcast %reduce_max3A_269 : i32 to vector<16xi32>
    %ge3A_490 = arith.cmpi sge, %add3A_484, %ge3A_489 : vector<16xi32>
    %select_n3A_491 = arith.select %ge3A_490, %broadcast_in_dim3A_279, %get3A_488 : vector<16xi1>, vector<16xi32>
    %add3A_492 = arith.constant 80 : i32
    %add3A_493 = arith.addi %multiple_of3A, %add3A_492 : i32
    %swap3A_494 = arith.index_cast %add3A_493 : i32 to index
    %swap3A_495 = tpu.vector_load %arg12[%swap3A_494] {strides = array<i32>} : memref<8320xi32, #tpu.memory_space<vmem>>, vector<16xi32>,
    tpu.vector_store %arg12[%swap3A_494], %select_n3A_491 {strides = array<i32>} : memref<8320xi32, #tpu.memory_space<vmem>>, vector<16xi32>,
    %add3A_496 = arith.constant 80 : i32
    %add3A_497 = arith.addi %multiple_of3A_332, %add3A_496 : i32
    %add3A_498 = vector.broadcast %add3A_497 : i32 to vector<16xi32>
    %add3A_499 = arith.addi %add3A_498, %iota3A : vector<16xi32>
    %add3A_500 = arith.constant 80 : i32
    %add3A_501 = arith.addi %multiple_of3A_332, %add3A_500 : i32
    %get3A_502 = arith.index_cast %add3A_501 : i32 to index
    %get3A_503 = tpu.vector_load %arg13[%get3A_502] {strides = array<i32>} : memref<8320xi32, #tpu.memory_space<vmem>>, vector<16xi32>,
    %ge3A_504 = vector.broadcast %reduce_max3A_277 : i32 to vector<16xi32>
    %ge3A_505 = arith.cmpi sge, %add3A_499, %ge3A_504 : vector<16xi32>
    %select_n3A_506 = arith.select %ge3A_505, %broadcast_in_dim3A_279, %get3A_503 : vector<16xi1>, vector<16xi32>
    %add3A_507 = arith.constant 80 : i32
    %add3A_508 = arith.addi %multiple_of3A_332, %add3A_507 : i32
    %swap3A_509 = arith.index_cast %add3A_508 : i32 to index
    %swap3A_510 = tpu.vector_load %arg13[%swap3A_509] {strides = array<i32>} : memref<8320xi32, #tpu.memory_space<vmem>>, vector<16xi32>,
    tpu.vector_store %arg13[%swap3A_509], %select_n3A_506 {strides = array<i32>} : memref<8320xi32, #tpu.memory_space<vmem>>, vector<16xi32>,
    %add3A_511 = arith.constant 96 : i32
    %add3A_512 = arith.addi %multiple_of3A, %add3A_511 : i32
    %add3A_513 = vector.broadcast %add3A_512 : i32 to vector<16xi32>
    %add3A_514 = arith.addi %add3A_513, %iota3A : vector<16xi32>
    %add3A_515 = arith.constant 96 : i32
    %add3A_516 = arith.addi %multiple_of3A, %add3A_515 : i32
    %get3A_517 = arith.index_cast %add3A_516 : i32 to index
    %get3A_518 = tpu.vector_load %arg12[%get3A_517] {strides = array<i32>} : memref<8320xi32, #tpu.memory_space<vmem>>, vector<16xi32>,
    %ge3A_519 = vector.broadcast %reduce_max3A_269 : i32 to vector<16xi32>
    %ge3A_520 = arith.cmpi sge, %add3A_514, %ge3A_519 : vector<16xi32>
    %select_n3A_521 = arith.select %ge3A_520, %broadcast_in_dim3A_279, %get3A_518 : vector<16xi1>, vector<16xi32>
    %add3A_522 = arith.constant 96 : i32
    %add3A_523 = arith.addi %multiple_of3A, %add3A_522 : i32
    %swap3A_524 = arith.index_cast %add3A_523 : i32 to index
    %swap3A_525 = tpu.vector_load %arg12[%swap3A_524] {strides = array<i32>} : memref<8320xi32, #tpu.memory_space<vmem>>, vector<16xi32>,
    tpu.vector_store %arg12[%swap3A_524], %select_n3A_521 {strides = array<i32>} : memref<8320xi32, #tpu.memory_space<vmem>>, vector<16xi32>,
    %add3A_526 = arith.constant 96 : i32
    %add3A_527 = arith.addi %multiple_of3A_332, %add3A_526 : i32
    %add3A_528 = vector.broadcast %add3A_527 : i32 to vector<16xi32>
    %add3A_529 = arith.addi %add3A_528, %iota3A : vector<16xi32>
    %add3A_530 = arith.constant 96 : i32
    %add3A_531 = arith.addi %multiple_of3A_332, %add3A_530 : i32
    %get3A_532 = arith.index_cast %add3A_531 : i32 to index
    %get3A_533 = tpu.vector_load %arg13[%get3A_532] {strides = array<i32>} : memref<8320xi32, #tpu.memory_space<vmem>>, vector<16xi32>,
    %ge3A_534 = vector.broadcast %reduce_max3A_277 : i32 to vector<16xi32>
    %ge3A_535 = arith.cmpi sge, %add3A_529, %ge3A_534 : vector<16xi32>
    %select_n3A_536 = arith.select %ge3A_535, %broadcast_in_dim3A_279, %get3A_533 : vector<16xi1>, vector<16xi32>
    %add3A_537 = arith.constant 96 : i32
    %add3A_538 = arith.addi %multiple_of3A_332, %add3A_537 : i32
    %swap3A_539 = arith.index_cast %add3A_538 : i32 to index
    %swap3A_540 = tpu.vector_load %arg13[%swap3A_539] {strides = array<i32>} : memref<8320xi32, #tpu.memory_space<vmem>>, vector<16xi32>,
    tpu.vector_store %arg13[%swap3A_539], %select_n3A_536 {strides = array<i32>} : memref<8320xi32, #tpu.memory_space<vmem>>, vector<16xi32>,
    %add3A_541 = arith.constant 112 : i32
    %add3A_542 = arith.addi %multiple_of3A, %add3A_541 : i32
    %add3A_543 = vector.broadcast %add3A_542 : i32 to vector<16xi32>
    %add3A_544 = arith.addi %add3A_543, %iota3A : vector<16xi32>
    %add3A_545 = arith.constant 112 : i32
    %add3A_546 = arith.addi %multiple_of3A, %add3A_545 : i32
    %get3A_547 = arith.index_cast %add3A_546 : i32 to index
    %get3A_548 = tpu.vector_load %arg12[%get3A_547] {strides = array<i32>} : memref<8320xi32, #tpu.memory_space<vmem>>, vector<16xi32>,
    %ge3A_549 = vector.broadcast %reduce_max3A_269 : i32 to vector<16xi32>
    %ge3A_550 = arith.cmpi sge, %add3A_544, %ge3A_549 : vector<16xi32>
    %select_n3A_551 = arith.select %ge3A_550, %broadcast_in_dim3A_279, %get3A_548 : vector<16xi1>, vector<16xi32>
    %add3A_552 = arith.constant 112 : i32
    %add3A_553 = arith.addi %multiple_of3A, %add3A_552 : i32
    %swap3A_554 = arith.index_cast %add3A_553 : i32 to index
    %swap3A_555 = tpu.vector_load %arg12[%swap3A_554] {strides = array<i32>} : memref<8320xi32, #tpu.memory_space<vmem>>, vector<16xi32>,
    tpu.vector_store %arg12[%swap3A_554], %select_n3A_551 {strides = array<i32>} : memref<8320xi32, #tpu.memory_space<vmem>>, vector<16xi32>,
    %add3A_556 = arith.constant 112 : i32
    %add3A_557 = arith.addi %multiple_of3A_332, %add3A_556 : i32
    %add3A_558 = vector.broadcast %add3A_557 : i32 to vector<16xi32>
    %add3A_559 = arith.addi %add3A_558, %iota3A : vector<16xi32>
    %add3A_560 = arith.constant 112 : i32
    %add3A_561 = arith.addi %multiple_of3A_332, %add3A_560 : i32
    %get3A_562 = arith.index_cast %add3A_561 : i32 to index
    %get3A_563 = tpu.vector_load %arg13[%get3A_562] {strides = array<i32>} : memref<8320xi32, #tpu.memory_space<vmem>>, vector<16xi32>,
    %ge3A_564 = vector.broadcast %reduce_max3A_277 : i32 to vector<16xi32>
    %ge3A_565 = arith.cmpi sge, %add3A_559, %ge3A_564 : vector<16xi32>
    %select_n3A_566 = arith.select %ge3A_565, %broadcast_in_dim3A_279, %get3A_563 : vector<16xi1>, vector<16xi32>
    %add3A_567 = arith.constant 112 : i32
    %add3A_568 = arith.addi %multiple_of3A_332, %add3A_567 : i32
    %swap3A_569 = arith.index_cast %add3A_568 : i32 to index
    %swap3A_570 = tpu.vector_load %arg13[%swap3A_569] {strides = array<i32>} : memref<8320xi32, #tpu.memory_space<vmem>>, vector<16xi32>,
    tpu.vector_store %arg13[%swap3A_569], %select_n3A_566 {strides = array<i32>} : memref<8320xi32, #tpu.memory_space<vmem>>, vector<16xi32>,
    %add3A_571 = arith.constant 128 : i32
    %add3A_572 = arith.addi %multiple_of3A, %add3A_571 : i32
    %add3A_573 = vector.broadcast %add3A_572 : i32 to vector<16xi32>
    %add3A_574 = arith.addi %add3A_573, %iota3A : vector<16xi32>
    %add3A_575 = arith.constant 128 : i32
    %add3A_576 = arith.addi %multiple_of3A, %add3A_575 : i32
    %get3A_577 = arith.index_cast %add3A_576 : i32 to index
    %get3A_578 = tpu.vector_load %arg12[%get3A_577] {strides = array<i32>} : memref<8320xi32, #tpu.memory_space<vmem>>, vector<16xi32>,
    %ge3A_579 = vector.broadcast %reduce_max3A_269 : i32 to vector<16xi32>
    %ge3A_580 = arith.cmpi sge, %add3A_574, %ge3A_579 : vector<16xi32>
    %select_n3A_581 = arith.select %ge3A_580, %broadcast_in_dim3A_279, %get3A_578 : vector<16xi1>, vector<16xi32>
    %add3A_582 = arith.constant 128 : i32
    %add3A_583 = arith.addi %multiple_of3A, %add3A_582 : i32
    %swap3A_584 = arith.index_cast %add3A_583 : i32 to index
    %swap3A_585 = tpu.vector_load %arg12[%swap3A_584] {strides = array<i32>} : memref<8320xi32, #tpu.memory_space<vmem>>, vector<16xi32>,
    tpu.vector_store %arg12[%swap3A_584], %select_n3A_581 {strides = array<i32>} : memref<8320xi32, #tpu.memory_space<vmem>>, vector<16xi32>,
    %add3A_586 = arith.constant 128 : i32
    %add3A_587 = arith.addi %multiple_of3A_332, %add3A_586 : i32
    %add3A_588 = vector.broadcast %add3A_587 : i32 to vector<16xi32>
    %add3A_589 = arith.addi %add3A_588, %iota3A : vector<16xi32>
    %add3A_590 = arith.constant 128 : i32
    %add3A_591 = arith.addi %multiple_of3A_332, %add3A_590 : i32
    %get3A_592 = arith.index_cast %add3A_591 : i32 to index
    %get3A_593 = tpu.vector_load %arg13[%get3A_592] {strides = array<i32>} : memref<8320xi32, #tpu.memory_space<vmem>>, vector<16xi32>,
    %ge3A_594 = vector.broadcast %reduce_max3A_277 : i32 to vector<16xi32>
    %ge3A_595 = arith.cmpi sge, %add3A_589, %ge3A_594 : vector<16xi32>
    %select_n3A_596 = arith.select %ge3A_595, %broadcast_in_dim3A_279, %get3A_593 : vector<16xi1>, vector<16xi32>
    %add3A_597 = arith.constant 128 : i32
    %add3A_598 = arith.addi %multiple_of3A_332, %add3A_597 : i32
    %swap3A_599 = arith.index_cast %add3A_598 : i32 to index
    %swap3A_600 = tpu.vector_load %arg13[%swap3A_599] {strides = array<i32>} : memref<8320xi32, #tpu.memory_space<vmem>>, vector<16xi32>,
    tpu.vector_store %arg13[%swap3A_599], %select_n3A_596 {strides = array<i32>} : memref<8320xi32, #tpu.memory_space<vmem>>, vector<16xi32>,
    %swap3A_601 = arith.constant 0 : index
    %swap3A_602 = tpu.vector_load %arg14[%swap3A_601] {strides = array<i32>} : memref<128xi32, #tpu.memory_space<vmem>>, vector<16xi32>,
    tpu.vector_store %arg14[%swap3A_601], %broadcast_in_dim3A_279 {strides = array<i32>} : memref<128xi32, #tpu.memory_space<vmem>>, vector<16xi32>,
    %swap3A_603 = arith.constant 16 : index
    %swap3A_604 = tpu.vector_load %arg14[%swap3A_603] {strides = array<i32>} : memref<128xi32, #tpu.memory_space<vmem>>, vector<16xi32>,
    tpu.vector_store %arg14[%swap3A_603], %broadcast_in_dim3A_279 {strides = array<i32>} : memref<128xi32, #tpu.memory_space<vmem>>, vector<16xi32>,
    %swap3A_605 = arith.constant 32 : index
    %swap3A_606 = tpu.vector_load %arg14[%swap3A_605] {strides = array<i32>} : memref<128xi32, #tpu.memory_space<vmem>>, vector<16xi32>,
    tpu.vector_store %arg14[%swap3A_605], %broadcast_in_dim3A_279 {strides = array<i32>} : memref<128xi32, #tpu.memory_space<vmem>>, vector<16xi32>,
    %swap3A_607 = arith.constant 48 : index
    %swap3A_608 = tpu.vector_load %arg14[%swap3A_607] {strides = array<i32>} : memref<128xi32, #tpu.memory_space<vmem>>, vector<16xi32>,
    tpu.vector_store %arg14[%swap3A_607], %broadcast_in_dim3A_279 {strides = array<i32>} : memref<128xi32, #tpu.memory_space<vmem>>, vector<16xi32>,
    %swap3A_609 = arith.constant 64 : index
    %swap3A_610 = tpu.vector_load %arg14[%swap3A_609] {strides = array<i32>} : memref<128xi32, #tpu.memory_space<vmem>>, vector<16xi32>,
    tpu.vector_store %arg14[%swap3A_609], %broadcast_in_dim3A_279 {strides = array<i32>} : memref<128xi32, #tpu.memory_space<vmem>>, vector<16xi32>,
    %swap3A_611 = arith.constant 80 : index
    %swap3A_612 = tpu.vector_load %arg14[%swap3A_611] {strides = array<i32>} : memref<128xi32, #tpu.memory_space<vmem>>, vector<16xi32>,
    tpu.vector_store %arg14[%swap3A_611], %broadcast_in_dim3A_279 {strides = array<i32>} : memref<128xi32, #tpu.memory_space<vmem>>, vector<16xi32>,
    %swap3A_613 = arith.constant 96 : index
    %swap3A_614 = tpu.vector_load %arg14[%swap3A_613] {strides = array<i32>} : memref<128xi32, #tpu.memory_space<vmem>>, vector<16xi32>,
    tpu.vector_store %arg14[%swap3A_613], %broadcast_in_dim3A_279 {strides = array<i32>} : memref<128xi32, #tpu.memory_space<vmem>>, vector<16xi32>,
    %swap3A_615 = arith.constant 112 : index
    %swap3A_616 = tpu.vector_load %arg14[%swap3A_615] {strides = array<i32>} : memref<128xi32, #tpu.memory_space<vmem>>, vector<16xi32>,
    tpu.vector_store %arg14[%swap3A_615], %broadcast_in_dim3A_279 {strides = array<i32>} : memref<128xi32, #tpu.memory_space<vmem>>, vector<16xi32>,
    %add3A_617 = arith.constant 127 : i32
    %add3A_618 = arith.addi %reduce_max3A_269, %add3A_617 : i32
    %jit3A_619 = arith.constant 128 : i32
    %div3A_620 = arith.divsi %add3A_618, %jit3A_619 : i32
    %sign3A_621 = arith.constant 0 : i32
    %sign3A_622 = arith.cmpi sgt, %add3A_618, %sign3A_621 : i32
    %sign3A_623 = arith.extui %sign3A_622 : i1 to i32
    %sign3A_624 = arith.constant 0 : i32
    %sign3A_625 = arith.cmpi slt, %add3A_618, %sign3A_624 : i32
    %sign3A_626 = arith.extui %sign3A_625 : i1 to i32
    %sign3A_627 = arith.subi %sign3A_623, %sign3A_626 : i32
    %sign3A_628 = arith.constant 0 : i32
    %sign3A_629 = arith.cmpi sgt, %jit3A_619, %sign3A_628 : i32
    %sign3A_630 = arith.extui %sign3A_629 : i1 to i32
    %sign3A_631 = arith.constant 0 : i32
    %sign3A_632 = arith.cmpi slt, %jit3A_619, %sign3A_631 : i32
    %sign3A_633 = arith.extui %sign3A_632 : i1 to i32
    %sign3A_634 = arith.subi %sign3A_630, %sign3A_633 : i32
    %ne3A_635 = arith.cmpi ne, %sign3A_627, %sign3A_634 : i32
    %rem3A_636 = arith.remsi %add3A_618, %jit3A_619 : i32
    %ne3A_637 = arith.constant 0 : i32
    %ne3A_638 = arith.cmpi ne, %rem3A_636, %ne3A_637 : i32
    %and3A_639 = arith.andi %ne3A_635, %ne3A_638 : i1
    %sub3A_640 = arith.constant 1 : i32
    %sub3A_641 = arith.subi %div3A_620, %sub3A_640 : i32
    %select_n3A_642 = arith.select %and3A_639, %sub3A_641, %div3A_620 : i32
    %add3A_643 = arith.constant 127 : i32
    %add3A_644 = arith.addi %reduce_max3A_277, %add3A_643 : i32
    %jit3A_645 = arith.constant 128 : i32
    %div3A_646 = arith.divsi %add3A_644, %jit3A_645 : i32
    %sign3A_647 = arith.constant 0 : i32
    %sign3A_648 = arith.cmpi sgt, %add3A_644, %sign3A_647 : i32
    %sign3A_649 = arith.extui %sign3A_648 : i1 to i32
    %sign3A_650 = arith.constant 0 : i32
    %sign3A_651 = arith.cmpi slt, %add3A_644, %sign3A_650 : i32
    %sign3A_652 = arith.extui %sign3A_651 : i1 to i32
    %sign3A_653 = arith.subi %sign3A_649, %sign3A_652 : i32
    %sign3A_654 = arith.constant 0 : i32
    %sign3A_655 = arith.cmpi sgt, %jit3A_645, %sign3A_654 : i32
    %sign3A_656 = arith.extui %sign3A_655 : i1 to i32
    %sign3A_657 = arith.constant 0 : i32
    %sign3A_658 = arith.cmpi slt, %jit3A_645, %sign3A_657 : i32
    %sign3A_659 = arith.extui %sign3A_658 : i1 to i32
    %sign3A_660 = arith.subi %sign3A_656, %sign3A_659 : i32
    %ne3A_661 = arith.cmpi ne, %sign3A_653, %sign3A_660 : i32
    %rem3A_662 = arith.remsi %add3A_644, %jit3A_645 : i32
    %ne3A_663 = arith.constant 0 : i32
    %ne3A_664 = arith.cmpi ne, %rem3A_662, %ne3A_663 : i32
    %and3A_665 = arith.andi %ne3A_661, %ne3A_664 : i1
    %sub3A_666 = arith.constant 1 : i32
    %sub3A_667 = arith.subi %div3A_646, %sub3A_666 : i32
    %select_n3A_668 = arith.select %and3A_665, %sub3A_667, %div3A_646 : i32
    %mul3A_669 = arith.constant 96 : i32
    %mul3A_670 = arith.muli %arg0, %mul3A_669 : i32
    %jit3A_671 = arith.constant 128 : i32
    %div3A_672 = arith.divsi %reduce_sum3A_240, %jit3A_671 : i32
    %sign3A_673 = arith.constant 0 : i32
    %sign3A_674 = arith.cmpi sgt, %reduce_sum3A_240, %sign3A_673 : i32
    %sign3A_675 = arith.extui %sign3A_674 : i1 to i32
    %sign3A_676 = arith.constant 0 : i32
    %sign3A_677 = arith.cmpi slt, %reduce_sum3A_240, %sign3A_676 : i32
    %sign3A_678 = arith.extui %sign3A_677 : i1 to i32
    %sign3A_679 = arith.subi %sign3A_675, %sign3A_678 : i32
    %sign3A_680 = arith.constant 0 : i32
    %sign3A_681 = arith.cmpi sgt, %jit3A_671, %sign3A_680 : i32
    %sign3A_682 = arith.extui %sign3A_681 : i1 to i32
    %sign3A_683 = arith.constant 0 : i32
    %sign3A_684 = arith.cmpi slt, %jit3A_671, %sign3A_683 : i32
    %sign3A_685 = arith.extui %sign3A_684 : i1 to i32
    %sign3A_686 = arith.subi %sign3A_682, %sign3A_685 : i32
    %ne3A_687 = arith.cmpi ne, %sign3A_679, %sign3A_686 : i32
    %rem3A_688 = arith.remsi %reduce_sum3A_240, %jit3A_671 : i32
    %ne3A_689 = arith.constant 0 : i32
    %ne3A_690 = arith.cmpi ne, %rem3A_688, %ne3A_689 : i32
    %and3A_691 = arith.andi %ne3A_687, %ne3A_690 : i1
    %sub3A_692 = arith.constant 1 : i32
    %sub3A_693 = arith.subi %div3A_672, %sub3A_692 : i32
    %select_n3A_694 = arith.select %and3A_691, %sub3A_693, %div3A_672 : i32
    %add3A_695 = arith.addi %mul3A_670, %select_n3A_694 : i32
    %jit3A_696 = arith.constant 128 : i32
    %div3A_697 = arith.divsi %reduce_sum3A_261, %jit3A_696 : i32
    %sign3A_698 = arith.constant 0 : i32
    %sign3A_699 = arith.cmpi sgt, %reduce_sum3A_261, %sign3A_698 : i32
    %sign3A_700 = arith.extui %sign3A_699 : i1 to i32
    %sign3A_701 = arith.constant 0 : i32
    %sign3A_702 = arith.cmpi slt, %reduce_sum3A_261, %sign3A_701 : i32
    %sign3A_703 = arith.extui %sign3A_702 : i1 to i32
    %sign3A_704 = arith.subi %sign3A_700, %sign3A_703 : i32
    %sign3A_705 = arith.constant 0 : i32
    %sign3A_706 = arith.cmpi sgt, %jit3A_696, %sign3A_705 : i32
    %sign3A_707 = arith.extui %sign3A_706 : i1 to i32
    %sign3A_708 = arith.constant 0 : i32
    %sign3A_709 = arith.cmpi slt, %jit3A_696, %sign3A_708 : i32
    %sign3A_710 = arith.extui %sign3A_709 : i1 to i32
    %sign3A_711 = arith.subi %sign3A_707, %sign3A_710 : i32
    %ne3A_712 = arith.cmpi ne, %sign3A_704, %sign3A_711 : i32
    %rem3A_713 = arith.remsi %reduce_sum3A_261, %jit3A_696 : i32
    %ne3A_714 = arith.constant 0 : i32
    %ne3A_715 = arith.cmpi ne, %rem3A_713, %ne3A_714 : i32
    %and3A_716 = arith.andi %ne3A_712, %ne3A_715 : i1
    %sub3A_717 = arith.constant 1 : i32
    %sub3A_718 = arith.subi %div3A_697, %sub3A_717 : i32
    %select_n3A_719 = arith.select %and3A_716, %sub3A_718, %div3A_697 : i32
    %add3A_720 = arith.addi %mul3A_670, %select_n3A_719 : i32
    %while3A = arith.constant 0 : i32
    %while3A_721 = arith.constant 0 : i32
    %while3A_722 = arith.subi %select_n3A_642, %while3A_721 : i32
    %while3A_723 = arith.addi %while3A_721, %while3A_722 : i32
    %while3A_724 = arith.constant 1 : i32
    %while3A_725 = arith.divsi %while3A_722, %while3A_724 : i32
    %while3A_726 = arith.muli %while3A_725, %while3A_724 : i32
    %while3A_727 = arith.addi %while3A_721, %while3A_726 : i32
    %while3A_728 = arith.constant 1 : i32
    scf.for %while3A_2353 = %while3A_721 to %while3A_727 step %while3A_728  : i32 {
      %mul3A_2354 = arith.constant 128 : i32
      %mul3A_2355 = arith.muli %while3A_2353, %mul3A_2354 : i32
      %multiple_of3A_2356 = tpu.assume_multiple %mul3A_2355, 128 : i32
      %add3A_2357 = arith.addi %add3A_695, %while3A_2353 : i32
      "tpu.region"() ({
        %run_scoped3A = tpu.sem_alloc : memref<!tpu.dma_semaphore, #tpu.memory_space<semaphore_mem>>
        %dma_start3A_2358 = tpu.memref_slice %arg12[%multiple_of3A_2356] : memref<8320xi32, #tpu.memory_space<vmem>> -> memref<128xi32, #tpu.memory_space<vmem>>
        %dma_start3A_2359 = arith.constant 0 : i32
        %dma_start3A_2360 = tpu.memref_slice %arg6[%add3A_2357, %dma_start3A_2359] : memref<192x128xi32, #tpu.memory_space<hbm>> -> memref<1x128xi32, #tpu.memory_space<hbm>>
        %dma_start3A_2361 = tpu.memref_squeeze %dma_start3A_2360 : memref<1x128xi32, #tpu.memory_space<hbm>> -> memref<128xi32, #tpu.memory_space<hbm>>
        %dma_start3A_2362 = arith.constant 0 : i32
        %dma_start3A_2363 = tpu.memref_slice %arg6[%add3A_2357, %dma_start3A_2362] : memref<192x128xi32, #tpu.memory_space<hbm>> -> memref<1x128xi32, #tpu.memory_space<hbm>>
        %dma_start3A_2364 = tpu.memref_squeeze %dma_start3A_2363 : memref<1x128xi32, #tpu.memory_space<hbm>> -> memref<128xi32, #tpu.memory_space<hbm>>
        %dma_start3A_2365 = tpu.memref_slice %arg12[%multiple_of3A_2356] : memref<8320xi32, #tpu.memory_space<vmem>> -> memref<128xi32, #tpu.memory_space<vmem>>
        tpu.enqueue_dma source(%dma_start3A_2365 : memref<128xi32, #tpu.memory_space<vmem>>) target(%dma_start3A_2364 : memref<128xi32, #tpu.memory_space<hbm>>) target_semaphore(%run_scoped3A : memref<!tpu.dma_semaphore, #tpu.memory_space<semaphore_mem>>)
        %dma_wait3A_2366 = tpu.memref_slice %arg12[%multiple_of3A_2356] : memref<8320xi32, #tpu.memory_space<vmem>> -> memref<128xi32, #tpu.memory_space<vmem>>
        %dma_wait3A_2367 = arith.constant 0 : i32
        %dma_wait3A_2368 = tpu.memref_slice %arg6[%add3A_2357, %dma_wait3A_2367] : memref<192x128xi32, #tpu.memory_space<hbm>> -> memref<1x128xi32, #tpu.memory_space<hbm>>
        %dma_wait3A_2369 = tpu.memref_squeeze %dma_wait3A_2368 : memref<1x128xi32, #tpu.memory_space<hbm>> -> memref<128xi32, #tpu.memory_space<hbm>>
        %dma_wait3A_2370 = arith.constant 0 : i32
        %dma_wait3A_2371 = tpu.memref_slice %arg6[%add3A_2357, %dma_wait3A_2370] : memref<192x128xi32, #tpu.memory_space<hbm>> -> memref<1x128xi32, #tpu.memory_space<hbm>>
        %dma_wait3A_2372 = tpu.memref_squeeze %dma_wait3A_2371 : memref<1x128xi32, #tpu.memory_space<hbm>> -> memref<128xi32, #tpu.memory_space<hbm>>
        %dma_wait3A_2373 = tpu.memref_slice %arg12[%multiple_of3A_2356] : memref<8320xi32, #tpu.memory_space<vmem>> -> memref<128xi32, #tpu.memory_space<vmem>>
        tpu.wait_dma2 semaphore(%run_scoped3A : memref<!tpu.dma_semaphore, #tpu.memory_space<semaphore_mem>>) src(%dma_wait3A_2373 : memref<128xi32, #tpu.memory_space<vmem>>) dst(%dma_wait3A_2372 : memref<128xi32, #tpu.memory_space<hbm>>)
        tpu.yield
      }) : () -> ()
    }
    %while3A_729 = arith.constant 1 : i32
    scf.for %while3A_2353 = %while3A_727 to %while3A_723 step %while3A_729  : i32 {
      %mul3A_2354 = arith.constant 128 : i32
      %mul3A_2355 = arith.muli %while3A_2353, %mul3A_2354 : i32
      %multiple_of3A_2356 = tpu.assume_multiple %mul3A_2355, 128 : i32
      %add3A_2357 = arith.addi %add3A_695, %while3A_2353 : i32
      "tpu.region"() ({
        %run_scoped3A = tpu.sem_alloc : memref<!tpu.dma_semaphore, #tpu.memory_space<semaphore_mem>>
        %dma_start3A_2358 = tpu.memref_slice %arg12[%multiple_of3A_2356] : memref<8320xi32, #tpu.memory_space<vmem>> -> memref<128xi32, #tpu.memory_space<vmem>>
        %dma_start3A_2359 = arith.constant 0 : i32
        %dma_start3A_2360 = tpu.memref_slice %arg6[%add3A_2357, %dma_start3A_2359] : memref<192x128xi32, #tpu.memory_space<hbm>> -> memref<1x128xi32, #tpu.memory_space<hbm>>
        %dma_start3A_2361 = tpu.memref_squeeze %dma_start3A_2360 : memref<1x128xi32, #tpu.memory_space<hbm>> -> memref<128xi32, #tpu.memory_space<hbm>>
        %dma_start3A_2362 = arith.constant 0 : i32
        %dma_start3A_2363 = tpu.memref_slice %arg6[%add3A_2357, %dma_start3A_2362] : memref<192x128xi32, #tpu.memory_space<hbm>> -> memref<1x128xi32, #tpu.memory_space<hbm>>
        %dma_start3A_2364 = tpu.memref_squeeze %dma_start3A_2363 : memref<1x128xi32, #tpu.memory_space<hbm>> -> memref<128xi32, #tpu.memory_space<hbm>>
        %dma_start3A_2365 = tpu.memref_slice %arg12[%multiple_of3A_2356] : memref<8320xi32, #tpu.memory_space<vmem>> -> memref<128xi32, #tpu.memory_space<vmem>>
        tpu.enqueue_dma source(%dma_start3A_2365 : memref<128xi32, #tpu.memory_space<vmem>>) target(%dma_start3A_2364 : memref<128xi32, #tpu.memory_space<hbm>>) target_semaphore(%run_scoped3A : memref<!tpu.dma_semaphore, #tpu.memory_space<semaphore_mem>>)
        %dma_wait3A_2366 = tpu.memref_slice %arg12[%multiple_of3A_2356] : memref<8320xi32, #tpu.memory_space<vmem>> -> memref<128xi32, #tpu.memory_space<vmem>>
        %dma_wait3A_2367 = arith.constant 0 : i32
        %dma_wait3A_2368 = tpu.memref_slice %arg6[%add3A_2357, %dma_wait3A_2367] : memref<192x128xi32, #tpu.memory_space<hbm>> -> memref<1x128xi32, #tpu.memory_space<hbm>>
        %dma_wait3A_2369 = tpu.memref_squeeze %dma_wait3A_2368 : memref<1x128xi32, #tpu.memory_space<hbm>> -> memref<128xi32, #tpu.memory_space<hbm>>
        %dma_wait3A_2370 = arith.constant 0 : i32
        %dma_wait3A_2371 = tpu.memref_slice %arg6[%add3A_2357, %dma_wait3A_2370] : memref<192x128xi32, #tpu.memory_space<hbm>> -> memref<1x128xi32, #tpu.memory_space<hbm>>
        %dma_wait3A_2372 = tpu.memref_squeeze %dma_wait3A_2371 : memref<1x128xi32, #tpu.memory_space<hbm>> -> memref<128xi32, #tpu.memory_space<hbm>>
        %dma_wait3A_2373 = tpu.memref_slice %arg12[%multiple_of3A_2356] : memref<8320xi32, #tpu.memory_space<vmem>> -> memref<128xi32, #tpu.memory_space<vmem>>
        tpu.wait_dma2 semaphore(%run_scoped3A : memref<!tpu.dma_semaphore, #tpu.memory_space<semaphore_mem>>) src(%dma_wait3A_2373 : memref<128xi32, #tpu.memory_space<vmem>>) dst(%dma_wait3A_2372 : memref<128xi32, #tpu.memory_space<hbm>>)
        tpu.yield
      }) : () -> ()
    }
    %while3A_730 = arith.constant 0 : i32
    %while3A_731 = arith.constant 0 : i32
    %while3A_732 = arith.subi %select_n3A_668, %while3A_731 : i32
    %while3A_733 = arith.addi %while3A_731, %while3A_732 : i32
    %while3A_734 = arith.constant 1 : i32
    %while3A_735 = arith.divsi %while3A_732, %while3A_734 : i32
    %while3A_736 = arith.muli %while3A_735, %while3A_734 : i32
    %while3A_737 = arith.addi %while3A_731, %while3A_736 : i32
    %while3A_738 = arith.constant 1 : i32
    scf.for %while3A_2353 = %while3A_731 to %while3A_737 step %while3A_738  : i32 {
      %mul3A_2354 = arith.constant 128 : i32
      %mul3A_2355 = arith.muli %while3A_2353, %mul3A_2354 : i32
      %multiple_of3A_2356 = tpu.assume_multiple %mul3A_2355, 128 : i32
      %add3A_2357 = arith.addi %add3A_720, %while3A_2353 : i32
      "tpu.region"() ({
        %run_scoped3A = tpu.sem_alloc : memref<!tpu.dma_semaphore, #tpu.memory_space<semaphore_mem>>
        %dma_start3A_2358 = tpu.memref_slice %arg13[%multiple_of3A_2356] : memref<8320xi32, #tpu.memory_space<vmem>> -> memref<128xi32, #tpu.memory_space<vmem>>
        %dma_start3A_2359 = arith.constant 0 : i32
        %dma_start3A_2360 = tpu.memref_slice %arg6[%add3A_2357, %dma_start3A_2359] : memref<192x128xi32, #tpu.memory_space<hbm>> -> memref<1x128xi32, #tpu.memory_space<hbm>>
        %dma_start3A_2361 = tpu.memref_squeeze %dma_start3A_2360 : memref<1x128xi32, #tpu.memory_space<hbm>> -> memref<128xi32, #tpu.memory_space<hbm>>
        %dma_start3A_2362 = arith.constant 0 : i32
        %dma_start3A_2363 = tpu.memref_slice %arg6[%add3A_2357, %dma_start3A_2362] : memref<192x128xi32, #tpu.memory_space<hbm>> -> memref<1x128xi32, #tpu.memory_space<hbm>>
        %dma_start3A_2364 = tpu.memref_squeeze %dma_start3A_2363 : memref<1x128xi32, #tpu.memory_space<hbm>> -> memref<128xi32, #tpu.memory_space<hbm>>
        %dma_start3A_2365 = tpu.memref_slice %arg13[%multiple_of3A_2356] : memref<8320xi32, #tpu.memory_space<vmem>> -> memref<128xi32, #tpu.memory_space<vmem>>
        tpu.enqueue_dma source(%dma_start3A_2365 : memref<128xi32, #tpu.memory_space<vmem>>) target(%dma_start3A_2364 : memref<128xi32, #tpu.memory_space<hbm>>) target_semaphore(%run_scoped3A : memref<!tpu.dma_semaphore, #tpu.memory_space<semaphore_mem>>)
        %dma_wait3A_2366 = tpu.memref_slice %arg13[%multiple_of3A_2356] : memref<8320xi32, #tpu.memory_space<vmem>> -> memref<128xi32, #tpu.memory_space<vmem>>
        %dma_wait3A_2367 = arith.constant 0 : i32
        %dma_wait3A_2368 = tpu.memref_slice %arg6[%add3A_2357, %dma_wait3A_2367] : memref<192x128xi32, #tpu.memory_space<hbm>> -> memref<1x128xi32, #tpu.memory_space<hbm>>
        %dma_wait3A_2369 = tpu.memref_squeeze %dma_wait3A_2368 : memref<1x128xi32, #tpu.memory_space<hbm>> -> memref<128xi32, #tpu.memory_space<hbm>>
        %dma_wait3A_2370 = arith.constant 0 : i32
        %dma_wait3A_2371 = tpu.memref_slice %arg6[%add3A_2357, %dma_wait3A_2370] : memref<192x128xi32, #tpu.memory_space<hbm>> -> memref<1x128xi32, #tpu.memory_space<hbm>>
        %dma_wait3A_2372 = tpu.memref_squeeze %dma_wait3A_2371 : memref<1x128xi32, #tpu.memory_space<hbm>> -> memref<128xi32, #tpu.memory_space<hbm>>
        %dma_wait3A_2373 = tpu.memref_slice %arg13[%multiple_of3A_2356] : memref<8320xi32, #tpu.memory_space<vmem>> -> memref<128xi32, #tpu.memory_space<vmem>>
        tpu.wait_dma2 semaphore(%run_scoped3A : memref<!tpu.dma_semaphore, #tpu.memory_space<semaphore_mem>>) src(%dma_wait3A_2373 : memref<128xi32, #tpu.memory_space<vmem>>) dst(%dma_wait3A_2372 : memref<128xi32, #tpu.memory_space<hbm>>)
        tpu.yield
      }) : () -> ()
    }
    %while3A_739 = arith.constant 1 : i32
    scf.for %while3A_2353 = %while3A_737 to %while3A_733 step %while3A_739  : i32 {
      %mul3A_2354 = arith.constant 128 : i32
      %mul3A_2355 = arith.muli %while3A_2353, %mul3A_2354 : i32
      %multiple_of3A_2356 = tpu.assume_multiple %mul3A_2355, 128 : i32
      %add3A_2357 = arith.addi %add3A_720, %while3A_2353 : i32
      "tpu.region"() ({
        %run_scoped3A = tpu.sem_alloc : memref<!tpu.dma_semaphore, #tpu.memory_space<semaphore_mem>>
        %dma_start3A_2358 = tpu.memref_slice %arg13[%multiple_of3A_2356] : memref<8320xi32, #tpu.memory_space<vmem>> -> memref<128xi32, #tpu.memory_space<vmem>>
        %dma_start3A_2359 = arith.constant 0 : i32
        %dma_start3A_2360 = tpu.memref_slice %arg6[%add3A_2357, %dma_start3A_2359] : memref<192x128xi32, #tpu.memory_space<hbm>> -> memref<1x128xi32, #tpu.memory_space<hbm>>
        %dma_start3A_2361 = tpu.memref_squeeze %dma_start3A_2360 : memref<1x128xi32, #tpu.memory_space<hbm>> -> memref<128xi32, #tpu.memory_space<hbm>>
        %dma_start3A_2362 = arith.constant 0 : i32
        %dma_start3A_2363 = tpu.memref_slice %arg6[%add3A_2357, %dma_start3A_2362] : memref<192x128xi32, #tpu.memory_space<hbm>> -> memref<1x128xi32, #tpu.memory_space<hbm>>
        %dma_start3A_2364 = tpu.memref_squeeze %dma_start3A_2363 : memref<1x128xi32, #tpu.memory_space<hbm>> -> memref<128xi32, #tpu.memory_space<hbm>>
        %dma_start3A_2365 = tpu.memref_slice %arg13[%multiple_of3A_2356] : memref<8320xi32, #tpu.memory_space<vmem>> -> memref<128xi32, #tpu.memory_space<vmem>>
        tpu.enqueue_dma source(%dma_start3A_2365 : memref<128xi32, #tpu.memory_space<vmem>>) target(%dma_start3A_2364 : memref<128xi32, #tpu.memory_space<hbm>>) target_semaphore(%run_scoped3A : memref<!tpu.dma_semaphore, #tpu.memory_space<semaphore_mem>>)
        %dma_wait3A_2366 = tpu.memref_slice %arg13[%multiple_of3A_2356] : memref<8320xi32, #tpu.memory_space<vmem>> -> memref<128xi32, #tpu.memory_space<vmem>>
        %dma_wait3A_2367 = arith.constant 0 : i32
        %dma_wait3A_2368 = tpu.memref_slice %arg6[%add3A_2357, %dma_wait3A_2367] : memref<192x128xi32, #tpu.memory_space<hbm>> -> memref<1x128xi32, #tpu.memory_space<hbm>>
        %dma_wait3A_2369 = tpu.memref_squeeze %dma_wait3A_2368 : memref<1x128xi32, #tpu.memory_space<hbm>> -> memref<128xi32, #tpu.memory_space<hbm>>
        %dma_wait3A_2370 = arith.constant 0 : i32
        %dma_wait3A_2371 = tpu.memref_slice %arg6[%add3A_2357, %dma_wait3A_2370] : memref<192x128xi32, #tpu.memory_space<hbm>> -> memref<1x128xi32, #tpu.memory_space<hbm>>
        %dma_wait3A_2372 = tpu.memref_squeeze %dma_wait3A_2371 : memref<1x128xi32, #tpu.memory_space<hbm>> -> memref<128xi32, #tpu.memory_space<hbm>>
        %dma_wait3A_2373 = tpu.memref_slice %arg13[%multiple_of3A_2356] : memref<8320xi32, #tpu.memory_space<vmem>> -> memref<128xi32, #tpu.memory_space<vmem>>
        tpu.wait_dma2 semaphore(%run_scoped3A : memref<!tpu.dma_semaphore, #tpu.memory_space<semaphore_mem>>) src(%dma_wait3A_2373 : memref<128xi32, #tpu.memory_space<vmem>>) dst(%dma_wait3A_2372 : memref<128xi32, #tpu.memory_space<hbm>>)
        tpu.yield
      }) : () -> ()
    }
    %jit3A_740 = arith.constant 128 : i32
    %div3A_741 = arith.divsi %add3A_222, %jit3A_740 : i32
    %sign3A_742 = arith.constant 0 : i32
    %sign3A_743 = arith.cmpi sgt, %add3A_222, %sign3A_742 : i32
    %sign3A_744 = arith.extui %sign3A_743 : i1 to i32
    %sign3A_745 = arith.constant 0 : i32
    %sign3A_746 = arith.cmpi slt, %add3A_222, %sign3A_745 : i32
    %sign3A_747 = arith.extui %sign3A_746 : i1 to i32
    %sign3A_748 = arith.subi %sign3A_744, %sign3A_747 : i32
    %sign3A_749 = arith.constant 0 : i32
    %sign3A_750 = arith.cmpi sgt, %jit3A_740, %sign3A_749 : i32
    %sign3A_751 = arith.extui %sign3A_750 : i1 to i32
    %sign3A_752 = arith.constant 0 : i32
    %sign3A_753 = arith.cmpi slt, %jit3A_740, %sign3A_752 : i32
    %sign3A_754 = arith.extui %sign3A_753 : i1 to i32
    %sign3A_755 = arith.subi %sign3A_751, %sign3A_754 : i32
    %ne3A_756 = arith.cmpi ne, %sign3A_748, %sign3A_755 : i32
    %rem3A_757 = arith.remsi %add3A_222, %jit3A_740 : i32
    %ne3A_758 = arith.constant 0 : i32
    %ne3A_759 = arith.cmpi ne, %rem3A_757, %ne3A_758 : i32
    %and3A_760 = arith.andi %ne3A_756, %ne3A_759 : i1
    %sub3A_761 = arith.constant 1 : i32
    %sub3A_762 = arith.subi %div3A_741, %sub3A_761 : i32
    %select_n3A_763 = arith.select %and3A_760, %sub3A_762, %div3A_741 : i32
    %sub3A_764 = arith.constant 96 : i32
    %sub3A_765 = arith.subi %sub3A_764, %select_n3A_763 : i32
    %add3A_766 = arith.constant 15 : i32
    %add3A_767 = arith.addi %sub3A_765, %add3A_766 : i32
    %sub3A_768 = arith.subi %add3A_767, %arg1 : i32
    %jit3A_769 = arith.constant 16 : i32
    %div3A_770 = arith.divsi %sub3A_768, %jit3A_769 : i32
    %sign3A_771 = arith.constant 0 : i32
    %sign3A_772 = arith.cmpi sgt, %sub3A_768, %sign3A_771 : i32
    %sign3A_773 = arith.extui %sign3A_772 : i1 to i32
    %sign3A_774 = arith.constant 0 : i32
    %sign3A_775 = arith.cmpi slt, %sub3A_768, %sign3A_774 : i32
    %sign3A_776 = arith.extui %sign3A_775 : i1 to i32
    %sign3A_777 = arith.subi %sign3A_773, %sign3A_776 : i32
    %sign3A_778 = arith.constant 0 : i32
    %sign3A_779 = arith.cmpi sgt, %jit3A_769, %sign3A_778 : i32
    %sign3A_780 = arith.extui %sign3A_779 : i1 to i32
    %sign3A_781 = arith.constant 0 : i32
    %sign3A_782 = arith.cmpi slt, %jit3A_769, %sign3A_781 : i32
    %sign3A_783 = arith.extui %sign3A_782 : i1 to i32
    %sign3A_784 = arith.subi %sign3A_780, %sign3A_783 : i32
    %ne3A_785 = arith.cmpi ne, %sign3A_777, %sign3A_784 : i32
    %rem3A_786 = arith.remsi %sub3A_768, %jit3A_769 : i32
    %ne3A_787 = arith.constant 0 : i32
    %ne3A_788 = arith.cmpi ne, %rem3A_786, %ne3A_787 : i32
    %and3A_789 = arith.andi %ne3A_785, %ne3A_788 : i1
    %sub3A_790 = arith.constant 1 : i32
    %sub3A_791 = arith.subi %div3A_770, %sub3A_790 : i32
    %select_n3A_792 = arith.select %and3A_789, %sub3A_791, %div3A_770 : i32
    %while3A_793 = arith.constant 0 : i32
    %while3A_794 = arith.constant 0 : i32
    %while3A_795 = arith.subi %select_n3A_792, %while3A_794 : i32
    %while3A_796 = arith.addi %while3A_794, %while3A_795 : i32
    %while3A_797 = arith.constant 1 : i32
    %while3A_798 = arith.divsi %while3A_795, %while3A_797 : i32
    %while3A_799 = arith.muli %while3A_798, %while3A_797 : i32
    %while3A_800 = arith.addi %while3A_794, %while3A_799 : i32
    %while3A_801 = arith.constant 1 : i32
    scf.for %while3A_2353 = %while3A_794 to %while3A_800 step %while3A_801  : i32 {
      %add3A_2354 = arith.addi %mul3A_670, %select_n3A_763 : i32
      %mul3A_2355 = arith.constant 16 : i32
      %mul3A_2356 = arith.muli %while3A_2353, %mul3A_2355 : i32
      %add3A_2357 = arith.addi %add3A_2354, %mul3A_2356 : i32
      %add3A_2358 = arith.addi %add3A_2357, %arg1 : i32
      "tpu.region"() ({
        %run_scoped3A = tpu.sem_alloc : memref<!tpu.dma_semaphore, #tpu.memory_space<semaphore_mem>>
        %dma_start3A_2359 = arith.constant 0 : i32
        %dma_start3A_2360 = tpu.memref_slice %arg6[%add3A_2358, %dma_start3A_2359] : memref<192x128xi32, #tpu.memory_space<hbm>> -> memref<1x128xi32, #tpu.memory_space<hbm>>
        %dma_start3A_2361 = tpu.memref_squeeze %dma_start3A_2360 : memref<1x128xi32, #tpu.memory_space<hbm>> -> memref<128xi32, #tpu.memory_space<hbm>>
        %dma_start3A_2362 = arith.constant 0 : i32
        %dma_start3A_2363 = tpu.memref_slice %arg6[%add3A_2358, %dma_start3A_2362] : memref<192x128xi32, #tpu.memory_space<hbm>> -> memref<1x128xi32, #tpu.memory_space<hbm>>
        %dma_start3A_2364 = tpu.memref_squeeze %dma_start3A_2363 : memref<1x128xi32, #tpu.memory_space<hbm>> -> memref<128xi32, #tpu.memory_space<hbm>>
        tpu.enqueue_dma source(%arg14 : memref<128xi32, #tpu.memory_space<vmem>>) target(%dma_start3A_2364 : memref<128xi32, #tpu.memory_space<hbm>>) target_semaphore(%run_scoped3A : memref<!tpu.dma_semaphore, #tpu.memory_space<semaphore_mem>>)
        %dma_wait3A_2365 = arith.constant 0 : i32
        %dma_wait3A_2366 = tpu.memref_slice %arg6[%add3A_2358, %dma_wait3A_2365] : memref<192x128xi32, #tpu.memory_space<hbm>> -> memref<1x128xi32, #tpu.memory_space<hbm>>
        %dma_wait3A_2367 = tpu.memref_squeeze %dma_wait3A_2366 : memref<1x128xi32, #tpu.memory_space<hbm>> -> memref<128xi32, #tpu.memory_space<hbm>>
        %dma_wait3A_2368 = arith.constant 0 : i32
        %dma_wait3A_2369 = tpu.memref_slice %arg6[%add3A_2358, %dma_wait3A_2368] : memref<192x128xi32, #tpu.memory_space<hbm>> -> memref<1x128xi32, #tpu.memory_space<hbm>>
        %dma_wait3A_2370 = tpu.memref_squeeze %dma_wait3A_2369 : memref<1x128xi32, #tpu.memory_space<hbm>> -> memref<128xi32, #tpu.memory_space<hbm>>
        tpu.wait_dma2 semaphore(%run_scoped3A : memref<!tpu.dma_semaphore, #tpu.memory_space<semaphore_mem>>) src(%arg14 : memref<128xi32, #tpu.memory_space<vmem>>) dst(%dma_wait3A_2370 : memref<128xi32, #tpu.memory_space<hbm>>)
        tpu.yield
      }) : () -> ()
    }
    %while3A_802 = arith.constant 1 : i32
    scf.for %while3A_2353 = %while3A_800 to %while3A_796 step %while3A_802  : i32 {
      %add3A_2354 = arith.addi %mul3A_670, %select_n3A_763 : i32
      %mul3A_2355 = arith.constant 16 : i32
      %mul3A_2356 = arith.muli %while3A_2353, %mul3A_2355 : i32
      %add3A_2357 = arith.addi %add3A_2354, %mul3A_2356 : i32
      %add3A_2358 = arith.addi %add3A_2357, %arg1 : i32
      "tpu.region"() ({
        %run_scoped3A = tpu.sem_alloc : memref<!tpu.dma_semaphore, #tpu.memory_space<semaphore_mem>>
        %dma_start3A_2359 = arith.constant 0 : i32
        %dma_start3A_2360 = tpu.memref_slice %arg6[%add3A_2358, %dma_start3A_2359] : memref<192x128xi32, #tpu.memory_space<hbm>> -> memref<1x128xi32, #tpu.memory_space<hbm>>
        %dma_start3A_2361 = tpu.memref_squeeze %dma_start3A_2360 : memref<1x128xi32, #tpu.memory_space<hbm>> -> memref<128xi32, #tpu.memory_space<hbm>>
        %dma_start3A_2362 = arith.constant 0 : i32
        %dma_start3A_2363 = tpu.memref_slice %arg6[%add3A_2358, %dma_start3A_2362] : memref<192x128xi32, #tpu.memory_space<hbm>> -> memref<1x128xi32, #tpu.memory_space<hbm>>
        %dma_start3A_2364 = tpu.memref_squeeze %dma_start3A_2363 : memref<1x128xi32, #tpu.memory_space<hbm>> -> memref<128xi32, #tpu.memory_space<hbm>>
        tpu.enqueue_dma source(%arg14 : memref<128xi32, #tpu.memory_space<vmem>>) target(%dma_start3A_2364 : memref<128xi32, #tpu.memory_space<hbm>>) target_semaphore(%run_scoped3A : memref<!tpu.dma_semaphore, #tpu.memory_space<semaphore_mem>>)
        %dma_wait3A_2365 = arith.constant 0 : i32
        %dma_wait3A_2366 = tpu.memref_slice %arg6[%add3A_2358, %dma_wait3A_2365] : memref<192x128xi32, #tpu.memory_space<hbm>> -> memref<1x128xi32, #tpu.memory_space<hbm>>
        %dma_wait3A_2367 = tpu.memref_squeeze %dma_wait3A_2366 : memref<1x128xi32, #tpu.memory_space<hbm>> -> memref<128xi32, #tpu.memory_space<hbm>>
        %dma_wait3A_2368 = arith.constant 0 : i32
        %dma_wait3A_2369 = tpu.memref_slice %arg6[%add3A_2358, %dma_wait3A_2368] : memref<192x128xi32, #tpu.memory_space<hbm>> -> memref<1x128xi32, #tpu.memory_space<hbm>>
        %dma_wait3A_2370 = tpu.memref_squeeze %dma_wait3A_2369 : memref<1x128xi32, #tpu.memory_space<hbm>> -> memref<128xi32, #tpu.memory_space<hbm>>
        tpu.wait_dma2 semaphore(%run_scoped3A : memref<!tpu.dma_semaphore, #tpu.memory_space<semaphore_mem>>) src(%arg14 : memref<128xi32, #tpu.memory_space<vmem>>) dst(%dma_wait3A_2370 : memref<128xi32, #tpu.memory_space<hbm>>)
        tpu.yield
      }) : () -> ()
    }
    %barrier3A_803 = arith.constant 0 : index
    tpu.barrier barrier_id(%barrier3A_803)
    %mul3A_804 = arith.constant 16 : i32
    %mul3A_805 = arith.muli %mul3A_804, %arg0 : i32
    %add3A_806 = arith.addi %mul3A_805, %arg1 : i32
    %mul3A_807 = arith.constant 6 : i32
    %mul3A_808 = arith.muli %add3A_806, %mul3A_807 : i32
    %mul3A_809 = arith.constant 16 : i32
    %mul3A_810 = arith.muli %mul3A_809, %arg0 : i32
    %add3A_811 = arith.addi %mul3A_810, %arg1 : i32
    %mul3A_812 = arith.constant 768 : i32
    %mul3A_813 = arith.muli %mul3A_812, %add3A_811 : i32
    %multiple_of3A_814 = tpu.assume_multiple %mul3A_813, 128 : i32
    "tpu.region"() ({
      %run_scoped3A = tpu.sem_alloc : memref<!tpu.dma_semaphore, #tpu.memory_space<semaphore_mem>>
      %dma_start3A_2353 = arith.constant 0 : i32
      %dma_start3A_2354 = tpu.memref_slice %arg6[%mul3A_808, %dma_start3A_2353] : memref<192x128xi32, #tpu.memory_space<hbm>> -> memref<6x128xi32, #tpu.memory_space<hbm>>
      %dma_start3A_2355 = arith.constant 0 : i32
      %dma_start3A_2356 = tpu.memref_slice %arg6[%mul3A_808, %dma_start3A_2355] : memref<192x128xi32, #tpu.memory_space<hbm>> -> memref<6x128xi32, #tpu.memory_space<hbm>>
      tpu.enqueue_dma source(%dma_start3A_2356 : memref<6x128xi32, #tpu.memory_space<hbm>>) target(%arg17 : memref<6x128xi32, #tpu.memory_space<vmem>>) target_semaphore(%run_scoped3A : memref<!tpu.dma_semaphore, #tpu.memory_space<semaphore_mem>>)
      %dma_wait3A_2357 = arith.constant 0 : i32
      %dma_wait3A_2358 = tpu.memref_slice %arg6[%mul3A_808, %dma_wait3A_2357] : memref<192x128xi32, #tpu.memory_space<hbm>> -> memref<6x128xi32, #tpu.memory_space<hbm>>
      %dma_wait3A_2359 = arith.constant 0 : i32
      %dma_wait3A_2360 = tpu.memref_slice %arg6[%mul3A_808, %dma_wait3A_2359] : memref<192x128xi32, #tpu.memory_space<hbm>> -> memref<6x128xi32, #tpu.memory_space<hbm>>
      tpu.wait_dma2 semaphore(%run_scoped3A : memref<!tpu.dma_semaphore, #tpu.memory_space<semaphore_mem>>) src(%dma_wait3A_2360 : memref<6x128xi32, #tpu.memory_space<hbm>>) dst(%arg17 : memref<6x128xi32, #tpu.memory_space<vmem>>)
      tpu.yield
    }) : () -> ()
    %get3A_815 = arith.constant 0 : i32
    %get3A_816 = arith.index_cast %get3A_815 : i32 to index
    %get3A_817 = arith.constant 0 : index
    %get3A_818 = tpu.vector_load %arg17[%get3A_816, %get3A_817] {strides = array<i32>} : memref<6x128xi32, #tpu.memory_space<vmem>>, vector<16xi32>,
    %add3A_819 = arith.constant 0 : i32
    %add3A_820 = arith.addi %multiple_of3A_814, %add3A_819 : i32
    %add3A_821 = arith.constant 0 : i32
    %add3A_822 = arith.addi %add3A_820, %add3A_821 : i32
    %add3A_823 = vector.broadcast %add3A_822 : i32 to vector<16xi32>
    %add3A_824 = arith.addi %add3A_823, %iota3A : vector<16xi32>
    %and3A_825 = arith.constant 8191 : i32
    %and3A_826 = vector.broadcast %and3A_825 : i32 to vector<16xi32>
    %and3A_827 = arith.andi %add3A_824, %and3A_826 : vector<16xi32>
    %ge3A_828 = arith.constant 8192 : i32
    %ge3A_829 = vector.broadcast %ge3A_828 : i32 to vector<16xi32>
    %ge3A_830 = arith.cmpi sge, %get3A_818, %ge3A_829 : vector<16xi32>
    %select_n3A_831 = arith.select %ge3A_830, %and3A_827, %get3A_818 : vector<16xi1>, vector<16xi32>
    %swap3A_832 = arith.constant 0 : i32
    %swap3A_833 = arith.index_cast %swap3A_832 : i32 to index
    %swap3A_834 = arith.constant 0 : index
    %swap3A_835 = tpu.vector_load %arg18[%swap3A_833, %swap3A_834] {strides = array<i32>} : memref<6x128xi32, #tpu.memory_space<vmem>>, vector<16xi32>,
    tpu.vector_store %arg18[%swap3A_833, %swap3A_834], %select_n3A_831 {strides = array<i32>} : memref<6x128xi32, #tpu.memory_space<vmem>>, vector<16xi32>,
    %get3A_836 = arith.constant 0 : i32
    %get3A_837 = arith.index_cast %get3A_836 : i32 to index
    %get3A_838 = arith.constant 16 : index
    %get3A_839 = tpu.vector_load %arg17[%get3A_837, %get3A_838] {strides = array<i32>} : memref<6x128xi32, #tpu.memory_space<vmem>>, vector<16xi32>,
    %add3A_840 = arith.constant 0 : i32
    %add3A_841 = arith.addi %multiple_of3A_814, %add3A_840 : i32
    %add3A_842 = arith.constant 16 : i32
    %add3A_843 = arith.addi %add3A_841, %add3A_842 : i32
    %add3A_844 = vector.broadcast %add3A_843 : i32 to vector<16xi32>
    %add3A_845 = arith.addi %add3A_844, %iota3A : vector<16xi32>
    %and3A_846 = arith.constant 8191 : i32
    %and3A_847 = vector.broadcast %and3A_846 : i32 to vector<16xi32>
    %and3A_848 = arith.andi %add3A_845, %and3A_847 : vector<16xi32>
    %ge3A_849 = arith.constant 8192 : i32
    %ge3A_850 = vector.broadcast %ge3A_849 : i32 to vector<16xi32>
    %ge3A_851 = arith.cmpi sge, %get3A_839, %ge3A_850 : vector<16xi32>
    %select_n3A_852 = arith.select %ge3A_851, %and3A_848, %get3A_839 : vector<16xi1>, vector<16xi32>
    %swap3A_853 = arith.constant 0 : i32
    %swap3A_854 = arith.index_cast %swap3A_853 : i32 to index
    %swap3A_855 = arith.constant 16 : index
    %swap3A_856 = tpu.vector_load %arg18[%swap3A_854, %swap3A_855] {strides = array<i32>} : memref<6x128xi32, #tpu.memory_space<vmem>>, vector<16xi32>,
    tpu.vector_store %arg18[%swap3A_854, %swap3A_855], %select_n3A_852 {strides = array<i32>} : memref<6x128xi32, #tpu.memory_space<vmem>>, vector<16xi32>,
    %get3A_857 = arith.constant 0 : i32
    %get3A_858 = arith.index_cast %get3A_857 : i32 to index
    %get3A_859 = arith.constant 32 : index
    %get3A_860 = tpu.vector_load %arg17[%get3A_858, %get3A_859] {strides = array<i32>} : memref<6x128xi32, #tpu.memory_space<vmem>>, vector<16xi32>,
    %add3A_861 = arith.constant 0 : i32
    %add3A_862 = arith.addi %multiple_of3A_814, %add3A_861 : i32
    %add3A_863 = arith.constant 32 : i32
    %add3A_864 = arith.addi %add3A_862, %add3A_863 : i32
    %add3A_865 = vector.broadcast %add3A_864 : i32 to vector<16xi32>
    %add3A_866 = arith.addi %add3A_865, %iota3A : vector<16xi32>
    %and3A_867 = arith.constant 8191 : i32
    %and3A_868 = vector.broadcast %and3A_867 : i32 to vector<16xi32>
    %and3A_869 = arith.andi %add3A_866, %and3A_868 : vector<16xi32>
    %ge3A_870 = arith.constant 8192 : i32
    %ge3A_871 = vector.broadcast %ge3A_870 : i32 to vector<16xi32>
    %ge3A_872 = arith.cmpi sge, %get3A_860, %ge3A_871 : vector<16xi32>
    %select_n3A_873 = arith.select %ge3A_872, %and3A_869, %get3A_860 : vector<16xi1>, vector<16xi32>
    %swap3A_874 = arith.constant 0 : i32
    %swap3A_875 = arith.index_cast %swap3A_874 : i32 to index
    %swap3A_876 = arith.constant 32 : index
    %swap3A_877 = tpu.vector_load %arg18[%swap3A_875, %swap3A_876] {strides = array<i32>} : memref<6x128xi32, #tpu.memory_space<vmem>>, vector<16xi32>,
    tpu.vector_store %arg18[%swap3A_875, %swap3A_876], %select_n3A_873 {strides = array<i32>} : memref<6x128xi32, #tpu.memory_space<vmem>>, vector<16xi32>,
    %get3A_878 = arith.constant 0 : i32
    %get3A_879 = arith.index_cast %get3A_878 : i32 to index
    %get3A_880 = arith.constant 48 : index
    %get3A_881 = tpu.vector_load %arg17[%get3A_879, %get3A_880] {strides = array<i32>} : memref<6x128xi32, #tpu.memory_space<vmem>>, vector<16xi32>,
    %add3A_882 = arith.constant 0 : i32
    %add3A_883 = arith.addi %multiple_of3A_814, %add3A_882 : i32
    %add3A_884 = arith.constant 48 : i32
    %add3A_885 = arith.addi %add3A_883, %add3A_884 : i32
    %add3A_886 = vector.broadcast %add3A_885 : i32 to vector<16xi32>
    %add3A_887 = arith.addi %add3A_886, %iota3A : vector<16xi32>
    %and3A_888 = arith.constant 8191 : i32
    %and3A_889 = vector.broadcast %and3A_888 : i32 to vector<16xi32>
    %and3A_890 = arith.andi %add3A_887, %and3A_889 : vector<16xi32>
    %ge3A_891 = arith.constant 8192 : i32
    %ge3A_892 = vector.broadcast %ge3A_891 : i32 to vector<16xi32>
    %ge3A_893 = arith.cmpi sge, %get3A_881, %ge3A_892 : vector<16xi32>
    %select_n3A_894 = arith.select %ge3A_893, %and3A_890, %get3A_881 : vector<16xi1>, vector<16xi32>
    %swap3A_895 = arith.constant 0 : i32
    %swap3A_896 = arith.index_cast %swap3A_895 : i32 to index
    %swap3A_897 = arith.constant 48 : index
    %swap3A_898 = tpu.vector_load %arg18[%swap3A_896, %swap3A_897] {strides = array<i32>} : memref<6x128xi32, #tpu.memory_space<vmem>>, vector<16xi32>,
    tpu.vector_store %arg18[%swap3A_896, %swap3A_897], %select_n3A_894 {strides = array<i32>} : memref<6x128xi32, #tpu.memory_space<vmem>>, vector<16xi32>,
    %get3A_899 = arith.constant 0 : i32
    %get3A_900 = arith.index_cast %get3A_899 : i32 to index
    %get3A_901 = arith.constant 64 : index
    %get3A_902 = tpu.vector_load %arg17[%get3A_900, %get3A_901] {strides = array<i32>} : memref<6x128xi32, #tpu.memory_space<vmem>>, vector<16xi32>,
    %add3A_903 = arith.constant 0 : i32
    %add3A_904 = arith.addi %multiple_of3A_814, %add3A_903 : i32
    %add3A_905 = arith.constant 64 : i32
    %add3A_906 = arith.addi %add3A_904, %add3A_905 : i32
    %add3A_907 = vector.broadcast %add3A_906 : i32 to vector<16xi32>
    %add3A_908 = arith.addi %add3A_907, %iota3A : vector<16xi32>
    %and3A_909 = arith.constant 8191 : i32
    %and3A_910 = vector.broadcast %and3A_909 : i32 to vector<16xi32>
    %and3A_911 = arith.andi %add3A_908, %and3A_910 : vector<16xi32>
    %ge3A_912 = arith.constant 8192 : i32
    %ge3A_913 = vector.broadcast %ge3A_912 : i32 to vector<16xi32>
    %ge3A_914 = arith.cmpi sge, %get3A_902, %ge3A_913 : vector<16xi32>
    %select_n3A_915 = arith.select %ge3A_914, %and3A_911, %get3A_902 : vector<16xi1>, vector<16xi32>
    %swap3A_916 = arith.constant 0 : i32
    %swap3A_917 = arith.index_cast %swap3A_916 : i32 to index
    %swap3A_918 = arith.constant 64 : index
    %swap3A_919 = tpu.vector_load %arg18[%swap3A_917, %swap3A_918] {strides = array<i32>} : memref<6x128xi32, #tpu.memory_space<vmem>>, vector<16xi32>,
    tpu.vector_store %arg18[%swap3A_917, %swap3A_918], %select_n3A_915 {strides = array<i32>} : memref<6x128xi32, #tpu.memory_space<vmem>>, vector<16xi32>,
    %get3A_920 = arith.constant 0 : i32
    %get3A_921 = arith.index_cast %get3A_920 : i32 to index
    %get3A_922 = arith.constant 80 : index
    %get3A_923 = tpu.vector_load %arg17[%get3A_921, %get3A_922] {strides = array<i32>} : memref<6x128xi32, #tpu.memory_space<vmem>>, vector<16xi32>,
    %add3A_924 = arith.constant 0 : i32
    %add3A_925 = arith.addi %multiple_of3A_814, %add3A_924 : i32
    %add3A_926 = arith.constant 80 : i32
    %add3A_927 = arith.addi %add3A_925, %add3A_926 : i32
    %add3A_928 = vector.broadcast %add3A_927 : i32 to vector<16xi32>
    %add3A_929 = arith.addi %add3A_928, %iota3A : vector<16xi32>
    %and3A_930 = arith.constant 8191 : i32
    %and3A_931 = vector.broadcast %and3A_930 : i32 to vector<16xi32>
    %and3A_932 = arith.andi %add3A_929, %and3A_931 : vector<16xi32>
    %ge3A_933 = arith.constant 8192 : i32
    %ge3A_934 = vector.broadcast %ge3A_933 : i32 to vector<16xi32>
    %ge3A_935 = arith.cmpi sge, %get3A_923, %ge3A_934 : vector<16xi32>
    %select_n3A_936 = arith.select %ge3A_935, %and3A_932, %get3A_923 : vector<16xi1>, vector<16xi32>
    %swap3A_937 = arith.constant 0 : i32
    %swap3A_938 = arith.index_cast %swap3A_937 : i32 to index
    %swap3A_939 = arith.constant 80 : index
    %swap3A_940 = tpu.vector_load %arg18[%swap3A_938, %swap3A_939] {strides = array<i32>} : memref<6x128xi32, #tpu.memory_space<vmem>>, vector<16xi32>,
    tpu.vector_store %arg18[%swap3A_938, %swap3A_939], %select_n3A_936 {strides = array<i32>} : memref<6x128xi32, #tpu.memory_space<vmem>>, vector<16xi32>,
    %get3A_941 = arith.constant 0 : i32
    %get3A_942 = arith.index_cast %get3A_941 : i32 to index
    %get3A_943 = arith.constant 96 : index
    %get3A_944 = tpu.vector_load %arg17[%get3A_942, %get3A_943] {strides = array<i32>} : memref<6x128xi32, #tpu.memory_space<vmem>>, vector<16xi32>,
    %add3A_945 = arith.constant 0 : i32
    %add3A_946 = arith.addi %multiple_of3A_814, %add3A_945 : i32
    %add3A_947 = arith.constant 96 : i32
    %add3A_948 = arith.addi %add3A_946, %add3A_947 : i32
    %add3A_949 = vector.broadcast %add3A_948 : i32 to vector<16xi32>
    %add3A_950 = arith.addi %add3A_949, %iota3A : vector<16xi32>
    %and3A_951 = arith.constant 8191 : i32
    %and3A_952 = vector.broadcast %and3A_951 : i32 to vector<16xi32>
    %and3A_953 = arith.andi %add3A_950, %and3A_952 : vector<16xi32>
    %ge3A_954 = arith.constant 8192 : i32
    %ge3A_955 = vector.broadcast %ge3A_954 : i32 to vector<16xi32>
    %ge3A_956 = arith.cmpi sge, %get3A_944, %ge3A_955 : vector<16xi32>
    %select_n3A_957 = arith.select %ge3A_956, %and3A_953, %get3A_944 : vector<16xi1>, vector<16xi32>
    %swap3A_958 = arith.constant 0 : i32
    %swap3A_959 = arith.index_cast %swap3A_958 : i32 to index
    %swap3A_960 = arith.constant 96 : index
    %swap3A_961 = tpu.vector_load %arg18[%swap3A_959, %swap3A_960] {strides = array<i32>} : memref<6x128xi32, #tpu.memory_space<vmem>>, vector<16xi32>,
    tpu.vector_store %arg18[%swap3A_959, %swap3A_960], %select_n3A_957 {strides = array<i32>} : memref<6x128xi32, #tpu.memory_space<vmem>>, vector<16xi32>,
    %get3A_962 = arith.constant 0 : i32
    %get3A_963 = arith.index_cast %get3A_962 : i32 to index
    %get3A_964 = arith.constant 112 : index
    %get3A_965 = tpu.vector_load %arg17[%get3A_963, %get3A_964] {strides = array<i32>} : memref<6x128xi32, #tpu.memory_space<vmem>>, vector<16xi32>,
    %add3A_966 = arith.constant 0 : i32
    %add3A_967 = arith.addi %multiple_of3A_814, %add3A_966 : i32
    %add3A_968 = arith.constant 112 : i32
    %add3A_969 = arith.addi %add3A_967, %add3A_968 : i32
    %add3A_970 = vector.broadcast %add3A_969 : i32 to vector<16xi32>
    %add3A_971 = arith.addi %add3A_970, %iota3A : vector<16xi32>
    %and3A_972 = arith.constant 8191 : i32
    %and3A_973 = vector.broadcast %and3A_972 : i32 to vector<16xi32>
    %and3A_974 = arith.andi %add3A_971, %and3A_973 : vector<16xi32>
    %ge3A_975 = arith.constant 8192 : i32
    %ge3A_976 = vector.broadcast %ge3A_975 : i32 to vector<16xi32>
    %ge3A_977 = arith.cmpi sge, %get3A_965, %ge3A_976 : vector<16xi32>
    %select_n3A_978 = arith.select %ge3A_977, %and3A_974, %get3A_965 : vector<16xi1>, vector<16xi32>
    %swap3A_979 = arith.constant 0 : i32
    %swap3A_980 = arith.index_cast %swap3A_979 : i32 to index
    %swap3A_981 = arith.constant 112 : index
    %swap3A_982 = tpu.vector_load %arg18[%swap3A_980, %swap3A_981] {strides = array<i32>} : memref<6x128xi32, #tpu.memory_space<vmem>>, vector<16xi32>,
    tpu.vector_store %arg18[%swap3A_980, %swap3A_981], %select_n3A_978 {strides = array<i32>} : memref<6x128xi32, #tpu.memory_space<vmem>>, vector<16xi32>,
    %get3A_983 = arith.constant 1 : i32
    %get3A_984 = arith.index_cast %get3A_983 : i32 to index
    %get3A_985 = arith.constant 0 : index
    %get3A_986 = tpu.vector_load %arg17[%get3A_984, %get3A_985] {strides = array<i32>} : memref<6x128xi32, #tpu.memory_space<vmem>>, vector<16xi32>,
    %add3A_987 = arith.constant 128 : i32
    %add3A_988 = arith.addi %multiple_of3A_814, %add3A_987 : i32
    %add3A_989 = arith.constant 0 : i32
    %add3A_990 = arith.addi %add3A_988, %add3A_989 : i32
    %add3A_991 = vector.broadcast %add3A_990 : i32 to vector<16xi32>
    %add3A_992 = arith.addi %add3A_991, %iota3A : vector<16xi32>
    %and3A_993 = arith.constant 8191 : i32
    %and3A_994 = vector.broadcast %and3A_993 : i32 to vector<16xi32>
    %and3A_995 = arith.andi %add3A_992, %and3A_994 : vector<16xi32>
    %ge3A_996 = arith.constant 8192 : i32
    %ge3A_997 = vector.broadcast %ge3A_996 : i32 to vector<16xi32>
    %ge3A_998 = arith.cmpi sge, %get3A_986, %ge3A_997 : vector<16xi32>
    %select_n3A_999 = arith.select %ge3A_998, %and3A_995, %get3A_986 : vector<16xi1>, vector<16xi32>
    %swap3A_1000 = arith.constant 1 : i32
    %swap3A_1001 = arith.index_cast %swap3A_1000 : i32 to index
    %swap3A_1002 = arith.constant 0 : index
    %swap3A_1003 = tpu.vector_load %arg18[%swap3A_1001, %swap3A_1002] {strides = array<i32>} : memref<6x128xi32, #tpu.memory_space<vmem>>, vector<16xi32>,
    tpu.vector_store %arg18[%swap3A_1001, %swap3A_1002], %select_n3A_999 {strides = array<i32>} : memref<6x128xi32, #tpu.memory_space<vmem>>, vector<16xi32>,
    %get3A_1004 = arith.constant 1 : i32
    %get3A_1005 = arith.index_cast %get3A_1004 : i32 to index
    %get3A_1006 = arith.constant 16 : index
    %get3A_1007 = tpu.vector_load %arg17[%get3A_1005, %get3A_1006] {strides = array<i32>} : memref<6x128xi32, #tpu.memory_space<vmem>>, vector<16xi32>,
    %add3A_1008 = arith.constant 128 : i32
    %add3A_1009 = arith.addi %multiple_of3A_814, %add3A_1008 : i32
    %add3A_1010 = arith.constant 16 : i32
    %add3A_1011 = arith.addi %add3A_1009, %add3A_1010 : i32
    %add3A_1012 = vector.broadcast %add3A_1011 : i32 to vector<16xi32>
    %add3A_1013 = arith.addi %add3A_1012, %iota3A : vector<16xi32>
    %and3A_1014 = arith.constant 8191 : i32
    %and3A_1015 = vector.broadcast %and3A_1014 : i32 to vector<16xi32>
    %and3A_1016 = arith.andi %add3A_1013, %and3A_1015 : vector<16xi32>
    %ge3A_1017 = arith.constant 8192 : i32
    %ge3A_1018 = vector.broadcast %ge3A_1017 : i32 to vector<16xi32>
    %ge3A_1019 = arith.cmpi sge, %get3A_1007, %ge3A_1018 : vector<16xi32>
    %select_n3A_1020 = arith.select %ge3A_1019, %and3A_1016, %get3A_1007 : vector<16xi1>, vector<16xi32>
    %swap3A_1021 = arith.constant 1 : i32
    %swap3A_1022 = arith.index_cast %swap3A_1021 : i32 to index
    %swap3A_1023 = arith.constant 16 : index
    %swap3A_1024 = tpu.vector_load %arg18[%swap3A_1022, %swap3A_1023] {strides = array<i32>} : memref<6x128xi32, #tpu.memory_space<vmem>>, vector<16xi32>,
    tpu.vector_store %arg18[%swap3A_1022, %swap3A_1023], %select_n3A_1020 {strides = array<i32>} : memref<6x128xi32, #tpu.memory_space<vmem>>, vector<16xi32>,
    %get3A_1025 = arith.constant 1 : i32
    %get3A_1026 = arith.index_cast %get3A_1025 : i32 to index
    %get3A_1027 = arith.constant 32 : index
    %get3A_1028 = tpu.vector_load %arg17[%get3A_1026, %get3A_1027] {strides = array<i32>} : memref<6x128xi32, #tpu.memory_space<vmem>>, vector<16xi32>,
    %add3A_1029 = arith.constant 128 : i32
    %add3A_1030 = arith.addi %multiple_of3A_814, %add3A_1029 : i32
    %add3A_1031 = arith.constant 32 : i32
    %add3A_1032 = arith.addi %add3A_1030, %add3A_1031 : i32
    %add3A_1033 = vector.broadcast %add3A_1032 : i32 to vector<16xi32>
    %add3A_1034 = arith.addi %add3A_1033, %iota3A : vector<16xi32>
    %and3A_1035 = arith.constant 8191 : i32
    %and3A_1036 = vector.broadcast %and3A_1035 : i32 to vector<16xi32>
    %and3A_1037 = arith.andi %add3A_1034, %and3A_1036 : vector<16xi32>
    %ge3A_1038 = arith.constant 8192 : i32
    %ge3A_1039 = vector.broadcast %ge3A_1038 : i32 to vector<16xi32>
    %ge3A_1040 = arith.cmpi sge, %get3A_1028, %ge3A_1039 : vector<16xi32>
    %select_n3A_1041 = arith.select %ge3A_1040, %and3A_1037, %get3A_1028 : vector<16xi1>, vector<16xi32>
    %swap3A_1042 = arith.constant 1 : i32
    %swap3A_1043 = arith.index_cast %swap3A_1042 : i32 to index
    %swap3A_1044 = arith.constant 32 : index
    %swap3A_1045 = tpu.vector_load %arg18[%swap3A_1043, %swap3A_1044] {strides = array<i32>} : memref<6x128xi32, #tpu.memory_space<vmem>>, vector<16xi32>,
    tpu.vector_store %arg18[%swap3A_1043, %swap3A_1044], %select_n3A_1041 {strides = array<i32>} : memref<6x128xi32, #tpu.memory_space<vmem>>, vector<16xi32>,
    %get3A_1046 = arith.constant 1 : i32
    %get3A_1047 = arith.index_cast %get3A_1046 : i32 to index
    %get3A_1048 = arith.constant 48 : index
    %get3A_1049 = tpu.vector_load %arg17[%get3A_1047, %get3A_1048] {strides = array<i32>} : memref<6x128xi32, #tpu.memory_space<vmem>>, vector<16xi32>,
    %add3A_1050 = arith.constant 128 : i32
    %add3A_1051 = arith.addi %multiple_of3A_814, %add3A_1050 : i32
    %add3A_1052 = arith.constant 48 : i32
    %add3A_1053 = arith.addi %add3A_1051, %add3A_1052 : i32
    %add3A_1054 = vector.broadcast %add3A_1053 : i32 to vector<16xi32>
    %add3A_1055 = arith.addi %add3A_1054, %iota3A : vector<16xi32>
    %and3A_1056 = arith.constant 8191 : i32
    %and3A_1057 = vector.broadcast %and3A_1056 : i32 to vector<16xi32>
    %and3A_1058 = arith.andi %add3A_1055, %and3A_1057 : vector<16xi32>
    %ge3A_1059 = arith.constant 8192 : i32
    %ge3A_1060 = vector.broadcast %ge3A_1059 : i32 to vector<16xi32>
    %ge3A_1061 = arith.cmpi sge, %get3A_1049, %ge3A_1060 : vector<16xi32>
    %select_n3A_1062 = arith.select %ge3A_1061, %and3A_1058, %get3A_1049 : vector<16xi1>, vector<16xi32>
    %swap3A_1063 = arith.constant 1 : i32
    %swap3A_1064 = arith.index_cast %swap3A_1063 : i32 to index
    %swap3A_1065 = arith.constant 48 : index
    %swap3A_1066 = tpu.vector_load %arg18[%swap3A_1064, %swap3A_1065] {strides = array<i32>} : memref<6x128xi32, #tpu.memory_space<vmem>>, vector<16xi32>,
    tpu.vector_store %arg18[%swap3A_1064, %swap3A_1065], %select_n3A_1062 {strides = array<i32>} : memref<6x128xi32, #tpu.memory_space<vmem>>, vector<16xi32>,
    %get3A_1067 = arith.constant 1 : i32
    %get3A_1068 = arith.index_cast %get3A_1067 : i32 to index
    %get3A_1069 = arith.constant 64 : index
    %get3A_1070 = tpu.vector_load %arg17[%get3A_1068, %get3A_1069] {strides = array<i32>} : memref<6x128xi32, #tpu.memory_space<vmem>>, vector<16xi32>,
    %add3A_1071 = arith.constant 128 : i32
    %add3A_1072 = arith.addi %multiple_of3A_814, %add3A_1071 : i32
    %add3A_1073 = arith.constant 64 : i32
    %add3A_1074 = arith.addi %add3A_1072, %add3A_1073 : i32
    %add3A_1075 = vector.broadcast %add3A_1074 : i32 to vector<16xi32>
    %add3A_1076 = arith.addi %add3A_1075, %iota3A : vector<16xi32>
    %and3A_1077 = arith.constant 8191 : i32
    %and3A_1078 = vector.broadcast %and3A_1077 : i32 to vector<16xi32>
    %and3A_1079 = arith.andi %add3A_1076, %and3A_1078 : vector<16xi32>
    %ge3A_1080 = arith.constant 8192 : i32
    %ge3A_1081 = vector.broadcast %ge3A_1080 : i32 to vector<16xi32>
    %ge3A_1082 = arith.cmpi sge, %get3A_1070, %ge3A_1081 : vector<16xi32>
    %select_n3A_1083 = arith.select %ge3A_1082, %and3A_1079, %get3A_1070 : vector<16xi1>, vector<16xi32>
    %swap3A_1084 = arith.constant 1 : i32
    %swap3A_1085 = arith.index_cast %swap3A_1084 : i32 to index
    %swap3A_1086 = arith.constant 64 : index
    %swap3A_1087 = tpu.vector_load %arg18[%swap3A_1085, %swap3A_1086] {strides = array<i32>} : memref<6x128xi32, #tpu.memory_space<vmem>>, vector<16xi32>,
    tpu.vector_store %arg18[%swap3A_1085, %swap3A_1086], %select_n3A_1083 {strides = array<i32>} : memref<6x128xi32, #tpu.memory_space<vmem>>, vector<16xi32>,
    %get3A_1088 = arith.constant 1 : i32
    %get3A_1089 = arith.index_cast %get3A_1088 : i32 to index
    %get3A_1090 = arith.constant 80 : index
    %get3A_1091 = tpu.vector_load %arg17[%get3A_1089, %get3A_1090] {strides = array<i32>} : memref<6x128xi32, #tpu.memory_space<vmem>>, vector<16xi32>,
    %add3A_1092 = arith.constant 128 : i32
    %add3A_1093 = arith.addi %multiple_of3A_814, %add3A_1092 : i32
    %add3A_1094 = arith.constant 80 : i32
    %add3A_1095 = arith.addi %add3A_1093, %add3A_1094 : i32
    %add3A_1096 = vector.broadcast %add3A_1095 : i32 to vector<16xi32>
    %add3A_1097 = arith.addi %add3A_1096, %iota3A : vector<16xi32>
    %and3A_1098 = arith.constant 8191 : i32
    %and3A_1099 = vector.broadcast %and3A_1098 : i32 to vector<16xi32>
    %and3A_1100 = arith.andi %add3A_1097, %and3A_1099 : vector<16xi32>
    %ge3A_1101 = arith.constant 8192 : i32
    %ge3A_1102 = vector.broadcast %ge3A_1101 : i32 to vector<16xi32>
    %ge3A_1103 = arith.cmpi sge, %get3A_1091, %ge3A_1102 : vector<16xi32>
    %select_n3A_1104 = arith.select %ge3A_1103, %and3A_1100, %get3A_1091 : vector<16xi1>, vector<16xi32>
    %swap3A_1105 = arith.constant 1 : i32
    %swap3A_1106 = arith.index_cast %swap3A_1105 : i32 to index
    %swap3A_1107 = arith.constant 80 : index
    %swap3A_1108 = tpu.vector_load %arg18[%swap3A_1106, %swap3A_1107] {strides = array<i32>} : memref<6x128xi32, #tpu.memory_space<vmem>>, vector<16xi32>,
    tpu.vector_store %arg18[%swap3A_1106, %swap3A_1107], %select_n3A_1104 {strides = array<i32>} : memref<6x128xi32, #tpu.memory_space<vmem>>, vector<16xi32>,
    %get3A_1109 = arith.constant 1 : i32
    %get3A_1110 = arith.index_cast %get3A_1109 : i32 to index
    %get3A_1111 = arith.constant 96 : index
    %get3A_1112 = tpu.vector_load %arg17[%get3A_1110, %get3A_1111] {strides = array<i32>} : memref<6x128xi32, #tpu.memory_space<vmem>>, vector<16xi32>,
    %add3A_1113 = arith.constant 128 : i32
    %add3A_1114 = arith.addi %multiple_of3A_814, %add3A_1113 : i32
    %add3A_1115 = arith.constant 96 : i32
    %add3A_1116 = arith.addi %add3A_1114, %add3A_1115 : i32
    %add3A_1117 = vector.broadcast %add3A_1116 : i32 to vector<16xi32>
    %add3A_1118 = arith.addi %add3A_1117, %iota3A : vector<16xi32>
    %and3A_1119 = arith.constant 8191 : i32
    %and3A_1120 = vector.broadcast %and3A_1119 : i32 to vector<16xi32>
    %and3A_1121 = arith.andi %add3A_1118, %and3A_1120 : vector<16xi32>
    %ge3A_1122 = arith.constant 8192 : i32
    %ge3A_1123 = vector.broadcast %ge3A_1122 : i32 to vector<16xi32>
    %ge3A_1124 = arith.cmpi sge, %get3A_1112, %ge3A_1123 : vector<16xi32>
    %select_n3A_1125 = arith.select %ge3A_1124, %and3A_1121, %get3A_1112 : vector<16xi1>, vector<16xi32>
    %swap3A_1126 = arith.constant 1 : i32
    %swap3A_1127 = arith.index_cast %swap3A_1126 : i32 to index
    %swap3A_1128 = arith.constant 96 : index
    %swap3A_1129 = tpu.vector_load %arg18[%swap3A_1127, %swap3A_1128] {strides = array<i32>} : memref<6x128xi32, #tpu.memory_space<vmem>>, vector<16xi32>,
    tpu.vector_store %arg18[%swap3A_1127, %swap3A_1128], %select_n3A_1125 {strides = array<i32>} : memref<6x128xi32, #tpu.memory_space<vmem>>, vector<16xi32>,
    %get3A_1130 = arith.constant 1 : i32
    %get3A_1131 = arith.index_cast %get3A_1130 : i32 to index
    %get3A_1132 = arith.constant 112 : index
    %get3A_1133 = tpu.vector_load %arg17[%get3A_1131, %get3A_1132] {strides = array<i32>} : memref<6x128xi32, #tpu.memory_space<vmem>>, vector<16xi32>,
    %add3A_1134 = arith.constant 128 : i32
    %add3A_1135 = arith.addi %multiple_of3A_814, %add3A_1134 : i32
    %add3A_1136 = arith.constant 112 : i32
    %add3A_1137 = arith.addi %add3A_1135, %add3A_1136 : i32
    %add3A_1138 = vector.broadcast %add3A_1137 : i32 to vector<16xi32>
    %add3A_1139 = arith.addi %add3A_1138, %iota3A : vector<16xi32>
    %and3A_1140 = arith.constant 8191 : i32
    %and3A_1141 = vector.broadcast %and3A_1140 : i32 to vector<16xi32>
    %and3A_1142 = arith.andi %add3A_1139, %and3A_1141 : vector<16xi32>
    %ge3A_1143 = arith.constant 8192 : i32
    %ge3A_1144 = vector.broadcast %ge3A_1143 : i32 to vector<16xi32>
    %ge3A_1145 = arith.cmpi sge, %get3A_1133, %ge3A_1144 : vector<16xi32>
    %select_n3A_1146 = arith.select %ge3A_1145, %and3A_1142, %get3A_1133 : vector<16xi1>, vector<16xi32>
    %swap3A_1147 = arith.constant 1 : i32
    %swap3A_1148 = arith.index_cast %swap3A_1147 : i32 to index
    %swap3A_1149 = arith.constant 112 : index
    %swap3A_1150 = tpu.vector_load %arg18[%swap3A_1148, %swap3A_1149] {strides = array<i32>} : memref<6x128xi32, #tpu.memory_space<vmem>>, vector<16xi32>,
    tpu.vector_store %arg18[%swap3A_1148, %swap3A_1149], %select_n3A_1146 {strides = array<i32>} : memref<6x128xi32, #tpu.memory_space<vmem>>, vector<16xi32>,
    %get3A_1151 = arith.constant 2 : i32
    %get3A_1152 = arith.index_cast %get3A_1151 : i32 to index
    %get3A_1153 = arith.constant 0 : index
    %get3A_1154 = tpu.vector_load %arg17[%get3A_1152, %get3A_1153] {strides = array<i32>} : memref<6x128xi32, #tpu.memory_space<vmem>>, vector<16xi32>,
    %add3A_1155 = arith.constant 256 : i32
    %add3A_1156 = arith.addi %multiple_of3A_814, %add3A_1155 : i32
    %add3A_1157 = arith.constant 0 : i32
    %add3A_1158 = arith.addi %add3A_1156, %add3A_1157 : i32
    %add3A_1159 = vector.broadcast %add3A_1158 : i32 to vector<16xi32>
    %add3A_1160 = arith.addi %add3A_1159, %iota3A : vector<16xi32>
    %and3A_1161 = arith.constant 8191 : i32
    %and3A_1162 = vector.broadcast %and3A_1161 : i32 to vector<16xi32>
    %and3A_1163 = arith.andi %add3A_1160, %and3A_1162 : vector<16xi32>
    %ge3A_1164 = arith.constant 8192 : i32
    %ge3A_1165 = vector.broadcast %ge3A_1164 : i32 to vector<16xi32>
    %ge3A_1166 = arith.cmpi sge, %get3A_1154, %ge3A_1165 : vector<16xi32>
    %select_n3A_1167 = arith.select %ge3A_1166, %and3A_1163, %get3A_1154 : vector<16xi1>, vector<16xi32>
    %swap3A_1168 = arith.constant 2 : i32
    %swap3A_1169 = arith.index_cast %swap3A_1168 : i32 to index
    %swap3A_1170 = arith.constant 0 : index
    %swap3A_1171 = tpu.vector_load %arg18[%swap3A_1169, %swap3A_1170] {strides = array<i32>} : memref<6x128xi32, #tpu.memory_space<vmem>>, vector<16xi32>,
    tpu.vector_store %arg18[%swap3A_1169, %swap3A_1170], %select_n3A_1167 {strides = array<i32>} : memref<6x128xi32, #tpu.memory_space<vmem>>, vector<16xi32>,
    %get3A_1172 = arith.constant 2 : i32
    %get3A_1173 = arith.index_cast %get3A_1172 : i32 to index
    %get3A_1174 = arith.constant 16 : index
    %get3A_1175 = tpu.vector_load %arg17[%get3A_1173, %get3A_1174] {strides = array<i32>} : memref<6x128xi32, #tpu.memory_space<vmem>>, vector<16xi32>,
    %add3A_1176 = arith.constant 256 : i32
    %add3A_1177 = arith.addi %multiple_of3A_814, %add3A_1176 : i32
    %add3A_1178 = arith.constant 16 : i32
    %add3A_1179 = arith.addi %add3A_1177, %add3A_1178 : i32
    %add3A_1180 = vector.broadcast %add3A_1179 : i32 to vector<16xi32>
    %add3A_1181 = arith.addi %add3A_1180, %iota3A : vector<16xi32>
    %and3A_1182 = arith.constant 8191 : i32
    %and3A_1183 = vector.broadcast %and3A_1182 : i32 to vector<16xi32>
    %and3A_1184 = arith.andi %add3A_1181, %and3A_1183 : vector<16xi32>
    %ge3A_1185 = arith.constant 8192 : i32
    %ge3A_1186 = vector.broadcast %ge3A_1185 : i32 to vector<16xi32>
    %ge3A_1187 = arith.cmpi sge, %get3A_1175, %ge3A_1186 : vector<16xi32>
    %select_n3A_1188 = arith.select %ge3A_1187, %and3A_1184, %get3A_1175 : vector<16xi1>, vector<16xi32>
    %swap3A_1189 = arith.constant 2 : i32
    %swap3A_1190 = arith.index_cast %swap3A_1189 : i32 to index
    %swap3A_1191 = arith.constant 16 : index
    %swap3A_1192 = tpu.vector_load %arg18[%swap3A_1190, %swap3A_1191] {strides = array<i32>} : memref<6x128xi32, #tpu.memory_space<vmem>>, vector<16xi32>,
    tpu.vector_store %arg18[%swap3A_1190, %swap3A_1191], %select_n3A_1188 {strides = array<i32>} : memref<6x128xi32, #tpu.memory_space<vmem>>, vector<16xi32>,
    %get3A_1193 = arith.constant 2 : i32
    %get3A_1194 = arith.index_cast %get3A_1193 : i32 to index
    %get3A_1195 = arith.constant 32 : index
    %get3A_1196 = tpu.vector_load %arg17[%get3A_1194, %get3A_1195] {strides = array<i32>} : memref<6x128xi32, #tpu.memory_space<vmem>>, vector<16xi32>,
    %add3A_1197 = arith.constant 256 : i32
    %add3A_1198 = arith.addi %multiple_of3A_814, %add3A_1197 : i32
    %add3A_1199 = arith.constant 32 : i32
    %add3A_1200 = arith.addi %add3A_1198, %add3A_1199 : i32
    %add3A_1201 = vector.broadcast %add3A_1200 : i32 to vector<16xi32>
    %add3A_1202 = arith.addi %add3A_1201, %iota3A : vector<16xi32>
    %and3A_1203 = arith.constant 8191 : i32
    %and3A_1204 = vector.broadcast %and3A_1203 : i32 to vector<16xi32>
    %and3A_1205 = arith.andi %add3A_1202, %and3A_1204 : vector<16xi32>
    %ge3A_1206 = arith.constant 8192 : i32
    %ge3A_1207 = vector.broadcast %ge3A_1206 : i32 to vector<16xi32>
    %ge3A_1208 = arith.cmpi sge, %get3A_1196, %ge3A_1207 : vector<16xi32>
    %select_n3A_1209 = arith.select %ge3A_1208, %and3A_1205, %get3A_1196 : vector<16xi1>, vector<16xi32>
    %swap3A_1210 = arith.constant 2 : i32
    %swap3A_1211 = arith.index_cast %swap3A_1210 : i32 to index
    %swap3A_1212 = arith.constant 32 : index
    %swap3A_1213 = tpu.vector_load %arg18[%swap3A_1211, %swap3A_1212] {strides = array<i32>} : memref<6x128xi32, #tpu.memory_space<vmem>>, vector<16xi32>,
    tpu.vector_store %arg18[%swap3A_1211, %swap3A_1212], %select_n3A_1209 {strides = array<i32>} : memref<6x128xi32, #tpu.memory_space<vmem>>, vector<16xi32>,
    %get3A_1214 = arith.constant 2 : i32
    %get3A_1215 = arith.index_cast %get3A_1214 : i32 to index
    %get3A_1216 = arith.constant 48 : index
    %get3A_1217 = tpu.vector_load %arg17[%get3A_1215, %get3A_1216] {strides = array<i32>} : memref<6x128xi32, #tpu.memory_space<vmem>>, vector<16xi32>,
    %add3A_1218 = arith.constant 256 : i32
    %add3A_1219 = arith.addi %multiple_of3A_814, %add3A_1218 : i32
    %add3A_1220 = arith.constant 48 : i32
    %add3A_1221 = arith.addi %add3A_1219, %add3A_1220 : i32
    %add3A_1222 = vector.broadcast %add3A_1221 : i32 to vector<16xi32>
    %add3A_1223 = arith.addi %add3A_1222, %iota3A : vector<16xi32>
    %and3A_1224 = arith.constant 8191 : i32
    %and3A_1225 = vector.broadcast %and3A_1224 : i32 to vector<16xi32>
    %and3A_1226 = arith.andi %add3A_1223, %and3A_1225 : vector<16xi32>
    %ge3A_1227 = arith.constant 8192 : i32
    %ge3A_1228 = vector.broadcast %ge3A_1227 : i32 to vector<16xi32>
    %ge3A_1229 = arith.cmpi sge, %get3A_1217, %ge3A_1228 : vector<16xi32>
    %select_n3A_1230 = arith.select %ge3A_1229, %and3A_1226, %get3A_1217 : vector<16xi1>, vector<16xi32>
    %swap3A_1231 = arith.constant 2 : i32
    %swap3A_1232 = arith.index_cast %swap3A_1231 : i32 to index
    %swap3A_1233 = arith.constant 48 : index
    %swap3A_1234 = tpu.vector_load %arg18[%swap3A_1232, %swap3A_1233] {strides = array<i32>} : memref<6x128xi32, #tpu.memory_space<vmem>>, vector<16xi32>,
    tpu.vector_store %arg18[%swap3A_1232, %swap3A_1233], %select_n3A_1230 {strides = array<i32>} : memref<6x128xi32, #tpu.memory_space<vmem>>, vector<16xi32>,
    %get3A_1235 = arith.constant 2 : i32
    %get3A_1236 = arith.index_cast %get3A_1235 : i32 to index
    %get3A_1237 = arith.constant 64 : index
    %get3A_1238 = tpu.vector_load %arg17[%get3A_1236, %get3A_1237] {strides = array<i32>} : memref<6x128xi32, #tpu.memory_space<vmem>>, vector<16xi32>,
    %add3A_1239 = arith.constant 256 : i32
    %add3A_1240 = arith.addi %multiple_of3A_814, %add3A_1239 : i32
    %add3A_1241 = arith.constant 64 : i32
    %add3A_1242 = arith.addi %add3A_1240, %add3A_1241 : i32
    %add3A_1243 = vector.broadcast %add3A_1242 : i32 to vector<16xi32>
    %add3A_1244 = arith.addi %add3A_1243, %iota3A : vector<16xi32>
    %and3A_1245 = arith.constant 8191 : i32
    %and3A_1246 = vector.broadcast %and3A_1245 : i32 to vector<16xi32>
    %and3A_1247 = arith.andi %add3A_1244, %and3A_1246 : vector<16xi32>
    %ge3A_1248 = arith.constant 8192 : i32
    %ge3A_1249 = vector.broadcast %ge3A_1248 : i32 to vector<16xi32>
    %ge3A_1250 = arith.cmpi sge, %get3A_1238, %ge3A_1249 : vector<16xi32>
    %select_n3A_1251 = arith.select %ge3A_1250, %and3A_1247, %get3A_1238 : vector<16xi1>, vector<16xi32>
    %swap3A_1252 = arith.constant 2 : i32
    %swap3A_1253 = arith.index_cast %swap3A_1252 : i32 to index
    %swap3A_1254 = arith.constant 64 : index
    %swap3A_1255 = tpu.vector_load %arg18[%swap3A_1253, %swap3A_1254] {strides = array<i32>} : memref<6x128xi32, #tpu.memory_space<vmem>>, vector<16xi32>,
    tpu.vector_store %arg18[%swap3A_1253, %swap3A_1254], %select_n3A_1251 {strides = array<i32>} : memref<6x128xi32, #tpu.memory_space<vmem>>, vector<16xi32>,
    %get3A_1256 = arith.constant 2 : i32
    %get3A_1257 = arith.index_cast %get3A_1256 : i32 to index
    %get3A_1258 = arith.constant 80 : index
    %get3A_1259 = tpu.vector_load %arg17[%get3A_1257, %get3A_1258] {strides = array<i32>} : memref<6x128xi32, #tpu.memory_space<vmem>>, vector<16xi32>,
    %add3A_1260 = arith.constant 256 : i32
    %add3A_1261 = arith.addi %multiple_of3A_814, %add3A_1260 : i32
    %add3A_1262 = arith.constant 80 : i32
    %add3A_1263 = arith.addi %add3A_1261, %add3A_1262 : i32
    %add3A_1264 = vector.broadcast %add3A_1263 : i32 to vector<16xi32>
    %add3A_1265 = arith.addi %add3A_1264, %iota3A : vector<16xi32>
    %and3A_1266 = arith.constant 8191 : i32
    %and3A_1267 = vector.broadcast %and3A_1266 : i32 to vector<16xi32>
    %and3A_1268 = arith.andi %add3A_1265, %and3A_1267 : vector<16xi32>
    %ge3A_1269 = arith.constant 8192 : i32
    %ge3A_1270 = vector.broadcast %ge3A_1269 : i32 to vector<16xi32>
    %ge3A_1271 = arith.cmpi sge, %get3A_1259, %ge3A_1270 : vector<16xi32>
    %select_n3A_1272 = arith.select %ge3A_1271, %and3A_1268, %get3A_1259 : vector<16xi1>, vector<16xi32>
    %swap3A_1273 = arith.constant 2 : i32
    %swap3A_1274 = arith.index_cast %swap3A_1273 : i32 to index
    %swap3A_1275 = arith.constant 80 : index
    %swap3A_1276 = tpu.vector_load %arg18[%swap3A_1274, %swap3A_1275] {strides = array<i32>} : memref<6x128xi32, #tpu.memory_space<vmem>>, vector<16xi32>,
    tpu.vector_store %arg18[%swap3A_1274, %swap3A_1275], %select_n3A_1272 {strides = array<i32>} : memref<6x128xi32, #tpu.memory_space<vmem>>, vector<16xi32>,
    %get3A_1277 = arith.constant 2 : i32
    %get3A_1278 = arith.index_cast %get3A_1277 : i32 to index
    %get3A_1279 = arith.constant 96 : index
    %get3A_1280 = tpu.vector_load %arg17[%get3A_1278, %get3A_1279] {strides = array<i32>} : memref<6x128xi32, #tpu.memory_space<vmem>>, vector<16xi32>,
    %add3A_1281 = arith.constant 256 : i32
    %add3A_1282 = arith.addi %multiple_of3A_814, %add3A_1281 : i32
    %add3A_1283 = arith.constant 96 : i32
    %add3A_1284 = arith.addi %add3A_1282, %add3A_1283 : i32
    %add3A_1285 = vector.broadcast %add3A_1284 : i32 to vector<16xi32>
    %add3A_1286 = arith.addi %add3A_1285, %iota3A : vector<16xi32>
    %and3A_1287 = arith.constant 8191 : i32
    %and3A_1288 = vector.broadcast %and3A_1287 : i32 to vector<16xi32>
    %and3A_1289 = arith.andi %add3A_1286, %and3A_1288 : vector<16xi32>
    %ge3A_1290 = arith.constant 8192 : i32
    %ge3A_1291 = vector.broadcast %ge3A_1290 : i32 to vector<16xi32>
    %ge3A_1292 = arith.cmpi sge, %get3A_1280, %ge3A_1291 : vector<16xi32>
    %select_n3A_1293 = arith.select %ge3A_1292, %and3A_1289, %get3A_1280 : vector<16xi1>, vector<16xi32>
    %swap3A_1294 = arith.constant 2 : i32
    %swap3A_1295 = arith.index_cast %swap3A_1294 : i32 to index
    %swap3A_1296 = arith.constant 96 : index
    %swap3A_1297 = tpu.vector_load %arg18[%swap3A_1295, %swap3A_1296] {strides = array<i32>} : memref<6x128xi32, #tpu.memory_space<vmem>>, vector<16xi32>,
    tpu.vector_store %arg18[%swap3A_1295, %swap3A_1296], %select_n3A_1293 {strides = array<i32>} : memref<6x128xi32, #tpu.memory_space<vmem>>, vector<16xi32>,
    %get3A_1298 = arith.constant 2 : i32
    %get3A_1299 = arith.index_cast %get3A_1298 : i32 to index
    %get3A_1300 = arith.constant 112 : index
    %get3A_1301 = tpu.vector_load %arg17[%get3A_1299, %get3A_1300] {strides = array<i32>} : memref<6x128xi32, #tpu.memory_space<vmem>>, vector<16xi32>,
    %add3A_1302 = arith.constant 256 : i32
    %add3A_1303 = arith.addi %multiple_of3A_814, %add3A_1302 : i32
    %add3A_1304 = arith.constant 112 : i32
    %add3A_1305 = arith.addi %add3A_1303, %add3A_1304 : i32
    %add3A_1306 = vector.broadcast %add3A_1305 : i32 to vector<16xi32>
    %add3A_1307 = arith.addi %add3A_1306, %iota3A : vector<16xi32>
    %and3A_1308 = arith.constant 8191 : i32
    %and3A_1309 = vector.broadcast %and3A_1308 : i32 to vector<16xi32>
    %and3A_1310 = arith.andi %add3A_1307, %and3A_1309 : vector<16xi32>
    %ge3A_1311 = arith.constant 8192 : i32
    %ge3A_1312 = vector.broadcast %ge3A_1311 : i32 to vector<16xi32>
    %ge3A_1313 = arith.cmpi sge, %get3A_1301, %ge3A_1312 : vector<16xi32>
    %select_n3A_1314 = arith.select %ge3A_1313, %and3A_1310, %get3A_1301 : vector<16xi1>, vector<16xi32>
    %swap3A_1315 = arith.constant 2 : i32
    %swap3A_1316 = arith.index_cast %swap3A_1315 : i32 to index
    %swap3A_1317 = arith.constant 112 : index
    %swap3A_1318 = tpu.vector_load %arg18[%swap3A_1316, %swap3A_1317] {strides = array<i32>} : memref<6x128xi32, #tpu.memory_space<vmem>>, vector<16xi32>,
    tpu.vector_store %arg18[%swap3A_1316, %swap3A_1317], %select_n3A_1314 {strides = array<i32>} : memref<6x128xi32, #tpu.memory_space<vmem>>, vector<16xi32>,
    %get3A_1319 = arith.constant 3 : i32
    %get3A_1320 = arith.index_cast %get3A_1319 : i32 to index
    %get3A_1321 = arith.constant 0 : index
    %get3A_1322 = tpu.vector_load %arg17[%get3A_1320, %get3A_1321] {strides = array<i32>} : memref<6x128xi32, #tpu.memory_space<vmem>>, vector<16xi32>,
    %add3A_1323 = arith.constant 384 : i32
    %add3A_1324 = arith.addi %multiple_of3A_814, %add3A_1323 : i32
    %add3A_1325 = arith.constant 0 : i32
    %add3A_1326 = arith.addi %add3A_1324, %add3A_1325 : i32
    %add3A_1327 = vector.broadcast %add3A_1326 : i32 to vector<16xi32>
    %add3A_1328 = arith.addi %add3A_1327, %iota3A : vector<16xi32>
    %and3A_1329 = arith.constant 8191 : i32
    %and3A_1330 = vector.broadcast %and3A_1329 : i32 to vector<16xi32>
    %and3A_1331 = arith.andi %add3A_1328, %and3A_1330 : vector<16xi32>
    %ge3A_1332 = arith.constant 8192 : i32
    %ge3A_1333 = vector.broadcast %ge3A_1332 : i32 to vector<16xi32>
    %ge3A_1334 = arith.cmpi sge, %get3A_1322, %ge3A_1333 : vector<16xi32>
    %select_n3A_1335 = arith.select %ge3A_1334, %and3A_1331, %get3A_1322 : vector<16xi1>, vector<16xi32>
    %swap3A_1336 = arith.constant 3 : i32
    %swap3A_1337 = arith.index_cast %swap3A_1336 : i32 to index
    %swap3A_1338 = arith.constant 0 : index
    %swap3A_1339 = tpu.vector_load %arg18[%swap3A_1337, %swap3A_1338] {strides = array<i32>} : memref<6x128xi32, #tpu.memory_space<vmem>>, vector<16xi32>,
    tpu.vector_store %arg18[%swap3A_1337, %swap3A_1338], %select_n3A_1335 {strides = array<i32>} : memref<6x128xi32, #tpu.memory_space<vmem>>, vector<16xi32>,
    %get3A_1340 = arith.constant 3 : i32
    %get3A_1341 = arith.index_cast %get3A_1340 : i32 to index
    %get3A_1342 = arith.constant 16 : index
    %get3A_1343 = tpu.vector_load %arg17[%get3A_1341, %get3A_1342] {strides = array<i32>} : memref<6x128xi32, #tpu.memory_space<vmem>>, vector<16xi32>,
    %add3A_1344 = arith.constant 384 : i32
    %add3A_1345 = arith.addi %multiple_of3A_814, %add3A_1344 : i32
    %add3A_1346 = arith.constant 16 : i32
    %add3A_1347 = arith.addi %add3A_1345, %add3A_1346 : i32
    %add3A_1348 = vector.broadcast %add3A_1347 : i32 to vector<16xi32>
    %add3A_1349 = arith.addi %add3A_1348, %iota3A : vector<16xi32>
    %and3A_1350 = arith.constant 8191 : i32
    %and3A_1351 = vector.broadcast %and3A_1350 : i32 to vector<16xi32>
    %and3A_1352 = arith.andi %add3A_1349, %and3A_1351 : vector<16xi32>
    %ge3A_1353 = arith.constant 8192 : i32
    %ge3A_1354 = vector.broadcast %ge3A_1353 : i32 to vector<16xi32>
    %ge3A_1355 = arith.cmpi sge, %get3A_1343, %ge3A_1354 : vector<16xi32>
    %select_n3A_1356 = arith.select %ge3A_1355, %and3A_1352, %get3A_1343 : vector<16xi1>, vector<16xi32>
    %swap3A_1357 = arith.constant 3 : i32
    %swap3A_1358 = arith.index_cast %swap3A_1357 : i32 to index
    %swap3A_1359 = arith.constant 16 : index
    %swap3A_1360 = tpu.vector_load %arg18[%swap3A_1358, %swap3A_1359] {strides = array<i32>} : memref<6x128xi32, #tpu.memory_space<vmem>>, vector<16xi32>,
    tpu.vector_store %arg18[%swap3A_1358, %swap3A_1359], %select_n3A_1356 {strides = array<i32>} : memref<6x128xi32, #tpu.memory_space<vmem>>, vector<16xi32>,
    %get3A_1361 = arith.constant 3 : i32
    %get3A_1362 = arith.index_cast %get3A_1361 : i32 to index
    %get3A_1363 = arith.constant 32 : index
    %get3A_1364 = tpu.vector_load %arg17[%get3A_1362, %get3A_1363] {strides = array<i32>} : memref<6x128xi32, #tpu.memory_space<vmem>>, vector<16xi32>,
    %add3A_1365 = arith.constant 384 : i32
    %add3A_1366 = arith.addi %multiple_of3A_814, %add3A_1365 : i32
    %add3A_1367 = arith.constant 32 : i32
    %add3A_1368 = arith.addi %add3A_1366, %add3A_1367 : i32
    %add3A_1369 = vector.broadcast %add3A_1368 : i32 to vector<16xi32>
    %add3A_1370 = arith.addi %add3A_1369, %iota3A : vector<16xi32>
    %and3A_1371 = arith.constant 8191 : i32
    %and3A_1372 = vector.broadcast %and3A_1371 : i32 to vector<16xi32>
    %and3A_1373 = arith.andi %add3A_1370, %and3A_1372 : vector<16xi32>
    %ge3A_1374 = arith.constant 8192 : i32
    %ge3A_1375 = vector.broadcast %ge3A_1374 : i32 to vector<16xi32>
    %ge3A_1376 = arith.cmpi sge, %get3A_1364, %ge3A_1375 : vector<16xi32>
    %select_n3A_1377 = arith.select %ge3A_1376, %and3A_1373, %get3A_1364 : vector<16xi1>, vector<16xi32>
    %swap3A_1378 = arith.constant 3 : i32
    %swap3A_1379 = arith.index_cast %swap3A_1378 : i32 to index
    %swap3A_1380 = arith.constant 32 : index
    %swap3A_1381 = tpu.vector_load %arg18[%swap3A_1379, %swap3A_1380] {strides = array<i32>} : memref<6x128xi32, #tpu.memory_space<vmem>>, vector<16xi32>,
    tpu.vector_store %arg18[%swap3A_1379, %swap3A_1380], %select_n3A_1377 {strides = array<i32>} : memref<6x128xi32, #tpu.memory_space<vmem>>, vector<16xi32>,
    %get3A_1382 = arith.constant 3 : i32
    %get3A_1383 = arith.index_cast %get3A_1382 : i32 to index
    %get3A_1384 = arith.constant 48 : index
    %get3A_1385 = tpu.vector_load %arg17[%get3A_1383, %get3A_1384] {strides = array<i32>} : memref<6x128xi32, #tpu.memory_space<vmem>>, vector<16xi32>,
    %add3A_1386 = arith.constant 384 : i32
    %add3A_1387 = arith.addi %multiple_of3A_814, %add3A_1386 : i32
    %add3A_1388 = arith.constant 48 : i32
    %add3A_1389 = arith.addi %add3A_1387, %add3A_1388 : i32
    %add3A_1390 = vector.broadcast %add3A_1389 : i32 to vector<16xi32>
    %add3A_1391 = arith.addi %add3A_1390, %iota3A : vector<16xi32>
    %and3A_1392 = arith.constant 8191 : i32
    %and3A_1393 = vector.broadcast %and3A_1392 : i32 to vector<16xi32>
    %and3A_1394 = arith.andi %add3A_1391, %and3A_1393 : vector<16xi32>
    %ge3A_1395 = arith.constant 8192 : i32
    %ge3A_1396 = vector.broadcast %ge3A_1395 : i32 to vector<16xi32>
    %ge3A_1397 = arith.cmpi sge, %get3A_1385, %ge3A_1396 : vector<16xi32>
    %select_n3A_1398 = arith.select %ge3A_1397, %and3A_1394, %get3A_1385 : vector<16xi1>, vector<16xi32>
    %swap3A_1399 = arith.constant 3 : i32
    %swap3A_1400 = arith.index_cast %swap3A_1399 : i32 to index
    %swap3A_1401 = arith.constant 48 : index
    %swap3A_1402 = tpu.vector_load %arg18[%swap3A_1400, %swap3A_1401] {strides = array<i32>} : memref<6x128xi32, #tpu.memory_space<vmem>>, vector<16xi32>,
    tpu.vector_store %arg18[%swap3A_1400, %swap3A_1401], %select_n3A_1398 {strides = array<i32>} : memref<6x128xi32, #tpu.memory_space<vmem>>, vector<16xi32>,
    %get3A_1403 = arith.constant 3 : i32
    %get3A_1404 = arith.index_cast %get3A_1403 : i32 to index
    %get3A_1405 = arith.constant 64 : index
    %get3A_1406 = tpu.vector_load %arg17[%get3A_1404, %get3A_1405] {strides = array<i32>} : memref<6x128xi32, #tpu.memory_space<vmem>>, vector<16xi32>,
    %add3A_1407 = arith.constant 384 : i32
    %add3A_1408 = arith.addi %multiple_of3A_814, %add3A_1407 : i32
    %add3A_1409 = arith.constant 64 : i32
    %add3A_1410 = arith.addi %add3A_1408, %add3A_1409 : i32
    %add3A_1411 = vector.broadcast %add3A_1410 : i32 to vector<16xi32>
    %add3A_1412 = arith.addi %add3A_1411, %iota3A : vector<16xi32>
    %and3A_1413 = arith.constant 8191 : i32
    %and3A_1414 = vector.broadcast %and3A_1413 : i32 to vector<16xi32>
    %and3A_1415 = arith.andi %add3A_1412, %and3A_1414 : vector<16xi32>
    %ge3A_1416 = arith.constant 8192 : i32
    %ge3A_1417 = vector.broadcast %ge3A_1416 : i32 to vector<16xi32>
    %ge3A_1418 = arith.cmpi sge, %get3A_1406, %ge3A_1417 : vector<16xi32>
    %select_n3A_1419 = arith.select %ge3A_1418, %and3A_1415, %get3A_1406 : vector<16xi1>, vector<16xi32>
    %swap3A_1420 = arith.constant 3 : i32
    %swap3A_1421 = arith.index_cast %swap3A_1420 : i32 to index
    %swap3A_1422 = arith.constant 64 : index
    %swap3A_1423 = tpu.vector_load %arg18[%swap3A_1421, %swap3A_1422] {strides = array<i32>} : memref<6x128xi32, #tpu.memory_space<vmem>>, vector<16xi32>,
    tpu.vector_store %arg18[%swap3A_1421, %swap3A_1422], %select_n3A_1419 {strides = array<i32>} : memref<6x128xi32, #tpu.memory_space<vmem>>, vector<16xi32>,
    %get3A_1424 = arith.constant 3 : i32
    %get3A_1425 = arith.index_cast %get3A_1424 : i32 to index
    %get3A_1426 = arith.constant 80 : index
    %get3A_1427 = tpu.vector_load %arg17[%get3A_1425, %get3A_1426] {strides = array<i32>} : memref<6x128xi32, #tpu.memory_space<vmem>>, vector<16xi32>,
    %add3A_1428 = arith.constant 384 : i32
    %add3A_1429 = arith.addi %multiple_of3A_814, %add3A_1428 : i32
    %add3A_1430 = arith.constant 80 : i32
    %add3A_1431 = arith.addi %add3A_1429, %add3A_1430 : i32
    %add3A_1432 = vector.broadcast %add3A_1431 : i32 to vector<16xi32>
    %add3A_1433 = arith.addi %add3A_1432, %iota3A : vector<16xi32>
    %and3A_1434 = arith.constant 8191 : i32
    %and3A_1435 = vector.broadcast %and3A_1434 : i32 to vector<16xi32>
    %and3A_1436 = arith.andi %add3A_1433, %and3A_1435 : vector<16xi32>
    %ge3A_1437 = arith.constant 8192 : i32
    %ge3A_1438 = vector.broadcast %ge3A_1437 : i32 to vector<16xi32>
    %ge3A_1439 = arith.cmpi sge, %get3A_1427, %ge3A_1438 : vector<16xi32>
    %select_n3A_1440 = arith.select %ge3A_1439, %and3A_1436, %get3A_1427 : vector<16xi1>, vector<16xi32>
    %swap3A_1441 = arith.constant 3 : i32
    %swap3A_1442 = arith.index_cast %swap3A_1441 : i32 to index
    %swap3A_1443 = arith.constant 80 : index
    %swap3A_1444 = tpu.vector_load %arg18[%swap3A_1442, %swap3A_1443] {strides = array<i32>} : memref<6x128xi32, #tpu.memory_space<vmem>>, vector<16xi32>,
    tpu.vector_store %arg18[%swap3A_1442, %swap3A_1443], %select_n3A_1440 {strides = array<i32>} : memref<6x128xi32, #tpu.memory_space<vmem>>, vector<16xi32>,
    %get3A_1445 = arith.constant 3 : i32
    %get3A_1446 = arith.index_cast %get3A_1445 : i32 to index
    %get3A_1447 = arith.constant 96 : index
    %get3A_1448 = tpu.vector_load %arg17[%get3A_1446, %get3A_1447] {strides = array<i32>} : memref<6x128xi32, #tpu.memory_space<vmem>>, vector<16xi32>,
    %add3A_1449 = arith.constant 384 : i32
    %add3A_1450 = arith.addi %multiple_of3A_814, %add3A_1449 : i32
    %add3A_1451 = arith.constant 96 : i32
    %add3A_1452 = arith.addi %add3A_1450, %add3A_1451 : i32
    %add3A_1453 = vector.broadcast %add3A_1452 : i32 to vector<16xi32>
    %add3A_1454 = arith.addi %add3A_1453, %iota3A : vector<16xi32>
    %and3A_1455 = arith.constant 8191 : i32
    %and3A_1456 = vector.broadcast %and3A_1455 : i32 to vector<16xi32>
    %and3A_1457 = arith.andi %add3A_1454, %and3A_1456 : vector<16xi32>
    %ge3A_1458 = arith.constant 8192 : i32
    %ge3A_1459 = vector.broadcast %ge3A_1458 : i32 to vector<16xi32>
    %ge3A_1460 = arith.cmpi sge, %get3A_1448, %ge3A_1459 : vector<16xi32>
    %select_n3A_1461 = arith.select %ge3A_1460, %and3A_1457, %get3A_1448 : vector<16xi1>, vector<16xi32>
    %swap3A_1462 = arith.constant 3 : i32
    %swap3A_1463 = arith.index_cast %swap3A_1462 : i32 to index
    %swap3A_1464 = arith.constant 96 : index
    %swap3A_1465 = tpu.vector_load %arg18[%swap3A_1463, %swap3A_1464] {strides = array<i32>} : memref<6x128xi32, #tpu.memory_space<vmem>>, vector<16xi32>,
    tpu.vector_store %arg18[%swap3A_1463, %swap3A_1464], %select_n3A_1461 {strides = array<i32>} : memref<6x128xi32, #tpu.memory_space<vmem>>, vector<16xi32>,
    %get3A_1466 = arith.constant 3 : i32
    %get3A_1467 = arith.index_cast %get3A_1466 : i32 to index
    %get3A_1468 = arith.constant 112 : index
    %get3A_1469 = tpu.vector_load %arg17[%get3A_1467, %get3A_1468] {strides = array<i32>} : memref<6x128xi32, #tpu.memory_space<vmem>>, vector<16xi32>,
    %add3A_1470 = arith.constant 384 : i32
    %add3A_1471 = arith.addi %multiple_of3A_814, %add3A_1470 : i32
    %add3A_1472 = arith.constant 112 : i32
    %add3A_1473 = arith.addi %add3A_1471, %add3A_1472 : i32
    %add3A_1474 = vector.broadcast %add3A_1473 : i32 to vector<16xi32>
    %add3A_1475 = arith.addi %add3A_1474, %iota3A : vector<16xi32>
    %and3A_1476 = arith.constant 8191 : i32
    %and3A_1477 = vector.broadcast %and3A_1476 : i32 to vector<16xi32>
    %and3A_1478 = arith.andi %add3A_1475, %and3A_1477 : vector<16xi32>
    %ge3A_1479 = arith.constant 8192 : i32
    %ge3A_1480 = vector.broadcast %ge3A_1479 : i32 to vector<16xi32>
    %ge3A_1481 = arith.cmpi sge, %get3A_1469, %ge3A_1480 : vector<16xi32>
    %select_n3A_1482 = arith.select %ge3A_1481, %and3A_1478, %get3A_1469 : vector<16xi1>, vector<16xi32>
    %swap3A_1483 = arith.constant 3 : i32
    %swap3A_1484 = arith.index_cast %swap3A_1483 : i32 to index
    %swap3A_1485 = arith.constant 112 : index
    %swap3A_1486 = tpu.vector_load %arg18[%swap3A_1484, %swap3A_1485] {strides = array<i32>} : memref<6x128xi32, #tpu.memory_space<vmem>>, vector<16xi32>,
    tpu.vector_store %arg18[%swap3A_1484, %swap3A_1485], %select_n3A_1482 {strides = array<i32>} : memref<6x128xi32, #tpu.memory_space<vmem>>, vector<16xi32>,
    %get3A_1487 = arith.constant 4 : i32
    %get3A_1488 = arith.index_cast %get3A_1487 : i32 to index
    %get3A_1489 = arith.constant 0 : index
    %get3A_1490 = tpu.vector_load %arg17[%get3A_1488, %get3A_1489] {strides = array<i32>} : memref<6x128xi32, #tpu.memory_space<vmem>>, vector<16xi32>,
    %add3A_1491 = arith.constant 512 : i32
    %add3A_1492 = arith.addi %multiple_of3A_814, %add3A_1491 : i32
    %add3A_1493 = arith.constant 0 : i32
    %add3A_1494 = arith.addi %add3A_1492, %add3A_1493 : i32
    %add3A_1495 = vector.broadcast %add3A_1494 : i32 to vector<16xi32>
    %add3A_1496 = arith.addi %add3A_1495, %iota3A : vector<16xi32>
    %and3A_1497 = arith.constant 8191 : i32
    %and3A_1498 = vector.broadcast %and3A_1497 : i32 to vector<16xi32>
    %and3A_1499 = arith.andi %add3A_1496, %and3A_1498 : vector<16xi32>
    %ge3A_1500 = arith.constant 8192 : i32
    %ge3A_1501 = vector.broadcast %ge3A_1500 : i32 to vector<16xi32>
    %ge3A_1502 = arith.cmpi sge, %get3A_1490, %ge3A_1501 : vector<16xi32>
    %select_n3A_1503 = arith.select %ge3A_1502, %and3A_1499, %get3A_1490 : vector<16xi1>, vector<16xi32>
    %swap3A_1504 = arith.constant 4 : i32
    %swap3A_1505 = arith.index_cast %swap3A_1504 : i32 to index
    %swap3A_1506 = arith.constant 0 : index
    %swap3A_1507 = tpu.vector_load %arg18[%swap3A_1505, %swap3A_1506] {strides = array<i32>} : memref<6x128xi32, #tpu.memory_space<vmem>>, vector<16xi32>,
    tpu.vector_store %arg18[%swap3A_1505, %swap3A_1506], %select_n3A_1503 {strides = array<i32>} : memref<6x128xi32, #tpu.memory_space<vmem>>, vector<16xi32>,
    %get3A_1508 = arith.constant 4 : i32
    %get3A_1509 = arith.index_cast %get3A_1508 : i32 to index
    %get3A_1510 = arith.constant 16 : index
    %get3A_1511 = tpu.vector_load %arg17[%get3A_1509, %get3A_1510] {strides = array<i32>} : memref<6x128xi32, #tpu.memory_space<vmem>>, vector<16xi32>,
    %add3A_1512 = arith.constant 512 : i32
    %add3A_1513 = arith.addi %multiple_of3A_814, %add3A_1512 : i32
    %add3A_1514 = arith.constant 16 : i32
    %add3A_1515 = arith.addi %add3A_1513, %add3A_1514 : i32
    %add3A_1516 = vector.broadcast %add3A_1515 : i32 to vector<16xi32>
    %add3A_1517 = arith.addi %add3A_1516, %iota3A : vector<16xi32>
    %and3A_1518 = arith.constant 8191 : i32
    %and3A_1519 = vector.broadcast %and3A_1518 : i32 to vector<16xi32>
    %and3A_1520 = arith.andi %add3A_1517, %and3A_1519 : vector<16xi32>
    %ge3A_1521 = arith.constant 8192 : i32
    %ge3A_1522 = vector.broadcast %ge3A_1521 : i32 to vector<16xi32>
    %ge3A_1523 = arith.cmpi sge, %get3A_1511, %ge3A_1522 : vector<16xi32>
    %select_n3A_1524 = arith.select %ge3A_1523, %and3A_1520, %get3A_1511 : vector<16xi1>, vector<16xi32>
    %swap3A_1525 = arith.constant 4 : i32
    %swap3A_1526 = arith.index_cast %swap3A_1525 : i32 to index
    %swap3A_1527 = arith.constant 16 : index
    %swap3A_1528 = tpu.vector_load %arg18[%swap3A_1526, %swap3A_1527] {strides = array<i32>} : memref<6x128xi32, #tpu.memory_space<vmem>>, vector<16xi32>,
    tpu.vector_store %arg18[%swap3A_1526, %swap3A_1527], %select_n3A_1524 {strides = array<i32>} : memref<6x128xi32, #tpu.memory_space<vmem>>, vector<16xi32>,
    %get3A_1529 = arith.constant 4 : i32
    %get3A_1530 = arith.index_cast %get3A_1529 : i32 to index
    %get3A_1531 = arith.constant 32 : index
    %get3A_1532 = tpu.vector_load %arg17[%get3A_1530, %get3A_1531] {strides = array<i32>} : memref<6x128xi32, #tpu.memory_space<vmem>>, vector<16xi32>,
    %add3A_1533 = arith.constant 512 : i32
    %add3A_1534 = arith.addi %multiple_of3A_814, %add3A_1533 : i32
    %add3A_1535 = arith.constant 32 : i32
    %add3A_1536 = arith.addi %add3A_1534, %add3A_1535 : i32
    %add3A_1537 = vector.broadcast %add3A_1536 : i32 to vector<16xi32>
    %add3A_1538 = arith.addi %add3A_1537, %iota3A : vector<16xi32>
    %and3A_1539 = arith.constant 8191 : i32
    %and3A_1540 = vector.broadcast %and3A_1539 : i32 to vector<16xi32>
    %and3A_1541 = arith.andi %add3A_1538, %and3A_1540 : vector<16xi32>
    %ge3A_1542 = arith.constant 8192 : i32
    %ge3A_1543 = vector.broadcast %ge3A_1542 : i32 to vector<16xi32>
    %ge3A_1544 = arith.cmpi sge, %get3A_1532, %ge3A_1543 : vector<16xi32>
    %select_n3A_1545 = arith.select %ge3A_1544, %and3A_1541, %get3A_1532 : vector<16xi1>, vector<16xi32>
    %swap3A_1546 = arith.constant 4 : i32
    %swap3A_1547 = arith.index_cast %swap3A_1546 : i32 to index
    %swap3A_1548 = arith.constant 32 : index
    %swap3A_1549 = tpu.vector_load %arg18[%swap3A_1547, %swap3A_1548] {strides = array<i32>} : memref<6x128xi32, #tpu.memory_space<vmem>>, vector<16xi32>,
    tpu.vector_store %arg18[%swap3A_1547, %swap3A_1548], %select_n3A_1545 {strides = array<i32>} : memref<6x128xi32, #tpu.memory_space<vmem>>, vector<16xi32>,
    %get3A_1550 = arith.constant 4 : i32
    %get3A_1551 = arith.index_cast %get3A_1550 : i32 to index
    %get3A_1552 = arith.constant 48 : index
    %get3A_1553 = tpu.vector_load %arg17[%get3A_1551, %get3A_1552] {strides = array<i32>} : memref<6x128xi32, #tpu.memory_space<vmem>>, vector<16xi32>,
    %add3A_1554 = arith.constant 512 : i32
    %add3A_1555 = arith.addi %multiple_of3A_814, %add3A_1554 : i32
    %add3A_1556 = arith.constant 48 : i32
    %add3A_1557 = arith.addi %add3A_1555, %add3A_1556 : i32
    %add3A_1558 = vector.broadcast %add3A_1557 : i32 to vector<16xi32>
    %add3A_1559 = arith.addi %add3A_1558, %iota3A : vector<16xi32>
    %and3A_1560 = arith.constant 8191 : i32
    %and3A_1561 = vector.broadcast %and3A_1560 : i32 to vector<16xi32>
    %and3A_1562 = arith.andi %add3A_1559, %and3A_1561 : vector<16xi32>
    %ge3A_1563 = arith.constant 8192 : i32
    %ge3A_1564 = vector.broadcast %ge3A_1563 : i32 to vector<16xi32>
    %ge3A_1565 = arith.cmpi sge, %get3A_1553, %ge3A_1564 : vector<16xi32>
    %select_n3A_1566 = arith.select %ge3A_1565, %and3A_1562, %get3A_1553 : vector<16xi1>, vector<16xi32>
    %swap3A_1567 = arith.constant 4 : i32
    %swap3A_1568 = arith.index_cast %swap3A_1567 : i32 to index
    %swap3A_1569 = arith.constant 48 : index
    %swap3A_1570 = tpu.vector_load %arg18[%swap3A_1568, %swap3A_1569] {strides = array<i32>} : memref<6x128xi32, #tpu.memory_space<vmem>>, vector<16xi32>,
    tpu.vector_store %arg18[%swap3A_1568, %swap3A_1569], %select_n3A_1566 {strides = array<i32>} : memref<6x128xi32, #tpu.memory_space<vmem>>, vector<16xi32>,
    %get3A_1571 = arith.constant 4 : i32
    %get3A_1572 = arith.index_cast %get3A_1571 : i32 to index
    %get3A_1573 = arith.constant 64 : index
    %get3A_1574 = tpu.vector_load %arg17[%get3A_1572, %get3A_1573] {strides = array<i32>} : memref<6x128xi32, #tpu.memory_space<vmem>>, vector<16xi32>,
    %add3A_1575 = arith.constant 512 : i32
    %add3A_1576 = arith.addi %multiple_of3A_814, %add3A_1575 : i32
    %add3A_1577 = arith.constant 64 : i32
    %add3A_1578 = arith.addi %add3A_1576, %add3A_1577 : i32
    %add3A_1579 = vector.broadcast %add3A_1578 : i32 to vector<16xi32>
    %add3A_1580 = arith.addi %add3A_1579, %iota3A : vector<16xi32>
    %and3A_1581 = arith.constant 8191 : i32
    %and3A_1582 = vector.broadcast %and3A_1581 : i32 to vector<16xi32>
    %and3A_1583 = arith.andi %add3A_1580, %and3A_1582 : vector<16xi32>
    %ge3A_1584 = arith.constant 8192 : i32
    %ge3A_1585 = vector.broadcast %ge3A_1584 : i32 to vector<16xi32>
    %ge3A_1586 = arith.cmpi sge, %get3A_1574, %ge3A_1585 : vector<16xi32>
    %select_n3A_1587 = arith.select %ge3A_1586, %and3A_1583, %get3A_1574 : vector<16xi1>, vector<16xi32>
    %swap3A_1588 = arith.constant 4 : i32
    %swap3A_1589 = arith.index_cast %swap3A_1588 : i32 to index
    %swap3A_1590 = arith.constant 64 : index
    %swap3A_1591 = tpu.vector_load %arg18[%swap3A_1589, %swap3A_1590] {strides = array<i32>} : memref<6x128xi32, #tpu.memory_space<vmem>>, vector<16xi32>,
    tpu.vector_store %arg18[%swap3A_1589, %swap3A_1590], %select_n3A_1587 {strides = array<i32>} : memref<6x128xi32, #tpu.memory_space<vmem>>, vector<16xi32>,
    %get3A_1592 = arith.constant 4 : i32
    %get3A_1593 = arith.index_cast %get3A_1592 : i32 to index
    %get3A_1594 = arith.constant 80 : index
    %get3A_1595 = tpu.vector_load %arg17[%get3A_1593, %get3A_1594] {strides = array<i32>} : memref<6x128xi32, #tpu.memory_space<vmem>>, vector<16xi32>,
    %add3A_1596 = arith.constant 512 : i32
    %add3A_1597 = arith.addi %multiple_of3A_814, %add3A_1596 : i32
    %add3A_1598 = arith.constant 80 : i32
    %add3A_1599 = arith.addi %add3A_1597, %add3A_1598 : i32
    %add3A_1600 = vector.broadcast %add3A_1599 : i32 to vector<16xi32>
    %add3A_1601 = arith.addi %add3A_1600, %iota3A : vector<16xi32>
    %and3A_1602 = arith.constant 8191 : i32
    %and3A_1603 = vector.broadcast %and3A_1602 : i32 to vector<16xi32>
    %and3A_1604 = arith.andi %add3A_1601, %and3A_1603 : vector<16xi32>
    %ge3A_1605 = arith.constant 8192 : i32
    %ge3A_1606 = vector.broadcast %ge3A_1605 : i32 to vector<16xi32>
    %ge3A_1607 = arith.cmpi sge, %get3A_1595, %ge3A_1606 : vector<16xi32>
    %select_n3A_1608 = arith.select %ge3A_1607, %and3A_1604, %get3A_1595 : vector<16xi1>, vector<16xi32>
    %swap3A_1609 = arith.constant 4 : i32
    %swap3A_1610 = arith.index_cast %swap3A_1609 : i32 to index
    %swap3A_1611 = arith.constant 80 : index
    %swap3A_1612 = tpu.vector_load %arg18[%swap3A_1610, %swap3A_1611] {strides = array<i32>} : memref<6x128xi32, #tpu.memory_space<vmem>>, vector<16xi32>,
    tpu.vector_store %arg18[%swap3A_1610, %swap3A_1611], %select_n3A_1608 {strides = array<i32>} : memref<6x128xi32, #tpu.memory_space<vmem>>, vector<16xi32>,
    %get3A_1613 = arith.constant 4 : i32
    %get3A_1614 = arith.index_cast %get3A_1613 : i32 to index
    %get3A_1615 = arith.constant 96 : index
    %get3A_1616 = tpu.vector_load %arg17[%get3A_1614, %get3A_1615] {strides = array<i32>} : memref<6x128xi32, #tpu.memory_space<vmem>>, vector<16xi32>,
    %add3A_1617 = arith.constant 512 : i32
    %add3A_1618 = arith.addi %multiple_of3A_814, %add3A_1617 : i32
    %add3A_1619 = arith.constant 96 : i32
    %add3A_1620 = arith.addi %add3A_1618, %add3A_1619 : i32
    %add3A_1621 = vector.broadcast %add3A_1620 : i32 to vector<16xi32>
    %add3A_1622 = arith.addi %add3A_1621, %iota3A : vector<16xi32>
    %and3A_1623 = arith.constant 8191 : i32
    %and3A_1624 = vector.broadcast %and3A_1623 : i32 to vector<16xi32>
    %and3A_1625 = arith.andi %add3A_1622, %and3A_1624 : vector<16xi32>
    %ge3A_1626 = arith.constant 8192 : i32
    %ge3A_1627 = vector.broadcast %ge3A_1626 : i32 to vector<16xi32>
    %ge3A_1628 = arith.cmpi sge, %get3A_1616, %ge3A_1627 : vector<16xi32>
    %select_n3A_1629 = arith.select %ge3A_1628, %and3A_1625, %get3A_1616 : vector<16xi1>, vector<16xi32>
    %swap3A_1630 = arith.constant 4 : i32
    %swap3A_1631 = arith.index_cast %swap3A_1630 : i32 to index
    %swap3A_1632 = arith.constant 96 : index
    %swap3A_1633 = tpu.vector_load %arg18[%swap3A_1631, %swap3A_1632] {strides = array<i32>} : memref<6x128xi32, #tpu.memory_space<vmem>>, vector<16xi32>,
    tpu.vector_store %arg18[%swap3A_1631, %swap3A_1632], %select_n3A_1629 {strides = array<i32>} : memref<6x128xi32, #tpu.memory_space<vmem>>, vector<16xi32>,
    %get3A_1634 = arith.constant 4 : i32
    %get3A_1635 = arith.index_cast %get3A_1634 : i32 to index
    %get3A_1636 = arith.constant 112 : index
    %get3A_1637 = tpu.vector_load %arg17[%get3A_1635, %get3A_1636] {strides = array<i32>} : memref<6x128xi32, #tpu.memory_space<vmem>>, vector<16xi32>,
    %add3A_1638 = arith.constant 512 : i32
    %add3A_1639 = arith.addi %multiple_of3A_814, %add3A_1638 : i32
    %add3A_1640 = arith.constant 112 : i32
    %add3A_1641 = arith.addi %add3A_1639, %add3A_1640 : i32
    %add3A_1642 = vector.broadcast %add3A_1641 : i32 to vector<16xi32>
    %add3A_1643 = arith.addi %add3A_1642, %iota3A : vector<16xi32>
    %and3A_1644 = arith.constant 8191 : i32
    %and3A_1645 = vector.broadcast %and3A_1644 : i32 to vector<16xi32>
    %and3A_1646 = arith.andi %add3A_1643, %and3A_1645 : vector<16xi32>
    %ge3A_1647 = arith.constant 8192 : i32
    %ge3A_1648 = vector.broadcast %ge3A_1647 : i32 to vector<16xi32>
    %ge3A_1649 = arith.cmpi sge, %get3A_1637, %ge3A_1648 : vector<16xi32>
    %select_n3A_1650 = arith.select %ge3A_1649, %and3A_1646, %get3A_1637 : vector<16xi1>, vector<16xi32>
    %swap3A_1651 = arith.constant 4 : i32
    %swap3A_1652 = arith.index_cast %swap3A_1651 : i32 to index
    %swap3A_1653 = arith.constant 112 : index
    %swap3A_1654 = tpu.vector_load %arg18[%swap3A_1652, %swap3A_1653] {strides = array<i32>} : memref<6x128xi32, #tpu.memory_space<vmem>>, vector<16xi32>,
    tpu.vector_store %arg18[%swap3A_1652, %swap3A_1653], %select_n3A_1650 {strides = array<i32>} : memref<6x128xi32, #tpu.memory_space<vmem>>, vector<16xi32>,
    %get3A_1655 = arith.constant 5 : i32
    %get3A_1656 = arith.index_cast %get3A_1655 : i32 to index
    %get3A_1657 = arith.constant 0 : index
    %get3A_1658 = tpu.vector_load %arg17[%get3A_1656, %get3A_1657] {strides = array<i32>} : memref<6x128xi32, #tpu.memory_space<vmem>>, vector<16xi32>,
    %add3A_1659 = arith.constant 640 : i32
    %add3A_1660 = arith.addi %multiple_of3A_814, %add3A_1659 : i32
    %add3A_1661 = arith.constant 0 : i32
    %add3A_1662 = arith.addi %add3A_1660, %add3A_1661 : i32
    %add3A_1663 = vector.broadcast %add3A_1662 : i32 to vector<16xi32>
    %add3A_1664 = arith.addi %add3A_1663, %iota3A : vector<16xi32>
    %and3A_1665 = arith.constant 8191 : i32
    %and3A_1666 = vector.broadcast %and3A_1665 : i32 to vector<16xi32>
    %and3A_1667 = arith.andi %add3A_1664, %and3A_1666 : vector<16xi32>
    %ge3A_1668 = arith.constant 8192 : i32
    %ge3A_1669 = vector.broadcast %ge3A_1668 : i32 to vector<16xi32>
    %ge3A_1670 = arith.cmpi sge, %get3A_1658, %ge3A_1669 : vector<16xi32>
    %select_n3A_1671 = arith.select %ge3A_1670, %and3A_1667, %get3A_1658 : vector<16xi1>, vector<16xi32>
    %swap3A_1672 = arith.constant 5 : i32
    %swap3A_1673 = arith.index_cast %swap3A_1672 : i32 to index
    %swap3A_1674 = arith.constant 0 : index
    %swap3A_1675 = tpu.vector_load %arg18[%swap3A_1673, %swap3A_1674] {strides = array<i32>} : memref<6x128xi32, #tpu.memory_space<vmem>>, vector<16xi32>,
    tpu.vector_store %arg18[%swap3A_1673, %swap3A_1674], %select_n3A_1671 {strides = array<i32>} : memref<6x128xi32, #tpu.memory_space<vmem>>, vector<16xi32>,
    %get3A_1676 = arith.constant 5 : i32
    %get3A_1677 = arith.index_cast %get3A_1676 : i32 to index
    %get3A_1678 = arith.constant 16 : index
    %get3A_1679 = tpu.vector_load %arg17[%get3A_1677, %get3A_1678] {strides = array<i32>} : memref<6x128xi32, #tpu.memory_space<vmem>>, vector<16xi32>,
    %add3A_1680 = arith.constant 640 : i32
    %add3A_1681 = arith.addi %multiple_of3A_814, %add3A_1680 : i32
    %add3A_1682 = arith.constant 16 : i32
    %add3A_1683 = arith.addi %add3A_1681, %add3A_1682 : i32
    %add3A_1684 = vector.broadcast %add3A_1683 : i32 to vector<16xi32>
    %add3A_1685 = arith.addi %add3A_1684, %iota3A : vector<16xi32>
    %and3A_1686 = arith.constant 8191 : i32
    %and3A_1687 = vector.broadcast %and3A_1686 : i32 to vector<16xi32>
    %and3A_1688 = arith.andi %add3A_1685, %and3A_1687 : vector<16xi32>
    %ge3A_1689 = arith.constant 8192 : i32
    %ge3A_1690 = vector.broadcast %ge3A_1689 : i32 to vector<16xi32>
    %ge3A_1691 = arith.cmpi sge, %get3A_1679, %ge3A_1690 : vector<16xi32>
    %select_n3A_1692 = arith.select %ge3A_1691, %and3A_1688, %get3A_1679 : vector<16xi1>, vector<16xi32>
    %swap3A_1693 = arith.constant 5 : i32
    %swap3A_1694 = arith.index_cast %swap3A_1693 : i32 to index
    %swap3A_1695 = arith.constant 16 : index
    %swap3A_1696 = tpu.vector_load %arg18[%swap3A_1694, %swap3A_1695] {strides = array<i32>} : memref<6x128xi32, #tpu.memory_space<vmem>>, vector<16xi32>,
    tpu.vector_store %arg18[%swap3A_1694, %swap3A_1695], %select_n3A_1692 {strides = array<i32>} : memref<6x128xi32, #tpu.memory_space<vmem>>, vector<16xi32>,
    %get3A_1697 = arith.constant 5 : i32
    %get3A_1698 = arith.index_cast %get3A_1697 : i32 to index
    %get3A_1699 = arith.constant 32 : index
    %get3A_1700 = tpu.vector_load %arg17[%get3A_1698, %get3A_1699] {strides = array<i32>} : memref<6x128xi32, #tpu.memory_space<vmem>>, vector<16xi32>,
    %add3A_1701 = arith.constant 640 : i32
    %add3A_1702 = arith.addi %multiple_of3A_814, %add3A_1701 : i32
    %add3A_1703 = arith.constant 32 : i32
    %add3A_1704 = arith.addi %add3A_1702, %add3A_1703 : i32
    %add3A_1705 = vector.broadcast %add3A_1704 : i32 to vector<16xi32>
    %add3A_1706 = arith.addi %add3A_1705, %iota3A : vector<16xi32>
    %and3A_1707 = arith.constant 8191 : i32
    %and3A_1708 = vector.broadcast %and3A_1707 : i32 to vector<16xi32>
    %and3A_1709 = arith.andi %add3A_1706, %and3A_1708 : vector<16xi32>
    %ge3A_1710 = arith.constant 8192 : i32
    %ge3A_1711 = vector.broadcast %ge3A_1710 : i32 to vector<16xi32>
    %ge3A_1712 = arith.cmpi sge, %get3A_1700, %ge3A_1711 : vector<16xi32>
    %select_n3A_1713 = arith.select %ge3A_1712, %and3A_1709, %get3A_1700 : vector<16xi1>, vector<16xi32>
    %swap3A_1714 = arith.constant 5 : i32
    %swap3A_1715 = arith.index_cast %swap3A_1714 : i32 to index
    %swap3A_1716 = arith.constant 32 : index
    %swap3A_1717 = tpu.vector_load %arg18[%swap3A_1715, %swap3A_1716] {strides = array<i32>} : memref<6x128xi32, #tpu.memory_space<vmem>>, vector<16xi32>,
    tpu.vector_store %arg18[%swap3A_1715, %swap3A_1716], %select_n3A_1713 {strides = array<i32>} : memref<6x128xi32, #tpu.memory_space<vmem>>, vector<16xi32>,
    %get3A_1718 = arith.constant 5 : i32
    %get3A_1719 = arith.index_cast %get3A_1718 : i32 to index
    %get3A_1720 = arith.constant 48 : index
    %get3A_1721 = tpu.vector_load %arg17[%get3A_1719, %get3A_1720] {strides = array<i32>} : memref<6x128xi32, #tpu.memory_space<vmem>>, vector<16xi32>,
    %add3A_1722 = arith.constant 640 : i32
    %add3A_1723 = arith.addi %multiple_of3A_814, %add3A_1722 : i32
    %add3A_1724 = arith.constant 48 : i32
    %add3A_1725 = arith.addi %add3A_1723, %add3A_1724 : i32
    %add3A_1726 = vector.broadcast %add3A_1725 : i32 to vector<16xi32>
    %add3A_1727 = arith.addi %add3A_1726, %iota3A : vector<16xi32>
    %and3A_1728 = arith.constant 8191 : i32
    %and3A_1729 = vector.broadcast %and3A_1728 : i32 to vector<16xi32>
    %and3A_1730 = arith.andi %add3A_1727, %and3A_1729 : vector<16xi32>
    %ge3A_1731 = arith.constant 8192 : i32
    %ge3A_1732 = vector.broadcast %ge3A_1731 : i32 to vector<16xi32>
    %ge3A_1733 = arith.cmpi sge, %get3A_1721, %ge3A_1732 : vector<16xi32>
    %select_n3A_1734 = arith.select %ge3A_1733, %and3A_1730, %get3A_1721 : vector<16xi1>, vector<16xi32>
    %swap3A_1735 = arith.constant 5 : i32
    %swap3A_1736 = arith.index_cast %swap3A_1735 : i32 to index
    %swap3A_1737 = arith.constant 48 : index
    %swap3A_1738 = tpu.vector_load %arg18[%swap3A_1736, %swap3A_1737] {strides = array<i32>} : memref<6x128xi32, #tpu.memory_space<vmem>>, vector<16xi32>,
    tpu.vector_store %arg18[%swap3A_1736, %swap3A_1737], %select_n3A_1734 {strides = array<i32>} : memref<6x128xi32, #tpu.memory_space<vmem>>, vector<16xi32>,
    %get3A_1739 = arith.constant 5 : i32
    %get3A_1740 = arith.index_cast %get3A_1739 : i32 to index
    %get3A_1741 = arith.constant 64 : index
    %get3A_1742 = tpu.vector_load %arg17[%get3A_1740, %get3A_1741] {strides = array<i32>} : memref<6x128xi32, #tpu.memory_space<vmem>>, vector<16xi32>,
    %add3A_1743 = arith.constant 640 : i32
    %add3A_1744 = arith.addi %multiple_of3A_814, %add3A_1743 : i32
    %add3A_1745 = arith.constant 64 : i32
    %add3A_1746 = arith.addi %add3A_1744, %add3A_1745 : i32
    %add3A_1747 = vector.broadcast %add3A_1746 : i32 to vector<16xi32>
    %add3A_1748 = arith.addi %add3A_1747, %iota3A : vector<16xi32>
    %and3A_1749 = arith.constant 8191 : i32
    %and3A_1750 = vector.broadcast %and3A_1749 : i32 to vector<16xi32>
    %and3A_1751 = arith.andi %add3A_1748, %and3A_1750 : vector<16xi32>
    %ge3A_1752 = arith.constant 8192 : i32
    %ge3A_1753 = vector.broadcast %ge3A_1752 : i32 to vector<16xi32>
    %ge3A_1754 = arith.cmpi sge, %get3A_1742, %ge3A_1753 : vector<16xi32>
    %select_n3A_1755 = arith.select %ge3A_1754, %and3A_1751, %get3A_1742 : vector<16xi1>, vector<16xi32>
    %swap3A_1756 = arith.constant 5 : i32
    %swap3A_1757 = arith.index_cast %swap3A_1756 : i32 to index
    %swap3A_1758 = arith.constant 64 : index
    %swap3A_1759 = tpu.vector_load %arg18[%swap3A_1757, %swap3A_1758] {strides = array<i32>} : memref<6x128xi32, #tpu.memory_space<vmem>>, vector<16xi32>,
    tpu.vector_store %arg18[%swap3A_1757, %swap3A_1758], %select_n3A_1755 {strides = array<i32>} : memref<6x128xi32, #tpu.memory_space<vmem>>, vector<16xi32>,
    %get3A_1760 = arith.constant 5 : i32
    %get3A_1761 = arith.index_cast %get3A_1760 : i32 to index
    %get3A_1762 = arith.constant 80 : index
    %get3A_1763 = tpu.vector_load %arg17[%get3A_1761, %get3A_1762] {strides = array<i32>} : memref<6x128xi32, #tpu.memory_space<vmem>>, vector<16xi32>,
    %add3A_1764 = arith.constant 640 : i32
    %add3A_1765 = arith.addi %multiple_of3A_814, %add3A_1764 : i32
    %add3A_1766 = arith.constant 80 : i32
    %add3A_1767 = arith.addi %add3A_1765, %add3A_1766 : i32
    %add3A_1768 = vector.broadcast %add3A_1767 : i32 to vector<16xi32>
    %add3A_1769 = arith.addi %add3A_1768, %iota3A : vector<16xi32>
    %and3A_1770 = arith.constant 8191 : i32
    %and3A_1771 = vector.broadcast %and3A_1770 : i32 to vector<16xi32>
    %and3A_1772 = arith.andi %add3A_1769, %and3A_1771 : vector<16xi32>
    %ge3A_1773 = arith.constant 8192 : i32
    %ge3A_1774 = vector.broadcast %ge3A_1773 : i32 to vector<16xi32>
    %ge3A_1775 = arith.cmpi sge, %get3A_1763, %ge3A_1774 : vector<16xi32>
    %select_n3A_1776 = arith.select %ge3A_1775, %and3A_1772, %get3A_1763 : vector<16xi1>, vector<16xi32>
    %swap3A_1777 = arith.constant 5 : i32
    %swap3A_1778 = arith.index_cast %swap3A_1777 : i32 to index
    %swap3A_1779 = arith.constant 80 : index
    %swap3A_1780 = tpu.vector_load %arg18[%swap3A_1778, %swap3A_1779] {strides = array<i32>} : memref<6x128xi32, #tpu.memory_space<vmem>>, vector<16xi32>,
    tpu.vector_store %arg18[%swap3A_1778, %swap3A_1779], %select_n3A_1776 {strides = array<i32>} : memref<6x128xi32, #tpu.memory_space<vmem>>, vector<16xi32>,
    %get3A_1781 = arith.constant 5 : i32
    %get3A_1782 = arith.index_cast %get3A_1781 : i32 to index
    %get3A_1783 = arith.constant 96 : index
    %get3A_1784 = tpu.vector_load %arg17[%get3A_1782, %get3A_1783] {strides = array<i32>} : memref<6x128xi32, #tpu.memory_space<vmem>>, vector<16xi32>,
    %add3A_1785 = arith.constant 640 : i32
    %add3A_1786 = arith.addi %multiple_of3A_814, %add3A_1785 : i32
    %add3A_1787 = arith.constant 96 : i32
    %add3A_1788 = arith.addi %add3A_1786, %add3A_1787 : i32
    %add3A_1789 = vector.broadcast %add3A_1788 : i32 to vector<16xi32>
    %add3A_1790 = arith.addi %add3A_1789, %iota3A : vector<16xi32>
    %and3A_1791 = arith.constant 8191 : i32
    %and3A_1792 = vector.broadcast %and3A_1791 : i32 to vector<16xi32>
    %and3A_1793 = arith.andi %add3A_1790, %and3A_1792 : vector<16xi32>
    %ge3A_1794 = arith.constant 8192 : i32
    %ge3A_1795 = vector.broadcast %ge3A_1794 : i32 to vector<16xi32>
    %ge3A_1796 = arith.cmpi sge, %get3A_1784, %ge3A_1795 : vector<16xi32>
    %select_n3A_1797 = arith.select %ge3A_1796, %and3A_1793, %get3A_1784 : vector<16xi1>, vector<16xi32>
    %swap3A_1798 = arith.constant 5 : i32
    %swap3A_1799 = arith.index_cast %swap3A_1798 : i32 to index
    %swap3A_1800 = arith.constant 96 : index
    %swap3A_1801 = tpu.vector_load %arg18[%swap3A_1799, %swap3A_1800] {strides = array<i32>} : memref<6x128xi32, #tpu.memory_space<vmem>>, vector<16xi32>,
    tpu.vector_store %arg18[%swap3A_1799, %swap3A_1800], %select_n3A_1797 {strides = array<i32>} : memref<6x128xi32, #tpu.memory_space<vmem>>, vector<16xi32>,
    %get3A_1802 = arith.constant 5 : i32
    %get3A_1803 = arith.index_cast %get3A_1802 : i32 to index
    %get3A_1804 = arith.constant 112 : index
    %get3A_1805 = tpu.vector_load %arg17[%get3A_1803, %get3A_1804] {strides = array<i32>} : memref<6x128xi32, #tpu.memory_space<vmem>>, vector<16xi32>,
    %add3A_1806 = arith.constant 640 : i32
    %add3A_1807 = arith.addi %multiple_of3A_814, %add3A_1806 : i32
    %add3A_1808 = arith.constant 112 : i32
    %add3A_1809 = arith.addi %add3A_1807, %add3A_1808 : i32
    %add3A_1810 = vector.broadcast %add3A_1809 : i32 to vector<16xi32>
    %add3A_1811 = arith.addi %add3A_1810, %iota3A : vector<16xi32>
    %and3A_1812 = arith.constant 8191 : i32
    %and3A_1813 = vector.broadcast %and3A_1812 : i32 to vector<16xi32>
    %and3A_1814 = arith.andi %add3A_1811, %and3A_1813 : vector<16xi32>
    %ge3A_1815 = arith.constant 8192 : i32
    %ge3A_1816 = vector.broadcast %ge3A_1815 : i32 to vector<16xi32>
    %ge3A_1817 = arith.cmpi sge, %get3A_1805, %ge3A_1816 : vector<16xi32>
    %select_n3A_1818 = arith.select %ge3A_1817, %and3A_1814, %get3A_1805 : vector<16xi1>, vector<16xi32>
    %swap3A_1819 = arith.constant 5 : i32
    %swap3A_1820 = arith.index_cast %swap3A_1819 : i32 to index
    %swap3A_1821 = arith.constant 112 : index
    %swap3A_1822 = tpu.vector_load %arg18[%swap3A_1820, %swap3A_1821] {strides = array<i32>} : memref<6x128xi32, #tpu.memory_space<vmem>>, vector<16xi32>,
    tpu.vector_store %arg18[%swap3A_1820, %swap3A_1821], %select_n3A_1818 {strides = array<i32>} : memref<6x128xi32, #tpu.memory_space<vmem>>, vector<16xi32>,
    %dma_start3A = arith.constant 0 : i32
    %dma_start3A_1823 = arith.constant 0 : i32
    %dma_start3A_1824 = arith.constant 0 : i32
    %dma_start3A_1825 = tpu.memref_slice %arg19[%dma_start3A_1823, %dma_start3A_1824] : memref<768x64xf32, #tpu.memory_space<vmem>> -> memref<128x64xf32, #tpu.memory_space<vmem>>
    %dma_start3A_1826 = arith.constant 0 : i32
    %dma_start3A_1827 = tpu.memref_slice %arg18[%dma_start3A, %dma_start3A_1826] : memref<6x128xi32, #tpu.memory_space<vmem>> -> memref<1x128xi32, #tpu.memory_space<vmem>>
    %dma_start3A_1828 = tpu.memref_squeeze %dma_start3A_1827 : memref<1x128xi32, #tpu.memory_space<vmem>> -> memref<128xi32, #tpu.memory_space<vmem>>
    %dma_start3A_1829 = arith.constant 0 : i32
    %dma_start3A_1830 = arith.constant 0 : i32
    %dma_start3A_1831 = tpu.memref_slice %arg4[%dma_start3A_1829, %dma_start3A_1830] : memref<8192x64xf32, #tpu.memory_space<hbm>> -> memref<8192x64xf32, #tpu.memory_space<hbm>>
    tpu.enqueue_indirect_dma source(%dma_start3A_1831 : memref<8192x64xf32, #tpu.memory_space<hbm>>) target(%dma_start3A_1825 : memref<128x64xf32, #tpu.memory_space<vmem>>) offsets(%dma_start3A_1828 : memref<128xi32, #tpu.memory_space<vmem>>) semaphore(%arg23 : memref<!tpu.dma_semaphore, #tpu.memory_space<semaphore_mem>>)
    %dma_start3A_1832 = arith.constant 0 : i32
    %dma_start3A_1833 = arith.constant 0 : i32
    %dma_start3A_1834 = arith.constant 0 : i32
    %dma_start3A_1835 = tpu.memref_slice %arg20[%dma_start3A_1833, %dma_start3A_1834] : memref<768x16xf32, #tpu.memory_space<vmem>> -> memref<128x16xf32, #tpu.memory_space<vmem>>
    %dma_start3A_1836 = arith.constant 0 : i32
    %dma_start3A_1837 = tpu.memref_slice %arg18[%dma_start3A_1832, %dma_start3A_1836] : memref<6x128xi32, #tpu.memory_space<vmem>> -> memref<1x128xi32, #tpu.memory_space<vmem>>
    %dma_start3A_1838 = tpu.memref_squeeze %dma_start3A_1837 : memref<1x128xi32, #tpu.memory_space<vmem>> -> memref<128xi32, #tpu.memory_space<vmem>>
    %dma_start3A_1839 = arith.constant 0 : i32
    %dma_start3A_1840 = arith.constant 0 : i32
    %dma_start3A_1841 = tpu.memref_slice %arg5[%dma_start3A_1839, %dma_start3A_1840] : memref<8192x16xf32, #tpu.memory_space<hbm>> -> memref<8192x16xf32, #tpu.memory_space<hbm>>
    tpu.enqueue_indirect_dma source(%dma_start3A_1841 : memref<8192x16xf32, #tpu.memory_space<hbm>>) target(%dma_start3A_1835 : memref<128x16xf32, #tpu.memory_space<vmem>>) offsets(%dma_start3A_1838 : memref<128xi32, #tpu.memory_space<vmem>>) semaphore(%arg23 : memref<!tpu.dma_semaphore, #tpu.memory_space<semaphore_mem>>)
    %dma_start3A_1842 = arith.constant 1 : i32
    %dma_start3A_1843 = arith.constant 128 : i32
    %dma_start3A_1844 = arith.constant 0 : i32
    %dma_start3A_1845 = tpu.memref_slice %arg19[%dma_start3A_1843, %dma_start3A_1844] : memref<768x64xf32, #tpu.memory_space<vmem>> -> memref<128x64xf32, #tpu.memory_space<vmem>>
    %dma_start3A_1846 = arith.constant 0 : i32
    %dma_start3A_1847 = tpu.memref_slice %arg18[%dma_start3A_1842, %dma_start3A_1846] : memref<6x128xi32, #tpu.memory_space<vmem>> -> memref<1x128xi32, #tpu.memory_space<vmem>>
    %dma_start3A_1848 = tpu.memref_squeeze %dma_start3A_1847 : memref<1x128xi32, #tpu.memory_space<vmem>> -> memref<128xi32, #tpu.memory_space<vmem>>
    %dma_start3A_1849 = arith.constant 0 : i32
    %dma_start3A_1850 = arith.constant 0 : i32
    %dma_start3A_1851 = tpu.memref_slice %arg4[%dma_start3A_1849, %dma_start3A_1850] : memref<8192x64xf32, #tpu.memory_space<hbm>> -> memref<8192x64xf32, #tpu.memory_space<hbm>>
    tpu.enqueue_indirect_dma source(%dma_start3A_1851 : memref<8192x64xf32, #tpu.memory_space<hbm>>) target(%dma_start3A_1845 : memref<128x64xf32, #tpu.memory_space<vmem>>) offsets(%dma_start3A_1848 : memref<128xi32, #tpu.memory_space<vmem>>) semaphore(%arg23 : memref<!tpu.dma_semaphore, #tpu.memory_space<semaphore_mem>>)
    %dma_start3A_1852 = arith.constant 1 : i32
    %dma_start3A_1853 = arith.constant 128 : i32
    %dma_start3A_1854 = arith.constant 0 : i32
    %dma_start3A_1855 = tpu.memref_slice %arg20[%dma_start3A_1853, %dma_start3A_1854] : memref<768x16xf32, #tpu.memory_space<vmem>> -> memref<128x16xf32, #tpu.memory_space<vmem>>
    %dma_start3A_1856 = arith.constant 0 : i32
    %dma_start3A_1857 = tpu.memref_slice %arg18[%dma_start3A_1852, %dma_start3A_1856] : memref<6x128xi32, #tpu.memory_space<vmem>> -> memref<1x128xi32, #tpu.memory_space<vmem>>
    %dma_start3A_1858 = tpu.memref_squeeze %dma_start3A_1857 : memref<1x128xi32, #tpu.memory_space<vmem>> -> memref<128xi32, #tpu.memory_space<vmem>>
    %dma_start3A_1859 = arith.constant 0 : i32
    %dma_start3A_1860 = arith.constant 0 : i32
    %dma_start3A_1861 = tpu.memref_slice %arg5[%dma_start3A_1859, %dma_start3A_1860] : memref<8192x16xf32, #tpu.memory_space<hbm>> -> memref<8192x16xf32, #tpu.memory_space<hbm>>
    tpu.enqueue_indirect_dma source(%dma_start3A_1861 : memref<8192x16xf32, #tpu.memory_space<hbm>>) target(%dma_start3A_1855 : memref<128x16xf32, #tpu.memory_space<vmem>>) offsets(%dma_start3A_1858 : memref<128xi32, #tpu.memory_space<vmem>>) semaphore(%arg23 : memref<!tpu.dma_semaphore, #tpu.memory_space<semaphore_mem>>)
    %dma_start3A_1862 = arith.constant 2 : i32
    %dma_start3A_1863 = arith.constant 256 : i32
    %dma_start3A_1864 = arith.constant 0 : i32
    %dma_start3A_1865 = tpu.memref_slice %arg19[%dma_start3A_1863, %dma_start3A_1864] : memref<768x64xf32, #tpu.memory_space<vmem>> -> memref<128x64xf32, #tpu.memory_space<vmem>>
    %dma_start3A_1866 = arith.constant 0 : i32
    %dma_start3A_1867 = tpu.memref_slice %arg18[%dma_start3A_1862, %dma_start3A_1866] : memref<6x128xi32, #tpu.memory_space<vmem>> -> memref<1x128xi32, #tpu.memory_space<vmem>>
    %dma_start3A_1868 = tpu.memref_squeeze %dma_start3A_1867 : memref<1x128xi32, #tpu.memory_space<vmem>> -> memref<128xi32, #tpu.memory_space<vmem>>
    %dma_start3A_1869 = arith.constant 0 : i32
    %dma_start3A_1870 = arith.constant 0 : i32
    %dma_start3A_1871 = tpu.memref_slice %arg4[%dma_start3A_1869, %dma_start3A_1870] : memref<8192x64xf32, #tpu.memory_space<hbm>> -> memref<8192x64xf32, #tpu.memory_space<hbm>>
    tpu.enqueue_indirect_dma source(%dma_start3A_1871 : memref<8192x64xf32, #tpu.memory_space<hbm>>) target(%dma_start3A_1865 : memref<128x64xf32, #tpu.memory_space<vmem>>) offsets(%dma_start3A_1868 : memref<128xi32, #tpu.memory_space<vmem>>) semaphore(%arg23 : memref<!tpu.dma_semaphore, #tpu.memory_space<semaphore_mem>>)
    %dma_start3A_1872 = arith.constant 2 : i32
    %dma_start3A_1873 = arith.constant 256 : i32
    %dma_start3A_1874 = arith.constant 0 : i32
    %dma_start3A_1875 = tpu.memref_slice %arg20[%dma_start3A_1873, %dma_start3A_1874] : memref<768x16xf32, #tpu.memory_space<vmem>> -> memref<128x16xf32, #tpu.memory_space<vmem>>
    %dma_start3A_1876 = arith.constant 0 : i32
    %dma_start3A_1877 = tpu.memref_slice %arg18[%dma_start3A_1872, %dma_start3A_1876] : memref<6x128xi32, #tpu.memory_space<vmem>> -> memref<1x128xi32, #tpu.memory_space<vmem>>
    %dma_start3A_1878 = tpu.memref_squeeze %dma_start3A_1877 : memref<1x128xi32, #tpu.memory_space<vmem>> -> memref<128xi32, #tpu.memory_space<vmem>>
    %dma_start3A_1879 = arith.constant 0 : i32
    %dma_start3A_1880 = arith.constant 0 : i32
    %dma_start3A_1881 = tpu.memref_slice %arg5[%dma_start3A_1879, %dma_start3A_1880] : memref<8192x16xf32, #tpu.memory_space<hbm>> -> memref<8192x16xf32, #tpu.memory_space<hbm>>
    tpu.enqueue_indirect_dma source(%dma_start3A_1881 : memref<8192x16xf32, #tpu.memory_space<hbm>>) target(%dma_start3A_1875 : memref<128x16xf32, #tpu.memory_space<vmem>>) offsets(%dma_start3A_1878 : memref<128xi32, #tpu.memory_space<vmem>>) semaphore(%arg23 : memref<!tpu.dma_semaphore, #tpu.memory_space<semaphore_mem>>)
    %dma_start3A_1882 = arith.constant 3 : i32
    %dma_start3A_1883 = arith.constant 384 : i32
    %dma_start3A_1884 = arith.constant 0 : i32
    %dma_start3A_1885 = tpu.memref_slice %arg19[%dma_start3A_1883, %dma_start3A_1884] : memref<768x64xf32, #tpu.memory_space<vmem>> -> memref<128x64xf32, #tpu.memory_space<vmem>>
    %dma_start3A_1886 = arith.constant 0 : i32
    %dma_start3A_1887 = tpu.memref_slice %arg18[%dma_start3A_1882, %dma_start3A_1886] : memref<6x128xi32, #tpu.memory_space<vmem>> -> memref<1x128xi32, #tpu.memory_space<vmem>>
    %dma_start3A_1888 = tpu.memref_squeeze %dma_start3A_1887 : memref<1x128xi32, #tpu.memory_space<vmem>> -> memref<128xi32, #tpu.memory_space<vmem>>
    %dma_start3A_1889 = arith.constant 0 : i32
    %dma_start3A_1890 = arith.constant 0 : i32
    %dma_start3A_1891 = tpu.memref_slice %arg4[%dma_start3A_1889, %dma_start3A_1890] : memref<8192x64xf32, #tpu.memory_space<hbm>> -> memref<8192x64xf32, #tpu.memory_space<hbm>>
    tpu.enqueue_indirect_dma source(%dma_start3A_1891 : memref<8192x64xf32, #tpu.memory_space<hbm>>) target(%dma_start3A_1885 : memref<128x64xf32, #tpu.memory_space<vmem>>) offsets(%dma_start3A_1888 : memref<128xi32, #tpu.memory_space<vmem>>) semaphore(%arg23 : memref<!tpu.dma_semaphore, #tpu.memory_space<semaphore_mem>>)
    %dma_start3A_1892 = arith.constant 3 : i32
    %dma_start3A_1893 = arith.constant 384 : i32
    %dma_start3A_1894 = arith.constant 0 : i32
    %dma_start3A_1895 = tpu.memref_slice %arg20[%dma_start3A_1893, %dma_start3A_1894] : memref<768x16xf32, #tpu.memory_space<vmem>> -> memref<128x16xf32, #tpu.memory_space<vmem>>
    %dma_start3A_1896 = arith.constant 0 : i32
    %dma_start3A_1897 = tpu.memref_slice %arg18[%dma_start3A_1892, %dma_start3A_1896] : memref<6x128xi32, #tpu.memory_space<vmem>> -> memref<1x128xi32, #tpu.memory_space<vmem>>
    %dma_start3A_1898 = tpu.memref_squeeze %dma_start3A_1897 : memref<1x128xi32, #tpu.memory_space<vmem>> -> memref<128xi32, #tpu.memory_space<vmem>>
    %dma_start3A_1899 = arith.constant 0 : i32
    %dma_start3A_1900 = arith.constant 0 : i32
    %dma_start3A_1901 = tpu.memref_slice %arg5[%dma_start3A_1899, %dma_start3A_1900] : memref<8192x16xf32, #tpu.memory_space<hbm>> -> memref<8192x16xf32, #tpu.memory_space<hbm>>
    tpu.enqueue_indirect_dma source(%dma_start3A_1901 : memref<8192x16xf32, #tpu.memory_space<hbm>>) target(%dma_start3A_1895 : memref<128x16xf32, #tpu.memory_space<vmem>>) offsets(%dma_start3A_1898 : memref<128xi32, #tpu.memory_space<vmem>>) semaphore(%arg23 : memref<!tpu.dma_semaphore, #tpu.memory_space<semaphore_mem>>)
    %dma_start3A_1902 = arith.constant 4 : i32
    %dma_start3A_1903 = arith.constant 512 : i32
    %dma_start3A_1904 = arith.constant 0 : i32
    %dma_start3A_1905 = tpu.memref_slice %arg19[%dma_start3A_1903, %dma_start3A_1904] : memref<768x64xf32, #tpu.memory_space<vmem>> -> memref<128x64xf32, #tpu.memory_space<vmem>>
    %dma_start3A_1906 = arith.constant 0 : i32
    %dma_start3A_1907 = tpu.memref_slice %arg18[%dma_start3A_1902, %dma_start3A_1906] : memref<6x128xi32, #tpu.memory_space<vmem>> -> memref<1x128xi32, #tpu.memory_space<vmem>>
    %dma_start3A_1908 = tpu.memref_squeeze %dma_start3A_1907 : memref<1x128xi32, #tpu.memory_space<vmem>> -> memref<128xi32, #tpu.memory_space<vmem>>
    %dma_start3A_1909 = arith.constant 0 : i32
    %dma_start3A_1910 = arith.constant 0 : i32
    %dma_start3A_1911 = tpu.memref_slice %arg4[%dma_start3A_1909, %dma_start3A_1910] : memref<8192x64xf32, #tpu.memory_space<hbm>> -> memref<8192x64xf32, #tpu.memory_space<hbm>>
    tpu.enqueue_indirect_dma source(%dma_start3A_1911 : memref<8192x64xf32, #tpu.memory_space<hbm>>) target(%dma_start3A_1905 : memref<128x64xf32, #tpu.memory_space<vmem>>) offsets(%dma_start3A_1908 : memref<128xi32, #tpu.memory_space<vmem>>) semaphore(%arg23 : memref<!tpu.dma_semaphore, #tpu.memory_space<semaphore_mem>>)
    %dma_start3A_1912 = arith.constant 4 : i32
    %dma_start3A_1913 = arith.constant 512 : i32
    %dma_start3A_1914 = arith.constant 0 : i32
    %dma_start3A_1915 = tpu.memref_slice %arg20[%dma_start3A_1913, %dma_start3A_1914] : memref<768x16xf32, #tpu.memory_space<vmem>> -> memref<128x16xf32, #tpu.memory_space<vmem>>
    %dma_start3A_1916 = arith.constant 0 : i32
    %dma_start3A_1917 = tpu.memref_slice %arg18[%dma_start3A_1912, %dma_start3A_1916] : memref<6x128xi32, #tpu.memory_space<vmem>> -> memref<1x128xi32, #tpu.memory_space<vmem>>
    %dma_start3A_1918 = tpu.memref_squeeze %dma_start3A_1917 : memref<1x128xi32, #tpu.memory_space<vmem>> -> memref<128xi32, #tpu.memory_space<vmem>>
    %dma_start3A_1919 = arith.constant 0 : i32
    %dma_start3A_1920 = arith.constant 0 : i32
    %dma_start3A_1921 = tpu.memref_slice %arg5[%dma_start3A_1919, %dma_start3A_1920] : memref<8192x16xf32, #tpu.memory_space<hbm>> -> memref<8192x16xf32, #tpu.memory_space<hbm>>
    tpu.enqueue_indirect_dma source(%dma_start3A_1921 : memref<8192x16xf32, #tpu.memory_space<hbm>>) target(%dma_start3A_1915 : memref<128x16xf32, #tpu.memory_space<vmem>>) offsets(%dma_start3A_1918 : memref<128xi32, #tpu.memory_space<vmem>>) semaphore(%arg23 : memref<!tpu.dma_semaphore, #tpu.memory_space<semaphore_mem>>)
    %dma_start3A_1922 = arith.constant 5 : i32
    %dma_start3A_1923 = arith.constant 640 : i32
    %dma_start3A_1924 = arith.constant 0 : i32
    %dma_start3A_1925 = tpu.memref_slice %arg19[%dma_start3A_1923, %dma_start3A_1924] : memref<768x64xf32, #tpu.memory_space<vmem>> -> memref<128x64xf32, #tpu.memory_space<vmem>>
    %dma_start3A_1926 = arith.constant 0 : i32
    %dma_start3A_1927 = tpu.memref_slice %arg18[%dma_start3A_1922, %dma_start3A_1926] : memref<6x128xi32, #tpu.memory_space<vmem>> -> memref<1x128xi32, #tpu.memory_space<vmem>>
    %dma_start3A_1928 = tpu.memref_squeeze %dma_start3A_1927 : memref<1x128xi32, #tpu.memory_space<vmem>> -> memref<128xi32, #tpu.memory_space<vmem>>
    %dma_start3A_1929 = arith.constant 0 : i32
    %dma_start3A_1930 = arith.constant 0 : i32
    %dma_start3A_1931 = tpu.memref_slice %arg4[%dma_start3A_1929, %dma_start3A_1930] : memref<8192x64xf32, #tpu.memory_space<hbm>> -> memref<8192x64xf32, #tpu.memory_space<hbm>>
    tpu.enqueue_indirect_dma source(%dma_start3A_1931 : memref<8192x64xf32, #tpu.memory_space<hbm>>) target(%dma_start3A_1925 : memref<128x64xf32, #tpu.memory_space<vmem>>) offsets(%dma_start3A_1928 : memref<128xi32, #tpu.memory_space<vmem>>) semaphore(%arg23 : memref<!tpu.dma_semaphore, #tpu.memory_space<semaphore_mem>>)
    %dma_start3A_1932 = arith.constant 5 : i32
    %dma_start3A_1933 = arith.constant 640 : i32
    %dma_start3A_1934 = arith.constant 0 : i32
    %dma_start3A_1935 = tpu.memref_slice %arg20[%dma_start3A_1933, %dma_start3A_1934] : memref<768x16xf32, #tpu.memory_space<vmem>> -> memref<128x16xf32, #tpu.memory_space<vmem>>
    %dma_start3A_1936 = arith.constant 0 : i32
    %dma_start3A_1937 = tpu.memref_slice %arg18[%dma_start3A_1932, %dma_start3A_1936] : memref<6x128xi32, #tpu.memory_space<vmem>> -> memref<1x128xi32, #tpu.memory_space<vmem>>
    %dma_start3A_1938 = tpu.memref_squeeze %dma_start3A_1937 : memref<1x128xi32, #tpu.memory_space<vmem>> -> memref<128xi32, #tpu.memory_space<vmem>>
    %dma_start3A_1939 = arith.constant 0 : i32
    %dma_start3A_1940 = arith.constant 0 : i32
    %dma_start3A_1941 = tpu.memref_slice %arg5[%dma_start3A_1939, %dma_start3A_1940] : memref<8192x16xf32, #tpu.memory_space<hbm>> -> memref<8192x16xf32, #tpu.memory_space<hbm>>
    tpu.enqueue_indirect_dma source(%dma_start3A_1941 : memref<8192x16xf32, #tpu.memory_space<hbm>>) target(%dma_start3A_1935 : memref<128x16xf32, #tpu.memory_space<vmem>>) offsets(%dma_start3A_1938 : memref<128xi32, #tpu.memory_space<vmem>>) semaphore(%arg23 : memref<!tpu.dma_semaphore, #tpu.memory_space<semaphore_mem>>)
    %dma_wait3A = arith.constant 0 : i32
    %dma_wait3A_1942 = arith.constant 0 : i32
    %dma_wait3A_1943 = arith.constant 0 : i32
    %dma_wait3A_1944 = tpu.memref_slice %arg19[%dma_wait3A_1942, %dma_wait3A_1943] : memref<768x64xf32, #tpu.memory_space<vmem>> -> memref<128x64xf32, #tpu.memory_space<vmem>>
    %dma_wait3A_1945 = arith.constant 0 : i32
    %dma_wait3A_1946 = tpu.memref_slice %arg18[%dma_wait3A, %dma_wait3A_1945] : memref<6x128xi32, #tpu.memory_space<vmem>> -> memref<1x128xi32, #tpu.memory_space<vmem>>
    %dma_wait3A_1947 = tpu.memref_squeeze %dma_wait3A_1946 : memref<1x128xi32, #tpu.memory_space<vmem>> -> memref<128xi32, #tpu.memory_space<vmem>>
    %dma_wait3A_1948 = arith.constant 0 : i32
    %dma_wait3A_1949 = arith.constant 0 : i32
    %dma_wait3A_1950 = tpu.memref_slice %arg4[%dma_wait3A_1948, %dma_wait3A_1949] : memref<8192x64xf32, #tpu.memory_space<hbm>> -> memref<8192x64xf32, #tpu.memory_space<hbm>>
    tpu.wait_indirect_dma semaphore(%arg23 : memref<!tpu.dma_semaphore, #tpu.memory_space<semaphore_mem>>) src(%dma_wait3A_1950 : memref<8192x64xf32, #tpu.memory_space<hbm>>) dst(%dma_wait3A_1944 : memref<128x64xf32, #tpu.memory_space<vmem>>)
    %dma_wait3A_1951 = arith.constant 0 : i32
    %dma_wait3A_1952 = arith.constant 0 : i32
    %dma_wait3A_1953 = arith.constant 0 : i32
    %dma_wait3A_1954 = tpu.memref_slice %arg20[%dma_wait3A_1952, %dma_wait3A_1953] : memref<768x16xf32, #tpu.memory_space<vmem>> -> memref<128x16xf32, #tpu.memory_space<vmem>>
    %dma_wait3A_1955 = arith.constant 0 : i32
    %dma_wait3A_1956 = tpu.memref_slice %arg18[%dma_wait3A_1951, %dma_wait3A_1955] : memref<6x128xi32, #tpu.memory_space<vmem>> -> memref<1x128xi32, #tpu.memory_space<vmem>>
    %dma_wait3A_1957 = tpu.memref_squeeze %dma_wait3A_1956 : memref<1x128xi32, #tpu.memory_space<vmem>> -> memref<128xi32, #tpu.memory_space<vmem>>
    %dma_wait3A_1958 = arith.constant 0 : i32
    %dma_wait3A_1959 = arith.constant 0 : i32
    %dma_wait3A_1960 = tpu.memref_slice %arg5[%dma_wait3A_1958, %dma_wait3A_1959] : memref<8192x16xf32, #tpu.memory_space<hbm>> -> memref<8192x16xf32, #tpu.memory_space<hbm>>
    tpu.wait_indirect_dma semaphore(%arg23 : memref<!tpu.dma_semaphore, #tpu.memory_space<semaphore_mem>>) src(%dma_wait3A_1960 : memref<8192x16xf32, #tpu.memory_space<hbm>>) dst(%dma_wait3A_1954 : memref<128x16xf32, #tpu.memory_space<vmem>>)
    %dma_wait3A_1961 = arith.constant 1 : i32
    %dma_wait3A_1962 = arith.constant 128 : i32
    %dma_wait3A_1963 = arith.constant 0 : i32
    %dma_wait3A_1964 = tpu.memref_slice %arg19[%dma_wait3A_1962, %dma_wait3A_1963] : memref<768x64xf32, #tpu.memory_space<vmem>> -> memref<128x64xf32, #tpu.memory_space<vmem>>
    %dma_wait3A_1965 = arith.constant 0 : i32
    %dma_wait3A_1966 = tpu.memref_slice %arg18[%dma_wait3A_1961, %dma_wait3A_1965] : memref<6x128xi32, #tpu.memory_space<vmem>> -> memref<1x128xi32, #tpu.memory_space<vmem>>
    %dma_wait3A_1967 = tpu.memref_squeeze %dma_wait3A_1966 : memref<1x128xi32, #tpu.memory_space<vmem>> -> memref<128xi32, #tpu.memory_space<vmem>>
    %dma_wait3A_1968 = arith.constant 0 : i32
    %dma_wait3A_1969 = arith.constant 0 : i32
    %dma_wait3A_1970 = tpu.memref_slice %arg4[%dma_wait3A_1968, %dma_wait3A_1969] : memref<8192x64xf32, #tpu.memory_space<hbm>> -> memref<8192x64xf32, #tpu.memory_space<hbm>>
    tpu.wait_indirect_dma semaphore(%arg23 : memref<!tpu.dma_semaphore, #tpu.memory_space<semaphore_mem>>) src(%dma_wait3A_1970 : memref<8192x64xf32, #tpu.memory_space<hbm>>) dst(%dma_wait3A_1964 : memref<128x64xf32, #tpu.memory_space<vmem>>)
    %dma_wait3A_1971 = arith.constant 1 : i32
    %dma_wait3A_1972 = arith.constant 128 : i32
    %dma_wait3A_1973 = arith.constant 0 : i32
    %dma_wait3A_1974 = tpu.memref_slice %arg20[%dma_wait3A_1972, %dma_wait3A_1973] : memref<768x16xf32, #tpu.memory_space<vmem>> -> memref<128x16xf32, #tpu.memory_space<vmem>>
    %dma_wait3A_1975 = arith.constant 0 : i32
    %dma_wait3A_1976 = tpu.memref_slice %arg18[%dma_wait3A_1971, %dma_wait3A_1975] : memref<6x128xi32, #tpu.memory_space<vmem>> -> memref<1x128xi32, #tpu.memory_space<vmem>>
    %dma_wait3A_1977 = tpu.memref_squeeze %dma_wait3A_1976 : memref<1x128xi32, #tpu.memory_space<vmem>> -> memref<128xi32, #tpu.memory_space<vmem>>
    %dma_wait3A_1978 = arith.constant 0 : i32
    %dma_wait3A_1979 = arith.constant 0 : i32
    %dma_wait3A_1980 = tpu.memref_slice %arg5[%dma_wait3A_1978, %dma_wait3A_1979] : memref<8192x16xf32, #tpu.memory_space<hbm>> -> memref<8192x16xf32, #tpu.memory_space<hbm>>
    tpu.wait_indirect_dma semaphore(%arg23 : memref<!tpu.dma_semaphore, #tpu.memory_space<semaphore_mem>>) src(%dma_wait3A_1980 : memref<8192x16xf32, #tpu.memory_space<hbm>>) dst(%dma_wait3A_1974 : memref<128x16xf32, #tpu.memory_space<vmem>>)
    %dma_wait3A_1981 = arith.constant 2 : i32
    %dma_wait3A_1982 = arith.constant 256 : i32
    %dma_wait3A_1983 = arith.constant 0 : i32
    %dma_wait3A_1984 = tpu.memref_slice %arg19[%dma_wait3A_1982, %dma_wait3A_1983] : memref<768x64xf32, #tpu.memory_space<vmem>> -> memref<128x64xf32, #tpu.memory_space<vmem>>
    %dma_wait3A_1985 = arith.constant 0 : i32
    %dma_wait3A_1986 = tpu.memref_slice %arg18[%dma_wait3A_1981, %dma_wait3A_1985] : memref<6x128xi32, #tpu.memory_space<vmem>> -> memref<1x128xi32, #tpu.memory_space<vmem>>
    %dma_wait3A_1987 = tpu.memref_squeeze %dma_wait3A_1986 : memref<1x128xi32, #tpu.memory_space<vmem>> -> memref<128xi32, #tpu.memory_space<vmem>>
    %dma_wait3A_1988 = arith.constant 0 : i32
    %dma_wait3A_1989 = arith.constant 0 : i32
    %dma_wait3A_1990 = tpu.memref_slice %arg4[%dma_wait3A_1988, %dma_wait3A_1989] : memref<8192x64xf32, #tpu.memory_space<hbm>> -> memref<8192x64xf32, #tpu.memory_space<hbm>>
    tpu.wait_indirect_dma semaphore(%arg23 : memref<!tpu.dma_semaphore, #tpu.memory_space<semaphore_mem>>) src(%dma_wait3A_1990 : memref<8192x64xf32, #tpu.memory_space<hbm>>) dst(%dma_wait3A_1984 : memref<128x64xf32, #tpu.memory_space<vmem>>)
    %dma_wait3A_1991 = arith.constant 2 : i32
    %dma_wait3A_1992 = arith.constant 256 : i32
    %dma_wait3A_1993 = arith.constant 0 : i32
    %dma_wait3A_1994 = tpu.memref_slice %arg20[%dma_wait3A_1992, %dma_wait3A_1993] : memref<768x16xf32, #tpu.memory_space<vmem>> -> memref<128x16xf32, #tpu.memory_space<vmem>>
    %dma_wait3A_1995 = arith.constant 0 : i32
    %dma_wait3A_1996 = tpu.memref_slice %arg18[%dma_wait3A_1991, %dma_wait3A_1995] : memref<6x128xi32, #tpu.memory_space<vmem>> -> memref<1x128xi32, #tpu.memory_space<vmem>>
    %dma_wait3A_1997 = tpu.memref_squeeze %dma_wait3A_1996 : memref<1x128xi32, #tpu.memory_space<vmem>> -> memref<128xi32, #tpu.memory_space<vmem>>
    %dma_wait3A_1998 = arith.constant 0 : i32
    %dma_wait3A_1999 = arith.constant 0 : i32
    %dma_wait3A_2000 = tpu.memref_slice %arg5[%dma_wait3A_1998, %dma_wait3A_1999] : memref<8192x16xf32, #tpu.memory_space<hbm>> -> memref<8192x16xf32, #tpu.memory_space<hbm>>
    tpu.wait_indirect_dma semaphore(%arg23 : memref<!tpu.dma_semaphore, #tpu.memory_space<semaphore_mem>>) src(%dma_wait3A_2000 : memref<8192x16xf32, #tpu.memory_space<hbm>>) dst(%dma_wait3A_1994 : memref<128x16xf32, #tpu.memory_space<vmem>>)
    %dma_wait3A_2001 = arith.constant 3 : i32
    %dma_wait3A_2002 = arith.constant 384 : i32
    %dma_wait3A_2003 = arith.constant 0 : i32
    %dma_wait3A_2004 = tpu.memref_slice %arg19[%dma_wait3A_2002, %dma_wait3A_2003] : memref<768x64xf32, #tpu.memory_space<vmem>> -> memref<128x64xf32, #tpu.memory_space<vmem>>
    %dma_wait3A_2005 = arith.constant 0 : i32
    %dma_wait3A_2006 = tpu.memref_slice %arg18[%dma_wait3A_2001, %dma_wait3A_2005] : memref<6x128xi32, #tpu.memory_space<vmem>> -> memref<1x128xi32, #tpu.memory_space<vmem>>
    %dma_wait3A_2007 = tpu.memref_squeeze %dma_wait3A_2006 : memref<1x128xi32, #tpu.memory_space<vmem>> -> memref<128xi32, #tpu.memory_space<vmem>>
    %dma_wait3A_2008 = arith.constant 0 : i32
    %dma_wait3A_2009 = arith.constant 0 : i32
    %dma_wait3A_2010 = tpu.memref_slice %arg4[%dma_wait3A_2008, %dma_wait3A_2009] : memref<8192x64xf32, #tpu.memory_space<hbm>> -> memref<8192x64xf32, #tpu.memory_space<hbm>>
    tpu.wait_indirect_dma semaphore(%arg23 : memref<!tpu.dma_semaphore, #tpu.memory_space<semaphore_mem>>) src(%dma_wait3A_2010 : memref<8192x64xf32, #tpu.memory_space<hbm>>) dst(%dma_wait3A_2004 : memref<128x64xf32, #tpu.memory_space<vmem>>)
    %dma_wait3A_2011 = arith.constant 3 : i32
    %dma_wait3A_2012 = arith.constant 384 : i32
    %dma_wait3A_2013 = arith.constant 0 : i32
    %dma_wait3A_2014 = tpu.memref_slice %arg20[%dma_wait3A_2012, %dma_wait3A_2013] : memref<768x16xf32, #tpu.memory_space<vmem>> -> memref<128x16xf32, #tpu.memory_space<vmem>>
    %dma_wait3A_2015 = arith.constant 0 : i32
    %dma_wait3A_2016 = tpu.memref_slice %arg18[%dma_wait3A_2011, %dma_wait3A_2015] : memref<6x128xi32, #tpu.memory_space<vmem>> -> memref<1x128xi32, #tpu.memory_space<vmem>>
    %dma_wait3A_2017 = tpu.memref_squeeze %dma_wait3A_2016 : memref<1x128xi32, #tpu.memory_space<vmem>> -> memref<128xi32, #tpu.memory_space<vmem>>
    %dma_wait3A_2018 = arith.constant 0 : i32
    %dma_wait3A_2019 = arith.constant 0 : i32
    %dma_wait3A_2020 = tpu.memref_slice %arg5[%dma_wait3A_2018, %dma_wait3A_2019] : memref<8192x16xf32, #tpu.memory_space<hbm>> -> memref<8192x16xf32, #tpu.memory_space<hbm>>
    tpu.wait_indirect_dma semaphore(%arg23 : memref<!tpu.dma_semaphore, #tpu.memory_space<semaphore_mem>>) src(%dma_wait3A_2020 : memref<8192x16xf32, #tpu.memory_space<hbm>>) dst(%dma_wait3A_2014 : memref<128x16xf32, #tpu.memory_space<vmem>>)
    %dma_wait3A_2021 = arith.constant 4 : i32
    %dma_wait3A_2022 = arith.constant 512 : i32
    %dma_wait3A_2023 = arith.constant 0 : i32
    %dma_wait3A_2024 = tpu.memref_slice %arg19[%dma_wait3A_2022, %dma_wait3A_2023] : memref<768x64xf32, #tpu.memory_space<vmem>> -> memref<128x64xf32, #tpu.memory_space<vmem>>
    %dma_wait3A_2025 = arith.constant 0 : i32
    %dma_wait3A_2026 = tpu.memref_slice %arg18[%dma_wait3A_2021, %dma_wait3A_2025] : memref<6x128xi32, #tpu.memory_space<vmem>> -> memref<1x128xi32, #tpu.memory_space<vmem>>
    %dma_wait3A_2027 = tpu.memref_squeeze %dma_wait3A_2026 : memref<1x128xi32, #tpu.memory_space<vmem>> -> memref<128xi32, #tpu.memory_space<vmem>>
    %dma_wait3A_2028 = arith.constant 0 : i32
    %dma_wait3A_2029 = arith.constant 0 : i32
    %dma_wait3A_2030 = tpu.memref_slice %arg4[%dma_wait3A_2028, %dma_wait3A_2029] : memref<8192x64xf32, #tpu.memory_space<hbm>> -> memref<8192x64xf32, #tpu.memory_space<hbm>>
    tpu.wait_indirect_dma semaphore(%arg23 : memref<!tpu.dma_semaphore, #tpu.memory_space<semaphore_mem>>) src(%dma_wait3A_2030 : memref<8192x64xf32, #tpu.memory_space<hbm>>) dst(%dma_wait3A_2024 : memref<128x64xf32, #tpu.memory_space<vmem>>)
    %dma_wait3A_2031 = arith.constant 4 : i32
    %dma_wait3A_2032 = arith.constant 512 : i32
    %dma_wait3A_2033 = arith.constant 0 : i32
    %dma_wait3A_2034 = tpu.memref_slice %arg20[%dma_wait3A_2032, %dma_wait3A_2033] : memref<768x16xf32, #tpu.memory_space<vmem>> -> memref<128x16xf32, #tpu.memory_space<vmem>>
    %dma_wait3A_2035 = arith.constant 0 : i32
    %dma_wait3A_2036 = tpu.memref_slice %arg18[%dma_wait3A_2031, %dma_wait3A_2035] : memref<6x128xi32, #tpu.memory_space<vmem>> -> memref<1x128xi32, #tpu.memory_space<vmem>>
    %dma_wait3A_2037 = tpu.memref_squeeze %dma_wait3A_2036 : memref<1x128xi32, #tpu.memory_space<vmem>> -> memref<128xi32, #tpu.memory_space<vmem>>
    %dma_wait3A_2038 = arith.constant 0 : i32
    %dma_wait3A_2039 = arith.constant 0 : i32
    %dma_wait3A_2040 = tpu.memref_slice %arg5[%dma_wait3A_2038, %dma_wait3A_2039] : memref<8192x16xf32, #tpu.memory_space<hbm>> -> memref<8192x16xf32, #tpu.memory_space<hbm>>
    tpu.wait_indirect_dma semaphore(%arg23 : memref<!tpu.dma_semaphore, #tpu.memory_space<semaphore_mem>>) src(%dma_wait3A_2040 : memref<8192x16xf32, #tpu.memory_space<hbm>>) dst(%dma_wait3A_2034 : memref<128x16xf32, #tpu.memory_space<vmem>>)
    %dma_wait3A_2041 = arith.constant 5 : i32
    %dma_wait3A_2042 = arith.constant 640 : i32
    %dma_wait3A_2043 = arith.constant 0 : i32
    %dma_wait3A_2044 = tpu.memref_slice %arg19[%dma_wait3A_2042, %dma_wait3A_2043] : memref<768x64xf32, #tpu.memory_space<vmem>> -> memref<128x64xf32, #tpu.memory_space<vmem>>
    %dma_wait3A_2045 = arith.constant 0 : i32
    %dma_wait3A_2046 = tpu.memref_slice %arg18[%dma_wait3A_2041, %dma_wait3A_2045] : memref<6x128xi32, #tpu.memory_space<vmem>> -> memref<1x128xi32, #tpu.memory_space<vmem>>
    %dma_wait3A_2047 = tpu.memref_squeeze %dma_wait3A_2046 : memref<1x128xi32, #tpu.memory_space<vmem>> -> memref<128xi32, #tpu.memory_space<vmem>>
    %dma_wait3A_2048 = arith.constant 0 : i32
    %dma_wait3A_2049 = arith.constant 0 : i32
    %dma_wait3A_2050 = tpu.memref_slice %arg4[%dma_wait3A_2048, %dma_wait3A_2049] : memref<8192x64xf32, #tpu.memory_space<hbm>> -> memref<8192x64xf32, #tpu.memory_space<hbm>>
    tpu.wait_indirect_dma semaphore(%arg23 : memref<!tpu.dma_semaphore, #tpu.memory_space<semaphore_mem>>) src(%dma_wait3A_2050 : memref<8192x64xf32, #tpu.memory_space<hbm>>) dst(%dma_wait3A_2044 : memref<128x64xf32, #tpu.memory_space<vmem>>)
    %dma_wait3A_2051 = arith.constant 5 : i32
    %dma_wait3A_2052 = arith.constant 640 : i32
    %dma_wait3A_2053 = arith.constant 0 : i32
    %dma_wait3A_2054 = tpu.memref_slice %arg20[%dma_wait3A_2052, %dma_wait3A_2053] : memref<768x16xf32, #tpu.memory_space<vmem>> -> memref<128x16xf32, #tpu.memory_space<vmem>>
    %dma_wait3A_2055 = arith.constant 0 : i32
    %dma_wait3A_2056 = tpu.memref_slice %arg18[%dma_wait3A_2051, %dma_wait3A_2055] : memref<6x128xi32, #tpu.memory_space<vmem>> -> memref<1x128xi32, #tpu.memory_space<vmem>>
    %dma_wait3A_2057 = tpu.memref_squeeze %dma_wait3A_2056 : memref<1x128xi32, #tpu.memory_space<vmem>> -> memref<128xi32, #tpu.memory_space<vmem>>
    %dma_wait3A_2058 = arith.constant 0 : i32
    %dma_wait3A_2059 = arith.constant 0 : i32
    %dma_wait3A_2060 = tpu.memref_slice %arg5[%dma_wait3A_2058, %dma_wait3A_2059] : memref<8192x16xf32, #tpu.memory_space<hbm>> -> memref<8192x16xf32, #tpu.memory_space<hbm>>
    tpu.wait_indirect_dma semaphore(%arg23 : memref<!tpu.dma_semaphore, #tpu.memory_space<semaphore_mem>>) src(%dma_wait3A_2060 : memref<8192x16xf32, #tpu.memory_space<hbm>>) dst(%dma_wait3A_2054 : memref<128x16xf32, #tpu.memory_space<vmem>>)
    "tpu.region"() ({
      %run_scoped3A = tpu.sem_alloc : memref<!tpu.dma_semaphore, #tpu.memory_space<semaphore_mem>>
      %dma_start3A_2353 = arith.constant 0 : i32
      %dma_start3A_2354 = tpu.memref_slice %arg8[%multiple_of3A_814, %dma_start3A_2353] : memref<24576x64xf32, #tpu.memory_space<hbm>> -> memref<768x64xf32, #tpu.memory_space<hbm>>
      %dma_start3A_2355 = arith.constant 0 : i32
      %dma_start3A_2356 = tpu.memref_slice %arg8[%multiple_of3A_814, %dma_start3A_2355] : memref<24576x64xf32, #tpu.memory_space<hbm>> -> memref<768x64xf32, #tpu.memory_space<hbm>>
      tpu.enqueue_dma source(%arg19 : memref<768x64xf32, #tpu.memory_space<vmem>>) target(%dma_start3A_2356 : memref<768x64xf32, #tpu.memory_space<hbm>>) target_semaphore(%run_scoped3A : memref<!tpu.dma_semaphore, #tpu.memory_space<semaphore_mem>>)
      %dma_wait3A_2357 = arith.constant 0 : i32
      %dma_wait3A_2358 = tpu.memref_slice %arg8[%multiple_of3A_814, %dma_wait3A_2357] : memref<24576x64xf32, #tpu.memory_space<hbm>> -> memref<768x64xf32, #tpu.memory_space<hbm>>
      %dma_wait3A_2359 = arith.constant 0 : i32
      %dma_wait3A_2360 = tpu.memref_slice %arg8[%multiple_of3A_814, %dma_wait3A_2359] : memref<24576x64xf32, #tpu.memory_space<hbm>> -> memref<768x64xf32, #tpu.memory_space<hbm>>
      tpu.wait_dma2 semaphore(%run_scoped3A : memref<!tpu.dma_semaphore, #tpu.memory_space<semaphore_mem>>) src(%arg19 : memref<768x64xf32, #tpu.memory_space<vmem>>) dst(%dma_wait3A_2360 : memref<768x64xf32, #tpu.memory_space<hbm>>)
      tpu.yield
    }) : () -> ()
    "tpu.region"() ({
      %run_scoped3A = tpu.sem_alloc : memref<!tpu.dma_semaphore, #tpu.memory_space<semaphore_mem>>
      %dma_start3A_2353 = arith.constant 0 : i32
      %dma_start3A_2354 = tpu.memref_slice %arg9[%multiple_of3A_814, %dma_start3A_2353] : memref<24576x16xf32, #tpu.memory_space<hbm>> -> memref<768x16xf32, #tpu.memory_space<hbm>>
      %dma_start3A_2355 = arith.constant 0 : i32
      %dma_start3A_2356 = tpu.memref_slice %arg9[%multiple_of3A_814, %dma_start3A_2355] : memref<24576x16xf32, #tpu.memory_space<hbm>> -> memref<768x16xf32, #tpu.memory_space<hbm>>
      tpu.enqueue_dma source(%arg20 : memref<768x16xf32, #tpu.memory_space<vmem>>) target(%dma_start3A_2356 : memref<768x16xf32, #tpu.memory_space<hbm>>) target_semaphore(%run_scoped3A : memref<!tpu.dma_semaphore, #tpu.memory_space<semaphore_mem>>)
      %dma_wait3A_2357 = arith.constant 0 : i32
      %dma_wait3A_2358 = tpu.memref_slice %arg9[%multiple_of3A_814, %dma_wait3A_2357] : memref<24576x16xf32, #tpu.memory_space<hbm>> -> memref<768x16xf32, #tpu.memory_space<hbm>>
      %dma_wait3A_2359 = arith.constant 0 : i32
      %dma_wait3A_2360 = tpu.memref_slice %arg9[%multiple_of3A_814, %dma_wait3A_2359] : memref<24576x16xf32, #tpu.memory_space<hbm>> -> memref<768x16xf32, #tpu.memory_space<hbm>>
      tpu.wait_dma2 semaphore(%run_scoped3A : memref<!tpu.dma_semaphore, #tpu.memory_space<semaphore_mem>>) src(%arg20 : memref<768x16xf32, #tpu.memory_space<vmem>>) dst(%dma_wait3A_2360 : memref<768x16xf32, #tpu.memory_space<hbm>>)
      tpu.yield
    }) : () -> ()
    %broadcast_in_dim3A_2061 = arith.constant 0 : i32
    %broadcast_in_dim3A_2062 = vector.broadcast %broadcast_in_dim3A_2061 : i32 to vector<16xi32>
    %get3A_2063 = arith.constant 0 : i32
    %get3A_2064 = arith.index_cast %get3A_2063 : i32 to index
    %get3A_2065 = arith.constant 0 : index
    %get3A_2066 = tpu.vector_load %arg18[%get3A_2064, %get3A_2065] {strides = array<i32>} : memref<6x128xi32, #tpu.memory_space<vmem>>, vector<16xi32>,
    %eq3A_2067 = arith.constant 0 : i32
    %eq3A_2068 = vector.broadcast %eq3A_2067 : i32 to vector<16xi32>
    %eq3A_2069 = arith.cmpi eq, %iota3A, %eq3A_2068 : vector<16xi32>
    %jit3A_2070 = arith.constant 0 : i32
    %broadcast_in_dim3A_2071 = vector.broadcast %jit3A_2070 : i32 to vector<16xi32>
    %select_n3A_2072 = arith.select %eq3A_2069, %get3A_2066, %broadcast_in_dim3A_2071 : vector<16xi1>, vector<16xi32>
    %reduce_sum3A_2073 = arith.constant true
    %reduce_sum3A_2074 = vector.broadcast %reduce_sum3A_2073 : i1 to vector<16xi1>
    %reduce_sum3A_2075 = tpu.scan <sum>, %select_n3A_2072 masked %reduce_sum3A_2074 : vector<16xi32>, vector<16xi1> -> vector<16xi32>
    %reduce_sum3A_2076 = vector.extract %reduce_sum3A_2075[15] : i32 from vector<16xi32>
    %broadcast_in_dim3A_2077 = arith.constant 0 : i32
    %broadcast_in_dim3A_2078 = vector.broadcast %broadcast_in_dim3A_2077 : i32 to vector<16xi32>
    %add3A_2079 = vector.broadcast %reduce_sum3A_2076 : i32 to vector<16xi32>
    %add3A_2080 = arith.addi %broadcast_in_dim3A_2078, %add3A_2079 : vector<16xi32>
    %gather3A_2081 = tpu.vector_load_idx %arg10[%add3A_2080] : memref<8192xf32, #tpu.memory_space<vmem>>[vector<16xi32>], vector<16xf32>,
    %gather3A_2082 = tpu.vector_load_idx %arg11[%add3A_2080] : memref<8192xf32, #tpu.memory_space<vmem>>[vector<16xi32>], vector<16xf32>,
    %mul3A_2083 = arith.constant 8.000000e+00 : f32
    %mul3A_2084 = vector.broadcast %mul3A_2083 : f32 to vector<16xf32>
    %mul3A_2085 = arith.mulf %gather3A_2081, %mul3A_2084 : vector<16xf32>
    %jit3A_2086 = arith.constant 0.000000e+00 : f32
    %jit3A_2087 = arith.constant 7.000000e+00 : f32
    %max3A = vector.broadcast %jit3A_2086 : f32 to vector<16xf32>
    %max3A_2088 = arith.maximumf %max3A, %mul3A_2085 : vector<16xf32>
    %min3A = vector.broadcast %jit3A_2087 : f32 to vector<16xf32>
    %min3A_2089 = arith.minimumf %min3A, %max3A_2088 : vector<16xf32>
    %mul3A_2090 = arith.constant 8.000000e+00 : f32
    %mul3A_2091 = vector.broadcast %mul3A_2090 : f32 to vector<16xf32>
    %mul3A_2092 = arith.mulf %gather3A_2082, %mul3A_2091 : vector<16xf32>
    %jit3A_2093 = arith.constant 0.000000e+00 : f32
    %jit3A_2094 = arith.constant 7.000000e+00 : f32
    %max3A_2095 = vector.broadcast %jit3A_2093 : f32 to vector<16xf32>
    %max3A_2096 = arith.maximumf %max3A_2095, %mul3A_2092 : vector<16xf32>
    %min3A_2097 = vector.broadcast %jit3A_2094 : f32 to vector<16xf32>
    %min3A_2098 = arith.minimumf %min3A_2097, %max3A_2096 : vector<16xf32>
    %convert_element_type3A = arith.fptosi %min3A_2089 : vector<16xf32> to vector<16xi32>
    %mul3A_2099 = arith.constant 8 : i32
    %mul3A_2100 = vector.broadcast %mul3A_2099 : i32 to vector<16xi32>
    %mul3A_2101 = arith.muli %convert_element_type3A, %mul3A_2100 : vector<16xi32>
    %convert_element_type3A_2102 = arith.fptosi %min3A_2098 : vector<16xf32> to vector<16xi32>
    %add3A_2103 = arith.addi %mul3A_2101, %convert_element_type3A_2102 : vector<16xi32>
    %eq3A_2104 = arith.constant 0 : i32
    %eq3A_2105 = vector.broadcast %eq3A_2104 : i32 to vector<16xi32>
    %eq3A_2106 = arith.cmpi eq, %iota3A, %eq3A_2105 : vector<16xi32>
    %select_n3A_2107 = arith.select %eq3A_2106, %add3A_2103, %broadcast_in_dim3A_2062 : vector<16xi1>, vector<16xi32>
    %get3A_2108 = arith.constant 1 : i32
    %get3A_2109 = arith.index_cast %get3A_2108 : i32 to index
    %get3A_2110 = arith.constant 0 : index
    %get3A_2111 = tpu.vector_load %arg18[%get3A_2109, %get3A_2110] {strides = array<i32>} : memref<6x128xi32, #tpu.memory_space<vmem>>, vector<16xi32>,
    %eq3A_2112 = arith.constant 0 : i32
    %eq3A_2113 = vector.broadcast %eq3A_2112 : i32 to vector<16xi32>
    %eq3A_2114 = arith.cmpi eq, %iota3A, %eq3A_2113 : vector<16xi32>
    %jit3A_2115 = arith.constant 0 : i32
    %broadcast_in_dim3A_2116 = vector.broadcast %jit3A_2115 : i32 to vector<16xi32>
    %select_n3A_2117 = arith.select %eq3A_2114, %get3A_2111, %broadcast_in_dim3A_2116 : vector<16xi1>, vector<16xi32>
    %reduce_sum3A_2118 = arith.constant true
    %reduce_sum3A_2119 = vector.broadcast %reduce_sum3A_2118 : i1 to vector<16xi1>
    %reduce_sum3A_2120 = tpu.scan <sum>, %select_n3A_2117 masked %reduce_sum3A_2119 : vector<16xi32>, vector<16xi1> -> vector<16xi32>
    %reduce_sum3A_2121 = vector.extract %reduce_sum3A_2120[15] : i32 from vector<16xi32>
    %broadcast_in_dim3A_2122 = arith.constant 0 : i32
    %broadcast_in_dim3A_2123 = vector.broadcast %broadcast_in_dim3A_2122 : i32 to vector<16xi32>
    %add3A_2124 = vector.broadcast %reduce_sum3A_2121 : i32 to vector<16xi32>
    %add3A_2125 = arith.addi %broadcast_in_dim3A_2123, %add3A_2124 : vector<16xi32>
    %gather3A_2126 = tpu.vector_load_idx %arg10[%add3A_2125] : memref<8192xf32, #tpu.memory_space<vmem>>[vector<16xi32>], vector<16xf32>,
    %gather3A_2127 = tpu.vector_load_idx %arg11[%add3A_2125] : memref<8192xf32, #tpu.memory_space<vmem>>[vector<16xi32>], vector<16xf32>,
    %mul3A_2128 = arith.constant 8.000000e+00 : f32
    %mul3A_2129 = vector.broadcast %mul3A_2128 : f32 to vector<16xf32>
    %mul3A_2130 = arith.mulf %gather3A_2126, %mul3A_2129 : vector<16xf32>
    %jit3A_2131 = arith.constant 0.000000e+00 : f32
    %jit3A_2132 = arith.constant 7.000000e+00 : f32
    %max3A_2133 = vector.broadcast %jit3A_2131 : f32 to vector<16xf32>
    %max3A_2134 = arith.maximumf %max3A_2133, %mul3A_2130 : vector<16xf32>
    %min3A_2135 = vector.broadcast %jit3A_2132 : f32 to vector<16xf32>
    %min3A_2136 = arith.minimumf %min3A_2135, %max3A_2134 : vector<16xf32>
    %mul3A_2137 = arith.constant 8.000000e+00 : f32
    %mul3A_2138 = vector.broadcast %mul3A_2137 : f32 to vector<16xf32>
    %mul3A_2139 = arith.mulf %gather3A_2127, %mul3A_2138 : vector<16xf32>
    %jit3A_2140 = arith.constant 0.000000e+00 : f32
    %jit3A_2141 = arith.constant 7.000000e+00 : f32
    %max3A_2142 = vector.broadcast %jit3A_2140 : f32 to vector<16xf32>
    %max3A_2143 = arith.maximumf %max3A_2142, %mul3A_2139 : vector<16xf32>
    %min3A_2144 = vector.broadcast %jit3A_2141 : f32 to vector<16xf32>
    %min3A_2145 = arith.minimumf %min3A_2144, %max3A_2143 : vector<16xf32>
    %convert_element_type3A_2146 = arith.fptosi %min3A_2136 : vector<16xf32> to vector<16xi32>
    %mul3A_2147 = arith.constant 8 : i32
    %mul3A_2148 = vector.broadcast %mul3A_2147 : i32 to vector<16xi32>
    %mul3A_2149 = arith.muli %convert_element_type3A_2146, %mul3A_2148 : vector<16xi32>
    %convert_element_type3A_2150 = arith.fptosi %min3A_2145 : vector<16xf32> to vector<16xi32>
    %add3A_2151 = arith.addi %mul3A_2149, %convert_element_type3A_2150 : vector<16xi32>
    %eq3A_2152 = arith.constant 1 : i32
    %eq3A_2153 = vector.broadcast %eq3A_2152 : i32 to vector<16xi32>
    %eq3A_2154 = arith.cmpi eq, %iota3A, %eq3A_2153 : vector<16xi32>
    %select_n3A_2155 = arith.select %eq3A_2154, %add3A_2151, %select_n3A_2107 : vector<16xi1>, vector<16xi32>
    %get3A_2156 = arith.constant 2 : i32
    %get3A_2157 = arith.index_cast %get3A_2156 : i32 to index
    %get3A_2158 = arith.constant 0 : index
    %get3A_2159 = tpu.vector_load %arg18[%get3A_2157, %get3A_2158] {strides = array<i32>} : memref<6x128xi32, #tpu.memory_space<vmem>>, vector<16xi32>,
    %eq3A_2160 = arith.constant 0 : i32
    %eq3A_2161 = vector.broadcast %eq3A_2160 : i32 to vector<16xi32>
    %eq3A_2162 = arith.cmpi eq, %iota3A, %eq3A_2161 : vector<16xi32>
    %jit3A_2163 = arith.constant 0 : i32
    %broadcast_in_dim3A_2164 = vector.broadcast %jit3A_2163 : i32 to vector<16xi32>
    %select_n3A_2165 = arith.select %eq3A_2162, %get3A_2159, %broadcast_in_dim3A_2164 : vector<16xi1>, vector<16xi32>
    %reduce_sum3A_2166 = arith.constant true
    %reduce_sum3A_2167 = vector.broadcast %reduce_sum3A_2166 : i1 to vector<16xi1>
    %reduce_sum3A_2168 = tpu.scan <sum>, %select_n3A_2165 masked %reduce_sum3A_2167 : vector<16xi32>, vector<16xi1> -> vector<16xi32>
    %reduce_sum3A_2169 = vector.extract %reduce_sum3A_2168[15] : i32 from vector<16xi32>
    %broadcast_in_dim3A_2170 = arith.constant 0 : i32
    %broadcast_in_dim3A_2171 = vector.broadcast %broadcast_in_dim3A_2170 : i32 to vector<16xi32>
    %add3A_2172 = vector.broadcast %reduce_sum3A_2169 : i32 to vector<16xi32>
    %add3A_2173 = arith.addi %broadcast_in_dim3A_2171, %add3A_2172 : vector<16xi32>
    %gather3A_2174 = tpu.vector_load_idx %arg10[%add3A_2173] : memref<8192xf32, #tpu.memory_space<vmem>>[vector<16xi32>], vector<16xf32>,
    %gather3A_2175 = tpu.vector_load_idx %arg11[%add3A_2173] : memref<8192xf32, #tpu.memory_space<vmem>>[vector<16xi32>], vector<16xf32>,
    %mul3A_2176 = arith.constant 8.000000e+00 : f32
    %mul3A_2177 = vector.broadcast %mul3A_2176 : f32 to vector<16xf32>
    %mul3A_2178 = arith.mulf %gather3A_2174, %mul3A_2177 : vector<16xf32>
    %jit3A_2179 = arith.constant 0.000000e+00 : f32
    %jit3A_2180 = arith.constant 7.000000e+00 : f32
    %max3A_2181 = vector.broadcast %jit3A_2179 : f32 to vector<16xf32>
    %max3A_2182 = arith.maximumf %max3A_2181, %mul3A_2178 : vector<16xf32>
    %min3A_2183 = vector.broadcast %jit3A_2180 : f32 to vector<16xf32>
    %min3A_2184 = arith.minimumf %min3A_2183, %max3A_2182 : vector<16xf32>
    %mul3A_2185 = arith.constant 8.000000e+00 : f32
    %mul3A_2186 = vector.broadcast %mul3A_2185 : f32 to vector<16xf32>
    %mul3A_2187 = arith.mulf %gather3A_2175, %mul3A_2186 : vector<16xf32>
    %jit3A_2188 = arith.constant 0.000000e+00 : f32
    %jit3A_2189 = arith.constant 7.000000e+00 : f32
    %max3A_2190 = vector.broadcast %jit3A_2188 : f32 to vector<16xf32>
    %max3A_2191 = arith.maximumf %max3A_2190, %mul3A_2187 : vector<16xf32>
    %min3A_2192 = vector.broadcast %jit3A_2189 : f32 to vector<16xf32>
    %min3A_2193 = arith.minimumf %min3A_2192, %max3A_2191 : vector<16xf32>
    %convert_element_type3A_2194 = arith.fptosi %min3A_2184 : vector<16xf32> to vector<16xi32>
    %mul3A_2195 = arith.constant 8 : i32
    %mul3A_2196 = vector.broadcast %mul3A_2195 : i32 to vector<16xi32>
    %mul3A_2197 = arith.muli %convert_element_type3A_2194, %mul3A_2196 : vector<16xi32>
    %convert_element_type3A_2198 = arith.fptosi %min3A_2193 : vector<16xf32> to vector<16xi32>
    %add3A_2199 = arith.addi %mul3A_2197, %convert_element_type3A_2198 : vector<16xi32>
    %eq3A_2200 = arith.constant 2 : i32
    %eq3A_2201 = vector.broadcast %eq3A_2200 : i32 to vector<16xi32>
    %eq3A_2202 = arith.cmpi eq, %iota3A, %eq3A_2201 : vector<16xi32>
    %select_n3A_2203 = arith.select %eq3A_2202, %add3A_2199, %select_n3A_2155 : vector<16xi1>, vector<16xi32>
    %get3A_2204 = arith.constant 3 : i32
    %get3A_2205 = arith.index_cast %get3A_2204 : i32 to index
    %get3A_2206 = arith.constant 0 : index
    %get3A_2207 = tpu.vector_load %arg18[%get3A_2205, %get3A_2206] {strides = array<i32>} : memref<6x128xi32, #tpu.memory_space<vmem>>, vector<16xi32>,
    %eq3A_2208 = arith.constant 0 : i32
    %eq3A_2209 = vector.broadcast %eq3A_2208 : i32 to vector<16xi32>
    %eq3A_2210 = arith.cmpi eq, %iota3A, %eq3A_2209 : vector<16xi32>
    %jit3A_2211 = arith.constant 0 : i32
    %broadcast_in_dim3A_2212 = vector.broadcast %jit3A_2211 : i32 to vector<16xi32>
    %select_n3A_2213 = arith.select %eq3A_2210, %get3A_2207, %broadcast_in_dim3A_2212 : vector<16xi1>, vector<16xi32>
    %reduce_sum3A_2214 = arith.constant true
    %reduce_sum3A_2215 = vector.broadcast %reduce_sum3A_2214 : i1 to vector<16xi1>
    %reduce_sum3A_2216 = tpu.scan <sum>, %select_n3A_2213 masked %reduce_sum3A_2215 : vector<16xi32>, vector<16xi1> -> vector<16xi32>
    %reduce_sum3A_2217 = vector.extract %reduce_sum3A_2216[15] : i32 from vector<16xi32>
    %broadcast_in_dim3A_2218 = arith.constant 0 : i32
    %broadcast_in_dim3A_2219 = vector.broadcast %broadcast_in_dim3A_2218 : i32 to vector<16xi32>
    %add3A_2220 = vector.broadcast %reduce_sum3A_2217 : i32 to vector<16xi32>
    %add3A_2221 = arith.addi %broadcast_in_dim3A_2219, %add3A_2220 : vector<16xi32>
    %gather3A_2222 = tpu.vector_load_idx %arg10[%add3A_2221] : memref<8192xf32, #tpu.memory_space<vmem>>[vector<16xi32>], vector<16xf32>,
    %gather3A_2223 = tpu.vector_load_idx %arg11[%add3A_2221] : memref<8192xf32, #tpu.memory_space<vmem>>[vector<16xi32>], vector<16xf32>,
    %mul3A_2224 = arith.constant 8.000000e+00 : f32
    %mul3A_2225 = vector.broadcast %mul3A_2224 : f32 to vector<16xf32>
    %mul3A_2226 = arith.mulf %gather3A_2222, %mul3A_2225 : vector<16xf32>
    %jit3A_2227 = arith.constant 0.000000e+00 : f32
    %jit3A_2228 = arith.constant 7.000000e+00 : f32
    %max3A_2229 = vector.broadcast %jit3A_2227 : f32 to vector<16xf32>
    %max3A_2230 = arith.maximumf %max3A_2229, %mul3A_2226 : vector<16xf32>
    %min3A_2231 = vector.broadcast %jit3A_2228 : f32 to vector<16xf32>
    %min3A_2232 = arith.minimumf %min3A_2231, %max3A_2230 : vector<16xf32>
    %mul3A_2233 = arith.constant 8.000000e+00 : f32
    %mul3A_2234 = vector.broadcast %mul3A_2233 : f32 to vector<16xf32>
    %mul3A_2235 = arith.mulf %gather3A_2223, %mul3A_2234 : vector<16xf32>
    %jit3A_2236 = arith.constant 0.000000e+00 : f32
    %jit3A_2237 = arith.constant 7.000000e+00 : f32
    %max3A_2238 = vector.broadcast %jit3A_2236 : f32 to vector<16xf32>
    %max3A_2239 = arith.maximumf %max3A_2238, %mul3A_2235 : vector<16xf32>
    %min3A_2240 = vector.broadcast %jit3A_2237 : f32 to vector<16xf32>
    %min3A_2241 = arith.minimumf %min3A_2240, %max3A_2239 : vector<16xf32>
    %convert_element_type3A_2242 = arith.fptosi %min3A_2232 : vector<16xf32> to vector<16xi32>
    %mul3A_2243 = arith.constant 8 : i32
    %mul3A_2244 = vector.broadcast %mul3A_2243 : i32 to vector<16xi32>
    %mul3A_2245 = arith.muli %convert_element_type3A_2242, %mul3A_2244 : vector<16xi32>
    %convert_element_type3A_2246 = arith.fptosi %min3A_2241 : vector<16xf32> to vector<16xi32>
    %add3A_2247 = arith.addi %mul3A_2245, %convert_element_type3A_2246 : vector<16xi32>
    %eq3A_2248 = arith.constant 3 : i32
    %eq3A_2249 = vector.broadcast %eq3A_2248 : i32 to vector<16xi32>
    %eq3A_2250 = arith.cmpi eq, %iota3A, %eq3A_2249 : vector<16xi32>
    %select_n3A_2251 = arith.select %eq3A_2250, %add3A_2247, %select_n3A_2203 : vector<16xi1>, vector<16xi32>
    %get3A_2252 = arith.constant 4 : i32
    %get3A_2253 = arith.index_cast %get3A_2252 : i32 to index
    %get3A_2254 = arith.constant 0 : index
    %get3A_2255 = tpu.vector_load %arg18[%get3A_2253, %get3A_2254] {strides = array<i32>} : memref<6x128xi32, #tpu.memory_space<vmem>>, vector<16xi32>,
    %eq3A_2256 = arith.constant 0 : i32
    %eq3A_2257 = vector.broadcast %eq3A_2256 : i32 to vector<16xi32>
    %eq3A_2258 = arith.cmpi eq, %iota3A, %eq3A_2257 : vector<16xi32>
    %jit3A_2259 = arith.constant 0 : i32
    %broadcast_in_dim3A_2260 = vector.broadcast %jit3A_2259 : i32 to vector<16xi32>
    %select_n3A_2261 = arith.select %eq3A_2258, %get3A_2255, %broadcast_in_dim3A_2260 : vector<16xi1>, vector<16xi32>
    %reduce_sum3A_2262 = arith.constant true
    %reduce_sum3A_2263 = vector.broadcast %reduce_sum3A_2262 : i1 to vector<16xi1>
    %reduce_sum3A_2264 = tpu.scan <sum>, %select_n3A_2261 masked %reduce_sum3A_2263 : vector<16xi32>, vector<16xi1> -> vector<16xi32>
    %reduce_sum3A_2265 = vector.extract %reduce_sum3A_2264[15] : i32 from vector<16xi32>
    %broadcast_in_dim3A_2266 = arith.constant 0 : i32
    %broadcast_in_dim3A_2267 = vector.broadcast %broadcast_in_dim3A_2266 : i32 to vector<16xi32>
    %add3A_2268 = vector.broadcast %reduce_sum3A_2265 : i32 to vector<16xi32>
    %add3A_2269 = arith.addi %broadcast_in_dim3A_2267, %add3A_2268 : vector<16xi32>
    %gather3A_2270 = tpu.vector_load_idx %arg10[%add3A_2269] : memref<8192xf32, #tpu.memory_space<vmem>>[vector<16xi32>], vector<16xf32>,
    %gather3A_2271 = tpu.vector_load_idx %arg11[%add3A_2269] : memref<8192xf32, #tpu.memory_space<vmem>>[vector<16xi32>], vector<16xf32>,
    %mul3A_2272 = arith.constant 8.000000e+00 : f32
    %mul3A_2273 = vector.broadcast %mul3A_2272 : f32 to vector<16xf32>
    %mul3A_2274 = arith.mulf %gather3A_2270, %mul3A_2273 : vector<16xf32>
    %jit3A_2275 = arith.constant 0.000000e+00 : f32
    %jit3A_2276 = arith.constant 7.000000e+00 : f32
    %max3A_2277 = vector.broadcast %jit3A_2275 : f32 to vector<16xf32>
    %max3A_2278 = arith.maximumf %max3A_2277, %mul3A_2274 : vector<16xf32>
    %min3A_2279 = vector.broadcast %jit3A_2276 : f32 to vector<16xf32>
    %min3A_2280 = arith.minimumf %min3A_2279, %max3A_2278 : vector<16xf32>
    %mul3A_2281 = arith.constant 8.000000e+00 : f32
    %mul3A_2282 = vector.broadcast %mul3A_2281 : f32 to vector<16xf32>
    %mul3A_2283 = arith.mulf %gather3A_2271, %mul3A_2282 : vector<16xf32>
    %jit3A_2284 = arith.constant 0.000000e+00 : f32
    %jit3A_2285 = arith.constant 7.000000e+00 : f32
    %max3A_2286 = vector.broadcast %jit3A_2284 : f32 to vector<16xf32>
    %max3A_2287 = arith.maximumf %max3A_2286, %mul3A_2283 : vector<16xf32>
    %min3A_2288 = vector.broadcast %jit3A_2285 : f32 to vector<16xf32>
    %min3A_2289 = arith.minimumf %min3A_2288, %max3A_2287 : vector<16xf32>
    %convert_element_type3A_2290 = arith.fptosi %min3A_2280 : vector<16xf32> to vector<16xi32>
    %mul3A_2291 = arith.constant 8 : i32
    %mul3A_2292 = vector.broadcast %mul3A_2291 : i32 to vector<16xi32>
    %mul3A_2293 = arith.muli %convert_element_type3A_2290, %mul3A_2292 : vector<16xi32>
    %convert_element_type3A_2294 = arith.fptosi %min3A_2289 : vector<16xf32> to vector<16xi32>
    %add3A_2295 = arith.addi %mul3A_2293, %convert_element_type3A_2294 : vector<16xi32>
    %eq3A_2296 = arith.constant 4 : i32
    %eq3A_2297 = vector.broadcast %eq3A_2296 : i32 to vector<16xi32>
    %eq3A_2298 = arith.cmpi eq, %iota3A, %eq3A_2297 : vector<16xi32>
    %select_n3A_2299 = arith.select %eq3A_2298, %add3A_2295, %select_n3A_2251 : vector<16xi1>, vector<16xi32>
    %get3A_2300 = arith.constant 5 : i32
    %get3A_2301 = arith.index_cast %get3A_2300 : i32 to index
    %get3A_2302 = arith.constant 0 : index
    %get3A_2303 = tpu.vector_load %arg18[%get3A_2301, %get3A_2302] {strides = array<i32>} : memref<6x128xi32, #tpu.memory_space<vmem>>, vector<16xi32>,
    %eq3A_2304 = arith.constant 0 : i32
    %eq3A_2305 = vector.broadcast %eq3A_2304 : i32 to vector<16xi32>
    %eq3A_2306 = arith.cmpi eq, %iota3A, %eq3A_2305 : vector<16xi32>
    %jit3A_2307 = arith.constant 0 : i32
    %broadcast_in_dim3A_2308 = vector.broadcast %jit3A_2307 : i32 to vector<16xi32>
    %select_n3A_2309 = arith.select %eq3A_2306, %get3A_2303, %broadcast_in_dim3A_2308 : vector<16xi1>, vector<16xi32>
    %reduce_sum3A_2310 = arith.constant true
    %reduce_sum3A_2311 = vector.broadcast %reduce_sum3A_2310 : i1 to vector<16xi1>
    %reduce_sum3A_2312 = tpu.scan <sum>, %select_n3A_2309 masked %reduce_sum3A_2311 : vector<16xi32>, vector<16xi1> -> vector<16xi32>
    %reduce_sum3A_2313 = vector.extract %reduce_sum3A_2312[15] : i32 from vector<16xi32>
    %broadcast_in_dim3A_2314 = arith.constant 0 : i32
    %broadcast_in_dim3A_2315 = vector.broadcast %broadcast_in_dim3A_2314 : i32 to vector<16xi32>
    %add3A_2316 = vector.broadcast %reduce_sum3A_2313 : i32 to vector<16xi32>
    %add3A_2317 = arith.addi %broadcast_in_dim3A_2315, %add3A_2316 : vector<16xi32>
    %gather3A_2318 = tpu.vector_load_idx %arg10[%add3A_2317] : memref<8192xf32, #tpu.memory_space<vmem>>[vector<16xi32>], vector<16xf32>,
    %gather3A_2319 = tpu.vector_load_idx %arg11[%add3A_2317] : memref<8192xf32, #tpu.memory_space<vmem>>[vector<16xi32>], vector<16xf32>,
    %mul3A_2320 = arith.constant 8.000000e+00 : f32
    %mul3A_2321 = vector.broadcast %mul3A_2320 : f32 to vector<16xf32>
    %mul3A_2322 = arith.mulf %gather3A_2318, %mul3A_2321 : vector<16xf32>
    %jit3A_2323 = arith.constant 0.000000e+00 : f32
    %jit3A_2324 = arith.constant 7.000000e+00 : f32
    %max3A_2325 = vector.broadcast %jit3A_2323 : f32 to vector<16xf32>
    %max3A_2326 = arith.maximumf %max3A_2325, %mul3A_2322 : vector<16xf32>
    %min3A_2327 = vector.broadcast %jit3A_2324 : f32 to vector<16xf32>
    %min3A_2328 = arith.minimumf %min3A_2327, %max3A_2326 : vector<16xf32>
    %mul3A_2329 = arith.constant 8.000000e+00 : f32
    %mul3A_2330 = vector.broadcast %mul3A_2329 : f32 to vector<16xf32>
    %mul3A_2331 = arith.mulf %gather3A_2319, %mul3A_2330 : vector<16xf32>
    %jit3A_2332 = arith.constant 0.000000e+00 : f32
    %jit3A_2333 = arith.constant 7.000000e+00 : f32
    %max3A_2334 = vector.broadcast %jit3A_2332 : f32 to vector<16xf32>
    %max3A_2335 = arith.maximumf %max3A_2334, %mul3A_2331 : vector<16xf32>
    %min3A_2336 = vector.broadcast %jit3A_2333 : f32 to vector<16xf32>
    %min3A_2337 = arith.minimumf %min3A_2336, %max3A_2335 : vector<16xf32>
    %convert_element_type3A_2338 = arith.fptosi %min3A_2328 : vector<16xf32> to vector<16xi32>
    %mul3A_2339 = arith.constant 8 : i32
    %mul3A_2340 = vector.broadcast %mul3A_2339 : i32 to vector<16xi32>
    %mul3A_2341 = arith.muli %convert_element_type3A_2338, %mul3A_2340 : vector<16xi32>
    %convert_element_type3A_2342 = arith.fptosi %min3A_2337 : vector<16xf32> to vector<16xi32>
    %add3A_2343 = arith.addi %mul3A_2341, %convert_element_type3A_2342 : vector<16xi32>
    %eq3A_2344 = arith.constant 5 : i32
    %eq3A_2345 = vector.broadcast %eq3A_2344 : i32 to vector<16xi32>
    %eq3A_2346 = arith.cmpi eq, %iota3A, %eq3A_2345 : vector<16xi32>
    %select_n3A_2347 = arith.select %eq3A_2346, %add3A_2343, %select_n3A_2299 : vector<16xi1>, vector<16xi32>
    %swap3A_2348 = arith.constant 0 : index
    %swap3A_2349 = tpu.vector_load %arg21[%swap3A_2348] {strides = array<i32>} : memref<16xi32, #tpu.memory_space<vmem>>, vector<16xi32>,
    tpu.vector_store %arg21[%swap3A_2348], %select_n3A_2347 {strides = array<i32>} : memref<16xi32, #tpu.memory_space<vmem>>, vector<16xi32>,
    %mul3A_2350 = arith.constant 16 : i32
    %mul3A_2351 = arith.muli %mul3A_2350, %arg0 : i32
    %add3A_2352 = arith.addi %mul3A_2351, %arg1 : i32
    "tpu.region"() ({
      %run_scoped3A = tpu.sem_alloc : memref<!tpu.dma_semaphore, #tpu.memory_space<semaphore_mem>>
      %dma_start3A_2353 = arith.constant 0 : i32
      %dma_start3A_2354 = tpu.memref_slice %arg7[%add3A_2352, %dma_start3A_2353] : memref<32x16xi32, #tpu.memory_space<hbm>> -> memref<1x16xi32, #tpu.memory_space<hbm>>
      %dma_start3A_2355 = tpu.memref_squeeze %dma_start3A_2354 : memref<1x16xi32, #tpu.memory_space<hbm>> -> memref<16xi32, #tpu.memory_space<hbm>>
      %dma_start3A_2356 = arith.constant 0 : i32
      %dma_start3A_2357 = tpu.memref_slice %arg7[%add3A_2352, %dma_start3A_2356] : memref<32x16xi32, #tpu.memory_space<hbm>> -> memref<1x16xi32, #tpu.memory_space<hbm>>
      %dma_start3A_2358 = tpu.memref_squeeze %dma_start3A_2357 : memref<1x16xi32, #tpu.memory_space<hbm>> -> memref<16xi32, #tpu.memory_space<hbm>>
      tpu.enqueue_dma source(%arg21 : memref<16xi32, #tpu.memory_space<vmem>>) target(%dma_start3A_2358 : memref<16xi32, #tpu.memory_space<hbm>>) target_semaphore(%run_scoped3A : memref<!tpu.dma_semaphore, #tpu.memory_space<semaphore_mem>>)
      %dma_wait3A_2359 = arith.constant 0 : i32
      %dma_wait3A_2360 = tpu.memref_slice %arg7[%add3A_2352, %dma_wait3A_2359] : memref<32x16xi32, #tpu.memory_space<hbm>> -> memref<1x16xi32, #tpu.memory_space<hbm>>
      %dma_wait3A_2361 = tpu.memref_squeeze %dma_wait3A_2360 : memref<1x16xi32, #tpu.memory_space<hbm>> -> memref<16xi32, #tpu.memory_space<hbm>>
      %dma_wait3A_2362 = arith.constant 0 : i32
      %dma_wait3A_2363 = tpu.memref_slice %arg7[%add3A_2352, %dma_wait3A_2362] : memref<32x16xi32, #tpu.memory_space<hbm>> -> memref<1x16xi32, #tpu.memory_space<hbm>>
      %dma_wait3A_2364 = tpu.memref_squeeze %dma_wait3A_2363 : memref<1x16xi32, #tpu.memory_space<hbm>> -> memref<16xi32, #tpu.memory_space<hbm>>
      tpu.wait_dma2 semaphore(%run_scoped3A : memref<!tpu.dma_semaphore, #tpu.memory_space<semaphore_mem>>) src(%arg21 : memref<16xi32, #tpu.memory_space<vmem>>) dst(%dma_wait3A_2364 : memref<16xi32, #tpu.memory_space<hbm>>)
      tpu.yield
    }) : () -> ()
    return
  }
}

#map = affine_map<(d0, d1) -> (0, 0)>
module attributes {stable_mosaic.version = 14 : i64} {
  func.func @_scatter_body(%arg0: i32, %arg1: i32, %arg2: memref<192x128xi32, #tpu.memory_space<hbm>>, %arg3: memref<24576x16xf32, #tpu.memory_space<hbm>>, %arg4: memref<8224x16xf32, #tpu.memory_space<hbm>>, %arg5: memref<6x128xi32, #tpu.memory_space<vmem>>, %arg6: memref<6x128xi32, #tpu.memory_space<vmem>>, %arg7: memref<768x16xf32, #tpu.memory_space<vmem>>, %arg8: memref<!tpu.dma_semaphore, #tpu.memory_space<semaphore_mem>>) attributes {dimension_semantics = [#tpu.dimension_semantics<core_parallel>, #tpu.dimension_semantics<subcore_parallel>], iteration_bounds = array<i64: 2, 16>, scalar_prefetch = 0 : i64, scratch_operands = 4 : i64, tpu.core_type = #tpu.core_type<sc_vector_subcore>, window_params = [{transform_indices = #map}, {transform_indices = #map}, {transform_indices = #map}]} {
    %mul3A = arith.constant 16 : i32
    %mul3A_0 = arith.muli %mul3A, %arg0 : i32
    %add3A = arith.addi %mul3A_0, %arg1 : i32
    %mul3A_1 = arith.constant 768 : i32
    %mul3A_2 = arith.muli %add3A, %mul3A_1 : i32
    %multiple_of3A = tpu.assume_multiple %mul3A_2, 128 : i32
    %mul3A_3 = arith.constant 6 : i32
    %mul3A_4 = arith.muli %add3A, %mul3A_3 : i32
    "tpu.region"() ({
      %run_scoped3A = tpu.sem_alloc : memref<!tpu.dma_semaphore, #tpu.memory_space<semaphore_mem>>
      %dma_start3A_838 = arith.constant 0 : i32
      %dma_start3A_839 = tpu.memref_slice %arg2[%mul3A_4, %dma_start3A_838] : memref<192x128xi32, #tpu.memory_space<hbm>> -> memref<6x128xi32, #tpu.memory_space<hbm>>
      %dma_start3A_840 = arith.constant 0 : i32
      %dma_start3A_841 = tpu.memref_slice %arg2[%mul3A_4, %dma_start3A_840] : memref<192x128xi32, #tpu.memory_space<hbm>> -> memref<6x128xi32, #tpu.memory_space<hbm>>
      tpu.enqueue_dma source(%dma_start3A_841 : memref<6x128xi32, #tpu.memory_space<hbm>>) target(%arg5 : memref<6x128xi32, #tpu.memory_space<vmem>>) target_semaphore(%run_scoped3A : memref<!tpu.dma_semaphore, #tpu.memory_space<semaphore_mem>>)
      %dma_wait3A_842 = arith.constant 0 : i32
      %dma_wait3A_843 = tpu.memref_slice %arg2[%mul3A_4, %dma_wait3A_842] : memref<192x128xi32, #tpu.memory_space<hbm>> -> memref<6x128xi32, #tpu.memory_space<hbm>>
      %dma_wait3A_844 = arith.constant 0 : i32
      %dma_wait3A_845 = tpu.memref_slice %arg2[%mul3A_4, %dma_wait3A_844] : memref<192x128xi32, #tpu.memory_space<hbm>> -> memref<6x128xi32, #tpu.memory_space<hbm>>
      tpu.wait_dma2 semaphore(%run_scoped3A : memref<!tpu.dma_semaphore, #tpu.memory_space<semaphore_mem>>) src(%dma_wait3A_845 : memref<6x128xi32, #tpu.memory_space<hbm>>) dst(%arg5 : memref<6x128xi32, #tpu.memory_space<vmem>>)
      tpu.yield
    }) : () -> ()
    "tpu.region"() ({
      %run_scoped3A = tpu.sem_alloc : memref<!tpu.dma_semaphore, #tpu.memory_space<semaphore_mem>>
      %dma_start3A_838 = arith.constant 0 : i32
      %dma_start3A_839 = tpu.memref_slice %arg3[%multiple_of3A, %dma_start3A_838] : memref<24576x16xf32, #tpu.memory_space<hbm>> -> memref<768x16xf32, #tpu.memory_space<hbm>>
      %dma_start3A_840 = arith.constant 0 : i32
      %dma_start3A_841 = tpu.memref_slice %arg3[%multiple_of3A, %dma_start3A_840] : memref<24576x16xf32, #tpu.memory_space<hbm>> -> memref<768x16xf32, #tpu.memory_space<hbm>>
      tpu.enqueue_dma source(%dma_start3A_841 : memref<768x16xf32, #tpu.memory_space<hbm>>) target(%arg7 : memref<768x16xf32, #tpu.memory_space<vmem>>) target_semaphore(%run_scoped3A : memref<!tpu.dma_semaphore, #tpu.memory_space<semaphore_mem>>)
      %dma_wait3A_842 = arith.constant 0 : i32
      %dma_wait3A_843 = tpu.memref_slice %arg3[%multiple_of3A, %dma_wait3A_842] : memref<24576x16xf32, #tpu.memory_space<hbm>> -> memref<768x16xf32, #tpu.memory_space<hbm>>
      %dma_wait3A_844 = arith.constant 0 : i32
      %dma_wait3A_845 = tpu.memref_slice %arg3[%multiple_of3A, %dma_wait3A_844] : memref<24576x16xf32, #tpu.memory_space<hbm>> -> memref<768x16xf32, #tpu.memory_space<hbm>>
      tpu.wait_dma2 semaphore(%run_scoped3A : memref<!tpu.dma_semaphore, #tpu.memory_space<semaphore_mem>>) src(%dma_wait3A_845 : memref<768x16xf32, #tpu.memory_space<hbm>>) dst(%arg7 : memref<768x16xf32, #tpu.memory_space<vmem>>)
      tpu.yield
    }) : () -> ()
    %get3A = arith.constant 0 : i32
    %get3A_5 = arith.index_cast %get3A : i32 to index
    %get3A_6 = arith.constant 0 : index
    %get3A_7 = tpu.vector_load %arg5[%get3A_5, %get3A_6] {strides = array<i32>} : memref<6x128xi32, #tpu.memory_space<vmem>>, vector<16xi32>,
    %ge3A = arith.constant 8192 : i32
    %ge3A_8 = vector.broadcast %ge3A : i32 to vector<16xi32>
    %ge3A_9 = arith.cmpi sge, %get3A_7, %ge3A_8 : vector<16xi32>
    %add3A_10 = arith.constant 8192 : i32
    %add3A_11 = arith.addi %add3A_10, %add3A : i32
    %broadcast_in_dim3A = vector.broadcast %add3A_11 : i32 to vector<16xi32>
    %select_n3A = arith.select %ge3A_9, %broadcast_in_dim3A, %get3A_7 : vector<16xi1>, vector<16xi32>
    %swap3A = arith.constant 0 : i32
    %swap3A_12 = arith.index_cast %swap3A : i32 to index
    %swap3A_13 = arith.constant 0 : index
    %swap3A_14 = tpu.vector_load %arg6[%swap3A_12, %swap3A_13] {strides = array<i32>} : memref<6x128xi32, #tpu.memory_space<vmem>>, vector<16xi32>,
    tpu.vector_store %arg6[%swap3A_12, %swap3A_13], %select_n3A {strides = array<i32>} : memref<6x128xi32, #tpu.memory_space<vmem>>, vector<16xi32>,
    %get3A_15 = arith.constant 0 : i32
    %get3A_16 = arith.index_cast %get3A_15 : i32 to index
    %get3A_17 = arith.constant 16 : index
    %get3A_18 = tpu.vector_load %arg5[%get3A_16, %get3A_17] {strides = array<i32>} : memref<6x128xi32, #tpu.memory_space<vmem>>, vector<16xi32>,
    %ge3A_19 = arith.constant 8192 : i32
    %ge3A_20 = vector.broadcast %ge3A_19 : i32 to vector<16xi32>
    %ge3A_21 = arith.cmpi sge, %get3A_18, %ge3A_20 : vector<16xi32>
    %add3A_22 = arith.constant 8192 : i32
    %add3A_23 = arith.addi %add3A_22, %add3A : i32
    %broadcast_in_dim3A_24 = vector.broadcast %add3A_23 : i32 to vector<16xi32>
    %select_n3A_25 = arith.select %ge3A_21, %broadcast_in_dim3A_24, %get3A_18 : vector<16xi1>, vector<16xi32>
    %swap3A_26 = arith.constant 0 : i32
    %swap3A_27 = arith.index_cast %swap3A_26 : i32 to index
    %swap3A_28 = arith.constant 16 : index
    %swap3A_29 = tpu.vector_load %arg6[%swap3A_27, %swap3A_28] {strides = array<i32>} : memref<6x128xi32, #tpu.memory_space<vmem>>, vector<16xi32>,
    tpu.vector_store %arg6[%swap3A_27, %swap3A_28], %select_n3A_25 {strides = array<i32>} : memref<6x128xi32, #tpu.memory_space<vmem>>, vector<16xi32>,
    %get3A_30 = arith.constant 0 : i32
    %get3A_31 = arith.index_cast %get3A_30 : i32 to index
    %get3A_32 = arith.constant 32 : index
    %get3A_33 = tpu.vector_load %arg5[%get3A_31, %get3A_32] {strides = array<i32>} : memref<6x128xi32, #tpu.memory_space<vmem>>, vector<16xi32>,
    %ge3A_34 = arith.constant 8192 : i32
    %ge3A_35 = vector.broadcast %ge3A_34 : i32 to vector<16xi32>
    %ge3A_36 = arith.cmpi sge, %get3A_33, %ge3A_35 : vector<16xi32>
    %add3A_37 = arith.constant 8192 : i32
    %add3A_38 = arith.addi %add3A_37, %add3A : i32
    %broadcast_in_dim3A_39 = vector.broadcast %add3A_38 : i32 to vector<16xi32>
    %select_n3A_40 = arith.select %ge3A_36, %broadcast_in_dim3A_39, %get3A_33 : vector<16xi1>, vector<16xi32>
    %swap3A_41 = arith.constant 0 : i32
    %swap3A_42 = arith.index_cast %swap3A_41 : i32 to index
    %swap3A_43 = arith.constant 32 : index
    %swap3A_44 = tpu.vector_load %arg6[%swap3A_42, %swap3A_43] {strides = array<i32>} : memref<6x128xi32, #tpu.memory_space<vmem>>, vector<16xi32>,
    tpu.vector_store %arg6[%swap3A_42, %swap3A_43], %select_n3A_40 {strides = array<i32>} : memref<6x128xi32, #tpu.memory_space<vmem>>, vector<16xi32>,
    %get3A_45 = arith.constant 0 : i32
    %get3A_46 = arith.index_cast %get3A_45 : i32 to index
    %get3A_47 = arith.constant 48 : index
    %get3A_48 = tpu.vector_load %arg5[%get3A_46, %get3A_47] {strides = array<i32>} : memref<6x128xi32, #tpu.memory_space<vmem>>, vector<16xi32>,
    %ge3A_49 = arith.constant 8192 : i32
    %ge3A_50 = vector.broadcast %ge3A_49 : i32 to vector<16xi32>
    %ge3A_51 = arith.cmpi sge, %get3A_48, %ge3A_50 : vector<16xi32>
    %add3A_52 = arith.constant 8192 : i32
    %add3A_53 = arith.addi %add3A_52, %add3A : i32
    %broadcast_in_dim3A_54 = vector.broadcast %add3A_53 : i32 to vector<16xi32>
    %select_n3A_55 = arith.select %ge3A_51, %broadcast_in_dim3A_54, %get3A_48 : vector<16xi1>, vector<16xi32>
    %swap3A_56 = arith.constant 0 : i32
    %swap3A_57 = arith.index_cast %swap3A_56 : i32 to index
    %swap3A_58 = arith.constant 48 : index
    %swap3A_59 = tpu.vector_load %arg6[%swap3A_57, %swap3A_58] {strides = array<i32>} : memref<6x128xi32, #tpu.memory_space<vmem>>, vector<16xi32>,
    tpu.vector_store %arg6[%swap3A_57, %swap3A_58], %select_n3A_55 {strides = array<i32>} : memref<6x128xi32, #tpu.memory_space<vmem>>, vector<16xi32>,
    %get3A_60 = arith.constant 0 : i32
    %get3A_61 = arith.index_cast %get3A_60 : i32 to index
    %get3A_62 = arith.constant 64 : index
    %get3A_63 = tpu.vector_load %arg5[%get3A_61, %get3A_62] {strides = array<i32>} : memref<6x128xi32, #tpu.memory_space<vmem>>, vector<16xi32>,
    %ge3A_64 = arith.constant 8192 : i32
    %ge3A_65 = vector.broadcast %ge3A_64 : i32 to vector<16xi32>
    %ge3A_66 = arith.cmpi sge, %get3A_63, %ge3A_65 : vector<16xi32>
    %add3A_67 = arith.constant 8192 : i32
    %add3A_68 = arith.addi %add3A_67, %add3A : i32
    %broadcast_in_dim3A_69 = vector.broadcast %add3A_68 : i32 to vector<16xi32>
    %select_n3A_70 = arith.select %ge3A_66, %broadcast_in_dim3A_69, %get3A_63 : vector<16xi1>, vector<16xi32>
    %swap3A_71 = arith.constant 0 : i32
    %swap3A_72 = arith.index_cast %swap3A_71 : i32 to index
    %swap3A_73 = arith.constant 64 : index
    %swap3A_74 = tpu.vector_load %arg6[%swap3A_72, %swap3A_73] {strides = array<i32>} : memref<6x128xi32, #tpu.memory_space<vmem>>, vector<16xi32>,
    tpu.vector_store %arg6[%swap3A_72, %swap3A_73], %select_n3A_70 {strides = array<i32>} : memref<6x128xi32, #tpu.memory_space<vmem>>, vector<16xi32>,
    %get3A_75 = arith.constant 0 : i32
    %get3A_76 = arith.index_cast %get3A_75 : i32 to index
    %get3A_77 = arith.constant 80 : index
    %get3A_78 = tpu.vector_load %arg5[%get3A_76, %get3A_77] {strides = array<i32>} : memref<6x128xi32, #tpu.memory_space<vmem>>, vector<16xi32>,
    %ge3A_79 = arith.constant 8192 : i32
    %ge3A_80 = vector.broadcast %ge3A_79 : i32 to vector<16xi32>
    %ge3A_81 = arith.cmpi sge, %get3A_78, %ge3A_80 : vector<16xi32>
    %add3A_82 = arith.constant 8192 : i32
    %add3A_83 = arith.addi %add3A_82, %add3A : i32
    %broadcast_in_dim3A_84 = vector.broadcast %add3A_83 : i32 to vector<16xi32>
    %select_n3A_85 = arith.select %ge3A_81, %broadcast_in_dim3A_84, %get3A_78 : vector<16xi1>, vector<16xi32>
    %swap3A_86 = arith.constant 0 : i32
    %swap3A_87 = arith.index_cast %swap3A_86 : i32 to index
    %swap3A_88 = arith.constant 80 : index
    %swap3A_89 = tpu.vector_load %arg6[%swap3A_87, %swap3A_88] {strides = array<i32>} : memref<6x128xi32, #tpu.memory_space<vmem>>, vector<16xi32>,
    tpu.vector_store %arg6[%swap3A_87, %swap3A_88], %select_n3A_85 {strides = array<i32>} : memref<6x128xi32, #tpu.memory_space<vmem>>, vector<16xi32>,
    %get3A_90 = arith.constant 0 : i32
    %get3A_91 = arith.index_cast %get3A_90 : i32 to index
    %get3A_92 = arith.constant 96 : index
    %get3A_93 = tpu.vector_load %arg5[%get3A_91, %get3A_92] {strides = array<i32>} : memref<6x128xi32, #tpu.memory_space<vmem>>, vector<16xi32>,
    %ge3A_94 = arith.constant 8192 : i32
    %ge3A_95 = vector.broadcast %ge3A_94 : i32 to vector<16xi32>
    %ge3A_96 = arith.cmpi sge, %get3A_93, %ge3A_95 : vector<16xi32>
    %add3A_97 = arith.constant 8192 : i32
    %add3A_98 = arith.addi %add3A_97, %add3A : i32
    %broadcast_in_dim3A_99 = vector.broadcast %add3A_98 : i32 to vector<16xi32>
    %select_n3A_100 = arith.select %ge3A_96, %broadcast_in_dim3A_99, %get3A_93 : vector<16xi1>, vector<16xi32>
    %swap3A_101 = arith.constant 0 : i32
    %swap3A_102 = arith.index_cast %swap3A_101 : i32 to index
    %swap3A_103 = arith.constant 96 : index
    %swap3A_104 = tpu.vector_load %arg6[%swap3A_102, %swap3A_103] {strides = array<i32>} : memref<6x128xi32, #tpu.memory_space<vmem>>, vector<16xi32>,
    tpu.vector_store %arg6[%swap3A_102, %swap3A_103], %select_n3A_100 {strides = array<i32>} : memref<6x128xi32, #tpu.memory_space<vmem>>, vector<16xi32>,
    %get3A_105 = arith.constant 0 : i32
    %get3A_106 = arith.index_cast %get3A_105 : i32 to index
    %get3A_107 = arith.constant 112 : index
    %get3A_108 = tpu.vector_load %arg5[%get3A_106, %get3A_107] {strides = array<i32>} : memref<6x128xi32, #tpu.memory_space<vmem>>, vector<16xi32>,
    %ge3A_109 = arith.constant 8192 : i32
    %ge3A_110 = vector.broadcast %ge3A_109 : i32 to vector<16xi32>
    %ge3A_111 = arith.cmpi sge, %get3A_108, %ge3A_110 : vector<16xi32>
    %add3A_112 = arith.constant 8192 : i32
    %add3A_113 = arith.addi %add3A_112, %add3A : i32
    %broadcast_in_dim3A_114 = vector.broadcast %add3A_113 : i32 to vector<16xi32>
    %select_n3A_115 = arith.select %ge3A_111, %broadcast_in_dim3A_114, %get3A_108 : vector<16xi1>, vector<16xi32>
    %swap3A_116 = arith.constant 0 : i32
    %swap3A_117 = arith.index_cast %swap3A_116 : i32 to index
    %swap3A_118 = arith.constant 112 : index
    %swap3A_119 = tpu.vector_load %arg6[%swap3A_117, %swap3A_118] {strides = array<i32>} : memref<6x128xi32, #tpu.memory_space<vmem>>, vector<16xi32>,
    tpu.vector_store %arg6[%swap3A_117, %swap3A_118], %select_n3A_115 {strides = array<i32>} : memref<6x128xi32, #tpu.memory_space<vmem>>, vector<16xi32>,
    %get3A_120 = arith.constant 1 : i32
    %get3A_121 = arith.index_cast %get3A_120 : i32 to index
    %get3A_122 = arith.constant 0 : index
    %get3A_123 = tpu.vector_load %arg5[%get3A_121, %get3A_122] {strides = array<i32>} : memref<6x128xi32, #tpu.memory_space<vmem>>, vector<16xi32>,
    %ge3A_124 = arith.constant 8192 : i32
    %ge3A_125 = vector.broadcast %ge3A_124 : i32 to vector<16xi32>
    %ge3A_126 = arith.cmpi sge, %get3A_123, %ge3A_125 : vector<16xi32>
    %add3A_127 = arith.constant 8192 : i32
    %add3A_128 = arith.addi %add3A_127, %add3A : i32
    %broadcast_in_dim3A_129 = vector.broadcast %add3A_128 : i32 to vector<16xi32>
    %select_n3A_130 = arith.select %ge3A_126, %broadcast_in_dim3A_129, %get3A_123 : vector<16xi1>, vector<16xi32>
    %swap3A_131 = arith.constant 1 : i32
    %swap3A_132 = arith.index_cast %swap3A_131 : i32 to index
    %swap3A_133 = arith.constant 0 : index
    %swap3A_134 = tpu.vector_load %arg6[%swap3A_132, %swap3A_133] {strides = array<i32>} : memref<6x128xi32, #tpu.memory_space<vmem>>, vector<16xi32>,
    tpu.vector_store %arg6[%swap3A_132, %swap3A_133], %select_n3A_130 {strides = array<i32>} : memref<6x128xi32, #tpu.memory_space<vmem>>, vector<16xi32>,
    %get3A_135 = arith.constant 1 : i32
    %get3A_136 = arith.index_cast %get3A_135 : i32 to index
    %get3A_137 = arith.constant 16 : index
    %get3A_138 = tpu.vector_load %arg5[%get3A_136, %get3A_137] {strides = array<i32>} : memref<6x128xi32, #tpu.memory_space<vmem>>, vector<16xi32>,
    %ge3A_139 = arith.constant 8192 : i32
    %ge3A_140 = vector.broadcast %ge3A_139 : i32 to vector<16xi32>
    %ge3A_141 = arith.cmpi sge, %get3A_138, %ge3A_140 : vector<16xi32>
    %add3A_142 = arith.constant 8192 : i32
    %add3A_143 = arith.addi %add3A_142, %add3A : i32
    %broadcast_in_dim3A_144 = vector.broadcast %add3A_143 : i32 to vector<16xi32>
    %select_n3A_145 = arith.select %ge3A_141, %broadcast_in_dim3A_144, %get3A_138 : vector<16xi1>, vector<16xi32>
    %swap3A_146 = arith.constant 1 : i32
    %swap3A_147 = arith.index_cast %swap3A_146 : i32 to index
    %swap3A_148 = arith.constant 16 : index
    %swap3A_149 = tpu.vector_load %arg6[%swap3A_147, %swap3A_148] {strides = array<i32>} : memref<6x128xi32, #tpu.memory_space<vmem>>, vector<16xi32>,
    tpu.vector_store %arg6[%swap3A_147, %swap3A_148], %select_n3A_145 {strides = array<i32>} : memref<6x128xi32, #tpu.memory_space<vmem>>, vector<16xi32>,
    %get3A_150 = arith.constant 1 : i32
    %get3A_151 = arith.index_cast %get3A_150 : i32 to index
    %get3A_152 = arith.constant 32 : index
    %get3A_153 = tpu.vector_load %arg5[%get3A_151, %get3A_152] {strides = array<i32>} : memref<6x128xi32, #tpu.memory_space<vmem>>, vector<16xi32>,
    %ge3A_154 = arith.constant 8192 : i32
    %ge3A_155 = vector.broadcast %ge3A_154 : i32 to vector<16xi32>
    %ge3A_156 = arith.cmpi sge, %get3A_153, %ge3A_155 : vector<16xi32>
    %add3A_157 = arith.constant 8192 : i32
    %add3A_158 = arith.addi %add3A_157, %add3A : i32
    %broadcast_in_dim3A_159 = vector.broadcast %add3A_158 : i32 to vector<16xi32>
    %select_n3A_160 = arith.select %ge3A_156, %broadcast_in_dim3A_159, %get3A_153 : vector<16xi1>, vector<16xi32>
    %swap3A_161 = arith.constant 1 : i32
    %swap3A_162 = arith.index_cast %swap3A_161 : i32 to index
    %swap3A_163 = arith.constant 32 : index
    %swap3A_164 = tpu.vector_load %arg6[%swap3A_162, %swap3A_163] {strides = array<i32>} : memref<6x128xi32, #tpu.memory_space<vmem>>, vector<16xi32>,
    tpu.vector_store %arg6[%swap3A_162, %swap3A_163], %select_n3A_160 {strides = array<i32>} : memref<6x128xi32, #tpu.memory_space<vmem>>, vector<16xi32>,
    %get3A_165 = arith.constant 1 : i32
    %get3A_166 = arith.index_cast %get3A_165 : i32 to index
    %get3A_167 = arith.constant 48 : index
    %get3A_168 = tpu.vector_load %arg5[%get3A_166, %get3A_167] {strides = array<i32>} : memref<6x128xi32, #tpu.memory_space<vmem>>, vector<16xi32>,
    %ge3A_169 = arith.constant 8192 : i32
    %ge3A_170 = vector.broadcast %ge3A_169 : i32 to vector<16xi32>
    %ge3A_171 = arith.cmpi sge, %get3A_168, %ge3A_170 : vector<16xi32>
    %add3A_172 = arith.constant 8192 : i32
    %add3A_173 = arith.addi %add3A_172, %add3A : i32
    %broadcast_in_dim3A_174 = vector.broadcast %add3A_173 : i32 to vector<16xi32>
    %select_n3A_175 = arith.select %ge3A_171, %broadcast_in_dim3A_174, %get3A_168 : vector<16xi1>, vector<16xi32>
    %swap3A_176 = arith.constant 1 : i32
    %swap3A_177 = arith.index_cast %swap3A_176 : i32 to index
    %swap3A_178 = arith.constant 48 : index
    %swap3A_179 = tpu.vector_load %arg6[%swap3A_177, %swap3A_178] {strides = array<i32>} : memref<6x128xi32, #tpu.memory_space<vmem>>, vector<16xi32>,
    tpu.vector_store %arg6[%swap3A_177, %swap3A_178], %select_n3A_175 {strides = array<i32>} : memref<6x128xi32, #tpu.memory_space<vmem>>, vector<16xi32>,
    %get3A_180 = arith.constant 1 : i32
    %get3A_181 = arith.index_cast %get3A_180 : i32 to index
    %get3A_182 = arith.constant 64 : index
    %get3A_183 = tpu.vector_load %arg5[%get3A_181, %get3A_182] {strides = array<i32>} : memref<6x128xi32, #tpu.memory_space<vmem>>, vector<16xi32>,
    %ge3A_184 = arith.constant 8192 : i32
    %ge3A_185 = vector.broadcast %ge3A_184 : i32 to vector<16xi32>
    %ge3A_186 = arith.cmpi sge, %get3A_183, %ge3A_185 : vector<16xi32>
    %add3A_187 = arith.constant 8192 : i32
    %add3A_188 = arith.addi %add3A_187, %add3A : i32
    %broadcast_in_dim3A_189 = vector.broadcast %add3A_188 : i32 to vector<16xi32>
    %select_n3A_190 = arith.select %ge3A_186, %broadcast_in_dim3A_189, %get3A_183 : vector<16xi1>, vector<16xi32>
    %swap3A_191 = arith.constant 1 : i32
    %swap3A_192 = arith.index_cast %swap3A_191 : i32 to index
    %swap3A_193 = arith.constant 64 : index
    %swap3A_194 = tpu.vector_load %arg6[%swap3A_192, %swap3A_193] {strides = array<i32>} : memref<6x128xi32, #tpu.memory_space<vmem>>, vector<16xi32>,
    tpu.vector_store %arg6[%swap3A_192, %swap3A_193], %select_n3A_190 {strides = array<i32>} : memref<6x128xi32, #tpu.memory_space<vmem>>, vector<16xi32>,
    %get3A_195 = arith.constant 1 : i32
    %get3A_196 = arith.index_cast %get3A_195 : i32 to index
    %get3A_197 = arith.constant 80 : index
    %get3A_198 = tpu.vector_load %arg5[%get3A_196, %get3A_197] {strides = array<i32>} : memref<6x128xi32, #tpu.memory_space<vmem>>, vector<16xi32>,
    %ge3A_199 = arith.constant 8192 : i32
    %ge3A_200 = vector.broadcast %ge3A_199 : i32 to vector<16xi32>
    %ge3A_201 = arith.cmpi sge, %get3A_198, %ge3A_200 : vector<16xi32>
    %add3A_202 = arith.constant 8192 : i32
    %add3A_203 = arith.addi %add3A_202, %add3A : i32
    %broadcast_in_dim3A_204 = vector.broadcast %add3A_203 : i32 to vector<16xi32>
    %select_n3A_205 = arith.select %ge3A_201, %broadcast_in_dim3A_204, %get3A_198 : vector<16xi1>, vector<16xi32>
    %swap3A_206 = arith.constant 1 : i32
    %swap3A_207 = arith.index_cast %swap3A_206 : i32 to index
    %swap3A_208 = arith.constant 80 : index
    %swap3A_209 = tpu.vector_load %arg6[%swap3A_207, %swap3A_208] {strides = array<i32>} : memref<6x128xi32, #tpu.memory_space<vmem>>, vector<16xi32>,
    tpu.vector_store %arg6[%swap3A_207, %swap3A_208], %select_n3A_205 {strides = array<i32>} : memref<6x128xi32, #tpu.memory_space<vmem>>, vector<16xi32>,
    %get3A_210 = arith.constant 1 : i32
    %get3A_211 = arith.index_cast %get3A_210 : i32 to index
    %get3A_212 = arith.constant 96 : index
    %get3A_213 = tpu.vector_load %arg5[%get3A_211, %get3A_212] {strides = array<i32>} : memref<6x128xi32, #tpu.memory_space<vmem>>, vector<16xi32>,
    %ge3A_214 = arith.constant 8192 : i32
    %ge3A_215 = vector.broadcast %ge3A_214 : i32 to vector<16xi32>
    %ge3A_216 = arith.cmpi sge, %get3A_213, %ge3A_215 : vector<16xi32>
    %add3A_217 = arith.constant 8192 : i32
    %add3A_218 = arith.addi %add3A_217, %add3A : i32
    %broadcast_in_dim3A_219 = vector.broadcast %add3A_218 : i32 to vector<16xi32>
    %select_n3A_220 = arith.select %ge3A_216, %broadcast_in_dim3A_219, %get3A_213 : vector<16xi1>, vector<16xi32>
    %swap3A_221 = arith.constant 1 : i32
    %swap3A_222 = arith.index_cast %swap3A_221 : i32 to index
    %swap3A_223 = arith.constant 96 : index
    %swap3A_224 = tpu.vector_load %arg6[%swap3A_222, %swap3A_223] {strides = array<i32>} : memref<6x128xi32, #tpu.memory_space<vmem>>, vector<16xi32>,
    tpu.vector_store %arg6[%swap3A_222, %swap3A_223], %select_n3A_220 {strides = array<i32>} : memref<6x128xi32, #tpu.memory_space<vmem>>, vector<16xi32>,
    %get3A_225 = arith.constant 1 : i32
    %get3A_226 = arith.index_cast %get3A_225 : i32 to index
    %get3A_227 = arith.constant 112 : index
    %get3A_228 = tpu.vector_load %arg5[%get3A_226, %get3A_227] {strides = array<i32>} : memref<6x128xi32, #tpu.memory_space<vmem>>, vector<16xi32>,
    %ge3A_229 = arith.constant 8192 : i32
    %ge3A_230 = vector.broadcast %ge3A_229 : i32 to vector<16xi32>
    %ge3A_231 = arith.cmpi sge, %get3A_228, %ge3A_230 : vector<16xi32>
    %add3A_232 = arith.constant 8192 : i32
    %add3A_233 = arith.addi %add3A_232, %add3A : i32
    %broadcast_in_dim3A_234 = vector.broadcast %add3A_233 : i32 to vector<16xi32>
    %select_n3A_235 = arith.select %ge3A_231, %broadcast_in_dim3A_234, %get3A_228 : vector<16xi1>, vector<16xi32>
    %swap3A_236 = arith.constant 1 : i32
    %swap3A_237 = arith.index_cast %swap3A_236 : i32 to index
    %swap3A_238 = arith.constant 112 : index
    %swap3A_239 = tpu.vector_load %arg6[%swap3A_237, %swap3A_238] {strides = array<i32>} : memref<6x128xi32, #tpu.memory_space<vmem>>, vector<16xi32>,
    tpu.vector_store %arg6[%swap3A_237, %swap3A_238], %select_n3A_235 {strides = array<i32>} : memref<6x128xi32, #tpu.memory_space<vmem>>, vector<16xi32>,
    %get3A_240 = arith.constant 2 : i32
    %get3A_241 = arith.index_cast %get3A_240 : i32 to index
    %get3A_242 = arith.constant 0 : index
    %get3A_243 = tpu.vector_load %arg5[%get3A_241, %get3A_242] {strides = array<i32>} : memref<6x128xi32, #tpu.memory_space<vmem>>, vector<16xi32>,
    %ge3A_244 = arith.constant 8192 : i32
    %ge3A_245 = vector.broadcast %ge3A_244 : i32 to vector<16xi32>
    %ge3A_246 = arith.cmpi sge, %get3A_243, %ge3A_245 : vector<16xi32>
    %add3A_247 = arith.constant 8192 : i32
    %add3A_248 = arith.addi %add3A_247, %add3A : i32
    %broadcast_in_dim3A_249 = vector.broadcast %add3A_248 : i32 to vector<16xi32>
    %select_n3A_250 = arith.select %ge3A_246, %broadcast_in_dim3A_249, %get3A_243 : vector<16xi1>, vector<16xi32>
    %swap3A_251 = arith.constant 2 : i32
    %swap3A_252 = arith.index_cast %swap3A_251 : i32 to index
    %swap3A_253 = arith.constant 0 : index
    %swap3A_254 = tpu.vector_load %arg6[%swap3A_252, %swap3A_253] {strides = array<i32>} : memref<6x128xi32, #tpu.memory_space<vmem>>, vector<16xi32>,
    tpu.vector_store %arg6[%swap3A_252, %swap3A_253], %select_n3A_250 {strides = array<i32>} : memref<6x128xi32, #tpu.memory_space<vmem>>, vector<16xi32>,
    %get3A_255 = arith.constant 2 : i32
    %get3A_256 = arith.index_cast %get3A_255 : i32 to index
    %get3A_257 = arith.constant 16 : index
    %get3A_258 = tpu.vector_load %arg5[%get3A_256, %get3A_257] {strides = array<i32>} : memref<6x128xi32, #tpu.memory_space<vmem>>, vector<16xi32>,
    %ge3A_259 = arith.constant 8192 : i32
    %ge3A_260 = vector.broadcast %ge3A_259 : i32 to vector<16xi32>
    %ge3A_261 = arith.cmpi sge, %get3A_258, %ge3A_260 : vector<16xi32>
    %add3A_262 = arith.constant 8192 : i32
    %add3A_263 = arith.addi %add3A_262, %add3A : i32
    %broadcast_in_dim3A_264 = vector.broadcast %add3A_263 : i32 to vector<16xi32>
    %select_n3A_265 = arith.select %ge3A_261, %broadcast_in_dim3A_264, %get3A_258 : vector<16xi1>, vector<16xi32>
    %swap3A_266 = arith.constant 2 : i32
    %swap3A_267 = arith.index_cast %swap3A_266 : i32 to index
    %swap3A_268 = arith.constant 16 : index
    %swap3A_269 = tpu.vector_load %arg6[%swap3A_267, %swap3A_268] {strides = array<i32>} : memref<6x128xi32, #tpu.memory_space<vmem>>, vector<16xi32>,
    tpu.vector_store %arg6[%swap3A_267, %swap3A_268], %select_n3A_265 {strides = array<i32>} : memref<6x128xi32, #tpu.memory_space<vmem>>, vector<16xi32>,
    %get3A_270 = arith.constant 2 : i32
    %get3A_271 = arith.index_cast %get3A_270 : i32 to index
    %get3A_272 = arith.constant 32 : index
    %get3A_273 = tpu.vector_load %arg5[%get3A_271, %get3A_272] {strides = array<i32>} : memref<6x128xi32, #tpu.memory_space<vmem>>, vector<16xi32>,
    %ge3A_274 = arith.constant 8192 : i32
    %ge3A_275 = vector.broadcast %ge3A_274 : i32 to vector<16xi32>
    %ge3A_276 = arith.cmpi sge, %get3A_273, %ge3A_275 : vector<16xi32>
    %add3A_277 = arith.constant 8192 : i32
    %add3A_278 = arith.addi %add3A_277, %add3A : i32
    %broadcast_in_dim3A_279 = vector.broadcast %add3A_278 : i32 to vector<16xi32>
    %select_n3A_280 = arith.select %ge3A_276, %broadcast_in_dim3A_279, %get3A_273 : vector<16xi1>, vector<16xi32>
    %swap3A_281 = arith.constant 2 : i32
    %swap3A_282 = arith.index_cast %swap3A_281 : i32 to index
    %swap3A_283 = arith.constant 32 : index
    %swap3A_284 = tpu.vector_load %arg6[%swap3A_282, %swap3A_283] {strides = array<i32>} : memref<6x128xi32, #tpu.memory_space<vmem>>, vector<16xi32>,
    tpu.vector_store %arg6[%swap3A_282, %swap3A_283], %select_n3A_280 {strides = array<i32>} : memref<6x128xi32, #tpu.memory_space<vmem>>, vector<16xi32>,
    %get3A_285 = arith.constant 2 : i32
    %get3A_286 = arith.index_cast %get3A_285 : i32 to index
    %get3A_287 = arith.constant 48 : index
    %get3A_288 = tpu.vector_load %arg5[%get3A_286, %get3A_287] {strides = array<i32>} : memref<6x128xi32, #tpu.memory_space<vmem>>, vector<16xi32>,
    %ge3A_289 = arith.constant 8192 : i32
    %ge3A_290 = vector.broadcast %ge3A_289 : i32 to vector<16xi32>
    %ge3A_291 = arith.cmpi sge, %get3A_288, %ge3A_290 : vector<16xi32>
    %add3A_292 = arith.constant 8192 : i32
    %add3A_293 = arith.addi %add3A_292, %add3A : i32
    %broadcast_in_dim3A_294 = vector.broadcast %add3A_293 : i32 to vector<16xi32>
    %select_n3A_295 = arith.select %ge3A_291, %broadcast_in_dim3A_294, %get3A_288 : vector<16xi1>, vector<16xi32>
    %swap3A_296 = arith.constant 2 : i32
    %swap3A_297 = arith.index_cast %swap3A_296 : i32 to index
    %swap3A_298 = arith.constant 48 : index
    %swap3A_299 = tpu.vector_load %arg6[%swap3A_297, %swap3A_298] {strides = array<i32>} : memref<6x128xi32, #tpu.memory_space<vmem>>, vector<16xi32>,
    tpu.vector_store %arg6[%swap3A_297, %swap3A_298], %select_n3A_295 {strides = array<i32>} : memref<6x128xi32, #tpu.memory_space<vmem>>, vector<16xi32>,
    %get3A_300 = arith.constant 2 : i32
    %get3A_301 = arith.index_cast %get3A_300 : i32 to index
    %get3A_302 = arith.constant 64 : index
    %get3A_303 = tpu.vector_load %arg5[%get3A_301, %get3A_302] {strides = array<i32>} : memref<6x128xi32, #tpu.memory_space<vmem>>, vector<16xi32>,
    %ge3A_304 = arith.constant 8192 : i32
    %ge3A_305 = vector.broadcast %ge3A_304 : i32 to vector<16xi32>
    %ge3A_306 = arith.cmpi sge, %get3A_303, %ge3A_305 : vector<16xi32>
    %add3A_307 = arith.constant 8192 : i32
    %add3A_308 = arith.addi %add3A_307, %add3A : i32
    %broadcast_in_dim3A_309 = vector.broadcast %add3A_308 : i32 to vector<16xi32>
    %select_n3A_310 = arith.select %ge3A_306, %broadcast_in_dim3A_309, %get3A_303 : vector<16xi1>, vector<16xi32>
    %swap3A_311 = arith.constant 2 : i32
    %swap3A_312 = arith.index_cast %swap3A_311 : i32 to index
    %swap3A_313 = arith.constant 64 : index
    %swap3A_314 = tpu.vector_load %arg6[%swap3A_312, %swap3A_313] {strides = array<i32>} : memref<6x128xi32, #tpu.memory_space<vmem>>, vector<16xi32>,
    tpu.vector_store %arg6[%swap3A_312, %swap3A_313], %select_n3A_310 {strides = array<i32>} : memref<6x128xi32, #tpu.memory_space<vmem>>, vector<16xi32>,
    %get3A_315 = arith.constant 2 : i32
    %get3A_316 = arith.index_cast %get3A_315 : i32 to index
    %get3A_317 = arith.constant 80 : index
    %get3A_318 = tpu.vector_load %arg5[%get3A_316, %get3A_317] {strides = array<i32>} : memref<6x128xi32, #tpu.memory_space<vmem>>, vector<16xi32>,
    %ge3A_319 = arith.constant 8192 : i32
    %ge3A_320 = vector.broadcast %ge3A_319 : i32 to vector<16xi32>
    %ge3A_321 = arith.cmpi sge, %get3A_318, %ge3A_320 : vector<16xi32>
    %add3A_322 = arith.constant 8192 : i32
    %add3A_323 = arith.addi %add3A_322, %add3A : i32
    %broadcast_in_dim3A_324 = vector.broadcast %add3A_323 : i32 to vector<16xi32>
    %select_n3A_325 = arith.select %ge3A_321, %broadcast_in_dim3A_324, %get3A_318 : vector<16xi1>, vector<16xi32>
    %swap3A_326 = arith.constant 2 : i32
    %swap3A_327 = arith.index_cast %swap3A_326 : i32 to index
    %swap3A_328 = arith.constant 80 : index
    %swap3A_329 = tpu.vector_load %arg6[%swap3A_327, %swap3A_328] {strides = array<i32>} : memref<6x128xi32, #tpu.memory_space<vmem>>, vector<16xi32>,
    tpu.vector_store %arg6[%swap3A_327, %swap3A_328], %select_n3A_325 {strides = array<i32>} : memref<6x128xi32, #tpu.memory_space<vmem>>, vector<16xi32>,
    %get3A_330 = arith.constant 2 : i32
    %get3A_331 = arith.index_cast %get3A_330 : i32 to index
    %get3A_332 = arith.constant 96 : index
    %get3A_333 = tpu.vector_load %arg5[%get3A_331, %get3A_332] {strides = array<i32>} : memref<6x128xi32, #tpu.memory_space<vmem>>, vector<16xi32>,
    %ge3A_334 = arith.constant 8192 : i32
    %ge3A_335 = vector.broadcast %ge3A_334 : i32 to vector<16xi32>
    %ge3A_336 = arith.cmpi sge, %get3A_333, %ge3A_335 : vector<16xi32>
    %add3A_337 = arith.constant 8192 : i32
    %add3A_338 = arith.addi %add3A_337, %add3A : i32
    %broadcast_in_dim3A_339 = vector.broadcast %add3A_338 : i32 to vector<16xi32>
    %select_n3A_340 = arith.select %ge3A_336, %broadcast_in_dim3A_339, %get3A_333 : vector<16xi1>, vector<16xi32>
    %swap3A_341 = arith.constant 2 : i32
    %swap3A_342 = arith.index_cast %swap3A_341 : i32 to index
    %swap3A_343 = arith.constant 96 : index
    %swap3A_344 = tpu.vector_load %arg6[%swap3A_342, %swap3A_343] {strides = array<i32>} : memref<6x128xi32, #tpu.memory_space<vmem>>, vector<16xi32>,
    tpu.vector_store %arg6[%swap3A_342, %swap3A_343], %select_n3A_340 {strides = array<i32>} : memref<6x128xi32, #tpu.memory_space<vmem>>, vector<16xi32>,
    %get3A_345 = arith.constant 2 : i32
    %get3A_346 = arith.index_cast %get3A_345 : i32 to index
    %get3A_347 = arith.constant 112 : index
    %get3A_348 = tpu.vector_load %arg5[%get3A_346, %get3A_347] {strides = array<i32>} : memref<6x128xi32, #tpu.memory_space<vmem>>, vector<16xi32>,
    %ge3A_349 = arith.constant 8192 : i32
    %ge3A_350 = vector.broadcast %ge3A_349 : i32 to vector<16xi32>
    %ge3A_351 = arith.cmpi sge, %get3A_348, %ge3A_350 : vector<16xi32>
    %add3A_352 = arith.constant 8192 : i32
    %add3A_353 = arith.addi %add3A_352, %add3A : i32
    %broadcast_in_dim3A_354 = vector.broadcast %add3A_353 : i32 to vector<16xi32>
    %select_n3A_355 = arith.select %ge3A_351, %broadcast_in_dim3A_354, %get3A_348 : vector<16xi1>, vector<16xi32>
    %swap3A_356 = arith.constant 2 : i32
    %swap3A_357 = arith.index_cast %swap3A_356 : i32 to index
    %swap3A_358 = arith.constant 112 : index
    %swap3A_359 = tpu.vector_load %arg6[%swap3A_357, %swap3A_358] {strides = array<i32>} : memref<6x128xi32, #tpu.memory_space<vmem>>, vector<16xi32>,
    tpu.vector_store %arg6[%swap3A_357, %swap3A_358], %select_n3A_355 {strides = array<i32>} : memref<6x128xi32, #tpu.memory_space<vmem>>, vector<16xi32>,
    %get3A_360 = arith.constant 3 : i32
    %get3A_361 = arith.index_cast %get3A_360 : i32 to index
    %get3A_362 = arith.constant 0 : index
    %get3A_363 = tpu.vector_load %arg5[%get3A_361, %get3A_362] {strides = array<i32>} : memref<6x128xi32, #tpu.memory_space<vmem>>, vector<16xi32>,
    %ge3A_364 = arith.constant 8192 : i32
    %ge3A_365 = vector.broadcast %ge3A_364 : i32 to vector<16xi32>
    %ge3A_366 = arith.cmpi sge, %get3A_363, %ge3A_365 : vector<16xi32>
    %add3A_367 = arith.constant 8192 : i32
    %add3A_368 = arith.addi %add3A_367, %add3A : i32
    %broadcast_in_dim3A_369 = vector.broadcast %add3A_368 : i32 to vector<16xi32>
    %select_n3A_370 = arith.select %ge3A_366, %broadcast_in_dim3A_369, %get3A_363 : vector<16xi1>, vector<16xi32>
    %swap3A_371 = arith.constant 3 : i32
    %swap3A_372 = arith.index_cast %swap3A_371 : i32 to index
    %swap3A_373 = arith.constant 0 : index
    %swap3A_374 = tpu.vector_load %arg6[%swap3A_372, %swap3A_373] {strides = array<i32>} : memref<6x128xi32, #tpu.memory_space<vmem>>, vector<16xi32>,
    tpu.vector_store %arg6[%swap3A_372, %swap3A_373], %select_n3A_370 {strides = array<i32>} : memref<6x128xi32, #tpu.memory_space<vmem>>, vector<16xi32>,
    %get3A_375 = arith.constant 3 : i32
    %get3A_376 = arith.index_cast %get3A_375 : i32 to index
    %get3A_377 = arith.constant 16 : index
    %get3A_378 = tpu.vector_load %arg5[%get3A_376, %get3A_377] {strides = array<i32>} : memref<6x128xi32, #tpu.memory_space<vmem>>, vector<16xi32>,
    %ge3A_379 = arith.constant 8192 : i32
    %ge3A_380 = vector.broadcast %ge3A_379 : i32 to vector<16xi32>
    %ge3A_381 = arith.cmpi sge, %get3A_378, %ge3A_380 : vector<16xi32>
    %add3A_382 = arith.constant 8192 : i32
    %add3A_383 = arith.addi %add3A_382, %add3A : i32
    %broadcast_in_dim3A_384 = vector.broadcast %add3A_383 : i32 to vector<16xi32>
    %select_n3A_385 = arith.select %ge3A_381, %broadcast_in_dim3A_384, %get3A_378 : vector<16xi1>, vector<16xi32>
    %swap3A_386 = arith.constant 3 : i32
    %swap3A_387 = arith.index_cast %swap3A_386 : i32 to index
    %swap3A_388 = arith.constant 16 : index
    %swap3A_389 = tpu.vector_load %arg6[%swap3A_387, %swap3A_388] {strides = array<i32>} : memref<6x128xi32, #tpu.memory_space<vmem>>, vector<16xi32>,
    tpu.vector_store %arg6[%swap3A_387, %swap3A_388], %select_n3A_385 {strides = array<i32>} : memref<6x128xi32, #tpu.memory_space<vmem>>, vector<16xi32>,
    %get3A_390 = arith.constant 3 : i32
    %get3A_391 = arith.index_cast %get3A_390 : i32 to index
    %get3A_392 = arith.constant 32 : index
    %get3A_393 = tpu.vector_load %arg5[%get3A_391, %get3A_392] {strides = array<i32>} : memref<6x128xi32, #tpu.memory_space<vmem>>, vector<16xi32>,
    %ge3A_394 = arith.constant 8192 : i32
    %ge3A_395 = vector.broadcast %ge3A_394 : i32 to vector<16xi32>
    %ge3A_396 = arith.cmpi sge, %get3A_393, %ge3A_395 : vector<16xi32>
    %add3A_397 = arith.constant 8192 : i32
    %add3A_398 = arith.addi %add3A_397, %add3A : i32
    %broadcast_in_dim3A_399 = vector.broadcast %add3A_398 : i32 to vector<16xi32>
    %select_n3A_400 = arith.select %ge3A_396, %broadcast_in_dim3A_399, %get3A_393 : vector<16xi1>, vector<16xi32>
    %swap3A_401 = arith.constant 3 : i32
    %swap3A_402 = arith.index_cast %swap3A_401 : i32 to index
    %swap3A_403 = arith.constant 32 : index
    %swap3A_404 = tpu.vector_load %arg6[%swap3A_402, %swap3A_403] {strides = array<i32>} : memref<6x128xi32, #tpu.memory_space<vmem>>, vector<16xi32>,
    tpu.vector_store %arg6[%swap3A_402, %swap3A_403], %select_n3A_400 {strides = array<i32>} : memref<6x128xi32, #tpu.memory_space<vmem>>, vector<16xi32>,
    %get3A_405 = arith.constant 3 : i32
    %get3A_406 = arith.index_cast %get3A_405 : i32 to index
    %get3A_407 = arith.constant 48 : index
    %get3A_408 = tpu.vector_load %arg5[%get3A_406, %get3A_407] {strides = array<i32>} : memref<6x128xi32, #tpu.memory_space<vmem>>, vector<16xi32>,
    %ge3A_409 = arith.constant 8192 : i32
    %ge3A_410 = vector.broadcast %ge3A_409 : i32 to vector<16xi32>
    %ge3A_411 = arith.cmpi sge, %get3A_408, %ge3A_410 : vector<16xi32>
    %add3A_412 = arith.constant 8192 : i32
    %add3A_413 = arith.addi %add3A_412, %add3A : i32
    %broadcast_in_dim3A_414 = vector.broadcast %add3A_413 : i32 to vector<16xi32>
    %select_n3A_415 = arith.select %ge3A_411, %broadcast_in_dim3A_414, %get3A_408 : vector<16xi1>, vector<16xi32>
    %swap3A_416 = arith.constant 3 : i32
    %swap3A_417 = arith.index_cast %swap3A_416 : i32 to index
    %swap3A_418 = arith.constant 48 : index
    %swap3A_419 = tpu.vector_load %arg6[%swap3A_417, %swap3A_418] {strides = array<i32>} : memref<6x128xi32, #tpu.memory_space<vmem>>, vector<16xi32>,
    tpu.vector_store %arg6[%swap3A_417, %swap3A_418], %select_n3A_415 {strides = array<i32>} : memref<6x128xi32, #tpu.memory_space<vmem>>, vector<16xi32>,
    %get3A_420 = arith.constant 3 : i32
    %get3A_421 = arith.index_cast %get3A_420 : i32 to index
    %get3A_422 = arith.constant 64 : index
    %get3A_423 = tpu.vector_load %arg5[%get3A_421, %get3A_422] {strides = array<i32>} : memref<6x128xi32, #tpu.memory_space<vmem>>, vector<16xi32>,
    %ge3A_424 = arith.constant 8192 : i32
    %ge3A_425 = vector.broadcast %ge3A_424 : i32 to vector<16xi32>
    %ge3A_426 = arith.cmpi sge, %get3A_423, %ge3A_425 : vector<16xi32>
    %add3A_427 = arith.constant 8192 : i32
    %add3A_428 = arith.addi %add3A_427, %add3A : i32
    %broadcast_in_dim3A_429 = vector.broadcast %add3A_428 : i32 to vector<16xi32>
    %select_n3A_430 = arith.select %ge3A_426, %broadcast_in_dim3A_429, %get3A_423 : vector<16xi1>, vector<16xi32>
    %swap3A_431 = arith.constant 3 : i32
    %swap3A_432 = arith.index_cast %swap3A_431 : i32 to index
    %swap3A_433 = arith.constant 64 : index
    %swap3A_434 = tpu.vector_load %arg6[%swap3A_432, %swap3A_433] {strides = array<i32>} : memref<6x128xi32, #tpu.memory_space<vmem>>, vector<16xi32>,
    tpu.vector_store %arg6[%swap3A_432, %swap3A_433], %select_n3A_430 {strides = array<i32>} : memref<6x128xi32, #tpu.memory_space<vmem>>, vector<16xi32>,
    %get3A_435 = arith.constant 3 : i32
    %get3A_436 = arith.index_cast %get3A_435 : i32 to index
    %get3A_437 = arith.constant 80 : index
    %get3A_438 = tpu.vector_load %arg5[%get3A_436, %get3A_437] {strides = array<i32>} : memref<6x128xi32, #tpu.memory_space<vmem>>, vector<16xi32>,
    %ge3A_439 = arith.constant 8192 : i32
    %ge3A_440 = vector.broadcast %ge3A_439 : i32 to vector<16xi32>
    %ge3A_441 = arith.cmpi sge, %get3A_438, %ge3A_440 : vector<16xi32>
    %add3A_442 = arith.constant 8192 : i32
    %add3A_443 = arith.addi %add3A_442, %add3A : i32
    %broadcast_in_dim3A_444 = vector.broadcast %add3A_443 : i32 to vector<16xi32>
    %select_n3A_445 = arith.select %ge3A_441, %broadcast_in_dim3A_444, %get3A_438 : vector<16xi1>, vector<16xi32>
    %swap3A_446 = arith.constant 3 : i32
    %swap3A_447 = arith.index_cast %swap3A_446 : i32 to index
    %swap3A_448 = arith.constant 80 : index
    %swap3A_449 = tpu.vector_load %arg6[%swap3A_447, %swap3A_448] {strides = array<i32>} : memref<6x128xi32, #tpu.memory_space<vmem>>, vector<16xi32>,
    tpu.vector_store %arg6[%swap3A_447, %swap3A_448], %select_n3A_445 {strides = array<i32>} : memref<6x128xi32, #tpu.memory_space<vmem>>, vector<16xi32>,
    %get3A_450 = arith.constant 3 : i32
    %get3A_451 = arith.index_cast %get3A_450 : i32 to index
    %get3A_452 = arith.constant 96 : index
    %get3A_453 = tpu.vector_load %arg5[%get3A_451, %get3A_452] {strides = array<i32>} : memref<6x128xi32, #tpu.memory_space<vmem>>, vector<16xi32>,
    %ge3A_454 = arith.constant 8192 : i32
    %ge3A_455 = vector.broadcast %ge3A_454 : i32 to vector<16xi32>
    %ge3A_456 = arith.cmpi sge, %get3A_453, %ge3A_455 : vector<16xi32>
    %add3A_457 = arith.constant 8192 : i32
    %add3A_458 = arith.addi %add3A_457, %add3A : i32
    %broadcast_in_dim3A_459 = vector.broadcast %add3A_458 : i32 to vector<16xi32>
    %select_n3A_460 = arith.select %ge3A_456, %broadcast_in_dim3A_459, %get3A_453 : vector<16xi1>, vector<16xi32>
    %swap3A_461 = arith.constant 3 : i32
    %swap3A_462 = arith.index_cast %swap3A_461 : i32 to index
    %swap3A_463 = arith.constant 96 : index
    %swap3A_464 = tpu.vector_load %arg6[%swap3A_462, %swap3A_463] {strides = array<i32>} : memref<6x128xi32, #tpu.memory_space<vmem>>, vector<16xi32>,
    tpu.vector_store %arg6[%swap3A_462, %swap3A_463], %select_n3A_460 {strides = array<i32>} : memref<6x128xi32, #tpu.memory_space<vmem>>, vector<16xi32>,
    %get3A_465 = arith.constant 3 : i32
    %get3A_466 = arith.index_cast %get3A_465 : i32 to index
    %get3A_467 = arith.constant 112 : index
    %get3A_468 = tpu.vector_load %arg5[%get3A_466, %get3A_467] {strides = array<i32>} : memref<6x128xi32, #tpu.memory_space<vmem>>, vector<16xi32>,
    %ge3A_469 = arith.constant 8192 : i32
    %ge3A_470 = vector.broadcast %ge3A_469 : i32 to vector<16xi32>
    %ge3A_471 = arith.cmpi sge, %get3A_468, %ge3A_470 : vector<16xi32>
    %add3A_472 = arith.constant 8192 : i32
    %add3A_473 = arith.addi %add3A_472, %add3A : i32
    %broadcast_in_dim3A_474 = vector.broadcast %add3A_473 : i32 to vector<16xi32>
    %select_n3A_475 = arith.select %ge3A_471, %broadcast_in_dim3A_474, %get3A_468 : vector<16xi1>, vector<16xi32>
    %swap3A_476 = arith.constant 3 : i32
    %swap3A_477 = arith.index_cast %swap3A_476 : i32 to index
    %swap3A_478 = arith.constant 112 : index
    %swap3A_479 = tpu.vector_load %arg6[%swap3A_477, %swap3A_478] {strides = array<i32>} : memref<6x128xi32, #tpu.memory_space<vmem>>, vector<16xi32>,
    tpu.vector_store %arg6[%swap3A_477, %swap3A_478], %select_n3A_475 {strides = array<i32>} : memref<6x128xi32, #tpu.memory_space<vmem>>, vector<16xi32>,
    %get3A_480 = arith.constant 4 : i32
    %get3A_481 = arith.index_cast %get3A_480 : i32 to index
    %get3A_482 = arith.constant 0 : index
    %get3A_483 = tpu.vector_load %arg5[%get3A_481, %get3A_482] {strides = array<i32>} : memref<6x128xi32, #tpu.memory_space<vmem>>, vector<16xi32>,
    %ge3A_484 = arith.constant 8192 : i32
    %ge3A_485 = vector.broadcast %ge3A_484 : i32 to vector<16xi32>
    %ge3A_486 = arith.cmpi sge, %get3A_483, %ge3A_485 : vector<16xi32>
    %add3A_487 = arith.constant 8192 : i32
    %add3A_488 = arith.addi %add3A_487, %add3A : i32
    %broadcast_in_dim3A_489 = vector.broadcast %add3A_488 : i32 to vector<16xi32>
    %select_n3A_490 = arith.select %ge3A_486, %broadcast_in_dim3A_489, %get3A_483 : vector<16xi1>, vector<16xi32>
    %swap3A_491 = arith.constant 4 : i32
    %swap3A_492 = arith.index_cast %swap3A_491 : i32 to index
    %swap3A_493 = arith.constant 0 : index
    %swap3A_494 = tpu.vector_load %arg6[%swap3A_492, %swap3A_493] {strides = array<i32>} : memref<6x128xi32, #tpu.memory_space<vmem>>, vector<16xi32>,
    tpu.vector_store %arg6[%swap3A_492, %swap3A_493], %select_n3A_490 {strides = array<i32>} : memref<6x128xi32, #tpu.memory_space<vmem>>, vector<16xi32>,
    %get3A_495 = arith.constant 4 : i32
    %get3A_496 = arith.index_cast %get3A_495 : i32 to index
    %get3A_497 = arith.constant 16 : index
    %get3A_498 = tpu.vector_load %arg5[%get3A_496, %get3A_497] {strides = array<i32>} : memref<6x128xi32, #tpu.memory_space<vmem>>, vector<16xi32>,
    %ge3A_499 = arith.constant 8192 : i32
    %ge3A_500 = vector.broadcast %ge3A_499 : i32 to vector<16xi32>
    %ge3A_501 = arith.cmpi sge, %get3A_498, %ge3A_500 : vector<16xi32>
    %add3A_502 = arith.constant 8192 : i32
    %add3A_503 = arith.addi %add3A_502, %add3A : i32
    %broadcast_in_dim3A_504 = vector.broadcast %add3A_503 : i32 to vector<16xi32>
    %select_n3A_505 = arith.select %ge3A_501, %broadcast_in_dim3A_504, %get3A_498 : vector<16xi1>, vector<16xi32>
    %swap3A_506 = arith.constant 4 : i32
    %swap3A_507 = arith.index_cast %swap3A_506 : i32 to index
    %swap3A_508 = arith.constant 16 : index
    %swap3A_509 = tpu.vector_load %arg6[%swap3A_507, %swap3A_508] {strides = array<i32>} : memref<6x128xi32, #tpu.memory_space<vmem>>, vector<16xi32>,
    tpu.vector_store %arg6[%swap3A_507, %swap3A_508], %select_n3A_505 {strides = array<i32>} : memref<6x128xi32, #tpu.memory_space<vmem>>, vector<16xi32>,
    %get3A_510 = arith.constant 4 : i32
    %get3A_511 = arith.index_cast %get3A_510 : i32 to index
    %get3A_512 = arith.constant 32 : index
    %get3A_513 = tpu.vector_load %arg5[%get3A_511, %get3A_512] {strides = array<i32>} : memref<6x128xi32, #tpu.memory_space<vmem>>, vector<16xi32>,
    %ge3A_514 = arith.constant 8192 : i32
    %ge3A_515 = vector.broadcast %ge3A_514 : i32 to vector<16xi32>
    %ge3A_516 = arith.cmpi sge, %get3A_513, %ge3A_515 : vector<16xi32>
    %add3A_517 = arith.constant 8192 : i32
    %add3A_518 = arith.addi %add3A_517, %add3A : i32
    %broadcast_in_dim3A_519 = vector.broadcast %add3A_518 : i32 to vector<16xi32>
    %select_n3A_520 = arith.select %ge3A_516, %broadcast_in_dim3A_519, %get3A_513 : vector<16xi1>, vector<16xi32>
    %swap3A_521 = arith.constant 4 : i32
    %swap3A_522 = arith.index_cast %swap3A_521 : i32 to index
    %swap3A_523 = arith.constant 32 : index
    %swap3A_524 = tpu.vector_load %arg6[%swap3A_522, %swap3A_523] {strides = array<i32>} : memref<6x128xi32, #tpu.memory_space<vmem>>, vector<16xi32>,
    tpu.vector_store %arg6[%swap3A_522, %swap3A_523], %select_n3A_520 {strides = array<i32>} : memref<6x128xi32, #tpu.memory_space<vmem>>, vector<16xi32>,
    %get3A_525 = arith.constant 4 : i32
    %get3A_526 = arith.index_cast %get3A_525 : i32 to index
    %get3A_527 = arith.constant 48 : index
    %get3A_528 = tpu.vector_load %arg5[%get3A_526, %get3A_527] {strides = array<i32>} : memref<6x128xi32, #tpu.memory_space<vmem>>, vector<16xi32>,
    %ge3A_529 = arith.constant 8192 : i32
    %ge3A_530 = vector.broadcast %ge3A_529 : i32 to vector<16xi32>
    %ge3A_531 = arith.cmpi sge, %get3A_528, %ge3A_530 : vector<16xi32>
    %add3A_532 = arith.constant 8192 : i32
    %add3A_533 = arith.addi %add3A_532, %add3A : i32
    %broadcast_in_dim3A_534 = vector.broadcast %add3A_533 : i32 to vector<16xi32>
    %select_n3A_535 = arith.select %ge3A_531, %broadcast_in_dim3A_534, %get3A_528 : vector<16xi1>, vector<16xi32>
    %swap3A_536 = arith.constant 4 : i32
    %swap3A_537 = arith.index_cast %swap3A_536 : i32 to index
    %swap3A_538 = arith.constant 48 : index
    %swap3A_539 = tpu.vector_load %arg6[%swap3A_537, %swap3A_538] {strides = array<i32>} : memref<6x128xi32, #tpu.memory_space<vmem>>, vector<16xi32>,
    tpu.vector_store %arg6[%swap3A_537, %swap3A_538], %select_n3A_535 {strides = array<i32>} : memref<6x128xi32, #tpu.memory_space<vmem>>, vector<16xi32>,
    %get3A_540 = arith.constant 4 : i32
    %get3A_541 = arith.index_cast %get3A_540 : i32 to index
    %get3A_542 = arith.constant 64 : index
    %get3A_543 = tpu.vector_load %arg5[%get3A_541, %get3A_542] {strides = array<i32>} : memref<6x128xi32, #tpu.memory_space<vmem>>, vector<16xi32>,
    %ge3A_544 = arith.constant 8192 : i32
    %ge3A_545 = vector.broadcast %ge3A_544 : i32 to vector<16xi32>
    %ge3A_546 = arith.cmpi sge, %get3A_543, %ge3A_545 : vector<16xi32>
    %add3A_547 = arith.constant 8192 : i32
    %add3A_548 = arith.addi %add3A_547, %add3A : i32
    %broadcast_in_dim3A_549 = vector.broadcast %add3A_548 : i32 to vector<16xi32>
    %select_n3A_550 = arith.select %ge3A_546, %broadcast_in_dim3A_549, %get3A_543 : vector<16xi1>, vector<16xi32>
    %swap3A_551 = arith.constant 4 : i32
    %swap3A_552 = arith.index_cast %swap3A_551 : i32 to index
    %swap3A_553 = arith.constant 64 : index
    %swap3A_554 = tpu.vector_load %arg6[%swap3A_552, %swap3A_553] {strides = array<i32>} : memref<6x128xi32, #tpu.memory_space<vmem>>, vector<16xi32>,
    tpu.vector_store %arg6[%swap3A_552, %swap3A_553], %select_n3A_550 {strides = array<i32>} : memref<6x128xi32, #tpu.memory_space<vmem>>, vector<16xi32>,
    %get3A_555 = arith.constant 4 : i32
    %get3A_556 = arith.index_cast %get3A_555 : i32 to index
    %get3A_557 = arith.constant 80 : index
    %get3A_558 = tpu.vector_load %arg5[%get3A_556, %get3A_557] {strides = array<i32>} : memref<6x128xi32, #tpu.memory_space<vmem>>, vector<16xi32>,
    %ge3A_559 = arith.constant 8192 : i32
    %ge3A_560 = vector.broadcast %ge3A_559 : i32 to vector<16xi32>
    %ge3A_561 = arith.cmpi sge, %get3A_558, %ge3A_560 : vector<16xi32>
    %add3A_562 = arith.constant 8192 : i32
    %add3A_563 = arith.addi %add3A_562, %add3A : i32
    %broadcast_in_dim3A_564 = vector.broadcast %add3A_563 : i32 to vector<16xi32>
    %select_n3A_565 = arith.select %ge3A_561, %broadcast_in_dim3A_564, %get3A_558 : vector<16xi1>, vector<16xi32>
    %swap3A_566 = arith.constant 4 : i32
    %swap3A_567 = arith.index_cast %swap3A_566 : i32 to index
    %swap3A_568 = arith.constant 80 : index
    %swap3A_569 = tpu.vector_load %arg6[%swap3A_567, %swap3A_568] {strides = array<i32>} : memref<6x128xi32, #tpu.memory_space<vmem>>, vector<16xi32>,
    tpu.vector_store %arg6[%swap3A_567, %swap3A_568], %select_n3A_565 {strides = array<i32>} : memref<6x128xi32, #tpu.memory_space<vmem>>, vector<16xi32>,
    %get3A_570 = arith.constant 4 : i32
    %get3A_571 = arith.index_cast %get3A_570 : i32 to index
    %get3A_572 = arith.constant 96 : index
    %get3A_573 = tpu.vector_load %arg5[%get3A_571, %get3A_572] {strides = array<i32>} : memref<6x128xi32, #tpu.memory_space<vmem>>, vector<16xi32>,
    %ge3A_574 = arith.constant 8192 : i32
    %ge3A_575 = vector.broadcast %ge3A_574 : i32 to vector<16xi32>
    %ge3A_576 = arith.cmpi sge, %get3A_573, %ge3A_575 : vector<16xi32>
    %add3A_577 = arith.constant 8192 : i32
    %add3A_578 = arith.addi %add3A_577, %add3A : i32
    %broadcast_in_dim3A_579 = vector.broadcast %add3A_578 : i32 to vector<16xi32>
    %select_n3A_580 = arith.select %ge3A_576, %broadcast_in_dim3A_579, %get3A_573 : vector<16xi1>, vector<16xi32>
    %swap3A_581 = arith.constant 4 : i32
    %swap3A_582 = arith.index_cast %swap3A_581 : i32 to index
    %swap3A_583 = arith.constant 96 : index
    %swap3A_584 = tpu.vector_load %arg6[%swap3A_582, %swap3A_583] {strides = array<i32>} : memref<6x128xi32, #tpu.memory_space<vmem>>, vector<16xi32>,
    tpu.vector_store %arg6[%swap3A_582, %swap3A_583], %select_n3A_580 {strides = array<i32>} : memref<6x128xi32, #tpu.memory_space<vmem>>, vector<16xi32>,
    %get3A_585 = arith.constant 4 : i32
    %get3A_586 = arith.index_cast %get3A_585 : i32 to index
    %get3A_587 = arith.constant 112 : index
    %get3A_588 = tpu.vector_load %arg5[%get3A_586, %get3A_587] {strides = array<i32>} : memref<6x128xi32, #tpu.memory_space<vmem>>, vector<16xi32>,
    %ge3A_589 = arith.constant 8192 : i32
    %ge3A_590 = vector.broadcast %ge3A_589 : i32 to vector<16xi32>
    %ge3A_591 = arith.cmpi sge, %get3A_588, %ge3A_590 : vector<16xi32>
    %add3A_592 = arith.constant 8192 : i32
    %add3A_593 = arith.addi %add3A_592, %add3A : i32
    %broadcast_in_dim3A_594 = vector.broadcast %add3A_593 : i32 to vector<16xi32>
    %select_n3A_595 = arith.select %ge3A_591, %broadcast_in_dim3A_594, %get3A_588 : vector<16xi1>, vector<16xi32>
    %swap3A_596 = arith.constant 4 : i32
    %swap3A_597 = arith.index_cast %swap3A_596 : i32 to index
    %swap3A_598 = arith.constant 112 : index
    %swap3A_599 = tpu.vector_load %arg6[%swap3A_597, %swap3A_598] {strides = array<i32>} : memref<6x128xi32, #tpu.memory_space<vmem>>, vector<16xi32>,
    tpu.vector_store %arg6[%swap3A_597, %swap3A_598], %select_n3A_595 {strides = array<i32>} : memref<6x128xi32, #tpu.memory_space<vmem>>, vector<16xi32>,
    %get3A_600 = arith.constant 5 : i32
    %get3A_601 = arith.index_cast %get3A_600 : i32 to index
    %get3A_602 = arith.constant 0 : index
    %get3A_603 = tpu.vector_load %arg5[%get3A_601, %get3A_602] {strides = array<i32>} : memref<6x128xi32, #tpu.memory_space<vmem>>, vector<16xi32>,
    %ge3A_604 = arith.constant 8192 : i32
    %ge3A_605 = vector.broadcast %ge3A_604 : i32 to vector<16xi32>
    %ge3A_606 = arith.cmpi sge, %get3A_603, %ge3A_605 : vector<16xi32>
    %add3A_607 = arith.constant 8192 : i32
    %add3A_608 = arith.addi %add3A_607, %add3A : i32
    %broadcast_in_dim3A_609 = vector.broadcast %add3A_608 : i32 to vector<16xi32>
    %select_n3A_610 = arith.select %ge3A_606, %broadcast_in_dim3A_609, %get3A_603 : vector<16xi1>, vector<16xi32>
    %swap3A_611 = arith.constant 5 : i32
    %swap3A_612 = arith.index_cast %swap3A_611 : i32 to index
    %swap3A_613 = arith.constant 0 : index
    %swap3A_614 = tpu.vector_load %arg6[%swap3A_612, %swap3A_613] {strides = array<i32>} : memref<6x128xi32, #tpu.memory_space<vmem>>, vector<16xi32>,
    tpu.vector_store %arg6[%swap3A_612, %swap3A_613], %select_n3A_610 {strides = array<i32>} : memref<6x128xi32, #tpu.memory_space<vmem>>, vector<16xi32>,
    %get3A_615 = arith.constant 5 : i32
    %get3A_616 = arith.index_cast %get3A_615 : i32 to index
    %get3A_617 = arith.constant 16 : index
    %get3A_618 = tpu.vector_load %arg5[%get3A_616, %get3A_617] {strides = array<i32>} : memref<6x128xi32, #tpu.memory_space<vmem>>, vector<16xi32>,
    %ge3A_619 = arith.constant 8192 : i32
    %ge3A_620 = vector.broadcast %ge3A_619 : i32 to vector<16xi32>
    %ge3A_621 = arith.cmpi sge, %get3A_618, %ge3A_620 : vector<16xi32>
    %add3A_622 = arith.constant 8192 : i32
    %add3A_623 = arith.addi %add3A_622, %add3A : i32
    %broadcast_in_dim3A_624 = vector.broadcast %add3A_623 : i32 to vector<16xi32>
    %select_n3A_625 = arith.select %ge3A_621, %broadcast_in_dim3A_624, %get3A_618 : vector<16xi1>, vector<16xi32>
    %swap3A_626 = arith.constant 5 : i32
    %swap3A_627 = arith.index_cast %swap3A_626 : i32 to index
    %swap3A_628 = arith.constant 16 : index
    %swap3A_629 = tpu.vector_load %arg6[%swap3A_627, %swap3A_628] {strides = array<i32>} : memref<6x128xi32, #tpu.memory_space<vmem>>, vector<16xi32>,
    tpu.vector_store %arg6[%swap3A_627, %swap3A_628], %select_n3A_625 {strides = array<i32>} : memref<6x128xi32, #tpu.memory_space<vmem>>, vector<16xi32>,
    %get3A_630 = arith.constant 5 : i32
    %get3A_631 = arith.index_cast %get3A_630 : i32 to index
    %get3A_632 = arith.constant 32 : index
    %get3A_633 = tpu.vector_load %arg5[%get3A_631, %get3A_632] {strides = array<i32>} : memref<6x128xi32, #tpu.memory_space<vmem>>, vector<16xi32>,
    %ge3A_634 = arith.constant 8192 : i32
    %ge3A_635 = vector.broadcast %ge3A_634 : i32 to vector<16xi32>
    %ge3A_636 = arith.cmpi sge, %get3A_633, %ge3A_635 : vector<16xi32>
    %add3A_637 = arith.constant 8192 : i32
    %add3A_638 = arith.addi %add3A_637, %add3A : i32
    %broadcast_in_dim3A_639 = vector.broadcast %add3A_638 : i32 to vector<16xi32>
    %select_n3A_640 = arith.select %ge3A_636, %broadcast_in_dim3A_639, %get3A_633 : vector<16xi1>, vector<16xi32>
    %swap3A_641 = arith.constant 5 : i32
    %swap3A_642 = arith.index_cast %swap3A_641 : i32 to index
    %swap3A_643 = arith.constant 32 : index
    %swap3A_644 = tpu.vector_load %arg6[%swap3A_642, %swap3A_643] {strides = array<i32>} : memref<6x128xi32, #tpu.memory_space<vmem>>, vector<16xi32>,
    tpu.vector_store %arg6[%swap3A_642, %swap3A_643], %select_n3A_640 {strides = array<i32>} : memref<6x128xi32, #tpu.memory_space<vmem>>, vector<16xi32>,
    %get3A_645 = arith.constant 5 : i32
    %get3A_646 = arith.index_cast %get3A_645 : i32 to index
    %get3A_647 = arith.constant 48 : index
    %get3A_648 = tpu.vector_load %arg5[%get3A_646, %get3A_647] {strides = array<i32>} : memref<6x128xi32, #tpu.memory_space<vmem>>, vector<16xi32>,
    %ge3A_649 = arith.constant 8192 : i32
    %ge3A_650 = vector.broadcast %ge3A_649 : i32 to vector<16xi32>
    %ge3A_651 = arith.cmpi sge, %get3A_648, %ge3A_650 : vector<16xi32>
    %add3A_652 = arith.constant 8192 : i32
    %add3A_653 = arith.addi %add3A_652, %add3A : i32
    %broadcast_in_dim3A_654 = vector.broadcast %add3A_653 : i32 to vector<16xi32>
    %select_n3A_655 = arith.select %ge3A_651, %broadcast_in_dim3A_654, %get3A_648 : vector<16xi1>, vector<16xi32>
    %swap3A_656 = arith.constant 5 : i32
    %swap3A_657 = arith.index_cast %swap3A_656 : i32 to index
    %swap3A_658 = arith.constant 48 : index
    %swap3A_659 = tpu.vector_load %arg6[%swap3A_657, %swap3A_658] {strides = array<i32>} : memref<6x128xi32, #tpu.memory_space<vmem>>, vector<16xi32>,
    tpu.vector_store %arg6[%swap3A_657, %swap3A_658], %select_n3A_655 {strides = array<i32>} : memref<6x128xi32, #tpu.memory_space<vmem>>, vector<16xi32>,
    %get3A_660 = arith.constant 5 : i32
    %get3A_661 = arith.index_cast %get3A_660 : i32 to index
    %get3A_662 = arith.constant 64 : index
    %get3A_663 = tpu.vector_load %arg5[%get3A_661, %get3A_662] {strides = array<i32>} : memref<6x128xi32, #tpu.memory_space<vmem>>, vector<16xi32>,
    %ge3A_664 = arith.constant 8192 : i32
    %ge3A_665 = vector.broadcast %ge3A_664 : i32 to vector<16xi32>
    %ge3A_666 = arith.cmpi sge, %get3A_663, %ge3A_665 : vector<16xi32>
    %add3A_667 = arith.constant 8192 : i32
    %add3A_668 = arith.addi %add3A_667, %add3A : i32
    %broadcast_in_dim3A_669 = vector.broadcast %add3A_668 : i32 to vector<16xi32>
    %select_n3A_670 = arith.select %ge3A_666, %broadcast_in_dim3A_669, %get3A_663 : vector<16xi1>, vector<16xi32>
    %swap3A_671 = arith.constant 5 : i32
    %swap3A_672 = arith.index_cast %swap3A_671 : i32 to index
    %swap3A_673 = arith.constant 64 : index
    %swap3A_674 = tpu.vector_load %arg6[%swap3A_672, %swap3A_673] {strides = array<i32>} : memref<6x128xi32, #tpu.memory_space<vmem>>, vector<16xi32>,
    tpu.vector_store %arg6[%swap3A_672, %swap3A_673], %select_n3A_670 {strides = array<i32>} : memref<6x128xi32, #tpu.memory_space<vmem>>, vector<16xi32>,
    %get3A_675 = arith.constant 5 : i32
    %get3A_676 = arith.index_cast %get3A_675 : i32 to index
    %get3A_677 = arith.constant 80 : index
    %get3A_678 = tpu.vector_load %arg5[%get3A_676, %get3A_677] {strides = array<i32>} : memref<6x128xi32, #tpu.memory_space<vmem>>, vector<16xi32>,
    %ge3A_679 = arith.constant 8192 : i32
    %ge3A_680 = vector.broadcast %ge3A_679 : i32 to vector<16xi32>
    %ge3A_681 = arith.cmpi sge, %get3A_678, %ge3A_680 : vector<16xi32>
    %add3A_682 = arith.constant 8192 : i32
    %add3A_683 = arith.addi %add3A_682, %add3A : i32
    %broadcast_in_dim3A_684 = vector.broadcast %add3A_683 : i32 to vector<16xi32>
    %select_n3A_685 = arith.select %ge3A_681, %broadcast_in_dim3A_684, %get3A_678 : vector<16xi1>, vector<16xi32>
    %swap3A_686 = arith.constant 5 : i32
    %swap3A_687 = arith.index_cast %swap3A_686 : i32 to index
    %swap3A_688 = arith.constant 80 : index
    %swap3A_689 = tpu.vector_load %arg6[%swap3A_687, %swap3A_688] {strides = array<i32>} : memref<6x128xi32, #tpu.memory_space<vmem>>, vector<16xi32>,
    tpu.vector_store %arg6[%swap3A_687, %swap3A_688], %select_n3A_685 {strides = array<i32>} : memref<6x128xi32, #tpu.memory_space<vmem>>, vector<16xi32>,
    %get3A_690 = arith.constant 5 : i32
    %get3A_691 = arith.index_cast %get3A_690 : i32 to index
    %get3A_692 = arith.constant 96 : index
    %get3A_693 = tpu.vector_load %arg5[%get3A_691, %get3A_692] {strides = array<i32>} : memref<6x128xi32, #tpu.memory_space<vmem>>, vector<16xi32>,
    %ge3A_694 = arith.constant 8192 : i32
    %ge3A_695 = vector.broadcast %ge3A_694 : i32 to vector<16xi32>
    %ge3A_696 = arith.cmpi sge, %get3A_693, %ge3A_695 : vector<16xi32>
    %add3A_697 = arith.constant 8192 : i32
    %add3A_698 = arith.addi %add3A_697, %add3A : i32
    %broadcast_in_dim3A_699 = vector.broadcast %add3A_698 : i32 to vector<16xi32>
    %select_n3A_700 = arith.select %ge3A_696, %broadcast_in_dim3A_699, %get3A_693 : vector<16xi1>, vector<16xi32>
    %swap3A_701 = arith.constant 5 : i32
    %swap3A_702 = arith.index_cast %swap3A_701 : i32 to index
    %swap3A_703 = arith.constant 96 : index
    %swap3A_704 = tpu.vector_load %arg6[%swap3A_702, %swap3A_703] {strides = array<i32>} : memref<6x128xi32, #tpu.memory_space<vmem>>, vector<16xi32>,
    tpu.vector_store %arg6[%swap3A_702, %swap3A_703], %select_n3A_700 {strides = array<i32>} : memref<6x128xi32, #tpu.memory_space<vmem>>, vector<16xi32>,
    %get3A_705 = arith.constant 5 : i32
    %get3A_706 = arith.index_cast %get3A_705 : i32 to index
    %get3A_707 = arith.constant 112 : index
    %get3A_708 = tpu.vector_load %arg5[%get3A_706, %get3A_707] {strides = array<i32>} : memref<6x128xi32, #tpu.memory_space<vmem>>, vector<16xi32>,
    %ge3A_709 = arith.constant 8192 : i32
    %ge3A_710 = vector.broadcast %ge3A_709 : i32 to vector<16xi32>
    %ge3A_711 = arith.cmpi sge, %get3A_708, %ge3A_710 : vector<16xi32>
    %add3A_712 = arith.constant 8192 : i32
    %add3A_713 = arith.addi %add3A_712, %add3A : i32
    %broadcast_in_dim3A_714 = vector.broadcast %add3A_713 : i32 to vector<16xi32>
    %select_n3A_715 = arith.select %ge3A_711, %broadcast_in_dim3A_714, %get3A_708 : vector<16xi1>, vector<16xi32>
    %swap3A_716 = arith.constant 5 : i32
    %swap3A_717 = arith.index_cast %swap3A_716 : i32 to index
    %swap3A_718 = arith.constant 112 : index
    %swap3A_719 = tpu.vector_load %arg6[%swap3A_717, %swap3A_718] {strides = array<i32>} : memref<6x128xi32, #tpu.memory_space<vmem>>, vector<16xi32>,
    tpu.vector_store %arg6[%swap3A_717, %swap3A_718], %select_n3A_715 {strides = array<i32>} : memref<6x128xi32, #tpu.memory_space<vmem>>, vector<16xi32>,
    %dma_start3A = arith.constant 0 : i32
    %dma_start3A_720 = arith.constant 0 : i32
    %dma_start3A_721 = arith.constant 0 : i32
    %dma_start3A_722 = tpu.memref_slice %arg7[%dma_start3A_720, %dma_start3A_721] : memref<768x16xf32, #tpu.memory_space<vmem>> -> memref<128x16xf32, #tpu.memory_space<vmem>>
    %dma_start3A_723 = arith.constant 0 : i32
    %dma_start3A_724 = tpu.memref_slice %arg6[%dma_start3A, %dma_start3A_723] : memref<6x128xi32, #tpu.memory_space<vmem>> -> memref<1x128xi32, #tpu.memory_space<vmem>>
    %dma_start3A_725 = tpu.memref_squeeze %dma_start3A_724 : memref<1x128xi32, #tpu.memory_space<vmem>> -> memref<128xi32, #tpu.memory_space<vmem>>
    %dma_start3A_726 = arith.constant 0 : i32
    %dma_start3A_727 = arith.constant 0 : i32
    %dma_start3A_728 = tpu.memref_slice %arg4[%dma_start3A_726, %dma_start3A_727] : memref<8224x16xf32, #tpu.memory_space<hbm>> -> memref<8224x16xf32, #tpu.memory_space<hbm>>
    tpu.enqueue_indirect_dma source(%dma_start3A_722 : memref<128x16xf32, #tpu.memory_space<vmem>>) target(%dma_start3A_728 : memref<8224x16xf32, #tpu.memory_space<hbm>>) offsets(%dma_start3A_725 : memref<128xi32, #tpu.memory_space<vmem>>) semaphore(%arg8 : memref<!tpu.dma_semaphore, #tpu.memory_space<semaphore_mem>>)
    %dma_start3A_729 = arith.constant 1 : i32
    %dma_start3A_730 = arith.constant 128 : i32
    %dma_start3A_731 = arith.constant 0 : i32
    %dma_start3A_732 = tpu.memref_slice %arg7[%dma_start3A_730, %dma_start3A_731] : memref<768x16xf32, #tpu.memory_space<vmem>> -> memref<128x16xf32, #tpu.memory_space<vmem>>
    %dma_start3A_733 = arith.constant 0 : i32
    %dma_start3A_734 = tpu.memref_slice %arg6[%dma_start3A_729, %dma_start3A_733] : memref<6x128xi32, #tpu.memory_space<vmem>> -> memref<1x128xi32, #tpu.memory_space<vmem>>
    %dma_start3A_735 = tpu.memref_squeeze %dma_start3A_734 : memref<1x128xi32, #tpu.memory_space<vmem>> -> memref<128xi32, #tpu.memory_space<vmem>>
    %dma_start3A_736 = arith.constant 0 : i32
    %dma_start3A_737 = arith.constant 0 : i32
    %dma_start3A_738 = tpu.memref_slice %arg4[%dma_start3A_736, %dma_start3A_737] : memref<8224x16xf32, #tpu.memory_space<hbm>> -> memref<8224x16xf32, #tpu.memory_space<hbm>>
    tpu.enqueue_indirect_dma source(%dma_start3A_732 : memref<128x16xf32, #tpu.memory_space<vmem>>) target(%dma_start3A_738 : memref<8224x16xf32, #tpu.memory_space<hbm>>) offsets(%dma_start3A_735 : memref<128xi32, #tpu.memory_space<vmem>>) semaphore(%arg8 : memref<!tpu.dma_semaphore, #tpu.memory_space<semaphore_mem>>)
    %dma_start3A_739 = arith.constant 2 : i32
    %dma_start3A_740 = arith.constant 256 : i32
    %dma_start3A_741 = arith.constant 0 : i32
    %dma_start3A_742 = tpu.memref_slice %arg7[%dma_start3A_740, %dma_start3A_741] : memref<768x16xf32, #tpu.memory_space<vmem>> -> memref<128x16xf32, #tpu.memory_space<vmem>>
    %dma_start3A_743 = arith.constant 0 : i32
    %dma_start3A_744 = tpu.memref_slice %arg6[%dma_start3A_739, %dma_start3A_743] : memref<6x128xi32, #tpu.memory_space<vmem>> -> memref<1x128xi32, #tpu.memory_space<vmem>>
    %dma_start3A_745 = tpu.memref_squeeze %dma_start3A_744 : memref<1x128xi32, #tpu.memory_space<vmem>> -> memref<128xi32, #tpu.memory_space<vmem>>
    %dma_start3A_746 = arith.constant 0 : i32
    %dma_start3A_747 = arith.constant 0 : i32
    %dma_start3A_748 = tpu.memref_slice %arg4[%dma_start3A_746, %dma_start3A_747] : memref<8224x16xf32, #tpu.memory_space<hbm>> -> memref<8224x16xf32, #tpu.memory_space<hbm>>
    tpu.enqueue_indirect_dma source(%dma_start3A_742 : memref<128x16xf32, #tpu.memory_space<vmem>>) target(%dma_start3A_748 : memref<8224x16xf32, #tpu.memory_space<hbm>>) offsets(%dma_start3A_745 : memref<128xi32, #tpu.memory_space<vmem>>) semaphore(%arg8 : memref<!tpu.dma_semaphore, #tpu.memory_space<semaphore_mem>>)
    %dma_start3A_749 = arith.constant 3 : i32
    %dma_start3A_750 = arith.constant 384 : i32
    %dma_start3A_751 = arith.constant 0 : i32
    %dma_start3A_752 = tpu.memref_slice %arg7[%dma_start3A_750, %dma_start3A_751] : memref<768x16xf32, #tpu.memory_space<vmem>> -> memref<128x16xf32, #tpu.memory_space<vmem>>
    %dma_start3A_753 = arith.constant 0 : i32
    %dma_start3A_754 = tpu.memref_slice %arg6[%dma_start3A_749, %dma_start3A_753] : memref<6x128xi32, #tpu.memory_space<vmem>> -> memref<1x128xi32, #tpu.memory_space<vmem>>
    %dma_start3A_755 = tpu.memref_squeeze %dma_start3A_754 : memref<1x128xi32, #tpu.memory_space<vmem>> -> memref<128xi32, #tpu.memory_space<vmem>>
    %dma_start3A_756 = arith.constant 0 : i32
    %dma_start3A_757 = arith.constant 0 : i32
    %dma_start3A_758 = tpu.memref_slice %arg4[%dma_start3A_756, %dma_start3A_757] : memref<8224x16xf32, #tpu.memory_space<hbm>> -> memref<8224x16xf32, #tpu.memory_space<hbm>>
    tpu.enqueue_indirect_dma source(%dma_start3A_752 : memref<128x16xf32, #tpu.memory_space<vmem>>) target(%dma_start3A_758 : memref<8224x16xf32, #tpu.memory_space<hbm>>) offsets(%dma_start3A_755 : memref<128xi32, #tpu.memory_space<vmem>>) semaphore(%arg8 : memref<!tpu.dma_semaphore, #tpu.memory_space<semaphore_mem>>)
    %dma_start3A_759 = arith.constant 4 : i32
    %dma_start3A_760 = arith.constant 512 : i32
    %dma_start3A_761 = arith.constant 0 : i32
    %dma_start3A_762 = tpu.memref_slice %arg7[%dma_start3A_760, %dma_start3A_761] : memref<768x16xf32, #tpu.memory_space<vmem>> -> memref<128x16xf32, #tpu.memory_space<vmem>>
    %dma_start3A_763 = arith.constant 0 : i32
    %dma_start3A_764 = tpu.memref_slice %arg6[%dma_start3A_759, %dma_start3A_763] : memref<6x128xi32, #tpu.memory_space<vmem>> -> memref<1x128xi32, #tpu.memory_space<vmem>>
    %dma_start3A_765 = tpu.memref_squeeze %dma_start3A_764 : memref<1x128xi32, #tpu.memory_space<vmem>> -> memref<128xi32, #tpu.memory_space<vmem>>
    %dma_start3A_766 = arith.constant 0 : i32
    %dma_start3A_767 = arith.constant 0 : i32
    %dma_start3A_768 = tpu.memref_slice %arg4[%dma_start3A_766, %dma_start3A_767] : memref<8224x16xf32, #tpu.memory_space<hbm>> -> memref<8224x16xf32, #tpu.memory_space<hbm>>
    tpu.enqueue_indirect_dma source(%dma_start3A_762 : memref<128x16xf32, #tpu.memory_space<vmem>>) target(%dma_start3A_768 : memref<8224x16xf32, #tpu.memory_space<hbm>>) offsets(%dma_start3A_765 : memref<128xi32, #tpu.memory_space<vmem>>) semaphore(%arg8 : memref<!tpu.dma_semaphore, #tpu.memory_space<semaphore_mem>>)
    %dma_start3A_769 = arith.constant 5 : i32
    %dma_start3A_770 = arith.constant 640 : i32
    %dma_start3A_771 = arith.constant 0 : i32
    %dma_start3A_772 = tpu.memref_slice %arg7[%dma_start3A_770, %dma_start3A_771] : memref<768x16xf32, #tpu.memory_space<vmem>> -> memref<128x16xf32, #tpu.memory_space<vmem>>
    %dma_start3A_773 = arith.constant 0 : i32
    %dma_start3A_774 = tpu.memref_slice %arg6[%dma_start3A_769, %dma_start3A_773] : memref<6x128xi32, #tpu.memory_space<vmem>> -> memref<1x128xi32, #tpu.memory_space<vmem>>
    %dma_start3A_775 = tpu.memref_squeeze %dma_start3A_774 : memref<1x128xi32, #tpu.memory_space<vmem>> -> memref<128xi32, #tpu.memory_space<vmem>>
    %dma_start3A_776 = arith.constant 0 : i32
    %dma_start3A_777 = arith.constant 0 : i32
    %dma_start3A_778 = tpu.memref_slice %arg4[%dma_start3A_776, %dma_start3A_777] : memref<8224x16xf32, #tpu.memory_space<hbm>> -> memref<8224x16xf32, #tpu.memory_space<hbm>>
    tpu.enqueue_indirect_dma source(%dma_start3A_772 : memref<128x16xf32, #tpu.memory_space<vmem>>) target(%dma_start3A_778 : memref<8224x16xf32, #tpu.memory_space<hbm>>) offsets(%dma_start3A_775 : memref<128xi32, #tpu.memory_space<vmem>>) semaphore(%arg8 : memref<!tpu.dma_semaphore, #tpu.memory_space<semaphore_mem>>)
    %dma_wait3A = arith.constant 0 : i32
    %dma_wait3A_779 = arith.constant 0 : i32
    %dma_wait3A_780 = arith.constant 0 : i32
    %dma_wait3A_781 = tpu.memref_slice %arg7[%dma_wait3A_779, %dma_wait3A_780] : memref<768x16xf32, #tpu.memory_space<vmem>> -> memref<128x16xf32, #tpu.memory_space<vmem>>
    %dma_wait3A_782 = arith.constant 0 : i32
    %dma_wait3A_783 = tpu.memref_slice %arg6[%dma_wait3A, %dma_wait3A_782] : memref<6x128xi32, #tpu.memory_space<vmem>> -> memref<1x128xi32, #tpu.memory_space<vmem>>
    %dma_wait3A_784 = tpu.memref_squeeze %dma_wait3A_783 : memref<1x128xi32, #tpu.memory_space<vmem>> -> memref<128xi32, #tpu.memory_space<vmem>>
    %dma_wait3A_785 = arith.constant 0 : i32
    %dma_wait3A_786 = arith.constant 0 : i32
    %dma_wait3A_787 = tpu.memref_slice %arg4[%dma_wait3A_785, %dma_wait3A_786] : memref<8224x16xf32, #tpu.memory_space<hbm>> -> memref<8224x16xf32, #tpu.memory_space<hbm>>
    tpu.wait_indirect_dma semaphore(%arg8 : memref<!tpu.dma_semaphore, #tpu.memory_space<semaphore_mem>>) src(%dma_wait3A_781 : memref<128x16xf32, #tpu.memory_space<vmem>>) dst(%dma_wait3A_787 : memref<8224x16xf32, #tpu.memory_space<hbm>>)
    %dma_wait3A_788 = arith.constant 1 : i32
    %dma_wait3A_789 = arith.constant 128 : i32
    %dma_wait3A_790 = arith.constant 0 : i32
    %dma_wait3A_791 = tpu.memref_slice %arg7[%dma_wait3A_789, %dma_wait3A_790] : memref<768x16xf32, #tpu.memory_space<vmem>> -> memref<128x16xf32, #tpu.memory_space<vmem>>
    %dma_wait3A_792 = arith.constant 0 : i32
    %dma_wait3A_793 = tpu.memref_slice %arg6[%dma_wait3A_788, %dma_wait3A_792] : memref<6x128xi32, #tpu.memory_space<vmem>> -> memref<1x128xi32, #tpu.memory_space<vmem>>
    %dma_wait3A_794 = tpu.memref_squeeze %dma_wait3A_793 : memref<1x128xi32, #tpu.memory_space<vmem>> -> memref<128xi32, #tpu.memory_space<vmem>>
    %dma_wait3A_795 = arith.constant 0 : i32
    %dma_wait3A_796 = arith.constant 0 : i32
    %dma_wait3A_797 = tpu.memref_slice %arg4[%dma_wait3A_795, %dma_wait3A_796] : memref<8224x16xf32, #tpu.memory_space<hbm>> -> memref<8224x16xf32, #tpu.memory_space<hbm>>
    tpu.wait_indirect_dma semaphore(%arg8 : memref<!tpu.dma_semaphore, #tpu.memory_space<semaphore_mem>>) src(%dma_wait3A_791 : memref<128x16xf32, #tpu.memory_space<vmem>>) dst(%dma_wait3A_797 : memref<8224x16xf32, #tpu.memory_space<hbm>>)
    %dma_wait3A_798 = arith.constant 2 : i32
    %dma_wait3A_799 = arith.constant 256 : i32
    %dma_wait3A_800 = arith.constant 0 : i32
    %dma_wait3A_801 = tpu.memref_slice %arg7[%dma_wait3A_799, %dma_wait3A_800] : memref<768x16xf32, #tpu.memory_space<vmem>> -> memref<128x16xf32, #tpu.memory_space<vmem>>
    %dma_wait3A_802 = arith.constant 0 : i32
    %dma_wait3A_803 = tpu.memref_slice %arg6[%dma_wait3A_798, %dma_wait3A_802] : memref<6x128xi32, #tpu.memory_space<vmem>> -> memref<1x128xi32, #tpu.memory_space<vmem>>
    %dma_wait3A_804 = tpu.memref_squeeze %dma_wait3A_803 : memref<1x128xi32, #tpu.memory_space<vmem>> -> memref<128xi32, #tpu.memory_space<vmem>>
    %dma_wait3A_805 = arith.constant 0 : i32
    %dma_wait3A_806 = arith.constant 0 : i32
    %dma_wait3A_807 = tpu.memref_slice %arg4[%dma_wait3A_805, %dma_wait3A_806] : memref<8224x16xf32, #tpu.memory_space<hbm>> -> memref<8224x16xf32, #tpu.memory_space<hbm>>
    tpu.wait_indirect_dma semaphore(%arg8 : memref<!tpu.dma_semaphore, #tpu.memory_space<semaphore_mem>>) src(%dma_wait3A_801 : memref<128x16xf32, #tpu.memory_space<vmem>>) dst(%dma_wait3A_807 : memref<8224x16xf32, #tpu.memory_space<hbm>>)
    %dma_wait3A_808 = arith.constant 3 : i32
    %dma_wait3A_809 = arith.constant 384 : i32
    %dma_wait3A_810 = arith.constant 0 : i32
    %dma_wait3A_811 = tpu.memref_slice %arg7[%dma_wait3A_809, %dma_wait3A_810] : memref<768x16xf32, #tpu.memory_space<vmem>> -> memref<128x16xf32, #tpu.memory_space<vmem>>
    %dma_wait3A_812 = arith.constant 0 : i32
    %dma_wait3A_813 = tpu.memref_slice %arg6[%dma_wait3A_808, %dma_wait3A_812] : memref<6x128xi32, #tpu.memory_space<vmem>> -> memref<1x128xi32, #tpu.memory_space<vmem>>
    %dma_wait3A_814 = tpu.memref_squeeze %dma_wait3A_813 : memref<1x128xi32, #tpu.memory_space<vmem>> -> memref<128xi32, #tpu.memory_space<vmem>>
    %dma_wait3A_815 = arith.constant 0 : i32
    %dma_wait3A_816 = arith.constant 0 : i32
    %dma_wait3A_817 = tpu.memref_slice %arg4[%dma_wait3A_815, %dma_wait3A_816] : memref<8224x16xf32, #tpu.memory_space<hbm>> -> memref<8224x16xf32, #tpu.memory_space<hbm>>
    tpu.wait_indirect_dma semaphore(%arg8 : memref<!tpu.dma_semaphore, #tpu.memory_space<semaphore_mem>>) src(%dma_wait3A_811 : memref<128x16xf32, #tpu.memory_space<vmem>>) dst(%dma_wait3A_817 : memref<8224x16xf32, #tpu.memory_space<hbm>>)
    %dma_wait3A_818 = arith.constant 4 : i32
    %dma_wait3A_819 = arith.constant 512 : i32
    %dma_wait3A_820 = arith.constant 0 : i32
    %dma_wait3A_821 = tpu.memref_slice %arg7[%dma_wait3A_819, %dma_wait3A_820] : memref<768x16xf32, #tpu.memory_space<vmem>> -> memref<128x16xf32, #tpu.memory_space<vmem>>
    %dma_wait3A_822 = arith.constant 0 : i32
    %dma_wait3A_823 = tpu.memref_slice %arg6[%dma_wait3A_818, %dma_wait3A_822] : memref<6x128xi32, #tpu.memory_space<vmem>> -> memref<1x128xi32, #tpu.memory_space<vmem>>
    %dma_wait3A_824 = tpu.memref_squeeze %dma_wait3A_823 : memref<1x128xi32, #tpu.memory_space<vmem>> -> memref<128xi32, #tpu.memory_space<vmem>>
    %dma_wait3A_825 = arith.constant 0 : i32
    %dma_wait3A_826 = arith.constant 0 : i32
    %dma_wait3A_827 = tpu.memref_slice %arg4[%dma_wait3A_825, %dma_wait3A_826] : memref<8224x16xf32, #tpu.memory_space<hbm>> -> memref<8224x16xf32, #tpu.memory_space<hbm>>
    tpu.wait_indirect_dma semaphore(%arg8 : memref<!tpu.dma_semaphore, #tpu.memory_space<semaphore_mem>>) src(%dma_wait3A_821 : memref<128x16xf32, #tpu.memory_space<vmem>>) dst(%dma_wait3A_827 : memref<8224x16xf32, #tpu.memory_space<hbm>>)
    %dma_wait3A_828 = arith.constant 5 : i32
    %dma_wait3A_829 = arith.constant 640 : i32
    %dma_wait3A_830 = arith.constant 0 : i32
    %dma_wait3A_831 = tpu.memref_slice %arg7[%dma_wait3A_829, %dma_wait3A_830] : memref<768x16xf32, #tpu.memory_space<vmem>> -> memref<128x16xf32, #tpu.memory_space<vmem>>
    %dma_wait3A_832 = arith.constant 0 : i32
    %dma_wait3A_833 = tpu.memref_slice %arg6[%dma_wait3A_828, %dma_wait3A_832] : memref<6x128xi32, #tpu.memory_space<vmem>> -> memref<1x128xi32, #tpu.memory_space<vmem>>
    %dma_wait3A_834 = tpu.memref_squeeze %dma_wait3A_833 : memref<1x128xi32, #tpu.memory_space<vmem>> -> memref<128xi32, #tpu.memory_space<vmem>>
    %dma_wait3A_835 = arith.constant 0 : i32
    %dma_wait3A_836 = arith.constant 0 : i32
    %dma_wait3A_837 = tpu.memref_slice %arg4[%dma_wait3A_835, %dma_wait3A_836] : memref<8224x16xf32, #tpu.memory_space<hbm>> -> memref<8224x16xf32, #tpu.memory_space<hbm>>
    tpu.wait_indirect_dma semaphore(%arg8 : memref<!tpu.dma_semaphore, #tpu.memory_space<semaphore_mem>>) src(%dma_wait3A_831 : memref<128x16xf32, #tpu.memory_space<vmem>>) dst(%dma_wait3A_837 : memref<8224x16xf32, #tpu.memory_space<hbm>>)
    return
  }
}

module attributes {stable_mosaic.version = 14 : i64} {
  func.func @_mlp_body(%arg0: i32, %arg1: memref<192xi32, #tpu.memory_space<smem>>, %arg2: memref<128x64xf32, #tpu.memory_space<vmem>>, %arg3: memref<128x16xf32, #tpu.memory_space<vmem>>, %arg4: memref<64x96x64xf32, #tpu.memory_space<vmem>>, %arg5: memref<64x1x64xf32, #tpu.memory_space<vmem>>, %arg6: memref<64x64x16xf32, #tpu.memory_space<vmem>>, %arg7: memref<128x16xf32, #tpu.memory_space<vmem>>) attributes {dimension_semantics = [#tpu.dimension_semantics<arbitrary>], iteration_bounds = array<i64: 192>, scalar_prefetch = 1 : i64, scratch_operands = 0 : i64, tpu.core_type = #tpu.core_type<tc>, window_params = [{transform_indices = @transform_0, window_bounds = array<i64: 128, 64>}, {transform_indices = @transform_1, window_bounds = array<i64: 128, 16>}, {pipeline_mode = #tpu.pipeline_mode<synchronous>, transform_indices = @transform_2, window_bounds = array<i64: 64, 96, 64>}, {pipeline_mode = #tpu.pipeline_mode<synchronous>, transform_indices = @transform_3, window_bounds = array<i64: 64, 1, 64>}, {pipeline_mode = #tpu.pipeline_mode<synchronous>, transform_indices = @transform_4, window_bounds = array<i64: 64, 64, 16>}, {transform_indices = @transform_5, window_bounds = array<i64: 128, 16>}]} {
    %get3A = arith.index_cast %arg0 : i32 to index
    %get3A_0 = memref.load %arg1[%get3A] : memref<192xi32, #tpu.memory_space<smem>>
    %get3A_1 = arith.constant 0 : index
    %get3A_2 = arith.constant 0 : index
    %get3A_3 = vector.load %arg2[%get3A_1, %get3A_2] : memref<128x64xf32, #tpu.memory_space<vmem>>, vector<128x64xf32>
    %get3A_4 = arith.constant 0 : index
    %get3A_5 = arith.constant 0 : index
    %get3A_6 = vector.load %arg3[%get3A_4, %get3A_5] : memref<128x16xf32, #tpu.memory_space<vmem>>, vector<128x16xf32>
    %slice3A = vector.extract_strided_slice %get3A_6 {offsets = [0, 0], sizes = [128, 3], strides = [1, 1]} : vector<128x16xf32> to vector<128x3xf32>
    %mul3A = arith.constant 3.14159274 : f32
    %mul3A_7 = vector.broadcast %mul3A : f32 to vector<128x3xf32>
    %mul3A_8 = arith.mulf %slice3A, %mul3A_7 : vector<128x3xf32>
    %mul3A_9 = arith.constant 6.28318548 : f32
    %mul3A_10 = vector.broadcast %mul3A_9 : f32 to vector<128x3xf32>
    %mul3A_11 = arith.mulf %slice3A, %mul3A_10 : vector<128x3xf32>
    %mul3A_12 = arith.constant 12.566371 : f32
    %mul3A_13 = vector.broadcast %mul3A_12 : f32 to vector<128x3xf32>
    %mul3A_14 = arith.mulf %slice3A, %mul3A_13 : vector<128x3xf32>
    %mul3A_15 = arith.constant 25.1327419 : f32
    %mul3A_16 = vector.broadcast %mul3A_15 : f32 to vector<128x3xf32>
    %mul3A_17 = arith.mulf %slice3A, %mul3A_16 : vector<128x3xf32>
    %concatenate3A = tpu.concatenate %mul3A_8, %mul3A_11, %mul3A_14, %mul3A_17 in 1 : vector<128x3xf32>, vector<128x3xf32>, vector<128x3xf32>, vector<128x3xf32> -> vector<128x12xf32>
    %sin3A = math.sin %concatenate3A : vector<128x12xf32>
    %cos3A = math.cos %concatenate3A : vector<128x12xf32>
    %broadcast_in_dim3A = arith.constant 0.000000e+00 : f32
    %broadcast_in_dim3A_18 = vector.broadcast %broadcast_in_dim3A : f32 to vector<128x5xf32>
    %concatenate3A_19 = tpu.concatenate %get3A_3, %slice3A, %sin3A, %cos3A, %broadcast_in_dim3A_18 in 1 : vector<128x64xf32>, vector<128x3xf32>, vector<128x12xf32>, vector<128x12xf32>, vector<128x5xf32> -> vector<128x96xf32>
    %get3A_20 = arith.index_cast %get3A_0 : i32 to index
    %get3A_21 = arith.constant 0 : index
    %get3A_22 = arith.constant 0 : index
    %get3A_23 = vector.load %arg4[%get3A_20, %get3A_21, %get3A_22] : memref<64x96x64xf32, #tpu.memory_space<vmem>>, vector<1x96x64xf32>
    %get3A_24 = vector.shape_cast %get3A_23 : vector<1x96x64xf32> to vector<96x64xf32>
    %dot_general3A = arith.constant dense<0.000000e+00> : vector<128x64xf32>
    %dot_general3A_25 = tpu.matmul %concatenate3A_19, %get3A_24, %dot_general3A {dimension_numbers = #tpu.dot_dimension_numbers<[1], [0], [0], [1], [0, 0, 1, 1], [], []>, transpose_lhs_hint = false} : vector<128x96xf32>, vector<96x64xf32>, vector<128x64xf32> -> vector<128x64xf32>
    %get3A_26 = arith.index_cast %get3A_0 : i32 to index
    %get3A_27 = arith.constant 0 : index
    %get3A_28 = arith.constant 0 : index
    %get3A_29 = vector.load %arg5[%get3A_26, %get3A_27, %get3A_28] : memref<64x1x64xf32, #tpu.memory_space<vmem>>, vector<1x1x64xf32>
    %get3A_30 = vector.shape_cast %get3A_29 : vector<1x1x64xf32> to vector<1x64xf32>
    %add3A = vector.broadcast %get3A_30 : vector<1x64xf32> to vector<128x64xf32>
    %add3A_31 = arith.addf %dot_general3A_25, %add3A : vector<128x64xf32>
    %max3A = arith.constant 0.000000e+00 : f32
    %max3A_32 = vector.broadcast %max3A : f32 to vector<128x64xf32>
    %max3A_33 = arith.maximumf %add3A_31, %max3A_32 : vector<128x64xf32>
    %get3A_34 = arith.index_cast %get3A_0 : i32 to index
    %get3A_35 = arith.constant 0 : index
    %get3A_36 = arith.constant 0 : index
    %get3A_37 = vector.load %arg6[%get3A_34, %get3A_35, %get3A_36] : memref<64x64x16xf32, #tpu.memory_space<vmem>>, vector<1x64x16xf32>
    %get3A_38 = vector.shape_cast %get3A_37 : vector<1x64x16xf32> to vector<64x16xf32>
    %dot_general3A_39 = arith.constant dense<0.000000e+00> : vector<128x16xf32>
    %dot_general3A_40 = tpu.matmul %max3A_33, %get3A_38, %dot_general3A_39 {dimension_numbers = #tpu.dot_dimension_numbers<[1], [0], [0], [1], [0, 0, 1, 1], [], []>, transpose_lhs_hint = false} : vector<128x64xf32>, vector<64x16xf32>, vector<128x16xf32> -> vector<128x16xf32>
    %swap3A = arith.constant 0 : index
    %swap3A_41 = arith.constant 0 : index
    %swap3A_42 = vector.load %arg7[%swap3A, %swap3A_41] : memref<128x16xf32, #tpu.memory_space<vmem>>, vector<128x16xf32>
    tpu.vector_store %arg7[%swap3A, %swap3A_41], %dot_general3A_40 {strides = array<i32>} : memref<128x16xf32, #tpu.memory_space<vmem>>, vector<128x16xf32>,
    return
  }
  func.func @transform_0(%arg0: i32, %arg1: memref<192xi32, #tpu.memory_space<smem>>) -> (i32, i32) {
    %c0_i32 = arith.constant 0 : i32
    %c0_i32_0 = arith.constant 0 : i32
    return %arg0, %c0_i32 : i32, i32
  }
  func.func @transform_1(%arg0: i32, %arg1: memref<192xi32, #tpu.memory_space<smem>>) -> (i32, i32) {
    %c0_i32 = arith.constant 0 : i32
    %c0_i32_0 = arith.constant 0 : i32
    return %arg0, %c0_i32 : i32, i32
  }
  func.func @transform_2(%arg0: i32, %arg1: memref<192xi32, #tpu.memory_space<smem>>) -> (i32, i32, i32) {
    %c0_i32 = arith.constant 0 : i32
    %c0_i32_0 = arith.constant 0 : i32
    %c0_i32_1 = arith.constant 0 : i32
    %c0_i32_2 = arith.constant 0 : i32
    return %c0_i32, %c0_i32_0, %c0_i32_1 : i32, i32, i32
  }
  func.func @transform_3(%arg0: i32, %arg1: memref<192xi32, #tpu.memory_space<smem>>) -> (i32, i32, i32) {
    %c0_i32 = arith.constant 0 : i32
    %c0_i32_0 = arith.constant 0 : i32
    %c0_i32_1 = arith.constant 0 : i32
    %c0_i32_2 = arith.constant 0 : i32
    return %c0_i32, %c0_i32_0, %c0_i32_1 : i32, i32, i32
  }
  func.func @transform_4(%arg0: i32, %arg1: memref<192xi32, #tpu.memory_space<smem>>) -> (i32, i32, i32) {
    %c0_i32 = arith.constant 0 : i32
    %c0_i32_0 = arith.constant 0 : i32
    %c0_i32_1 = arith.constant 0 : i32
    %c0_i32_2 = arith.constant 0 : i32
    return %c0_i32, %c0_i32_0, %c0_i32_1 : i32, i32, i32
  }
  func.func @transform_5(%arg0: i32, %arg1: memref<192xi32, #tpu.memory_space<smem>>) -> (i32, i32) {
    %c0_i32 = arith.constant 0 : i32
    %c0_i32_0 = arith.constant 0 : i32
    return %arg0, %c0_i32 : i32, i32
  }
}

</mosaic_0001>

<sc_bundles>
// kernel: kernel.5.cloned.1.call-start
scs
__scs_entry_jumppad:
0x0: {  	(pc) =	sbr.rel $0x88, $3  }
0x1: {  	(tag) =	ssettag $0x0;
	lr =	simm.s32 $0x1  }
0x2: {  	[smem:$0x3F9D] =	sst lr;
	_ =	strace $0xD0000000  }
0x3: {  	_ = 	snop  }
0x4: {  	_ = 	snop  }
0x5: {  	_ = 	snop  }
0x6: {  	_ = 	snop  }
0x7: {  	_ = 	snop  }
__scs_overlays_trampoline_lowered:
0x8: {  	[smem:$0x3FAC] =	sst s0  }
0x9: {  	[smem:$0x3FAD] =	sst s1  }
0xa: {  	[smem:$0x3FAE] =	sst s2  }
0xb: {  	[smem:$0x3FAF] =	sst s3  }
0xc: {  	[smem:$0x3FB0] =	sst s4  }
0xd: {  	[smem:$0x3FB1] =	sst s5  }
0xe: {  	[smem:$0x3FB2] =	sst s6  }
0xf: {  	[smem:$0x3FB3] =	sst s7  }
0x10: {  	[smem:$0x3FB4] =	sst s8  }
0x11: {  	[smem:$0x3FB5] =	sst s9;
	s0 =	simm.s32 @!p0 $0x0  }
0x12: {  	s1 =	sld [smem:$0x3F9B];
	s0 =	simm.s32 @p0 $0x1  }
0x13: {  	[smem:$0x3FB6] =	sst s0;
	s0 =	simm.s32 @!p1 $0x0  }
0x14: {  	s2 =	sld [smem:$0x3F9A];
	s0 =	simm.s32 @p1 $0x1  }
0x15: {  	[smem:$0x3FB7] =	sst s0;
	s0 =	simm.s32 @!p2 $0x0  }
0x16: {  	s3 =	sld [smem:$0x3FDB];
	s0 =	simm.s32 @p2 $0x1  }
0x17: {  	s4 =	simm.s32 $0x1BF5;
	[smem:$0x3FB9] =	sst s0  }
0x18: {  	s0 =	sld [smem:$0x3F9C];
	_ =	swait.ge [sflag:s4], $0x0  }
0x19: {  	s7 =	sld [smem:$0x3F9D]  }
0x1a: {  	s8 =	sadd.s32 $0xFFFFE003, lr  }
0x1b: {  	s9 =	sadd.s32 $0xFFFFFEF7, lr;
	s5 =	simm.s32 $0xFFFFFFFF;
	p2 =	slt.u32 s8, $0xFFFFF086  }
0x1c: {  	p1 =	slt.u32 s9, $0xF7A;
	s5 =	simm.s32 @!p2 $0x0  }
0x1d: {  	s5 =	simm.s32 @p1 $0x1;
	p0 =	seq.s32 s7, s2  }
0x1e: {  	s7 =	smul.u32 @!p0 $0xF7A, s2;
	p2 =	seq.s32 @!p0 s5, $0x0  }
0x1f: {  	s9 =	smul.u32 $0xF7A, s1;
	s8 =	simm.s32 @!p0 $0x1BF5;
	p2 =	por !p2, p0  }
0x20: {  	[sflag:s8] =	ssyncset.s32 @!p0 $0xFFFFF086;
	s6 =	sadd.s32 @!p0 s3, s7;
	s7 =	simm.s32 @!p0 $0x108  }
0x21: {  	s3 =	sadd.s32 s3, s9;
	s6 =	sadd.s32 @!p0 $0x88, s6;
	s7 =	simm.s32 @p2 $0x1082  }
0x22: {  	[simem:s7], [sflag:s8] =	dma.local @!p0 [hbm:s6], $0xF7A  }
0x23: {  	s9 =	sor.u32 $0xD0000000, s2;
	s6 =	simm.s32 $0x108;
	_ =	swait.ge @!p0 [sflag:s8], $0x0  }
0x24: {  	s3 =	sadd.s32 $0x88, s3;
	s6 =	simm.s32 @!p1 $0x1082;
	[sflag:s4] =	ssyncset.s32 $0xFFFFF086  }
0x25: {  	[simem:s6], [sflag:s4] =	dma.local [hbm:s3], $0xF7A  }
0x26: {  	[smem:$0x3F9D] =	sst s1;
	(tag) =	ssettag s2;
	_ =	strace s9  }
0x27: {  	s1 =	sld [smem:$0x3FAD]  }
0x28: {  	s2 =	sld [smem:$0x3FAE]  }
0x29: {  	s4 =	sld [smem:$0x3FB0]  }
0x2a: {  	p0 =	seq.s32 s5, $0x0;
	s5 =	sld [smem:$0x3FB1]  }
0x2b: {  	s6 =	sld [smem:$0x3FB2]  }
0x2c: {  	s7 =	sld [smem:$0x3FB3]  }
0x2d: {  	s3 =	simm.s32 $0x108;
	s8 =	sld [smem:$0x3FB4]  }
0x2e: {  	s3 =	simm.s32 @!p0 $0x1082;
	s9 =	sld [smem:$0x3FB5]  }
0x2f: {  	lr =	sadd.s32 s0, s3;
	s0 =	sld [smem:$0x3FAC]  }
0x30: {  	s3 =	sld [smem:$0x3FAF]  }
0x31: {  	[smem:$0x3FB8] =	sst s10  }
0x32: {  	s10 =	sld [smem:$0x3FB6];
	_ =	sdelay $0x3  }
0x33: {  	p0 =	seq.s32 s10, $0x1;
	s10 =	sld [smem:$0x3FB8];
	_ =	sdelay $0x3  }
0x34: {  	[smem:$0x3FB8] =	sst s10  }
0x35: {  	s10 =	sld [smem:$0x3FB7];
	_ =	sdelay $0x3  }
0x36: {  	p1 =	seq.s32 s10, $0x1;
	s10 =	sld [smem:$0x3FB8];
	_ =	sdelay $0x3  }
0x37: {  	[smem:$0x3FB8] =	sst s10  }
0x38: {  	s10 =	sld [smem:$0x3FB9]  }
0x39: {  	_ = 	snop;
	(pc) =	sbr.ind lr, $3  }
0x3a: {  	_ = 	snop  }
0x3b: {  	_ = 	snop  }
0x3c: {  	p2 =	seq.s32 s10, $0x1;
	s10 =	sld [smem:$0x3FB8]  }
0x3d: {  	_ =	shalt  }
0x3e: {  	_ =	shalt  }
0x3f: {  	_ =	shalt  }
0x40: {  	_ =	shalt  }
0x41: {  	_ =	shalt  }
0x42: {  	_ =	shalt  }
0x43: {  	_ =	shalt  }
0x44: {  	_ =	shalt  }
0x45: {  	_ =	shalt  }
0x46: {  	_ =	shalt  }
0x47: {  	_ =	shalt  }
0x48: {  	_ =	shalt  }
0x49: {  	_ =	shalt  }
0x4a: {  	_ =	shalt  }
0x4b: {  	_ =	shalt  }
0x4c: {  	_ =	shalt  }
0x4d: {  	_ =	shalt  }
0x4e: {  	_ =	shalt  }
0x4f: {  	_ =	shalt  }
0x50: {  	_ =	shalt  }
0x51: {  	_ =	shalt  }
0x52: {  	_ =	shalt  }
0x53: {  	_ =	shalt  }
0x54: {  	_ =	shalt  }
0x55: {  	_ =	shalt  }
0x56: {  	_ =	shalt  }
0x57: {  	_ =	shalt  }
0x58: {  	_ =	shalt  }
0x59: {  	_ =	shalt  }
0x5a: {  	_ =	shalt  }
0x5b: {  	_ =	shalt  }
0x5c: {  	_ =	shalt  }
0x5d: {  	_ =	shalt  }
0x5e: {  	_ =	shalt  }
0x5f: {  	_ =	shalt  }
0x60: {  	_ =	shalt  }
0x61: {  	_ =	shalt  }
0x62: {  	_ =	shalt  }
0x63: {  	_ =	shalt  }
0x64: {  	_ =	shalt  }
0x65: {  	_ =	shalt  }
0x66: {  	_ =	shalt  }
0x67: {  	_ =	shalt  }
0x68: {  	_ =	shalt  }
0x69: {  	_ =	shalt  }
0x6a: {  	_ =	shalt  }
0x6b: {  	_ =	shalt  }
0x6c: {  	_ =	shalt  }
0x6d: {  	_ =	shalt  }
0x6e: {  	_ =	shalt  }
0x6f: {  	_ =	shalt  }
0x70: {  	_ =	shalt  }
0x71: {  	_ =	shalt  }
0x72: {  	_ =	shalt  }
0x73: {  	_ =	shalt  }
0x74: {  	_ =	shalt  }
0x75: {  	_ =	shalt  }
0x76: {  	_ =	shalt  }
0x77: {  	_ =	shalt  }
0x78: {  	_ =	shalt  }
0x79: {  	_ =	shalt  }
0x7a: {  	_ =	shalt  }
0x7b: {  	_ =	shalt  }
0x7c: {  	_ =	shalt  }
0x7d: {  	_ =	shalt  }
0x7e: {  	_ =	shalt  }
0x7f: {  	_ =	shalt  }
0x80: {  	_ =	shalt  }
0x81: {  	_ =	shalt  }
0x82: {  	_ =	shalt  }
0x83: {  	_ =	shalt  }
0x84: {  	_ =	shalt  }
0x85: {  	_ =	shalt  }
0x86: {  	_ =	shalt  }
0x87: {  	_ =	shalt  }
.Lfunc_end0:
.L_simem_size_0:
called_computation_lowered:
.L_overlay_start_0:
0x88: {  	s2 =	sld [smem:$0x3FD9]  }
0x89: {  	s3 =	sld [smem:$0x3FFE];
	_ =	sdelay $0x1  }
0x8a: {  	s1 =	srdreg.scid  }
0x8b: {  	s0 =	sand.u32 $0x1, s1  }
0x8c: {  	s17 =	sshll.u32 s0, $0xA;
	s2 =	sadd.s32 s3, s2  }
0x8d: {  	s2 =	sadd.s32 s2, s17  }
0x8e: {  	[smem:$0x3FC4] =	sst s2  }
0x8f: {  	_ = 	snop  }
0x90: {  	s2 =	sld [smem:$0x3FD0];
	(tm) =	ssettm $0x1  }
0x91: {  	s18 =	sld [smem:$0x3FFB];
	_ =	sdelay $0x3  }
0x92: {  	_ =	strace s18  }
0x93: {  	s3 =	sld [smem:$0x3FFC];
	_ =	sdelay $0x3  }
0x94: {  	_ =	strace s3  }
0x95: {  	s3 =	sld [smem:$0x3FFD];
	_ =	sdelay $0x3  }
0x96: {  	_ =	strace s3  }
0x97: {  	_ =	strace $0x8FFFFFFF  }
0x98: {  	s19 =	sld [smem:$0x3FDB];
	_ =	sdelay $0x1  }
0x99: {  	s4 =	simm.s32 $_scs_section_size  }
0x9a: {  	s5 =	simm.s32 $_size__tile_overlayer_lowered;
	s6 =	simm.s32 $_tile_overlayer_lowered  }
0x9b: {  	s22 =	simm.s32 $0x1BFF;
	s21 =	sshll.u32 s6, $0x1;
	s3 =	sadd.s32 s4, s19  }
0x9c: {  	s7 =	simm.s32 $0x0;
	s20 =	sshll.u32 s5, $0x1;
	s5 =	sadd.s32 s21, s3  }
0x9d: {  	[timem:s7], [sflag:s22] =	dma.local [hbm:s5], s20  }
0x9e: {  	_ =	swait.ge [sflag:s22], s20  }
0x9f: {  	s4 =	ssub.s32 $0x0, s20;
	[sflag:s22] =	ssyncset.done $0x0  }
0xa0: {  	[sflag:s22] =	ssyncadd.s32 s4;
	_ =	sdelay $0x1  }
0xa1: {  	s23 =	simm.s32 $0x1B8B  }
0xa2: {  	_ =	swait.ge [sflag:s23], $0x1  }
0xa3: {  	[sflag:s23] =	ssyncset.done $0x0  }
0xa4: {  	s25 =	simm.s32 $0x1B8E;
	s24 =	sld [smem:$0x3FFE];
	[sflag:s23] =	ssyncadd.s32 $0xFFFFFFFF  }
0xa5: {  	s26 =	simm.s32 $execute0_lowered;
	[smem:$0x3FD2] =	sst s25  }
0xa6: {  	s5 =	sshll.u32 s26, $0x1;
	_ =	strace $0x80000046;
	[dreg:$0x1] =	wrdreg $0xFFFFFFFF  }
0xa7: {  	s28 =	simm.s32 $_size_execute0_lowered;
	s3 =	sadd.s32 s3, s5;
	[dreg:$0x0] =	wrdreg $0x0  }
0xa8: {  	s5 =	sshll.u32 s28, $0x1;
	[dreg:$0x2] =	wrdreg s3  }
0xa9: {  	[dreg:$0x3] =	wrdreg s5  }
0xaa: {  	[dreg:$0x4] =	wrdreg $0xC0  }
0xab: {  	_ =	task [dreg:s7], $0x5FFFF  }
0xac: {  	[dreg:$0x1] =	wrdreg $0xFFFFFFFF  }
0xad: {  	[dreg:$0x0] =	wrdreg $0x60  }
0xae: {  	[dreg:$0x2] =	wrdreg s24  }
0xaf: {  	[dreg:$0x3] =	wrdreg s2  }
0xb0: {  	[dreg:$0x4] =	wrdreg $0x178A00  }
0xb1: {  	[dreg:$0x5] =	wrdreg $0x9  }
0xb2: {  	_ =	task.clear_ibuf [dreg:s7], $0x6FFFF;
	_ =	strace $0x90000046  }
0xb3: {  	s29 =	simm.s32 $0x9;
	_ =	strace $0x80000048  }
0xb4: {  	_ =	swait.ge [sflag:s29], $0x1  }
0xb5: {  	[sflag:s29] =	ssyncadd.s32 $0xFFFFFFFF  }
0xb6: {  	_ =	strace $0x90000048  }
0xb7: {  	_ =	sfence  }
0xb8: {  	s30 =	sld [smem:$0x0];
	_ =	sdelay $0x2  }
0xb9: {  	s31 =	sshll.u32 s1, $0xD;
	s1 =	sshrl.u32 s1, $0x2  }
0xba: {  	s3 =	sand.u32 $0x4000, s31;
	s1 =	sadd.s32 s1, s30  }
0xbb: {  	s0 =	sor.u32 s3, s0;
	s1 =	sshll.u32 s1, $0x11  }
0xbc: {  	s0 =	sor.u32 s1, s0  }
0xbd: {  	s0 =	sadd.s32 $0x8F2B, s0  }
0xbe: {  	[sflag:s0] =	ssyncadd.remote.s32 $0x1  }
0xbf: {  	_ =	sfence.sel $0xFFFF  }
0xc0: {  	[dreg:$0x0] =	wrdreg $0xFFFFFFFF;
	(pc) =	sbr.abs _section_cstart, $3  }
0xc1: {  	[dreg:$0x1] =	wrdreg $0xFFFFFFFF  }
0xc2: {  	_ =	task.clear_ibuf [dreg:s7], $0x2FFFF;
	_ =	strace $0x9FFFFFFF  }
0xc3: {  	(tm) =	ssettm $0x7FFFFFFF  }
tec
execute0_lowered:
.L_overlay_start_1:
0x0: {  	(tag) =	ssettag $0x1  }
0x1: {  	v2 =	vlaneseq.u32  }
0x2: {  	v60 =	vimm.s32 $0x51504140;
	v51 =	vimm.s32 $0x71706160;
	v52 =	vimm.s32 $0xD1D0C1C0  }
0x3: {  	s0 =	srdreg.scid;
	vm3 =	vcmask $0x1F10;
	v53 =	vimm.s32 $0xF1F0E1E0;
	v54 =	vimm.s32 $0x91908180  }
0x4: {  	s15 =	stileid.u32;
	v56 =	vimm.s32 $0xB1B0A1A0;
	vm1 =	vcmask $0x3F08;
	vm2 =	vmmov $0x1;
	s0 =	sand.u32 $0x1, s0  }
0x5: {  	vm4 =	vcmask $0x318;
	vm5 =	vcmask $0x718;
	vm6 =	vcmask $0xB18;
	s4 =	sshll.u32 s15, $0x1;
	p0 =	slt.u32 s15, $0x8;
	s2 =	sshll.u32 s0, $0x4  }
0x6: {  	vm7 =	vcmask $0xF18;
	v52 =	vunpack.c.0.s8.s32 v52;
	v53 =	vunpack.c.0.s8.s32 v53;
	s1 =	sshll.u32 s0, $0x5;
	s6 =	sadd.s32 $0xFFFFFFF0, s4;
	s3 =	sor.u32 s15, s2  }
0x7: {  	vm8 =	vcmask $0x1318;
	v51 =	vunpack.c.0.s8.s32 v51;
	v61 =	vunpack.c.0.s8.s32 v54;
	s1 =	sor.u32 s4, s1;
	s6 =	smov.u32 @p0 s4;
	s2 =	smul.u32 $0x300, s3  }
0x8: {  	v62 =	vunpack.c.0.s8.s32 v56;
	s4 =	sadd.s32 $0xFFFFFFF1, s4;
	v52 =	vsel vm3, v53, v52;
	s5 =	sor.u32 $0x1, s1;
	v0 =	vmov s1;
	s1 =	sshllo.u32 s15, $0x1  }
0x9: {  	v55 =	vmov s6;
	v1 =	vmov s5;
	s4 =	smov.u32 @p0 s1;
	s20 =	sor.u32 $0x10, s2;
	v3 =	vor.u32 s2, v2  }
0xa: {  	v48 =	vmov s4;
	s21 =	sor.u32 $0x20, s2;
	s22 =	sor.u32 $0x30, s2;
	s23 =	sor.u32 $0x40, s2;
	v4 =	vor.u32 s20, v2;
	v3 =	vand.u32 $0x1F0F, v3  }
0xb: {  	s24 =	sor.u32 $0x50, s2;
	s25 =	sor.u32 $0x60, s2;
	s26 =	sor.u32 $0x70, s2;
	v5 =	vor.u32 s21, v2;
	v6 =	vor.u32 s22, v2;
	v7 =	vor.u32 s23, v2  }
0xc: {  	s5 =	sor.u32 $0x80, s2;
	s6 =	sor.u32 $0x90, s2;
	s7 =	sor.u32 $0xA0, s2;
	v8 =	vor.u32 s24, v2;
	v9 =	vor.u32 s25, v2;
	v10 =	vor.u32 s26, v2  }
0xd: {  	s8 =	sor.u32 $0xB0, s2;
	s9 =	sor.u32 $0xC0, s2;
	s10 =	sor.u32 $0xD0, s2;
	v11 =	vor.u32 s5, v2;
	v12 =	vor.u32 s6, v2;
	v13 =	vor.u32 s7, v2  }
0xe: {  	s11 =	sor.u32 $0xE0, s2;
	s12 =	sor.u32 $0xF0, s2;
	s13 =	sadd.s32 $0x100, s2;
	v14 =	vor.u32 s8, v2;
	v15 =	vor.u32 s9, v2;
	v16 =	vor.u32 s10, v2  }
0xf: {  	s14 =	sadd.s32 $0x110, s2;
	s16 =	sadd.s32 $0x120, s2;
	s17 =	sadd.s32 $0x130, s2;
	v17 =	vor.u32 s11, v2;
	v18 =	vor.u32 s12, v2;
	v19 =	vor.u32 s13, v2  }
0x10: {  	s18 =	sadd.s32 $0x140, s2;
	s19 =	sadd.s32 $0x150, s2;
	v20 =	vor.u32 s14, v2;
	v21 =	vor.u32 s16, v2;
	v22 =	vor.u32 s17, v2  }
0x11: {  	v23 =	vor.u32 s18, v2;
	v24 =	vor.u32 s19, v2;
	vm0 =	veq.s32 v48, v2  }
0x12: {  	v48 =	vunpack.c.0.s8.s32 v60;
	v60 =	vimm.s32 $0x11100100;
	v4 =	vand.u32 $0x1F1F, v4  }
0x13: {  	v5 =	vand.u32 $0x1F2F, v5;
	v6 =	vand.u32 $0x1F3F, v6;
	v7 =	vand.u32 $0x1F4F, v7  }
0x14: {  	s28 =	simm.s32 $0x8890;
	s29 =	simm.s32 $0x14890;
	s30 =	simm.s32 $0x8610;
	v8 =	vand.u32 $0x1F5F, v8;
	v9 =	vand.u32 $0x1F6F, v9;
	v10 =	vand.u32 $0x1F7F, v10  }
0x15: {  	s31 =	simm.s32 $0x0;
	s1 =	rddreg [dreg:$0x1];
	s4 =	simm.s32 $0x0;
	v11 =	vand.u32 $0x1F8F, v11;
	v12 =	vand.u32 $0x1F9F, v12;
	v13 =	vand.u32 $0x1FAF, v13  }
0x16: {  	s20 =	sadd.s32 $0x160, s2;
	s21 =	sadd.s32 $0x170, s2;
	s5 =	rddreg [dreg:$0x0];
	v14 =	vand.u32 $0x1FBF, v14;
	v15 =	vand.u32 $0x1FCF, v15;
	v16 =	vand.u32 $0x1FDF, v16  }
0x17: {  	s22 =	sadd.s32 $0x180, s2;
	s23 =	sadd.s32 $0x190, s2;
	s24 =	sadd.s32 $0x1A0, s2;
	v17 =	vand.u32 $0x1FEF, v17;
	v18 =	vand.u32 $0x1FFF, v18;
	v19 =	vand.u32 $0x1F0F, v19  }
0x18: {  	s16 =	rddreg [dreg:$0x2];
	s25 =	sadd.s32 $0x1B0, s2;
	s26 =	sadd.s32 $0x1C0, s2;
	v20 =	vand.u32 $0x1F1F, v20;
	v21 =	vand.u32 $0x1F2F, v21;
	v22 =	vand.u32 $0x1F3F, v22  }
0x19: {  	s7 =	sadd.s32 $0x1D0, s2;
	s8 =	sadd.s32 $0x1E0, s2;
	[smem:$0x7FF] =	sst s4;
	v23 =	vand.u32 $0x1F4F, v23;
	v25 =	vor.u32 s20, v2;
	v24 =	vand.u32 $0x1F5F, v24  }
0x1a: {  	s9 =	sadd.s32 $0x200, s2;
	s10 =	sadd.s32 $0x210, s2;
	s11 =	sadd.s32 $0x220, s2;
	v26 =	vor.u32 s21, v2;
	v27 =	vor.u32 s22, v2;
	v28 =	vor.u32 s23, v2  }
0x1b: {  	s13 =	sadd.s32 $0x230, s2;
	s14 =	sadd.s32 $0x240, s2;
	s17 =	sadd.s32 $0x260, s2;
	v29 =	vor.u32 s24, v2;
	v30 =	vor.u32 s25, v2;
	v31 =	vor.u32 s26, v2  }
0x1c: {  	s18 =	sshll.u32 s3, $0x1;
	s19 =	sadd.s32 $0x270, s2;
	v32 =	vor.u32 s7, v2;
	s7 =	sadd.s32 $0x1F0, s2;
	v33 =	vor.u32 s8, v2;
	v35 =	vor.u32 s9, v2  }
0x1d: {  	s8 =	sadd.s32 $0x2000, s5;
	s12 =	sadd.s32 $0x1C00, s5;
	v36 =	vor.u32 s10, v2;
	v37 =	vor.u32 s11, v2;
	v38 =	vor.u32 s13, v2;
	s9 =	sadd.s32 $0x250, s2  }
0x1e: {  	s10 =	smul.u32 $0x1800, s3;
	v39 =	vor.u32 s14, v2;
	v41 =	vor.u32 s17, v2;
	s11 =	sadd.s32 $0x280, s2;
	v42 =	vor.u32 s19, v2;
	s20 =	sadd.s32 $0x290, s2  }
0x1f: {  	s21 =	ssub.s32 $0x2, s0;
	s22 =	sadd.s32 $0x2A0, s2;
	s13 =	smul.u32 $0x600, s3;
	v53 =	vunpack.c.0.s8.s32 v60;
	v25 =	vand.u32 $0x1F6F, v25;
	v26 =	vand.u32 $0x1F7F, v26  }
0x20: {  	[tilespmem:$0x1FFF0] =	vst v3;
	s23 =	sadd.s32 $0x2B0, s2;
	s24 =	sadd.s32 $0x2C0, s2;
	s3 =	smul.u32 $0x60, s3;
	v27 =	vand.u32 $0x1F8F, v27;
	v28 =	vand.u32 $0x1F9F, v28;
	v29 =	vand.u32 $0x1FAF, v29  }
0x21: {  	s25 =	sadd.s32 $0x2D0, s2;
	v30 =	vand.u32 $0x1FBF, v30;
	v31 =	vand.u32 $0x1FCF, v31;
	v32 =	vand.u32 $0x1FDF, v32;
	_ =	strace $0x80000047;
	[dreg:$0x4] =	wrdreg s8  }
0x22: {  	s26 =	sadd.s32 $0x2E0, s2;
	s17 =	sshll.u32 s15, $0x4;
	v34 =	vor.u32 s7, v2;
	v33 =	vand.u32 $0x1FEF, v33;
	[dreg:$0x5] =	wrdreg s12;
	v35 =	vand.u32 $0x1F0F, v35  }
0x23: {  	s7 =	sadd.s32 $0x2400, s5;
	v36 =	vand.u32 $0x1F1F, v36;
	v37 =	vand.u32 $0x1F2F, v37;
	s8 =	sadd.s32 $0x12400, s5;
	v40 =	vor.u32 s9, v2;
	s9 =	sadd.s32 s18, s5  }
0x24: {  	v38 =	vand.u32 $0x1F3F, v38;
	v39 =	vand.u32 $0x1F4F, v39;
	v44 =	vor.u32 s20, v2;
	s14 =	sshrl.u32 s21, $0x1;
	s18 =	sadd.s32 s17, s16;
	s20 =	sadd.s32 $0x2F0, s2  }
0x25: {  	v41 =	vand.u32 $0x1F6F, v41;
	v43 =	vor.u32 s11, v2;
	v42 =	vand.u32 $0x1F7F, v42;
	s17 =	simm.s32 $0x2;
	s2 =	simm.s32 $0x8810;
	s12 =	sadd.s32 s10, s5  }
0x26: {  	v45 =	vor.u32 s22, v2;
	v46 =	vor.u32 s23, v2;
	v47 =	vor.u32 s24, v2;
	s5 =	sadd.s32 s13, s5;
	s14 =	ssub.s32 s21, s14;
	[dreg:$0x6] =	wrdreg s18  }
0x27: {  	v57 =	vsel vm3, v51, v48;
	v51 =	vsel vm3, v62, v61;
	v61 =	vimm.s32 $0x31302120;
	s10 =	smul.u32 $0x60, s0;
	s19 =	sadd.s32 s1, s3;
	s24 =	sadd.s32 $0x16400, s9  }
0x28: {  	v49 =	vor.u32 s25, v2;
	v50 =	vor.u32 s26, v2;
	v34 =	vand.u32 $0x1FFF, v34;
	s18 =	simm.s32 $0x4000;
	s21 =	simm.s32 $0x8190;
	s3 =	simm.s32 $0x8690  }
0x29: {  	v40 =	vand.u32 $0x1F5F, v40;
	v43 =	vand.u32 $0x1F8F, v43;
	v63 =	vor.u32 s20, v2;
	s20 =	simm.s32 $0x8790;
	s0 =	simm.s32 $0x2000;
	[dreg:$0x7] =	wrdreg s19  }
.Ltmp0:
0x2a: {  	v44 =	vand.u32 $0x1F9F, v44;
	v45 =	vand.u32 $0x1FAF, v45;
	v46 =	vand.u32 $0x1FBF, v46;
	s22 =	sadd.s32 $0x16600, s12;
	[dreg:$0xa] =	wrdreg s24;
	(pc) =	sbr.rel .LBB2_1-.Ltmp0, $4  }
0x2b: {  	v47 =	vand.u32 $0x1FCF, v47;
	v54 =	vunpack.c.0.s8.s32 v61;
	v62 =	vcombine.low v51, v52;
	s23 =	sadd.s32 $0x46600, s5;
	s25 =	smax.u32 s14, $0x1;
	[dreg:$0x8] =	wrdreg s22  }
0x2c: {  	v48 =	vand.u32 $0x1FDF, v49;
	v49 =	vand.u32 $0x1FEF, v50;
	v51 =	vimm.s32 $0x0;
	s19 =	simm.s32 $0x6080;
	s24 =	simm.s32 $0x8710;
	[dreg:$0x9] =	wrdreg s23  }
0x2d: {  	v50 =	vand.u32 $0x1FFF, v63;
	[dreg:$0xb] =	wrdreg s25;
	s26 =	sor.u32 s10, s15;
	s22 =	simm.s32 $0x1;
	v63 =	vsel vm3, v54, v53;
	v53 =	vand.u32 $0xFF, v62  }
0x2e: {  	s23 =	simm.s32 $0x8100;
	s25 =	simm.s32 $0x80;
	v54 =	vimm.s32 $0x2000;
	vm3 =	veq.s32 v55, v2;
	[dreg:$0xc] =	wrdreg s26;
	v52 =	vcombine.low v63, v57  }
.LBB2_14:
0x2f: {  	[sflag:s17] =	ssyncset.done $0x0  }
0x30: {  	[sflag:s17] =	ssyncadd.s32 $0xFFFFFF80  }
.LBB2_15:
0x31: {  	[bflag:$0x0] =	sbarrier.arrive $0xFFFF  }
0x32: {  	s6 =	simm.s32 $0x8290;
	s5 =	rddreg [dreg:$0x7]  }
0x33: {  	[tilespmem:s6], [sflag:$0x2] =	stream.linear.gather [hbm4b:s5+s4], $0x300, $0x38;
	[tilespmem:$0x178B0] =	vst v63  }
0x34: {  	_ =	swait.ge [sflag:s17], $0x300  }
0x35: {  	[sflag:s17] =	ssyncset.done $0x0  }
0x36: {  	v3 =	vld [tilespmem:$0x1FFF0];
	[sflag:s17] =	ssyncadd.s32 $0xFFFFFD00  }
0x37: {  	v55 =	vld [tilespmem:$0x8290]  }
0x38: {  	v56 =	vld [tilespmem:$0x82A0]  }
0x39: {  	v57 =	vld [tilespmem:$0x82B0]  }
0x3a: {  	v58 =	vld [tilespmem:$0x82C0]  }
0x3b: {  	v59 =	vld [tilespmem:$0x82D0]  }
0x3c: {  	v60 =	vld [tilespmem:$0x82E0];
	vm9 =	vgt.s32 v55, $0x1FFF  }
0x3d: {  	v61 =	vld [tilespmem:$0x82F0];
	v55 =	vsel vm9, v3, v55;
	vm9 =	vgt.s32 v56, $0x1FFF  }
0x3e: {  	[tilespmem:$0x8590] =	vst v55;
	v62 =	vsel vm9, v4, v56;
	vm9 =	vgt.s32 v57, $0x1FFF;
	v56 =	vld [tilespmem:$0x8300]  }
0x3f: {  	[tilespmem:$0x85A0] =	vst v62;
	v63 =	vsel vm9, v5, v57;
	vm9 =	vgt.s32 v58, $0x1FFF;
	v57 =	vld [tilespmem:$0x8310]  }
0x40: {  	[tilespmem:$0x85B0] =	vst v63;
	v62 =	vsel vm9, v6, v58;
	vm9 =	vgt.s32 v59, $0x1FFF;
	v58 =	vld [tilespmem:$0x8320]  }
0x41: {  	[tilespmem:$0x85C0] =	vst v62;
	v63 =	vsel vm9, v7, v59;
	vm9 =	vgt.s32 v60, $0x1FFF;
	v59 =	vld [tilespmem:$0x8330]  }
0x42: {  	[tilespmem:$0x85D0] =	vst v63;
	v55 =	vsel vm9, v8, v60;
	vm9 =	vgt.s32 v61, $0x1FFF;
	v60 =	vld [tilespmem:$0x8340]  }
0x43: {  	[tilespmem:$0x85E0] =	vst v55;
	v55 =	vsel vm9, v9, v61;
	vm9 =	vgt.s32 v56, $0x1FFF;
	v61 =	vld [tilespmem:$0x8350]  }
0x44: {  	[tilespmem:$0x85F0] =	vst v55;
	v62 =	vsel vm9, v10, v56;
	vm9 =	vgt.s32 v57, $0x1FFF;
	v56 =	vld [tilespmem:$0x8360]  }
0x45: {  	[tilespmem:$0x8600] =	vst v62;
	v63 =	vsel vm9, v11, v57;
	vm9 =	vgt.s32 v58, $0x1FFF;
	v57 =	vld [tilespmem:$0x8370]  }
0x46: {  	[tilespmem:$0x8610] =	vst v63;
	v62 =	vsel vm9, v12, v58;
	vm9 =	vgt.s32 v59, $0x1FFF;
	v58 =	vld [tilespmem:$0x8380]  }
0x47: {  	[tilespmem:$0x8620] =	vst v62;
	v63 =	vsel vm9, v13, v59;
	vm9 =	vgt.s32 v60, $0x1FFF;
	v59 =	vld [tilespmem:$0x8390]  }
0x48: {  	[tilespmem:$0x8630] =	vst v63;
	v55 =	vsel vm9, v14, v60;
	vm9 =	vgt.s32 v61, $0x1FFF;
	v60 =	vld [tilespmem:$0x83A0]  }
0x49: {  	[tilespmem:$0x8640] =	vst v55;
	v55 =	vsel vm9, v15, v61;
	vm9 =	vgt.s32 v56, $0x1FFF;
	v61 =	vld [tilespmem:$0x83B0]  }
0x4a: {  	[tilespmem:$0x8650] =	vst v55;
	v62 =	vsel vm9, v16, v56;
	vm9 =	vgt.s32 v57, $0x1FFF;
	v56 =	vld [tilespmem:$0x83C0]  }
0x4b: {  	[tilespmem:$0x8660] =	vst v62;
	v63 =	vsel vm9, v17, v57;
	vm9 =	vgt.s32 v58, $0x1FFF;
	v57 =	vld [tilespmem:$0x83D0]  }
0x4c: {  	[tilespmem:$0x8670] =	vst v63;
	v62 =	vsel vm9, v18, v58;
	vm9 =	vgt.s32 v59, $0x1FFF;
	v58 =	vld [tilespmem:$0x83E0]  }
0x4d: {  	[tilespmem:$0x8680] =	vst v62;
	v63 =	vsel vm9, v19, v59;
	vm9 =	vgt.s32 v60, $0x1FFF;
	v59 =	vld [tilespmem:$0x83F0]  }
0x4e: {  	[tilespmem:$0x8690] =	vst v63;
	v55 =	vsel vm9, v20, v60;
	vm9 =	vgt.s32 v61, $0x1FFF;
	v60 =	vld [tilespmem:$0x8400]  }
0x4f: {  	[tilespmem:$0x86A0] =	vst v55;
	v55 =	vsel vm9, v21, v61;
	vm9 =	vgt.s32 v56, $0x1FFF;
	v61 =	vld [tilespmem:$0x8410]  }
0x50: {  	[tilespmem:$0x86B0] =	vst v55;
	v62 =	vsel vm9, v22, v56;
	vm9 =	vgt.s32 v57, $0x1FFF;
	v56 =	vld [tilespmem:$0x8420]  }
0x51: {  	[tilespmem:$0x86C0] =	vst v62;
	v63 =	vsel vm9, v23, v57;
	vm9 =	vgt.s32 v58, $0x1FFF;
	v57 =	vld [tilespmem:$0x8430]  }
0x52: {  	[tilespmem:$0x86D0] =	vst v63;
	v62 =	vsel vm9, v24, v58;
	vm9 =	vgt.s32 v59, $0x1FFF;
	v58 =	vld [tilespmem:$0x8440]  }
0x53: {  	[tilespmem:$0x86E0] =	vst v62;
	v63 =	vsel vm9, v25, v59;
	vm9 =	vgt.s32 v60, $0x1FFF;
	v59 =	vld [tilespmem:$0x8450]  }
0x54: {  	[tilespmem:$0x86F0] =	vst v63;
	v55 =	vsel vm9, v26, v60;
	vm9 =	vgt.s32 v61, $0x1FFF;
	v60 =	vld [tilespmem:$0x8460]  }
0x55: {  	[tilespmem:$0x8700] =	vst v55;
	v55 =	vsel vm9, v27, v61;
	vm9 =	vgt.s32 v56, $0x1FFF;
	v61 =	vld [tilespmem:$0x8470]  }
0x56: {  	[tilespmem:$0x8710] =	vst v55;
	v62 =	vsel vm9, v28, v56;
	vm9 =	vgt.s32 v57, $0x1FFF;
	v56 =	vld [tilespmem:$0x8480]  }
0x57: {  	[tilespmem:$0x8720] =	vst v62;
	v63 =	vsel vm9, v29, v57;
	vm9 =	vgt.s32 v58, $0x1FFF;
	v57 =	vld [tilespmem:$0x8490]  }
0x58: {  	[tilespmem:$0x8730] =	vst v63;
	v62 =	vsel vm9, v30, v58;
	vm9 =	vgt.s32 v59, $0x1FFF;
	v58 =	vld [tilespmem:$0x84A0]  }
0x59: {  	[tilespmem:$0x8740] =	vst v62;
	v63 =	vsel vm9, v31, v59;
	vm9 =	vgt.s32 v60, $0x1FFF;
	v59 =	vld [tilespmem:$0x84B0]  }
0x5a: {  	[tilespmem:$0x8750] =	vst v63;
	v55 =	vsel vm9, v32, v60;
	vm9 =	vgt.s32 v61, $0x1FFF;
	v60 =	vld [tilespmem:$0x84C0]  }
0x5b: {  	[tilespmem:$0x8760] =	vst v55;
	v55 =	vsel vm9, v33, v61;
	vm9 =	vgt.s32 v56, $0x1FFF;
	v61 =	vld [tilespmem:$0x84D0]  }
0x5c: {  	[tilespmem:$0x8770] =	vst v55;
	v62 =	vsel vm9, v34, v56;
	vm9 =	vgt.s32 v57, $0x1FFF;
	v56 =	vld [tilespmem:$0x84E0]  }
0x5d: {  	[tilespmem:$0x8780] =	vst v62;
	v63 =	vsel vm9, v35, v57;
	vm9 =	vgt.s32 v58, $0x1FFF;
	v57 =	vld [tilespmem:$0x84F0]  }
0x5e: {  	[tilespmem:$0x8790] =	vst v63;
	v62 =	vsel vm9, v36, v58;
	vm9 =	vgt.s32 v59, $0x1FFF;
	v58 =	vld [tilespmem:$0x8500]  }
0x5f: {  	[tilespmem:$0x87A0] =	vst v62;
	v63 =	vsel vm9, v37, v59;
	vm9 =	vgt.s32 v60, $0x1FFF;
	v59 =	vld [tilespmem:$0x8510]  }
0x60: {  	[tilespmem:$0x87B0] =	vst v63;
	v55 =	vsel vm9, v38, v60;
	vm9 =	vgt.s32 v61, $0x1FFF;
	v60 =	vld [tilespmem:$0x8520]  }
0x61: {  	[tilespmem:$0x87C0] =	vst v55;
	v55 =	vsel vm9, v39, v61;
	vm9 =	vgt.s32 v56, $0x1FFF;
	v61 =	vld [tilespmem:$0x8530]  }
0x62: {  	[tilespmem:$0x87D0] =	vst v55;
	v62 =	vsel vm9, v40, v56;
	vm9 =	vgt.s32 v57, $0x1FFF;
	v56 =	vld [tilespmem:$0x8540]  }
0x63: {  	[tilespmem:$0x87E0] =	vst v62;
	v63 =	vsel vm9, v41, v57;
	vm9 =	vgt.s32 v58, $0x1FFF;
	v57 =	vld [tilespmem:$0x8550]  }
0x64: {  	[tilespmem:$0x87F0] =	vst v63;
	v62 =	vsel vm9, v42, v58;
	vm9 =	vgt.s32 v59, $0x1FFF;
	v58 =	vld [tilespmem:$0x8560]  }
0x65: {  	[tilespmem:$0x8800] =	vst v62;
	v63 =	vsel vm9, v43, v59;
	vm9 =	vgt.s32 v60, $0x1FFF;
	v59 =	vld [tilespmem:$0x8570]  }
0x66: {  	[tilespmem:$0x8810] =	vst v63;
	v55 =	vsel vm9, v44, v60;
	vm9 =	vgt.s32 v61, $0x1FFF;
	v60 =	vld [tilespmem:$0x8580]  }
0x67: {  	[tilespmem:$0x8820] =	vst v55;
	v62 =	vsel vm9, v45, v61;
	vm9 =	vgt.s32 v56, $0x1FFF  }
0x68: {  	[tilespmem:$0x8830] =	vst v62;
	v63 =	vsel vm9, v46, v56;
	vm9 =	vgt.s32 v57, $0x1FFF  }
0x69: {  	[tilespmem:$0x8840] =	vst v63;
	v57 =	vsel vm9, v47, v57;
	vm9 =	vgt.s32 v58, $0x1FFF  }
0x6a: {  	[tilespmem:$0x8850] =	vst v57;
	v58 =	vsel vm9, v48, v58;
	vm9 =	vgt.s32 v59, $0x1FFF  }
0x6b: {  	[tilespmem:$0x8860] =	vst v58;
	v59 =	vsel vm9, v49, v59;
	vm9 =	vgt.s32 v60, $0x1FFF  }
0x6c: {  	[tilespmem:$0x8870] =	vst v59;
	v60 =	vsel vm9, v50, v60  }
0x6d: {  	s11 =	simm.s32 $0x8590;
	[tilespmem:$0x8880] =	vst v60  }
0x6e: {  	[tilespmem:s28], [sflag:$0x1] =	stream.indirect.gather [hbm4b:s7+s25], $0x40, s11, s25, $0xb8;
	[tilespmem:$0x178B0] =	vst v63  }
0x6f: {  	_ = 	snop  }
0x70: {  	[tilespmem:s29], [sflag:$0x1] =	stream.indirect.gather [hbm4b:s8+s25], $0x10, s11, s25, $0xb8;
	[tilespmem:$0x178B0] =	vst v63  }
0x71: {  	s12 =	simm.s32 $0xA890  }
0x72: {  	[tilespmem:s12], [sflag:$0x1] =	stream.indirect.gather [hbm4b:s7+s25], $0x40, s30, s25, $0xb8;
	[tilespmem:$0x178B0] =	vst v63  }
0x73: {  	s13 =	simm.s32 $0x15090  }
0x74: {  	[tilespmem:s13], [sflag:$0x1] =	stream.indirect.gather [hbm4b:s8+s25], $0x10, s30, s25, $0xb8;
	[tilespmem:$0x178B0] =	vst v63  }
0x75: {  	s14 =	simm.s32 $0xC890  }
0x76: {  	[tilespmem:s14], [sflag:$0x1] =	stream.indirect.gather [hbm4b:s7+s25], $0x40, s3, s25, $0xb8;
	[tilespmem:$0x178B0] =	vst v63  }
0x77: {  	s15 =	simm.s32 $0x15890  }
0x78: {  	[tilespmem:s15], [sflag:$0x1] =	stream.indirect.gather [hbm4b:s8+s25], $0x10, s3, s25, $0xb8;
	[tilespmem:$0x178B0] =	vst v63  }
0x79: {  	s16 =	simm.s32 $0xE890  }
0x7a: {  	[tilespmem:s16], [sflag:$0x1] =	stream.indirect.gather [hbm4b:s7+s25], $0x40, s24, s25, $0xb8;
	[tilespmem:$0x178B0] =	vst v63  }
0x7b: {  	s26 =	simm.s32 $0x16090  }
0x7c: {  	[tilespmem:s26], [sflag:$0x1] =	stream.indirect.gather [hbm4b:s8+s25], $0x10, s24, s25, $0xb8;
	[tilespmem:$0x178B0] =	vst v63  }
0x7d: {  	s6 =	simm.s32 $0x10890  }
0x7e: {  	[tilespmem:s6], [sflag:$0x1] =	stream.indirect.gather [hbm4b:s7+s25], $0x40, s20, s25, $0xb8;
	[tilespmem:$0x178B0] =	vst v63  }
0x7f: {  	s9 =	simm.s32 $0x16890  }
0x80: {  	[tilespmem:s9], [sflag:$0x1] =	stream.indirect.gather [hbm4b:s8+s25], $0x10, s20, s25, $0xb8;
	[tilespmem:$0x178B0] =	vst v63  }
0x81: {  	s11 =	simm.s32 $0x12890  }
0x82: {  	[tilespmem:s11], [sflag:$0x1] =	stream.indirect.gather [hbm4b:s7+s25], $0x40, s2, s25, $0xb8;
	[tilespmem:$0x178B0] =	vst v63  }
0x83: {  	s12 =	simm.s32 $0x17090  }
0x84: {  	[tilespmem:s12], [sflag:$0x1] =	stream.indirect.gather [hbm4b:s8+s25], $0x10, s2, s25, $0xb8;
	[tilespmem:$0x178B0] =	vst v63  }
0x85: {  	_ =	swait.ge [sflag:s22], $0x2000  }
0x86: {  	[sflag:s22] =	ssyncset.done $0x0  }
0x87: {  	[sflag:s22] =	ssyncadd.s32 $0xFFFFE000  }
0x88: {  	_ =	swait.ge [sflag:s22], $0x800  }
0x89: {  	[sflag:s22] =	ssyncset.done $0x0  }
0x8a: {  	[sflag:s22] =	ssyncadd.s32 $0xFFFFF800  }
0x8b: {  	_ =	swait.ge [sflag:s22], $0x2000  }
0x8c: {  	[sflag:s22] =	ssyncset.done $0x0  }
0x8d: {  	[sflag:s22] =	ssyncadd.s32 $0xFFFFE000  }
0x8e: {  	_ =	swait.ge [sflag:s22], $0x800  }
0x8f: {  	[sflag:s22] =	ssyncset.done $0x0  }
0x90: {  	[sflag:s22] =	ssyncadd.s32 $0xFFFFF800  }
0x91: {  	_ =	swait.ge [sflag:s22], $0x2000  }
0x92: {  	[sflag:s22] =	ssyncset.done $0x0  }
0x93: {  	[sflag:s22] =	ssyncadd.s32 $0xFFFFE000  }
0x94: {  	_ =	swait.ge [sflag:s22], $0x800  }
0x95: {  	[sflag:s22] =	ssyncset.done $0x0  }
0x96: {  	[sflag:s22] =	ssyncadd.s32 $0xFFFFF800  }
0x97: {  	_ =	swait.ge [sflag:s22], $0x2000  }
0x98: {  	[sflag:s22] =	ssyncset.done $0x0  }
0x99: {  	[sflag:s22] =	ssyncadd.s32 $0xFFFFE000  }
0x9a: {  	_ =	swait.ge [sflag:s22], $0x800  }
0x9b: {  	[sflag:s22] =	ssyncset.done $0x0  }
0x9c: {  	[sflag:s22] =	ssyncadd.s32 $0xFFFFF800  }
0x9d: {  	_ =	swait.ge [sflag:s22], $0x2000  }
0x9e: {  	[sflag:s22] =	ssyncset.done $0x0  }
0x9f: {  	[sflag:s22] =	ssyncadd.s32 $0xFFFFE000  }
0xa0: {  	_ =	swait.ge [sflag:s22], $0x800  }
0xa1: {  	[sflag:s22] =	ssyncset.done $0x0  }
0xa2: {  	[sflag:s22] =	ssyncadd.s32 $0xFFFFF800  }
0xa3: {  	_ =	swait.ge [sflag:s22], $0x2000  }
0xa4: {  	[sflag:s22] =	ssyncset.done $0x0  }
0xa5: {  	[sflag:s22] =	ssyncadd.s32 $0xFFFFE000  }
0xa6: {  	_ =	swait.ge [sflag:s22], $0x800  }
0xa7: {  	[sflag:s22] =	ssyncset.done $0x0  }
0xa8: {  	s13 =	rddreg [dreg:$0x8];
	[sflag:s22] =	ssyncadd.s32 $0xFFFFF800  }
0xa9: {  	[hbm4b:s13+s4] =	stream.linear.scatter [tilespmem:s28], [sflag:$0x2], $0xC000, $0x38;
	[tilespmem:$0x178B0] =	vst v63  }
0xaa: {  	_ =	swait.ge [sflag:s17], $0xC000  }
0xab: {  	[sflag:s17] =	ssyncset.done $0x0  }
0xac: {  	s14 =	rddreg [dreg:$0x9];
	[sflag:s17] =	ssyncadd.s32 $0xFFFF4000  }
0xad: {  	[hbm4b:s14+s4] =	stream.linear.scatter [tilespmem:s29], [sflag:$0x2], $0x3000, $0x38;
	[tilespmem:$0x178B0] =	vst v63  }
0xae: {  	_ =	swait.ge [sflag:s17], $0x3000  }
0xaf: {  	[sflag:s17] =	ssyncset.done $0x0  }
0xb0: {  	[sflag:s17] =	ssyncadd.s32 $0xFFFFD000  }
0xb1: {  	v61 =	vld [tilespmem:$0x8590];
	_ =	sdelay $0x2  }
0xb2: {  	v62 =	vld [tilespmem:$0x8610];
	_ =	sdelay $0x1  }
0xb3: {  	v55 =	vnsel vm2, $0x0, v61  }
0xb4: {  	(xrf0) =	vadd.scan.msk.s32 $0xffff, v55;
	_ =	sdelay $0x1  }
0xb5: {  	v63 =	vld [tilespmem:$0x8690];
	v56 =	vnsel vm2, $0x0, v62  }
0xb6: {  	(xrf0) =	vadd.scan.msk.s32 $0xffff, v56;
	_ =	sdelay $0x2  }
0xb7: {  	v60, _, _ =	vpop (xrf0)  }
0xb8: {  	v55 =	vnsel vm2, $0x0, v63;
	v56 =	vbroadcast v60, $0xF  }
0xb9: {  	(xrf0) =	vadd.scan.msk.s32 $0xffff, v55  }
0xba: {  	v61 =	vld [tilespmem:$0x8710];
	v62, _, _ =	vpop (xrf0)  }
0xbb: {  	v57 =	vbroadcast v62, $0xF;
	_ =	sdelay $0x1  }
0xbc: {  	v58 =	vld [tilespmem:$0x8790]  }
0xbd: {  	v59 =	vld.idx.msk [tilespmem:v56+s4+$0x0], $0xffff  }
0xbe: {  	v55 =	vnsel vm2, $0x0, v61;
	v60, _, _ =	vpop (xrf0);
	v56 =	vld.idx.msk [tilespmem:v56+s0+$0x0], $0xffff  }
0xbf: {  	(xrf0) =	vadd.scan.msk.s32 $0xffff, v55;
	v55 =	vbroadcast v60, $0xF;
	v60 =	vld [tilespmem:$0x8810]  }
0xc0: {  	v61 =	vld.idx.msk [tilespmem:v57+s4+$0x0], $0xffff  }
0xc1: {  	v57 =	vld.idx.msk [tilespmem:v57+s0+$0x0], $0xffff  }
0xc2: {  	v58 =	vnsel vm2, $0x0, v58;
	v59 =	vmul.f32 $8.000000000e+00, v59  }
0xc3: {  	(xrf0) =	vadd.scan.msk.s32 $0xffff, v58;
	_ =	sdelay $0x1  }
0xc4: {  	v56 =	vmul.f32 $8.000000000e+00, v56  }
0xc5: {  	v60 =	vnsel vm2, $0x0, v60;
	v57 =	vmul.f32 $8.000000000e+00, v57;
	v58 =	vmax.f32 v59, $0.0e+00;
	v59, _, _ =	vpop (xrf0)  }
0xc6: {  	v62 =	vld.idx.msk [tilespmem:v55+s4+$0x0], $0xffff;
	v56 =	vmax.f32 v56, $0.0e+00;
	v58 =	vmin.f32 v58, $7.000000000e+00;
	(xrf0) =	vadd.scan.msk.s32 $0xffff, v60;
	v59 =	vbroadcast v59, $0xF  }
0xc7: {  	v55 =	vld.idx.msk [tilespmem:v55+s0+$0x0], $0xffff;
	v56 =	vmin.f32 v56, $7.000000000e+00;
	v58 =	vtrunc.f32 v58  }
0xc8: {  	v57 =	vmax.f32 v57, $0.0e+00;
	v56 =	vtrunc.f32 v56;
	v60 =	vmul.f32 $8.000000000e+00, v61;
	v61, _, _ =	vpop (xrf0)  }
0xc9: {  	v57 =	vmin.f32 v57, $7.000000000e+00;
	v58 =	vcvt.f32.s32 v58;
	v61 =	vbroadcast v61, $0xF  }
0xca: {  	v56 =	vcvt.f32.s32 v56;
	v57 =	vtrunc.f32 v57;
	v60 =	vmax.f32 v60, $0.0e+00  }
0xcb: {  	v62 =	vmul.f32 $8.000000000e+00, v62;
	v58 =	vshll.u32 v58, $0x3;
	v60 =	vmin.f32 v60, $7.000000000e+00  }
0xcc: {  	v55 =	vmul.f32 $8.000000000e+00, v55;
	v56 =	vadd.s32 v56, v58;
	v58 =	vtrunc.f32 v60;
	v63, _, _ =	vpop (xrf0);
	v60 =	vld.idx.msk [tilespmem:v59+s4+$0x0], $0xffff  }
0xcd: {  	v58 =	vcvt.f32.s32 v58;
	v63 =	vbroadcast v63, $0xF  }
0xce: {  	v57 =	vcvt.f32.s32 v57;
	v62 =	vmax.f32 v62, $0.0e+00;
	v55 =	vmax.f32 v55, $0.0e+00;
	v59 =	vld.idx.msk [tilespmem:v59+s0+$0x0], $0xffff  }
0xcf: {  	v62 =	vmin.f32 v62, $7.000000000e+00;
	v55 =	vmin.f32 v55, $7.000000000e+00;
	v58 =	vshll.u32 v58, $0x3;
	v3 =	vld.idx.msk [tilespmem:v61+s4+$0x0], $0xffff  }
0xd0: {  	v62 =	vtrunc.f32 v62;
	v55 =	vtrunc.f32 v55;
	v57 =	vadd.s32 v57, v58;
	v58 =	vld.idx.msk [tilespmem:v61+s0+$0x0], $0xffff  }
0xd1: {  	v62 =	vcvt.f32.s32 v62;
	v60 =	vmul.f32 $8.000000000e+00, v60  }
0xd2: {  	v56 =	vnsel vm2, $0x0, v56;
	v55 =	vcvt.f32.s32 v55  }
0xd3: {  	v61 =	vshll.u32 v62, $0x3;
	v59 =	vmul.f32 $8.000000000e+00, v59;
	v62 =	vld.idx.msk [tilespmem:v63+s4+$0x0], $0xffff;
	v60 =	vmax.f32 v60, $0.0e+00  }
0xd4: {  	v56 =	vsel vm4, v56, v57;
	v3 =	vmul.f32 $8.000000000e+00, v3;
	v57 =	vmin.f32 v60, $7.000000000e+00;
	v60 =	vld.idx.msk [tilespmem:v63+s0+$0x0], $0xffff  }
0xd5: {  	v55 =	vadd.s32 v55, v61;
	v58 =	vmul.f32 $8.000000000e+00, v58;
	v59 =	vmax.f32 v59, $0.0e+00  }
0xd6: {  	v55 =	vsel vm5, v56, v55;
	v63 =	vmin.f32 v59, $7.000000000e+00;
	v3 =	vmax.f32 v3, $0.0e+00  }
0xd7: {  	v58 =	vmax.f32 v58, $0.0e+00;
	v57 =	vtrunc.f32 v57;
	v56 =	vtrunc.f32 v63  }
0xd8: {  	v3 =	vmin.f32 v3, $7.000000000e+00;
	v57 =	vcvt.f32.s32 v57;
	v59 =	vmul.f32 $8.000000000e+00, v62  }
0xd9: {  	v58 =	vmin.f32 v58, $7.000000000e+00;
	v56 =	vcvt.f32.s32 v56;
	v60 =	vmul.f32 $8.000000000e+00, v60  }
0xda: {  	v3 =	vtrunc.f32 v3;
	v58 =	vtrunc.f32 v58;
	v59 =	vmax.f32 v59, $0.0e+00  }
0xdb: {  	v3 =	vcvt.f32.s32 v3;
	v59 =	vmin.f32 v59, $7.000000000e+00;
	v60 =	vmax.f32 v60, $0.0e+00  }
0xdc: {  	v58 =	vcvt.f32.s32 v58;
	v59 =	vtrunc.f32 v59;
	v60 =	vmin.f32 v60, $7.000000000e+00  }
0xdd: {  	v57 =	vshll.u32 v57, $0x3;
	v59 =	vcvt.f32.s32 v59;
	v60 =	vtrunc.f32 v60  }
0xde: {  	v56 =	vadd.s32 v56, v57;
	v3 =	vshll.u32 v3, $0x3;
	v61 =	vcvt.f32.s32 v60  }
0xdf: {  	v55 =	vsel vm6, v55, v56;
	v3 =	vadd.s32 v58, v3;
	v62 =	vshll.u32 v59, $0x3  }
0xe0: {  	v3 =	vsel vm7, v55, v3;
	v63 =	vadd.s32 v61, v62  }
0xe1: {  	v3 =	vsel vm8, v3, v63  }
0xe2: {  	s16 =	simm.s32 $0x17890;
	s15 =	rddreg [dreg:$0xa];
	[tilespmem:$0x17890] =	vst v3  }
0xe3: {  	[hbm4b:s15+s4] =	stream.linear.scatter [tilespmem:s16], [sflag:$0x2], $0x10, $0x38;
	[tilespmem:$0x178B0] =	vst v63  }
0xe4: {  	_ =	swait.ge [sflag:s17], $0x10  }
0xe5: {  	s31 =	sadd.s32 $0x1, s31;
	s26 =	rddreg [dreg:$0xb]  }
0xe6: {  	p1 =	sne.s32 s31, s26  }
.Ltmp1:
0xe7: {  	_ = 	snop;
	(pc) =	sbr.rel @!p1 .LBB2_16-.Ltmp1, $3  }
0xe8: {  	_ =	sdelay $0x1  }
0xe9: {  	[sflag:s17] =	ssyncset.done $0x0  }
0xea: {  	[sflag:s17] =	ssyncadd.s32 $0xFFFFFFF0  }
.LBB2_1:
0xeb: {  	s5 =	rddreg [dreg:$0x4]  }
0xec: {  	[tilespmem:s4], [sflag:$0x2] =	stream.linear.gather [hbm4b:s5+s4], $0x2000, $0x38;
	[tilespmem:$0x178B0] =	vst v63  }
0xed: {  	_ =	swait.ge [sflag:s17], $0x2000  }
0xee: {  	[sflag:s17] =	ssyncset.done $0x0  }
0xef: {  	s26 =	rddreg [dreg:$0x5];
	[sflag:s17] =	ssyncadd.s32 $0xFFFFE000  }
0xf0: {  	[tilespmem:s0], [sflag:$0x2] =	stream.linear.gather [hbm4b:s26+s4], $0x2000, $0x38;
	[tilespmem:$0x178B0] =	vst v63  }
0xf1: {  	_ =	swait.ge [sflag:s17], $0x2000  }
0xf2: {  	[sflag:s17] =	ssyncset.done $0x0  }
0xf3: {  	[sflag:s17] =	ssyncadd.s32 $0xFFFFE000  }
0xf4: {  	s6 =	simm.s32 $0x10;
	v55 =	vimm.s32 $0x0;
	v59 =	vld [tilespmem:s4+$0x0]  }
0xf5: {  	v56 =	vimm.s32 $0x0;
	v58 =	vimm.s32 $0x0;
	v57 =	vimm.s32 $0x0;
	s9 =	simm.s32 $0x0;
	s11 =	simm.s32 $0x2000;
	s5 =	simm.s32 $0x0;
	v60 =	vld [tilespmem:s0+$0x0]  }
.LBB2_2:
0xf6: {  	p1 =	sne.s32 s6, $0x1FF0;
	_ =	sdelay $0x2  }
0xf7: {  	v59 =	vmul.f32 $8.000000000e+00, v59  }
0xf8: {  	v60 =	vmul.f32 $8.000000000e+00, v60  }
0xf9: {  	v59 =	vmax.f32 v59, $0.0e+00  }
0xfa: {  	v59 =	vmin.f32 v59, $7.000000000e+00;
	v60 =	vmax.f32 v60, $0.0e+00  }
0xfb: {  	v60 =	vmin.f32 v60, $7.000000000e+00;
	v59 =	vtrunc.f32 v59  }
0xfc: {  	v59 =	vcvt.f32.s32 v59;
	v60 =	vtrunc.f32 v60  }
0xfd: {  	v60 =	vcvt.f32.s32 v60  }
0xfe: {  	v59 =	vshll.u32 v59, $0x3  }
0xff: {  	v59 =	vadd.s32 v60, v59  }
0x100: {  	vm9 =	veq.s32 v59, v0  }
0x101: {  	vm10 =	veq.s32 v59, v1;
	v60 =	vsel vm9, $0x1, v51;
	v61 =	vmpcnt.ones.xlane vm9  }
0x102: {  	v59 =	vsel vm10, $0x1, v51;
	v62 =	vmpcnt.ones.xlane vm10;
	(xrf0) =	vadd.scan.msk.s32 $0xffff, v60  }
0x103: {  	v55 =	vadd.s32 v55, v61;
	(xrf0) =	vadd.scan.msk.s32 $0xffff, v59  }
0x104: {  	v56 =	vadd.s32 v56, v62;
	_ =	sdelay $0x2  }
0x105: {  	v59 =	vsel vm9, $0xFFFFFFFF, v51  }
0x106: {  	v60 =	vsel vm10, $0xFFFFFFFF, v51;
	v59 =	vadd.s32 v59, v58;
	v58 =	vmov v55;
	v61, _, _ =	vpop (xrf0)  }
0x107: {  	v60 =	vadd.s32 v60, v57;
	v57 =	vmov v56;
	v59 =	vadd.s32 v61, v59;
	v61, _, _ =	vpop (xrf0)  }
0x108: {  	v60 =	vadd.s32 v61, v60;
	_ =	sdelay $0x2  }
.Ltmp2:
0x109: {  	v61 =	vor.u32 s5, v2;
	s5 =	smov.u32 s6;
	(pc) =	sbr.rel @p1 .LBB2_2-.Ltmp2, $4  }
0x10a: {  	[tilespmem:v59+s18+$0x0] =	vst.idx.msk vm9, v61  }
0x10b: {  	s9 =	sadd.s32 $0x10, s9;
	[tilespmem:v60+s19+$0x0] =	vst.idx.msk vm10, v61  }
0x10c: {  	s11 =	sadd.s32 $0x10, s11;
	v59 =	vld [tilespmem:s9+$0x0]  }
0x10d: {  	s6 =	sadd.s32 $0x10, s6;
	v60 =	vld [tilespmem:s11+$0x0]  }
0x10e: {  	_ =	sdelay $0x2  }
0x10f: {  	v59 =	vmul.f32 $8.000000000e+00, v59  }
0x110: {  	v60 =	vmul.f32 $8.000000000e+00, v60  }
0x111: {  	v59 =	vmax.f32 v59, $0.0e+00  }
0x112: {  	v59 =	vmin.f32 v59, $7.000000000e+00;
	v60 =	vmax.f32 v60, $0.0e+00  }
0x113: {  	v60 =	vmin.f32 v60, $7.000000000e+00;
	v59 =	vtrunc.f32 v59  }
0x114: {  	v59 =	vcvt.f32.s32 v59;
	v60 =	vtrunc.f32 v60  }
0x115: {  	v60 =	vcvt.f32.s32 v60  }
0x116: {  	v59 =	vshll.u32 v59, $0x3  }
0x117: {  	v59 =	vadd.s32 v60, v59  }
0x118: {  	vm9 =	veq.s32 v59, v0  }
0x119: {  	vm10 =	veq.s32 v59, v1;
	v60 =	vsel vm9, $0x1, v51  }
0x11a: {  	v59 =	vsel vm10, $0x1, v51;
	(xrf0) =	vadd.scan.msk.s32 $0xffff, v60  }
0x11b: {  	(xrf0) =	vadd.scan.msk.s32 $0xffff, v59;
	_ =	sdelay $0x3  }
0x11c: {  	v63 =	vsel vm9, $0xFFFFFFFF, v51  }
0x11d: {  	v58 =	vadd.s32 v63, v58;
	v59 =	vsel vm10, $0xFFFFFFFF, v51;
	v60, _, _ =	vpop (xrf0)  }
0x11e: {  	v57 =	vadd.s32 v59, v57;
	v58 =	vadd.s32 v60, v58;
	v60, _, _ =	vpop (xrf0)  }
0x11f: {  	v57 =	vadd.s32 v60, v57  }
0x120: {  	v59 =	vmpcnt.ones.xlane vm10  }
0x121: {  	v60 =	vmpcnt.ones.xlane vm9  }
0x122: {  	v56 =	vadd.s32 v56, v59;
	v59 =	vor.u32 s5, v2  }
0x123: {  	v61 =	vsel vm1, $0x0, v56;
	v60 =	vadd.s32 v55, v60;
	[tilespmem:v58+s18+$0x0] =	vst.idx.msk vm9, v59  }
0x124: {  	v55 =	vsel vm2, v60, v61;
	[tilespmem:v57+s19+$0x0] =	vst.idx.msk vm10, v59  }
0x125: {  	s12 =	rddreg [dreg:$0x6];
	s6 =	simm.s32 $0x8180;
	[tilespmem:$0x8180] =	vst v55  }
0x126: {  	[spmem:s12] =	stream.linear.scatter [tilespmem:s6], [sflag:$0x2], $0x10, $0x38;
	[tilespmem:$0x178B0] =	vst v63  }
0x127: {  	_ =	swait.ge [sflag:s17], $0x10  }
0x128: {  	[sflag:s17] =	ssyncset.done $0x0  }
0x129: {  	[sflag:s17] =	ssyncadd.s32 $0xFFFFFFF0  }
0x12a: {  	[bflag:$0x0] =	sbarrier.arrive $0xFFFF  }
0x12b: {  	s13 =	rddreg [dreg:$0x2]  }
0x12c: {  	[tilespmem:s21], [sflag:$0x2] =	stream.linear.gather [spmem:s13], $0x100, $0x38;
	[tilespmem:$0x178B0] =	vst v63  }
0x12d: {  	_ =	swait.ge [sflag:s17], $0x100  }
0x12e: {  	[sflag:s17] =	ssyncset.done $0x0  }
0x12f: {  	[sflag:s17] =	ssyncadd.s32 $0xFFFFFF00  }
0x130: {  	v62 =	vld.idx.msk [tilespmem:v52+s21+$0x0], $0xffff;
	_ =	sdelay $0x4  }
0x131: {  	v55 =	vadd.s32 $0x7F, v62  }
0x132: {  	v63 =	vshra.s32 v55, $0x1F;
	v61 =	vand.u32 $0x7F, v55  }
0x133: {  	vm9 =	vlt.s32 v55, $0x1;
	v57 =	vshrl.u32 v63, $0x19;
	vm10 =	vne.s32 v61, $0x0  }
0x134: {  	v55 =	vadd.s32 v57, v55;
	vm9 =	vmand vm9, vm10  }
0x135: {  	v55 =	vshrl.u32 v55, $0x7;
	v62 =	vsel vm9, $0xFFFFFFFF, v51  }
0x136: {  	v55 =	vadd.s32 v62, v55  }
0x137: {  	v55 =	vshll.u32 v55, $0x7  }
0x138: {  	(xrf0) =	vadd.scan.msk.s32 $0xffff, v55;
	_ =	sdelay $0x5  }
0x139: {  	v57, _, _ =	vpop (xrf0)  }
0x13a: {  	v63 =	vxor.u32 $0x80000000, v57  }
0x13b: {  	(xrf0) =	vmax.scan.msk.u32 $0xffff, v63;
	_ =	sdelay $0x3  }
0x13c: {  	v61 =	vld.idx.msk [tilespmem:v53+s21+$0x0], $0xffff;
	_ =	sdelay $0x1  }
0x13d: {  	v62, _, _ =	vpop (xrf0)  }
0x13e: {  	(v2sf) =	vpush v62, $0xF;
	_ =	sdelay $0x1  }
0x13f: {  	v58 =	vadd.s32 $0x7F, v61  }
0x140: {  	v59 =	vshra.s32 v58, $0x1F;
	v61 =	vand.u32 $0x7F, v58  }
0x141: {  	vm9 =	vlt.s32 v58, $0x1;
	v59 =	vshrl.u32 v59, $0x19;
	vm10 =	vne.s32 v61, $0x0  }
0x142: {  	v58 =	vadd.s32 v59, v58;
	vm9 =	vmand vm9, vm10  }
0x143: {  	v58 =	vshrl.u32 v58, $0x7;
	v63 =	vsel vm9, $0xFFFFFFFF, v51  }
0x144: {  	v58 =	vadd.s32 v63, v58  }
0x145: {  	v58 =	vshll.u32 v58, $0x7  }
0x146: {  	(xrf0) =	vadd.scan.msk.s32 $0xffff, v58;
	_ =	sdelay $0x5  }
0x147: {  	v61, _, _ =	vpop (xrf0);
	s14 =	spop (v2sf)  }
0x148: {  	v58 =	vsub.s32 v61, v58;
	s16 =	sxor.u32 $0x80000000, s14  }
0x149: {  	v55 =	vsub.s32 v57, v55;
	v62 =	vadd.s32 s16, v58  }
0x14a: {  	v63 =	vxor.u32 $0x80000000, v61;
	v55 =	vpsel p0, v55, v62  }
0x14b: {  	(xrf0) =	vmax.scan.msk.u32 $0xffff, v63;
	v57 =	vnsel vm0, $0x0, v55  }
0x14c: {  	v61 =	vxor.u32 $0x80000000, v60;
	(xrf0) =	vadd.scan.msk.s32 $0xffff, v57  }
0x14d: {  	(xrf0) =	vmax.scan.msk.u32 $0xffff, v61;
	_ =	sdelay $0x3  }
0x14e: {  	v62, _, _ =	vpop (xrf0)  }
0x14f: {  	(v2sf) =	vpush v62, $0xF;
	v63, _, _ =	vpop (xrf0)  }
0x150: {  	v56 =	vxor.u32 $0x80000000, v56;
	(v2sf) =	vpush v63, $0xF;
	v60, _, _ =	vpop (xrf0)  }
0x151: {  	(xrf0) =	vmax.scan.msk.u32 $0xffff, v56;
	(v2sf) =	vpush v60, $0xF;
	_ =	sdelay $0x5  }
0x152: {  	v56, _, _ =	vpop (xrf0)  }
0x153: {  	(v2sf) =	vpush v56, $0xF;
	_ =	sdelay $0x5  }
0x154: {  	s5 =	spop (v2sf)  }
0x155: {  	s6 =	spop (v2sf)  }
0x156: {  	s11 =	spop (v2sf)  }
0x157: {  	s12 =	sxor.u32 $0x80000000, s11  }
0x158: {  	p2 =	sgt.s32 s11, $0xFFFFFFFF;
	s9 =	sand.u32 $0xF, s11;
	p1 =	slt.s32 s12, $0x1  }
0x159: {  	s13 =	sshra.s32 s12, $0x1F;
	p6 =	sne.s32 s9, $0x0;
	p1 =	por p2, p1  }
0x15a: {  	s15 =	sshrl.u32 s13, $0x1C;
	p1 =	por !p6, !p1  }
0x15b: {  	s13 =	simm.s32 $0x1;
	s9 =	sadd.s32 s15, s12;
	p1 =	por !p1, !p1  }
0x15c: {  	s14 =	sshrl.u32 s9, $0x4;
	s13 =	simm.s32 @!p1 $0x0  }
0x15d: {  	s9 =	spop (v2sf);
	s14 =	ssub.s32 s14, s13  }
0x15e: {  	s13 =	sxor.u32 $0x80000000, s9;
	s14 =	sshll.u32 s14, $0x4  }
0x15f: {  	p3 =	sgt.s32 s9, $0xFFFFFFFF;
	s15 =	sand.u32 $0xF, s9;
	p2 =	slt.s32 s13, $0x1;
	v61 =	vld [tilespmem:s14+$0x4000]  }
0x160: {  	p4 =	sne.s32 s15, $0x0;
	s26 =	sshra.s32 s13, $0x1F;
	p1 =	por p3, p2  }
0x161: {  	s26 =	sshrl.u32 s26, $0x1C;
	p1 =	por !p4, !p1  }
0x162: {  	v62 =	vor.u32 s14, v2;
	s15 =	sadd.s32 s26, s13;
	s26 =	simm.s32 $0x1;
	p1 =	por !p1, !p1  }
0x163: {  	vm9 =	vlt.s32 v62, s12;
	s15 =	sshrl.u32 s15, $0x4;
	s26 =	simm.s32 @!p1 $0x0  }
0x164: {  	s15 =	ssub.s32 s15, s26;
	v56 =	vnsel vm9, $0x2000, v61  }
0x165: {  	s15 =	sshll.u32 s15, $0x4;
	[tilespmem:s14+$0x4000] =	vst v56  }
0x166: {  	v56 =	vld [tilespmem:s15+$0x6080];
	_ =	sdelay $0x2  }
0x167: {  	v63 =	vor.u32 s15, v2  }
0x168: {  	vm9 =	vlt.s32 v63, s13  }
0x169: {  	v56 =	vnsel vm9, $0x2000, v56  }
0x16a: {  	[tilespmem:s15+$0x6080] =	vst v56  }
0x16b: {  	v56 =	vld [tilespmem:s14+$0x4010];
	_ =	sdelay $0x1  }
0x16c: {  	s26 =	sadd.s32 $0x10, s14  }
0x16d: {  	v60 =	vor.u32 s26, v2  }
0x16e: {  	vm9 =	vlt.s32 v60, s12  }
0x16f: {  	v56 =	vnsel vm9, $0x2000, v56  }
0x170: {  	[tilespmem:s14+$0x4010] =	vst v56  }
0x171: {  	v56 =	vld [tilespmem:s15+$0x6090];
	_ =	sdelay $0x1  }
0x172: {  	s26 =	sadd.s32 $0x10, s15  }
0x173: {  	v61 =	vor.u32 s26, v2  }
0x174: {  	vm9 =	vlt.s32 v61, s13  }
0x175: {  	v56 =	vnsel vm9, $0x2000, v56  }
0x176: {  	[tilespmem:s15+$0x6090] =	vst v56  }
0x177: {  	v56 =	vld [tilespmem:s14+$0x4020];
	_ =	sdelay $0x1  }
0x178: {  	s26 =	sadd.s32 $0x20, s14  }
0x179: {  	v62 =	vor.u32 s26, v2  }
0x17a: {  	vm9 =	vlt.s32 v62, s12  }
0x17b: {  	v56 =	vnsel vm9, $0x2000, v56  }
0x17c: {  	[tilespmem:s14+$0x4020] =	vst v56  }
0x17d: {  	v56 =	vld [tilespmem:s15+$0x60A0];
	_ =	sdelay $0x1  }
0x17e: {  	s26 =	sadd.s32 $0x20, s15  }
0x17f: {  	v63 =	vor.u32 s26, v2  }
0x180: {  	vm9 =	vlt.s32 v63, s13  }
0x181: {  	v56 =	vnsel vm9, $0x2000, v56  }
0x182: {  	[tilespmem:s15+$0x60A0] =	vst v56  }
0x183: {  	v56 =	vld [tilespmem:s14+$0x4030];
	_ =	sdelay $0x1  }
0x184: {  	s26 =	sadd.s32 $0x30, s14  }
0x185: {  	v60 =	vor.u32 s26, v2  }
0x186: {  	vm9 =	vlt.s32 v60, s12  }
0x187: {  	v56 =	vnsel vm9, $0x2000, v56  }
0x188: {  	[tilespmem:s14+$0x4030] =	vst v56  }
0x189: {  	v56 =	vld [tilespmem:s15+$0x60B0];
	_ =	sdelay $0x1  }
0x18a: {  	s26 =	sadd.s32 $0x30, s15  }
0x18b: {  	v61 =	vor.u32 s26, v2  }
0x18c: {  	vm9 =	vlt.s32 v61, s13  }
0x18d: {  	v56 =	vnsel vm9, $0x2000, v56  }
0x18e: {  	[tilespmem:s15+$0x60B0] =	vst v56  }
0x18f: {  	v56 =	vld [tilespmem:s14+$0x4040];
	_ =	sdelay $0x1  }
0x190: {  	s26 =	sadd.s32 $0x40, s14  }
0x191: {  	v62 =	vor.u32 s26, v2  }
0x192: {  	vm9 =	vlt.s32 v62, s12  }
0x193: {  	v56 =	vnsel vm9, $0x2000, v56  }
0x194: {  	[tilespmem:s14+$0x4040] =	vst v56  }
0x195: {  	v56 =	vld [tilespmem:s15+$0x60C0];
	_ =	sdelay $0x1  }
0x196: {  	s26 =	sadd.s32 $0x40, s15  }
0x197: {  	v63 =	vor.u32 s26, v2  }
0x198: {  	vm9 =	vlt.s32 v63, s13  }
0x199: {  	v56 =	vnsel vm9, $0x2000, v56  }
0x19a: {  	[tilespmem:s15+$0x60C0] =	vst v56  }
0x19b: {  	v56 =	vld [tilespmem:s14+$0x4050];
	_ =	sdelay $0x1  }
0x19c: {  	s26 =	sadd.s32 $0x50, s14  }
0x19d: {  	v60 =	vor.u32 s26, v2  }
0x19e: {  	vm9 =	vlt.s32 v60, s12  }
0x19f: {  	v56 =	vnsel vm9, $0x2000, v56  }
0x1a0: {  	[tilespmem:s14+$0x4050] =	vst v56  }
0x1a1: {  	v56 =	vld [tilespmem:s15+$0x60D0];
	_ =	sdelay $0x1  }
0x1a2: {  	s26 =	sadd.s32 $0x50, s15  }
0x1a3: {  	v61 =	vor.u32 s26, v2  }
0x1a4: {  	vm9 =	vlt.s32 v61, s13  }
0x1a5: {  	v56 =	vnsel vm9, $0x2000, v56  }
0x1a6: {  	[tilespmem:s15+$0x60D0] =	vst v56  }
0x1a7: {  	v56 =	vld [tilespmem:s14+$0x4060];
	_ =	sdelay $0x1  }
0x1a8: {  	s26 =	sadd.s32 $0x60, s14  }
0x1a9: {  	v62 =	vor.u32 s26, v2  }
0x1aa: {  	vm9 =	vlt.s32 v62, s12  }
0x1ab: {  	v56 =	vnsel vm9, $0x2000, v56  }
0x1ac: {  	[tilespmem:s14+$0x4060] =	vst v56  }
0x1ad: {  	v56 =	vld [tilespmem:s15+$0x60E0];
	_ =	sdelay $0x1  }
0x1ae: {  	s26 =	sadd.s32 $0x60, s15  }
0x1af: {  	v63 =	vor.u32 s26, v2  }
0x1b0: {  	vm9 =	vlt.s32 v63, s13  }
0x1b1: {  	v56 =	vnsel vm9, $0x2000, v56  }
0x1b2: {  	[tilespmem:s15+$0x60E0] =	vst v56  }
0x1b3: {  	v56 =	vld [tilespmem:s14+$0x4070];
	_ =	sdelay $0x1  }
0x1b4: {  	s26 =	sadd.s32 $0x70, s14  }
0x1b5: {  	v60 =	vor.u32 s26, v2  }
0x1b6: {  	vm9 =	vlt.s32 v60, s12  }
0x1b7: {  	v56 =	vnsel vm9, $0x2000, v56  }
0x1b8: {  	[tilespmem:s14+$0x4070] =	vst v56  }
0x1b9: {  	v56 =	vld [tilespmem:s15+$0x60F0];
	_ =	sdelay $0x1  }
0x1ba: {  	s26 =	sadd.s32 $0x70, s15  }
0x1bb: {  	v61 =	vor.u32 s26, v2  }
0x1bc: {  	vm9 =	vlt.s32 v61, s13  }
0x1bd: {  	v56 =	vnsel vm9, $0x2000, v56  }
0x1be: {  	[tilespmem:s15+$0x60F0] =	vst v56  }
0x1bf: {  	v56 =	vld [tilespmem:s14+$0x4080];
	_ =	sdelay $0x1  }
0x1c0: {  	s26 =	sadd.s32 $0x80, s14  }
0x1c1: {  	v62 =	vor.u32 s26, v2  }
0x1c2: {  	vm9 =	vlt.s32 v62, s12  }
0x1c3: {  	v56 =	vnsel vm9, $0x2000, v56  }
0x1c4: {  	[tilespmem:s14+$0x4080] =	vst v56  }
0x1c5: {  	v56 =	vld [tilespmem:s15+$0x6100];
	_ =	sdelay $0x1  }
0x1c6: {  	s26 =	sadd.s32 $0x80, s15  }
0x1c7: {  	v63 =	vor.u32 s26, v2  }
0x1c8: {  	s11 =	sadd.s32 $0x8000007F, s11;
	vm9 =	vlt.s32 v63, s13  }
0x1c9: {  	s14 =	sand.u32 $0x7F, s11;
	v56 =	vnsel vm9, $0x2000, v56  }
0x1ca: {  	p5 =	slt.s32 s11, $0x1;
	p6 =	sne.s32 s14, $0x0;
	[tilespmem:s15+$0x6100] =	vst v56;
	s15 =	sshra.s32 s11, $0x1F  }
0x1cb: {  	p1 =	por !p5, !p6;
	s26 =	sshrl.u32 s15, $0x19  }
0x1cc: {  	s12 =	simm.s32 $0x1;
	p1 =	por !p1, !p1;
	s11 =	sadd.s32 s26, s11  }
0x1cd: {  	s12 =	simm.s32 @!p1 $0x0;
	[tilespmem:$0x8100] =	vst v54;
	s11 =	sshra.s32 s11, $0x7  }
0x1ce: {  	[tilespmem:$0x8110] =	vst v54;
	s11 =	ssub.s32 s11, s12  }
0x1cf: {  	[tilespmem:$0x8120] =	vst v54;
	p1 =	slt.s32 s11, $0x1  }
.Ltmp3:
0x1d0: {  	[tilespmem:$0x8130] =	vst v54;
	(pc) =	sbr.rel @p1 .LBB2_7-.Ltmp3, $4  }
0x1d1: {  	[tilespmem:$0x8140] =	vst v54  }
0x1d2: {  	[tilespmem:$0x8150] =	vst v54  }
0x1d3: {  	[tilespmem:$0x8160] =	vst v54  }
0x1d4: {  	[tilespmem:$0x8170] =	vst v54  }
0x1d5: {  	v55 =	vnsel vm3, $0x0, v55  }
0x1d6: {  	(xrf0) =	vadd.scan.msk.s32 $0xffff, v55;
	_ =	sdelay $0x5  }
0x1d7: {  	v55, _, _ =	vpop (xrf0)  }
0x1d8: {  	(v2sf) =	vpush v55, $0xF;
	_ =	sdelay $0xe  }
0x1d9: {  	s12 =	spop (v2sf)  }
0x1da: {  	s13 =	sand.u32 $0x7F, s12;
	s14 =	sshra.s32 s12, $0x1F  }
0x1db: {  	p2 =	slt.s32 s12, $0x1;
	p1 =	sne.s32 s13, $0x0;
	s15 =	sshrl.u32 s14, $0x19  }
0x1dc: {  	p1 =	por !p2, !p1;
	s12 =	sadd.s32 s15, s12  }
0x1dd: {  	s13 =	simm.s32 $0x1;
	p1 =	por !p1, !p1;
	s12 =	sshra.s32 s12, $0x7  }
0x1de: {  	s12 =	sadd.s32 s12, s10;
	s13 =	simm.s32 @!p1 $0x0  }
0x1df: {  	p1 =	seq.s32 s11, $0x1;
	s12 =	ssub.s32 s12, s13  }
.Ltmp4:
0x1e0: {  	s13 =	sshll.u32 s12, $0x4;
	(pc) =	sbr.rel @p1 .LBB2_6-.Ltmp4, $4  }
0x1e1: {  	s26 =	sand.u32 $0x1FFFFFF0, s13  }
0x1e2: {  	s12 =	simm.s32 $0x4000;
	s14 =	sadd.s32 s1, s26  }
0x1e3: {  	[hbm4b:s14+s4] =	stream.linear.scatter [tilespmem:s12], [sflag:$0x2], $0x80, $0x38;
	[tilespmem:$0x178B0] =	vst v63  }
0x1e4: {  	s11 =	sadd.s32 $0xFFFFFFFF, s11;
	s13 =	sadd.s32 $0x10, s13;
	_ =	swait.ge [sflag:s17], $0x80  }
.LBB2_5:
0x1e5: {  	s14 =	sand.u32 $0x1FFFFFF0, s13  }
0x1e6: {  	[sflag:s17] =	ssyncset.done $0x0;
	s12 =	sadd.s32 $0x80, s12;
	p1 =	seq.s32 s11, $0x1  }
.Ltmp5:
0x1e7: {  	s14 =	sadd.s32 s1, s14;
	[sflag:s17] =	ssyncadd.s32 $0xFFFFFF80;
	(pc) =	sbr.rel @!p1 .LBB2_5-.Ltmp5, $3  }
0x1e8: {  	[hbm4b:s14+s4] =	stream.linear.scatter [tilespmem:s12], [sflag:$0x2], $0x80, $0x38;
	[tilespmem:$0x178B0] =	vst v63  }
0x1e9: {  	s11 =	sadd.s32 $0xFFFFFFFF, s11;
	_ =	sdelay $0x1  }
0x1ea: {  	s13 =	sadd.s32 $0x10, s13;
	_ =	swait.ge [sflag:s17], $0x80  }
.LBB2_6:
0x1eb: {  	[sflag:s17] =	ssyncset.done $0x0  }
0x1ec: {  	[sflag:s17] =	ssyncadd.s32 $0xFFFFFF80  }
.LBB2_7:
0x1ed: {  	s9 =	sadd.s32 $0x8000007F, s9  }
0x1ee: {  	s11 =	sand.u32 $0x7F, s9  }
0x1ef: {  	s12 =	sshra.s32 s9, $0x1F;
	p1 =	slt.s32 s9, $0x1;
	p2 =	sne.s32 s11, $0x0  }
0x1f0: {  	s26 =	sshrl.u32 s12, $0x19;
	p1 =	por !p1, !p2  }
0x1f1: {  	s11 =	simm.s32 $0x1;
	s9 =	sadd.s32 s26, s9;
	p1 =	por !p1, !p1  }
0x1f2: {  	s9 =	sshra.s32 s9, $0x7;
	s11 =	simm.s32 @!p1 $0x0  }
0x1f3: {  	s9 =	ssub.s32 s9, s11  }
0x1f4: {  	p1 =	slt.s32 s9, $0x1  }
.Ltmp6:
0x1f5: {  	_ = 	snop;
	(pc) =	sbr.rel @p1 .LBB2_11-.Ltmp6, $1  }
0x1f6: {  	_ =	sdelay $0x3  }
0x1f7: {  	s11 =	sshra.s32 s6, $0x1F;
	s12 =	sand.u32 $0x7F, s6  }
0x1f8: {  	p1 =	slt.s32 s6, $0x1;
	s11 =	sshrl.u32 s11, $0x19;
	p2 =	sne.s32 s12, $0x0  }
0x1f9: {  	s15 =	sadd.s32 s11, s6;
	p1 =	por !p1, !p2  }
0x1fa: {  	s11 =	simm.s32 $0xFFFFFFFF;
	s6 =	sshra.s32 s15, $0x7;
	p1 =	por !p1, !p1  }
0x1fb: {  	s11 =	simm.s32 @!p1 $0x0;
	s6 =	sadd.s32 s6, s10  }
0x1fc: {  	p1 =	sne.s32 s9, $0x1;
	s6 =	sadd.s32 s11, s6  }
.Ltmp7:
0x1fd: {  	s11 =	sshll.u32 s6, $0x4;
	(pc) =	sbr.rel @!p1 .LBB2_10-.Ltmp7, $4  }
0x1fe: {  	s26 =	sand.u32 $0x1FFFFFF0, s11  }
0x1ff: {  	s6 =	simm.s32 $0x6080;
	s12 =	sadd.s32 s1, s26  }
0x200: {  	[hbm4b:s12+s4] =	stream.linear.scatter [tilespmem:s6], [sflag:$0x2], $0x80, $0x38;
	[tilespmem:$0x178B0] =	vst v63  }
0x201: {  	s9 =	sadd.s32 $0xFFFFFFFF, s9;
	s11 =	sadd.s32 $0x10, s11;
	_ =	swait.ge [sflag:s17], $0x80  }
.LBB2_9:
0x202: {  	s12 =	sand.u32 $0x1FFFFFF0, s11  }
0x203: {  	[sflag:s17] =	ssyncset.done $0x0;
	s6 =	sadd.s32 $0x80, s6;
	p1 =	sne.s32 s9, $0x1  }
.Ltmp8:
0x204: {  	s12 =	sadd.s32 s1, s12;
	[sflag:s17] =	ssyncadd.s32 $0xFFFFFF80;
	(pc) =	sbr.rel @p1 .LBB2_9-.Ltmp8, $3  }
0x205: {  	[hbm4b:s12+s4] =	stream.linear.scatter [tilespmem:s6], [sflag:$0x2], $0x80, $0x38;
	[tilespmem:$0x178B0] =	vst v63  }
0x206: {  	s9 =	sadd.s32 $0xFFFFFFFF, s9;
	_ =	sdelay $0x1  }
0x207: {  	s11 =	sadd.s32 $0x10, s11;
	_ =	swait.ge [sflag:s17], $0x80  }
.LBB2_10:
0x208: {  	[sflag:s17] =	ssyncset.done $0x0  }
0x209: {  	[sflag:s17] =	ssyncadd.s32 $0xFFFFFF80  }
.LBB2_11:
0x20a: {  	s5 =	sadd.s32 s5, s16  }
0x20b: {  	s5 =	sadd.s32 $0x80000000, s5  }
0x20c: {  	s6 =	sand.u32 $0x7F, s5  }
0x20d: {  	s9 =	sshra.s32 s5, $0x1F;
	p1 =	slt.s32 s5, $0x1;
	p2 =	sne.s32 s6, $0x0  }
0x20e: {  	s15 =	sshrl.u32 s9, $0x19;
	p1 =	por !p1, !p2  }
0x20f: {  	s6 =	simm.s32 $0x1;
	s5 =	sadd.s32 s15, s5;
	p1 =	por !p1, !p1  }
0x210: {  	s5 =	sshra.s32 s5, $0x7;
	s6 =	simm.s32 @!p1 $0x0  }
0x211: {  	s16 =	stileid.u32;
	s6 =	ssub.s32 s5, s6  }
0x212: {  	s6 =	sadd.s32 s16, s6  }
0x213: {  	s9 =	ssub.s32 $0x6F, s6;
	p2 =	sne.s32 s6, $0x6F;
	s6 =	simm.s32 $0x1  }
0x214: {  	s11 =	sshra.s32 s9, $0x1F;
	s6 =	simm.s32 @!p2 $0x0  }
0x215: {  	s12 =	sand.u32 $0xF, s9;
	s6 =	sor.u32 s6, s11  }
0x216: {  	p3 =	sne.s32 s12, $0x0;
	p6 =	sne.s32 s6, $0x1  }
0x217: {  	s26 =	sshrl.u32 s11, $0x1C;
	p2 =	por !p3, !p6  }
0x218: {  	s6 =	sadd.s32 s26, s9;
	s9 =	simm.s32 $0x1;
	p2 =	por !p2, !p2  }
0x219: {  	s6 =	sshra.s32 s6, $0x4;
	s9 =	simm.s32 @!p2 $0x0  }
0x21a: {  	s6 =	ssub.s32 s6, s9  }
0x21b: {  	p2 =	slt.s32 s6, $0x1  }
.Ltmp9:
0x21c: {  	_ = 	snop;
	(pc) =	sbr.rel @p2 .LBB2_15-.Ltmp9, $1  }
0x21d: {  	_ =	sdelay $0x3  }
0x21e: {  	s9 =	simm.s32 $0xFFFFFFFF;
	s11 =	rddreg [dreg:$0xc]  }
0x21f: {  	s9 =	simm.s32 @!p1 $0x0;
	s5 =	sadd.s32 s5, s11  }
0x220: {  	p1 =	sne.s32 s6, $0x1;
	s5 =	sadd.s32 s9, s5  }
.Ltmp10:
0x221: {  	s9 =	sshll.u32 s5, $0x4;
	(pc) =	sbr.rel @!p1 .LBB2_14-.Ltmp10, $4  }
0x222: {  	s5 =	sand.u32 $0x1FFFFFF0, s9  }
0x223: {  	s5 =	sadd.s32 s1, s5  }
0x224: {  	[hbm4b:s5+s4] =	stream.linear.scatter [tilespmem:s23], [sflag:$0x2], $0x80, $0x38;
	[tilespmem:$0x178B0] =	vst v63  }
0x225: {  	s5 =	sadd.s32 $0xFFFFFFFF, s6;
	s6 =	sadd.s32 $0x100, s9;
	_ =	swait.ge [sflag:s17], $0x80  }
.LBB2_13:
0x226: {  	s9 =	sand.u32 $0x1FFFFFF0, s6;
	[sflag:s17] =	ssyncset.done $0x0;
	p1 =	sne.s32 s5, $0x1  }
.Ltmp11:
0x227: {  	s9 =	sadd.s32 s1, s9;
	[sflag:s17] =	ssyncadd.s32 $0xFFFFFF80;
	(pc) =	sbr.rel @p1 .LBB2_13-.Ltmp11, $3  }
0x228: {  	[hbm4b:s9+s4] =	stream.linear.scatter [tilespmem:s23], [sflag:$0x2], $0x80, $0x38;
	[tilespmem:$0x178B0] =	vst v63  }
0x229: {  	s5 =	sadd.s32 $0xFFFFFFFF, s5;
	_ =	sdelay $0x1  }
0x22a: {  	s6 =	sadd.s32 $0x100, s6;
	_ =	swait.ge [sflag:s17], $0x80  }
.Ltmp12:
0x22b: {  	_ = 	snop;
	(pc) =	sbr.rel .LBB2_14-.Ltmp12, $1  }
0x22c: {  	_ =	sdelay $0x3  }
.LBB2_16:
0x22d: {  	_ =	sfence.sel $0x180000  }
0x22e: {  	[bflag:$0x0] =	sbarrier.arrive $0xFFFF  }
0x22f: {  	_ =	strace $0x90000047  }
0x230: {  	s0 =	stileid.u32;
	[bflag:$0x2] =	sbarrier.arrive $0xFFFF  }
0x231: {  	p0 =	sne.s32 s0, $0x0;
	s0 =	rddreg [dreg:$0x3]  }
0x232: {  	s0 =	sadd.s32 @!p0 $0x100000, s0  }
0x233: {  	[sflag:s0] =	ssyncadd.tile.s32 @!p0 $0x1;
	_ =	shalt  }
.Lfunc_end2:
_tile_overlayer_lowered:
.L_overlay_start_2:
0x234: {  	(tag) =	ssettag $0x2  }
0x235: {  	s0 =	rddreg [dreg:$0x0];
	s2 =	stileid.u32  }
0x236: {  	s1 =	rddreg [dreg:$0x1];
	p0 =	sne.s32 s2, $0x0  }
0x237: {  	s3 =	rddreg [dreg:$0x2];
	[bflag:$0x3] =	sbarrier.arrive $0xFFFF;
	s2 =	simm.s32 @!p0 $0x1C02  }
0x238: {  	[timem:s3], [sflag:s2] =	dma.local @!p0 [hbm:s0], s1  }
0x239: {  	s0 =	simm.s32 @!p0 $0x2  }
0x23a: {  	_ =	swait.ge @!p0 [sflag:s0], s1  }
0x23b: {  	s1 =	ssub.s32 @!p0 $0x0, s1;
	[sflag:s0] =	ssyncset.done @!p0 $0x0  }
0x23c: {  	[sflag:s0] =	ssyncadd.s32 @!p0 s1  }
0x23d: {  	[bflag:$0x3] =	sbarrier.arrive $0xFFFF  }
0x23e: {  	_ =	shalt  }

// kernel: kernel.8.cloned.1.call-start
scs
__scs_entry_jumppad:
0x0: {  	(pc) =	sbr.rel $0x88, $3  }
0x1: {  	(tag) =	ssettag $0x0;
	lr =	simm.s32 $0x1  }
0x2: {  	[smem:$0x3F9D] =	sst lr;
	_ =	strace $0xD0000000  }
0x3: {  	_ = 	snop  }
0x4: {  	_ = 	snop  }
0x5: {  	_ = 	snop  }
0x6: {  	_ = 	snop  }
0x7: {  	_ = 	snop  }
__scs_overlays_trampoline_lowered:
0x8: {  	[smem:$0x3FAC] =	sst s0  }
0x9: {  	[smem:$0x3FAD] =	sst s1  }
0xa: {  	[smem:$0x3FAE] =	sst s2  }
0xb: {  	[smem:$0x3FAF] =	sst s3  }
0xc: {  	[smem:$0x3FB0] =	sst s4  }
0xd: {  	[smem:$0x3FB1] =	sst s5  }
0xe: {  	[smem:$0x3FB2] =	sst s6  }
0xf: {  	[smem:$0x3FB3] =	sst s7  }
0x10: {  	[smem:$0x3FB4] =	sst s8  }
0x11: {  	[smem:$0x3FB5] =	sst s9;
	s0 =	simm.s32 @!p0 $0x0  }
0x12: {  	s1 =	sld [smem:$0x3F9B];
	s0 =	simm.s32 @p0 $0x1  }
0x13: {  	[smem:$0x3FB6] =	sst s0;
	s0 =	simm.s32 @!p1 $0x0  }
0x14: {  	s2 =	sld [smem:$0x3F9A];
	s0 =	simm.s32 @p1 $0x1  }
0x15: {  	[smem:$0x3FB7] =	sst s0;
	s0 =	simm.s32 @!p2 $0x0  }
0x16: {  	s3 =	sld [smem:$0x3FDB];
	s0 =	simm.s32 @p2 $0x1  }
0x17: {  	s4 =	simm.s32 $0x1BF5;
	[smem:$0x3FB9] =	sst s0  }
0x18: {  	s0 =	sld [smem:$0x3F9C];
	_ =	swait.ge [sflag:s4], $0x0  }
0x19: {  	s7 =	sld [smem:$0x3F9D]  }
0x1a: {  	s8 =	sadd.s32 $0xFFFFE003, lr  }
0x1b: {  	s9 =	sadd.s32 $0xFFFFFEF7, lr;
	s5 =	simm.s32 $0xFFFFFFFF;
	p2 =	slt.u32 s8, $0xFFFFF086  }
0x1c: {  	p1 =	slt.u32 s9, $0xF7A;
	s5 =	simm.s32 @!p2 $0x0  }
0x1d: {  	s5 =	simm.s32 @p1 $0x1;
	p0 =	seq.s32 s7, s2  }
0x1e: {  	s7 =	smul.u32 @!p0 $0xF7A, s2;
	p2 =	seq.s32 @!p0 s5, $0x0  }
0x1f: {  	s9 =	smul.u32 $0xF7A, s1;
	s8 =	simm.s32 @!p0 $0x1BF5;
	p2 =	por !p2, p0  }
0x20: {  	[sflag:s8] =	ssyncset.s32 @!p0 $0xFFFFF086;
	s6 =	sadd.s32 @!p0 s3, s7;
	s7 =	simm.s32 @!p0 $0x108  }
0x21: {  	s3 =	sadd.s32 s3, s9;
	s6 =	sadd.s32 @!p0 $0x88, s6;
	s7 =	simm.s32 @p2 $0x1082  }
0x22: {  	[simem:s7], [sflag:s8] =	dma.local @!p0 [hbm:s6], $0xF7A  }
0x23: {  	s9 =	sor.u32 $0xD0000000, s2;
	s6 =	simm.s32 $0x108;
	_ =	swait.ge @!p0 [sflag:s8], $0x0  }
0x24: {  	s3 =	sadd.s32 $0x88, s3;
	s6 =	simm.s32 @!p1 $0x1082;
	[sflag:s4] =	ssyncset.s32 $0xFFFFF086  }
0x25: {  	[simem:s6], [sflag:s4] =	dma.local [hbm:s3], $0xF7A  }
0x26: {  	[smem:$0x3F9D] =	sst s1;
	(tag) =	ssettag s2;
	_ =	strace s9  }
0x27: {  	s1 =	sld [smem:$0x3FAD]  }
0x28: {  	s2 =	sld [smem:$0x3FAE]  }
0x29: {  	s4 =	sld [smem:$0x3FB0]  }
0x2a: {  	p0 =	seq.s32 s5, $0x0;
	s5 =	sld [smem:$0x3FB1]  }
0x2b: {  	s6 =	sld [smem:$0x3FB2]  }
0x2c: {  	s7 =	sld [smem:$0x3FB3]  }
0x2d: {  	s3 =	simm.s32 $0x108;
	s8 =	sld [smem:$0x3FB4]  }
0x2e: {  	s3 =	simm.s32 @!p0 $0x1082;
	s9 =	sld [smem:$0x3FB5]  }
0x2f: {  	lr =	sadd.s32 s0, s3;
	s0 =	sld [smem:$0x3FAC]  }
0x30: {  	s3 =	sld [smem:$0x3FAF]  }
0x31: {  	[smem:$0x3FB8] =	sst s10  }
0x32: {  	s10 =	sld [smem:$0x3FB6];
	_ =	sdelay $0x3  }
0x33: {  	p0 =	seq.s32 s10, $0x1;
	s10 =	sld [smem:$0x3FB8];
	_ =	sdelay $0x3  }
0x34: {  	[smem:$0x3FB8] =	sst s10  }
0x35: {  	s10 =	sld [smem:$0x3FB7];
	_ =	sdelay $0x3  }
0x36: {  	p1 =	seq.s32 s10, $0x1;
	s10 =	sld [smem:$0x3FB8];
	_ =	sdelay $0x3  }
0x37: {  	[smem:$0x3FB8] =	sst s10  }
0x38: {  	s10 =	sld [smem:$0x3FB9]  }
0x39: {  	_ = 	snop;
	(pc) =	sbr.ind lr, $3  }
0x3a: {  	_ = 	snop  }
0x3b: {  	_ = 	snop  }
0x3c: {  	p2 =	seq.s32 s10, $0x1;
	s10 =	sld [smem:$0x3FB8]  }
0x3d: {  	_ =	shalt  }
0x3e: {  	_ =	shalt  }
0x3f: {  	_ =	shalt  }
0x40: {  	_ =	shalt  }
0x41: {  	_ =	shalt  }
0x42: {  	_ =	shalt  }
0x43: {  	_ =	shalt  }
0x44: {  	_ =	shalt  }
0x45: {  	_ =	shalt  }
0x46: {  	_ =	shalt  }
0x47: {  	_ =	shalt  }
0x48: {  	_ =	shalt  }
0x49: {  	_ =	shalt  }
0x4a: {  	_ =	shalt  }
0x4b: {  	_ =	shalt  }
0x4c: {  	_ =	shalt  }
0x4d: {  	_ =	shalt  }
0x4e: {  	_ =	shalt  }
0x4f: {  	_ =	shalt  }
0x50: {  	_ =	shalt  }
0x51: {  	_ =	shalt  }
0x52: {  	_ =	shalt  }
0x53: {  	_ =	shalt  }
0x54: {  	_ =	shalt  }
0x55: {  	_ =	shalt  }
0x56: {  	_ =	shalt  }
0x57: {  	_ =	shalt  }
0x58: {  	_ =	shalt  }
0x59: {  	_ =	shalt  }
0x5a: {  	_ =	shalt  }
0x5b: {  	_ =	shalt  }
0x5c: {  	_ =	shalt  }
0x5d: {  	_ =	shalt  }
0x5e: {  	_ =	shalt  }
0x5f: {  	_ =	shalt  }
0x60: {  	_ =	shalt  }
0x61: {  	_ =	shalt  }
0x62: {  	_ =	shalt  }
0x63: {  	_ =	shalt  }
0x64: {  	_ =	shalt  }
0x65: {  	_ =	shalt  }
0x66: {  	_ =	shalt  }
0x67: {  	_ =	shalt  }
0x68: {  	_ =	shalt  }
0x69: {  	_ =	shalt  }
0x6a: {  	_ =	shalt  }
0x6b: {  	_ =	shalt  }
0x6c: {  	_ =	shalt  }
0x6d: {  	_ =	shalt  }
0x6e: {  	_ =	shalt  }
0x6f: {  	_ =	shalt  }
0x70: {  	_ =	shalt  }
0x71: {  	_ =	shalt  }
0x72: {  	_ =	shalt  }
0x73: {  	_ =	shalt  }
0x74: {  	_ =	shalt  }
0x75: {  	_ =	shalt  }
0x76: {  	_ =	shalt  }
0x77: {  	_ =	shalt  }
0x78: {  	_ =	shalt  }
0x79: {  	_ =	shalt  }
0x7a: {  	_ =	shalt  }
0x7b: {  	_ =	shalt  }
0x7c: {  	_ =	shalt  }
0x7d: {  	_ =	shalt  }
0x7e: {  	_ =	shalt  }
0x7f: {  	_ =	shalt  }
0x80: {  	_ =	shalt  }
0x81: {  	_ =	shalt  }
0x82: {  	_ =	shalt  }
0x83: {  	_ =	shalt  }
0x84: {  	_ =	shalt  }
0x85: {  	_ =	shalt  }
0x86: {  	_ =	shalt  }
0x87: {  	_ =	shalt  }
.Lfunc_end0:
.L_simem_size_0:
called_computation.1_lowered:
.L_overlay_start_0:
0x88: {  	s2 =	sld [smem:$0x3FD9]  }
0x89: {  	s3 =	sld [smem:$0x3FFE];
	_ =	sdelay $0x1  }
0x8a: {  	s1 =	srdreg.scid  }
0x8b: {  	s0 =	sand.u32 $0x1, s1  }
0x8c: {  	s17 =	sshll.u32 s0, $0xA;
	s2 =	sadd.s32 s3, s2  }
0x8d: {  	s2 =	sadd.s32 s2, s17  }
0x8e: {  	[smem:$0x3FC4] =	sst s2  }
0x8f: {  	_ = 	snop  }
0x90: {  	s2 =	sld [smem:$0x3FD0];
	(tm) =	ssettm $0x1  }
0x91: {  	s18 =	sld [smem:$0x3FFB];
	_ =	sdelay $0x3  }
0x92: {  	_ =	strace s18  }
0x93: {  	s3 =	sld [smem:$0x3FFC];
	_ =	sdelay $0x3  }
0x94: {  	_ =	strace s3  }
0x95: {  	s3 =	sld [smem:$0x3FFD];
	_ =	sdelay $0x3  }
0x96: {  	_ =	strace s3  }
0x97: {  	_ =	strace $0x8FFFFFFF  }
0x98: {  	s19 =	sld [smem:$0x3FDB];
	_ =	sdelay $0x1  }
0x99: {  	s4 =	simm.s32 $_scs_section_size  }
0x9a: {  	s5 =	simm.s32 $_size__tile_overlayer_lowered;
	s6 =	simm.s32 $_tile_overlayer_lowered  }
0x9b: {  	s22 =	simm.s32 $0x1BFF;
	s21 =	sshll.u32 s6, $0x1;
	s3 =	sadd.s32 s4, s19  }
0x9c: {  	s7 =	simm.s32 $0x0;
	s20 =	sshll.u32 s5, $0x1;
	s5 =	sadd.s32 s21, s3  }
0x9d: {  	[timem:s7], [sflag:s22] =	dma.local [hbm:s5], s20  }
0x9e: {  	_ =	swait.ge [sflag:s22], s20  }
0x9f: {  	s4 =	ssub.s32 $0x0, s20;
	[sflag:s22] =	ssyncset.done $0x0  }
0xa0: {  	[sflag:s22] =	ssyncadd.s32 s4;
	_ =	sdelay $0x1  }
0xa1: {  	s23 =	simm.s32 $0x1B8B  }
0xa2: {  	_ =	swait.ge [sflag:s23], $0x1  }
0xa3: {  	[sflag:s23] =	ssyncset.done $0x0  }
0xa4: {  	s25 =	simm.s32 $0x1B8E;
	s24 =	sld [smem:$0x3FFE];
	[sflag:s23] =	ssyncadd.s32 $0xFFFFFFFF  }
0xa5: {  	s26 =	simm.s32 $execute0_lowered;
	[smem:$0x3FD2] =	sst s25  }
0xa6: {  	s5 =	sshll.u32 s26, $0x1;
	_ =	strace $0x80000049;
	[dreg:$0x1] =	wrdreg $0xFFFFFFFF  }
0xa7: {  	s28 =	simm.s32 $_size_execute0_lowered;
	s3 =	sadd.s32 s3, s5;
	[dreg:$0x0] =	wrdreg $0x0  }
0xa8: {  	s5 =	sshll.u32 s28, $0x1;
	[dreg:$0x2] =	wrdreg s3  }
0xa9: {  	[dreg:$0x3] =	wrdreg s5  }
0xaa: {  	[dreg:$0x4] =	wrdreg $0xC0  }
0xab: {  	_ =	task [dreg:s7], $0x5FFFF  }
0xac: {  	[dreg:$0x1] =	wrdreg $0xFFFFFFFF  }
0xad: {  	[dreg:$0x0] =	wrdreg $0x60  }
0xae: {  	[dreg:$0x2] =	wrdreg s2  }
0xaf: {  	[dreg:$0x3] =	wrdreg s24  }
0xb0: {  	[dreg:$0x4] =	wrdreg $0x9  }
0xb1: {  	_ =	task.clear_ibuf [dreg:s7], $0x5FFFF;
	_ =	strace $0x90000049  }
0xb2: {  	s29 =	simm.s32 $0x9;
	_ =	strace $0x8000004B  }
0xb3: {  	_ =	swait.ge [sflag:s29], $0x1  }
0xb4: {  	[sflag:s29] =	ssyncadd.s32 $0xFFFFFFFF  }
0xb5: {  	_ =	strace $0x9000004B  }
0xb6: {  	_ =	sfence  }
0xb7: {  	s30 =	sld [smem:$0x0];
	_ =	sdelay $0x2  }
0xb8: {  	s31 =	sshll.u32 s1, $0xD;
	s1 =	sshrl.u32 s1, $0x2  }
0xb9: {  	s3 =	sand.u32 $0x4000, s31;
	s1 =	sadd.s32 s1, s30  }
0xba: {  	s0 =	sor.u32 s3, s0;
	s1 =	sshll.u32 s1, $0x11  }
0xbb: {  	s0 =	sor.u32 s1, s0  }
0xbc: {  	s0 =	sadd.s32 $0x8F2B, s0  }
0xbd: {  	[sflag:s0] =	ssyncadd.remote.s32 $0x1  }
0xbe: {  	_ =	sfence.sel $0xFFFF  }
0xbf: {  	[dreg:$0x0] =	wrdreg $0xFFFFFFFF;
	(pc) =	sbr.abs _section_cstart, $3  }
0xc0: {  	[dreg:$0x1] =	wrdreg $0xFFFFFFFF  }
0xc1: {  	_ =	task.clear_ibuf [dreg:s7], $0x2FFFF;
	_ =	strace $0x9FFFFFFF  }
0xc2: {  	(tm) =	ssettm $0x7FFFFFFF  }
0xc3: {  	_ =	shalt  }
tec
execute0_lowered:
.L_overlay_start_1:
0x0: {  	(tag) =	ssettag $0x1  }
0x1: {  	s4 =	rddreg [dreg:$0x0]  }
0x2: {  	s0 =	srdreg.scid;
	s5 =	rddreg [dreg:$0x1];
	s2 =	simm.s32 $0x0  }
0x3: {  	s11 =	simm.s32 $0x380;
	s12 =	simm.s32 $0xE00;
	s13 =	simm.s32 $0x400  }
0x4: {  	s14 =	simm.s32 $0x1600;
	s15 =	simm.s32 $0x480;
	s16 =	simm.s32 $0x1E00  }
0x5: {  	s17 =	simm.s32 $0x500;
	s18 =	simm.s32 $0x2600;
	s20 =	simm.s32 $0x2E00  }
0x6: {  	s21 =	simm.s32 $0x1;
	s3 =	sand.u32 $0x1, s0;
	s0 =	stileid.u32  }
0x7: {  	[smem:$0x7FF] =	sst s2;
	s1 =	sshll.u32 s3, $0x4;
	s8 =	ssub.s32 $0x2, s3  }
0x8: {  	s3 =	sadd.s32 $0xDC00, s5;
	s6 =	sor.u32 s0, s1;
	s1 =	rddreg [dreg:$0x2]  }
0x9: {  	_ =	strace $0x8000004A;
	s10 =	sshrl.u32 s8, $0x1;
	s7 =	smul.u32 $0x600, s6  }
0xa: {  	s9 =	smul.u32 $0x60, s6;
	s8 =	ssub.s32 s8, s10;
	s19 =	sor.u32 $0x2000, s6  }
0xb: {  	s10 =	simm.s32 $0x300;
	s6 =	smax.u32 s8, $0x1;
	s8 =	simm.s32 $0x600  }
0xc: {  	v0 =	vmov s19;
	s19 =	simm.s32 $0x580;
	s7 =	sadd.s32 s7, s5;
	s4 =	sadd.s32 s4, s9  }
0xd: {  	s9 =	simm.s32 $0x80;
	s5 =	sadd.s32 $0x1C00, s7;
	s7 =	simm.s32 $0x2  }
.LBB2_1:
0xe: {  	[tilespmem:s2], [sflag:$0x2] =	stream.linear.gather [hbm4b:s4+s2], $0x300, $0x38;
	[tilespmem:$0x3600] =	vst v63  }
0xf: {  	_ =	swait.ge [sflag:s7], $0x300  }
0x10: {  	[sflag:s7] =	ssyncset.done $0x0  }
0x11: {  	[sflag:s7] =	ssyncadd.s32 $0xFFFFFD00  }
0x12: {  	[tilespmem:s8], [sflag:$0x2] =	stream.linear.gather [hbm4b:s5+s2], $0x3000, $0x38;
	[tilespmem:$0x3600] =	vst v63  }
0x13: {  	_ =	swait.ge [sflag:s7], $0x3000  }
0x14: {  	[sflag:s7] =	ssyncset.done $0x0  }
0x15: {  	[sflag:s7] =	ssyncadd.s32 $0xFFFFD000  }
0x16: {  	v1 =	vld [tilespmem:$0x0]  }
0x17: {  	v2 =	vld [tilespmem:$0x10]  }
0x18: {  	v3 =	vld [tilespmem:$0x20]  }
0x19: {  	v4 =	vld [tilespmem:$0x30]  }
0x1a: {  	v5 =	vld [tilespmem:$0x40]  }
0x1b: {  	v6 =	vld [tilespmem:$0x50];
	vm0 =	vgt.s32 v1, $0x1FFF  }
0x1c: {  	v7 =	vld [tilespmem:$0x60];
	vm5 =	vgt.s32 v2, $0x1FFF;
	v1 =	vsel vm0, v0, v1  }
0x1d: {  	vm6 =	vgt.s32 v3, $0x1FFF;
	[tilespmem:$0x300] =	vst v1;
	v1 =	vsel vm5, v0, v2;
	v2 =	vld [tilespmem:$0x70]  }
0x1e: {  	vm7 =	vgt.s32 v4, $0x1FFF;
	[tilespmem:$0x310] =	vst v1;
	v1 =	vsel vm6, v0, v3;
	v3 =	vld [tilespmem:$0x80]  }
0x1f: {  	v37 =	vld [tilespmem:$0x90];
	vm8 =	vgt.s32 v5, $0x1FFF;
	[tilespmem:$0x320] =	vst v1;
	v1 =	vsel vm7, v0, v4  }
0x20: {  	v38 =	vld [tilespmem:$0xA0];
	vm9 =	vgt.s32 v6, $0x1FFF;
	[tilespmem:$0x330] =	vst v1;
	v1 =	vsel vm8, v0, v5  }
0x21: {  	v39 =	vld [tilespmem:$0xB0];
	vm10 =	vgt.s32 v7, $0x1FFF;
	[tilespmem:$0x340] =	vst v1;
	v1 =	vsel vm9, v0, v6  }
0x22: {  	v40 =	vld [tilespmem:$0xC0];
	[tilespmem:$0x350] =	vst v1;
	v1 =	vsel vm10, v0, v7;
	vm11 =	vgt.s32 v2, $0x1FFF  }
0x23: {  	[tilespmem:$0x360] =	vst v1;
	v1 =	vsel vm11, v0, v2;
	vm12 =	vgt.s32 v3, $0x1FFF;
	v2 =	vld [tilespmem:$0xD0]  }
0x24: {  	vm13 =	vgt.s32 v37, $0x1FFF;
	[tilespmem:$0x370] =	vst v1;
	v1 =	vsel vm12, v0, v3;
	v3 =	vld [tilespmem:$0xE0]  }
0x25: {  	v41 =	vld [tilespmem:$0xF0];
	vm14 =	vgt.s32 v38, $0x1FFF;
	[tilespmem:$0x380] =	vst v1;
	v1 =	vsel vm13, v0, v37  }
0x26: {  	v42 =	vld [tilespmem:$0x100];
	vm15 =	vgt.s32 v39, $0x1FFF;
	[tilespmem:$0x390] =	vst v1;
	v1 =	vsel vm14, v0, v38  }
0x27: {  	v43 =	vld [tilespmem:$0x110];
	vm4 =	vgt.s32 v40, $0x1FFF;
	[tilespmem:$0x3A0] =	vst v1;
	v1 =	vsel vm15, v0, v39  }
0x28: {  	v44 =	vld [tilespmem:$0x120];
	[tilespmem:$0x3B0] =	vst v1;
	v1 =	vsel vm4, v0, v40;
	vm5 =	vgt.s32 v2, $0x1FFF  }
0x29: {  	[tilespmem:$0x3C0] =	vst v1;
	v1 =	vsel vm5, v0, v2;
	vm6 =	vgt.s32 v3, $0x1FFF;
	v2 =	vld [tilespmem:$0x130]  }
0x2a: {  	vm7 =	vgt.s32 v41, $0x1FFF;
	[tilespmem:$0x3D0] =	vst v1;
	v1 =	vsel vm6, v0, v3;
	v3 =	vld [tilespmem:$0x140]  }
0x2b: {  	v45 =	vld [tilespmem:$0x150];
	vm8 =	vgt.s32 v42, $0x1FFF;
	[tilespmem:$0x3E0] =	vst v1;
	v1 =	vsel vm7, v0, v41  }
0x2c: {  	v46 =	vld [tilespmem:$0x160];
	vm9 =	vgt.s32 v43, $0x1FFF;
	[tilespmem:$0x3F0] =	vst v1;
	v1 =	vsel vm8, v0, v42  }
0x2d: {  	v47 =	vld [tilespmem:$0x170];
	vm10 =	vgt.s32 v44, $0x1FFF;
	[tilespmem:$0x400] =	vst v1;
	v1 =	vsel vm9, v0, v43  }
0x2e: {  	v48 =	vld [tilespmem:$0x180];
	[tilespmem:$0x410] =	vst v1;
	v1 =	vsel vm10, v0, v44;
	vm11 =	vgt.s32 v2, $0x1FFF  }
0x2f: {  	[tilespmem:$0x420] =	vst v1;
	v1 =	vsel vm11, v0, v2;
	vm12 =	vgt.s32 v3, $0x1FFF;
	v2 =	vld [tilespmem:$0x190]  }
0x30: {  	vm13 =	vgt.s32 v45, $0x1FFF;
	[tilespmem:$0x430] =	vst v1;
	v1 =	vsel vm12, v0, v3;
	v3 =	vld [tilespmem:$0x1A0]  }
0x31: {  	v49 =	vld [tilespmem:$0x1B0];
	vm14 =	vgt.s32 v46, $0x1FFF;
	[tilespmem:$0x440] =	vst v1;
	v1 =	vsel vm13, v0, v45  }
0x32: {  	v50 =	vld [tilespmem:$0x1C0];
	vm15 =	vgt.s32 v47, $0x1FFF;
	[tilespmem:$0x450] =	vst v1;
	v1 =	vsel vm14, v0, v46  }
0x33: {  	v51 =	vld [tilespmem:$0x1D0];
	vm4 =	vgt.s32 v48, $0x1FFF;
	[tilespmem:$0x460] =	vst v1;
	v1 =	vsel vm15, v0, v47  }
0x34: {  	v52 =	vld [tilespmem:$0x1E0];
	[tilespmem:$0x470] =	vst v1;
	v1 =	vsel vm4, v0, v48;
	vm5 =	vgt.s32 v2, $0x1FFF  }
0x35: {  	[tilespmem:$0x480] =	vst v1;
	v1 =	vsel vm5, v0, v2;
	vm6 =	vgt.s32 v3, $0x1FFF;
	v2 =	vld [tilespmem:$0x1F0]  }
0x36: {  	vm7 =	vgt.s32 v49, $0x1FFF;
	[tilespmem:$0x490] =	vst v1;
	v1 =	vsel vm6, v0, v3;
	v3 =	vld [tilespmem:$0x200]  }
0x37: {  	v53 =	vld [tilespmem:$0x210];
	vm8 =	vgt.s32 v50, $0x1FFF;
	[tilespmem:$0x4A0] =	vst v1;
	v1 =	vsel vm7, v0, v49  }
0x38: {  	v54 =	vld [tilespmem:$0x220];
	vm9 =	vgt.s32 v51, $0x1FFF;
	[tilespmem:$0x4B0] =	vst v1;
	v1 =	vsel vm8, v0, v50  }
0x39: {  	v55 =	vld [tilespmem:$0x230];
	vm10 =	vgt.s32 v52, $0x1FFF;
	[tilespmem:$0x4C0] =	vst v1;
	v1 =	vsel vm9, v0, v51  }
0x3a: {  	v56 =	vld [tilespmem:$0x240];
	[tilespmem:$0x4D0] =	vst v1;
	v1 =	vsel vm10, v0, v52;
	vm11 =	vgt.s32 v2, $0x1FFF  }
0x3b: {  	[tilespmem:$0x4E0] =	vst v1;
	v1 =	vsel vm11, v0, v2;
	vm12 =	vgt.s32 v3, $0x1FFF;
	v2 =	vld [tilespmem:$0x250]  }
0x3c: {  	vm13 =	vgt.s32 v53, $0x1FFF;
	[tilespmem:$0x4F0] =	vst v1;
	v1 =	vsel vm12, v0, v3;
	v3 =	vld [tilespmem:$0x260]  }
0x3d: {  	v57 =	vld [tilespmem:$0x270];
	vm14 =	vgt.s32 v54, $0x1FFF;
	[tilespmem:$0x500] =	vst v1;
	v1 =	vsel vm13, v0, v53  }
0x3e: {  	v58 =	vld [tilespmem:$0x280];
	vm15 =	vgt.s32 v55, $0x1FFF;
	[tilespmem:$0x510] =	vst v1;
	v1 =	vsel vm14, v0, v54  }
0x3f: {  	v59 =	vld [tilespmem:$0x290];
	vm4 =	vgt.s32 v56, $0x1FFF;
	[tilespmem:$0x520] =	vst v1;
	v1 =	vsel vm15, v0, v55  }
0x40: {  	v60 =	vld [tilespmem:$0x2A0];
	[tilespmem:$0x530] =	vst v1;
	v1 =	vsel vm4, v0, v56;
	vm5 =	vgt.s32 v2, $0x1FFF  }
0x41: {  	[tilespmem:$0x540] =	vst v1;
	v1 =	vsel vm5, v0, v2;
	vm6 =	vgt.s32 v3, $0x1FFF;
	v2 =	vld [tilespmem:$0x2B0]  }
0x42: {  	vm7 =	vgt.s32 v57, $0x1FFF;
	[tilespmem:$0x550] =	vst v1;
	v1 =	vsel vm6, v0, v3;
	v3 =	vld [tilespmem:$0x2C0]  }
0x43: {  	v61 =	vld [tilespmem:$0x2D0];
	vm8 =	vgt.s32 v58, $0x1FFF;
	[tilespmem:$0x560] =	vst v1;
	v1 =	vsel vm7, v0, v57  }
0x44: {  	v62 =	vld [tilespmem:$0x2E0];
	vm9 =	vgt.s32 v59, $0x1FFF;
	[tilespmem:$0x570] =	vst v1;
	v1 =	vsel vm8, v0, v58  }
0x45: {  	v63 =	vld [tilespmem:$0x2F0];
	vm10 =	vgt.s32 v60, $0x1FFF;
	[tilespmem:$0x580] =	vst v1;
	v1 =	vsel vm9, v0, v59  }
0x46: {  	[tilespmem:$0x590] =	vst v1;
	v1 =	vsel vm10, v0, v60;
	vm11 =	vgt.s32 v2, $0x1FFF  }
0x47: {  	[tilespmem:$0x5A0] =	vst v1;
	v1 =	vsel vm11, v0, v2;
	vm12 =	vgt.s32 v3, $0x1FFF  }
0x48: {  	vm13 =	vgt.s32 v61, $0x1FFF;
	[tilespmem:$0x5B0] =	vst v1;
	v1 =	vsel vm12, v0, v3  }
0x49: {  	vm14 =	vgt.s32 v62, $0x1FFF;
	[tilespmem:$0x5C0] =	vst v1;
	v1 =	vsel vm13, v0, v61  }
0x4a: {  	vm15 =	vgt.s32 v63, $0x1FFF;
	[tilespmem:$0x5D0] =	vst v1;
	v1 =	vsel vm14, v0, v62  }
0x4b: {  	[tilespmem:$0x5E0] =	vst v1;
	v1 =	vsel vm15, v0, v63  }
0x4c: {  	[tilespmem:$0x5F0] =	vst v1  }
0x4d: {  	[hbm4b:s3+s9] =	stream.indirect.scatter [tilespmem:s8], [sflag:$0x1], $0x10, s10, s9, $0xb8;
	[tilespmem:$0x3600] =	vst v63  }
0x4e: {  	_ = 	snop  }
0x4f: {  	[hbm4b:s3+s9] =	stream.indirect.scatter [tilespmem:s12], [sflag:$0x1], $0x10, s11, s9, $0xb8;
	[tilespmem:$0x3600] =	vst v63  }
0x50: {  	_ = 	snop  }
0x51: {  	[hbm4b:s3+s9] =	stream.indirect.scatter [tilespmem:s14], [sflag:$0x1], $0x10, s13, s9, $0xb8;
	[tilespmem:$0x3600] =	vst v63  }
0x52: {  	_ = 	snop  }
0x53: {  	[hbm4b:s3+s9] =	stream.indirect.scatter [tilespmem:s16], [sflag:$0x1], $0x10, s15, s9, $0xb8;
	[tilespmem:$0x3600] =	vst v63  }
0x54: {  	_ = 	snop  }
0x55: {  	[hbm4b:s3+s9] =	stream.indirect.scatter [tilespmem:s18], [sflag:$0x1], $0x10, s17, s9, $0xb8;
	[tilespmem:$0x3600] =	vst v63  }
0x56: {  	_ = 	snop  }
0x57: {  	[hbm4b:s3+s9] =	stream.indirect.scatter [tilespmem:s20], [sflag:$0x1], $0x10, s19, s9, $0xb8;
	[tilespmem:$0x3600] =	vst v63  }
0x58: {  	_ =	swait.ge [sflag:s21], $0x800  }
0x59: {  	[sflag:s21] =	ssyncset.done $0x0  }
0x5a: {  	[sflag:s21] =	ssyncadd.s32 $0xFFFFF800  }
0x5b: {  	_ =	swait.ge [sflag:s21], $0x800  }
0x5c: {  	[sflag:s21] =	ssyncset.done $0x0  }
0x5d: {  	[sflag:s21] =	ssyncadd.s32 $0xFFFFF800  }
0x5e: {  	_ =	swait.ge [sflag:s21], $0x800  }
0x5f: {  	[sflag:s21] =	ssyncset.done $0x0  }
0x60: {  	[sflag:s21] =	ssyncadd.s32 $0xFFFFF800  }
0x61: {  	_ =	swait.ge [sflag:s21], $0x800  }
0x62: {  	[sflag:s21] =	ssyncset.done $0x0  }
0x63: {  	[sflag:s21] =	ssyncadd.s32 $0xFFFFF800  }
0x64: {  	p0 =	sne.s32 s6, $0x1;
	_ =	swait.ge [sflag:s21], $0x800  }
.Ltmp0:
0x65: {  	[sflag:s21] =	ssyncset.done $0x0;
	(pc) =	sbr.rel @p0 .LBB2_1-.Ltmp0, $4  }
0x66: {  	[sflag:s21] =	ssyncadd.s32 $0xFFFFF800  }
0x67: {  	_ =	swait.ge [sflag:s21], $0x800  }
0x68: {  	[sflag:s21] =	ssyncset.done $0x0  }
0x69: {  	s6 =	sadd.s32 $0xFFFFFFFF, s6;
	[sflag:s21] =	ssyncadd.s32 $0xFFFFF800  }
0x6a: {  	_ =	sfence.sel $0x180000  }
0x6b: {  	[bflag:$0x0] =	sbarrier.arrive $0xFFFF  }
0x6c: {  	p0 =	sne.s32 s0, $0x0;
	_ =	strace $0x9000004A  }
0x6d: {  	s0 =	sadd.s32 @!p0 $0x100000, s1;
	[bflag:$0x2] =	sbarrier.arrive $0xFFFF  }
0x6e: {  	[sflag:s0] =	ssyncadd.tile.s32 @!p0 $0x1;
	_ =	shalt  }
.Lfunc_end2:
_tile_overlayer_lowered:
.L_overlay_start_2:
0x6f: {  	(tag) =	ssettag $0x2  }
0x70: {  	s0 =	rddreg [dreg:$0x0];
	s2 =	stileid.u32  }
0x71: {  	s1 =	rddreg [dreg:$0x1];
	p0 =	sne.s32 s2, $0x0  }
0x72: {  	s3 =	rddreg [dreg:$0x2];
	[bflag:$0x3] =	sbarrier.arrive $0xFFFF;
	s2 =	simm.s32 @!p0 $0x1C02  }
0x73: {  	[timem:s3], [sflag:s2] =	dma.local @!p0 [hbm:s0], s1  }
0x74: {  	s0 =	simm.s32 @!p0 $0x2  }
0x75: {  	_ =	swait.ge @!p0 [sflag:s0], s1  }
0x76: {  	s1 =	ssub.s32 @!p0 $0x0, s1;
	[sflag:s0] =	ssyncset.done @!p0 $0x0  }
0x77: {  	[sflag:s0] =	ssyncadd.s32 @!p0 s1  }
0x78: {  	[bflag:$0x3] =	sbarrier.arrive $0xFFFF  }
0x79: {  	_ =	shalt  }

</sc_bundles>
